<compile_context>
chip_gen: v7x
topology: tpu7x:2x2x1
jax: 0.10.2.dev20260603
libtpu: 0.0.44.dev20260713+nightly
codegen_flags: <defaults>
</compile_context>

<pallas_src>
import functools
import math

import jax
import jax.numpy as jnp
from jax import lax
from jax.experimental import pallas as pl
from jax.experimental.pallas import tpu as pltpu
from jax.experimental.pallas import tpu_sc as plsc

_NC = 2
_NS = 16
_NW = _NC * _NS


def _sc_true_scores_fn(N, S, D, rpw, ch):
    nchunks = rpw // ch
    mesh = plsc.VectorSubcoreMesh(core_axis_name="c", subcore_axis_name="s")

    @functools.partial(
        pl.kernel,
        out_type=(
            jax.ShapeDtypeStruct((N // 128, 2048), jnp.float32),
            jax.ShapeDtypeStruct((N,), jnp.float32),
        ),
        mesh=mesh,
        scratch_types=[
            pltpu.VMEM((rpw,), jnp.int32),
            pltpu.VMEM((rpw,), jnp.float32),
            pltpu.VMEM((rpw // 128, 2048), jnp.float32),
            pltpu.VMEM((ch, D), jnp.float32),
            pltpu.VMEM((ch, D), jnp.float32),
            pltpu.VMEM((ch, D), jnp.float32),
            pltpu.VMEM((ch, D), jnp.float32),
            pltpu.VMEM((ch, D), jnp.float32),
            pltpu.VMEM((ch, D), jnp.float32),
            pltpu.SemaphoreType.DMA,
            pltpu.SemaphoreType.DMA,
            pltpu.SemaphoreType.DMA,
            pltpu.SemaphoreType.DMA,
            pltpu.SemaphoreType.DMA,
            pltpu.SemaphoreType.DMA,
            pltpu.SemaphoreType.DMA,
        ],
    )
    def sc_true(w_hbm, tgt_hbm, bias_hbm, hid_hbm,
                st_out, bt_out,
                idx_v, biasg_v, dot_v, e0, e1, e2, h0, h1, h2,
                se0, se1, se2, sh0, sh1, sh2, sb):
        wid = lax.axis_index("s") * _NC + lax.axis_index("c")
        base = wid * rpw
        ebufs, hbufs = (e0, e1, e2), (h0, h1, h2)
        esems, hsems = (se0, se1, se2), (sh0, sh1, sh2)

        pltpu.sync_copy(
            tgt_hbm.at[base // S, pl.ds(pl.multiple_of(base % S, 8), rpw)], idx_v)

        def start_chunk(c, b):
            off = pl.multiple_of(c * ch, 16)
            pltpu.make_async_copy(
                w_hbm.at[idx_v.at[pl.ds(off, ch)]], ebufs[b], esems[b]).start()
            pltpu.make_async_copy(
                hid_hbm.at[pl.ds(base + off, ch)], hbufs[b], hsems[b]).start()

        start_chunk(0, 0)
        start_chunk(1, 1)
        start_chunk(2, 2)

        bias_cps = []
        for ci in range(rpw // 128):
            bc = pltpu.make_async_copy(
                bias_hbm.at[idx_v.at[pl.ds(ci * 128, 128)]],
                biasg_v.at[pl.ds(ci * 128, 128)], sb,
            )
            bc.start()
            bias_cps.append(bc)

        @pl.loop(0, nchunks - 1, step=3)
        def _(g):
            for b in range(3):
                c = g + b
                pltpu.make_async_copy(
                    w_hbm.at[idx_v.at[pl.ds(0, ch)]], ebufs[b], esems[b]).wait()
                pltpu.make_async_copy(
                    hid_hbm.at[pl.ds(0, ch)], hbufs[b], hsems[b]).wait()
                eb, hb = ebufs[b], hbufs[b]

                def row_body(r, carry):
                    acc = eb[r, pl.ds(0, 16)] * hb[r, pl.ds(0, 16)]
                    for j in range(1, D // 16):
                        acc += eb[r, pl.ds(j * 16, 16)] * hb[r, pl.ds(j * 16, 16)]
                    i = c * ch + r
                    dot_v[i >> 7, pl.ds(pl.multiple_of((i & 127) * 16, 16), 16)] = acc
                    return carry

                lax.fori_loop(0, ch, row_body, 0)

                @pl.when(c + 3 < nchunks)
                def _():
                    start_chunk(c + 3, b)

        ct = nchunks - 1
        bt = ct % 3
        pltpu.make_async_copy(
            w_hbm.at[idx_v.at[pl.ds(0, ch)]], ebufs[bt], esems[bt]).wait()
        pltpu.make_async_copy(
            hid_hbm.at[pl.ds(0, ch)], hbufs[bt], hsems[bt]).wait()

        def row_tail(r, carry):
            acc = ebufs[bt][r, pl.ds(0, 16)] * hbufs[bt][r, pl.ds(0, 16)]
            for j in range(1, D // 16):
                acc += (ebufs[bt][r, pl.ds(j * 16, 16)]
                        * hbufs[bt][r, pl.ds(j * 16, 16)])
            i = ct * ch + r
            dot_v[i >> 7, pl.ds(pl.multiple_of((i & 127) * 16, 16), 16)] = acc
            return carry

        lax.fori_loop(0, ch, row_tail, 0)

        for bc in bias_cps:
            bc.wait()
        pltpu.sync_copy(biasg_v, bt_out.at[pl.ds(base, rpw)])
        pltpu.sync_copy(dot_v, st_out.at[pl.ds(wid * (rpw // 128), rpw // 128)])

    return sc_true


def _softplus(x):
    return jnp.maximum(x, 0.0) + jnp.log1p(jnp.exp(-jnp.abs(x)))


def _tc_noise_fn(N, D, K, V, R, const):
    def body(nids_ref, nalign_ref, h_ref, w_ref, bias_ref, bmask_ref, out_ref,
             nrows, nb8_v, sem, bsem):
        i = pl.program_id(0)

        @pl.when(i == 0)
        def _():
            cps = []
            for j in range(K):
                cps.append(pltpu.make_async_copy(
                    w_ref.at[pl.ds(nids_ref[j], 1)], nrows.at[pl.ds(j, 1)], sem))
                cps.append(pltpu.make_async_copy(
                    bias_ref.at[pl.ds(pl.multiple_of(nalign_ref[j], 128), 128)],
                    nb8_v.at[j], bsem))
            for c in cps:
                c.start()
            for c in cps:
                c.wait()

        nb = jnp.sum(nb8_v[...] * bmask_ref[...], axis=1)
        s_noise = lax.dot_general(
            h_ref[...], nrows[...], (((1,), (1,)), ((), ())),
            preferred_element_type=jnp.float32,
        ) + nb
        total = jnp.sum(_softplus(s_noise + const))

        @pl.when(i == 0)
        def _():
            out_ref[...] = jnp.zeros_like(out_ref)

        out_ref[...] += total.reshape(1, 1)

    return pl.pallas_call(
        body,
        grid=(N // R,),
        in_specs=[
            pl.BlockSpec(memory_space=pltpu.SMEM),
            pl.BlockSpec(memory_space=pltpu.SMEM),
            pl.BlockSpec((R, D), lambda i: (i, 0)),
            pl.BlockSpec(memory_space=pl.ANY),
            pl.BlockSpec(memory_space=pl.ANY),
            pl.BlockSpec((K, 128), lambda i: (0, 0)),
        ],
        out_specs=pl.BlockSpec((1, 1), lambda i: (0, 0)),
        out_shape=jax.ShapeDtypeStruct((1, 1), jnp.float32),
        scratch_shapes=[
            pltpu.VMEM((K, D), jnp.float32),
            pltpu.VMEM((K, 128), jnp.float32),
            pltpu.SemaphoreType.DMA,
            pltpu.SemaphoreType.DMA,
        ],
    )


def _tc_final_fn(N, const):
    inv_n = 1.0 / N
    rows = N // 128

    def body(sp_ref, bt_ref, nt_ref, out_ref):
        ji = lax.broadcasted_iota(jnp.int32, (2048, 128), 0) >> 4
        ci = lax.broadcasted_iota(jnp.int32, (2048, 128), 1)
        g_bd = jnp.where(ji == ci, 1.0, 0.0).astype(jnp.float32)
        s_true = lax.dot_general(
            sp_ref[...], g_bd, (((1,), (0,)), ((), ())),
            preferred_element_type=jnp.float32,
        ) + bt_ref[...]
        loss_true = _softplus(-(s_true + const))
        out_ref[...] = (jnp.sum(loss_true).reshape(1, 1) + nt_ref[...]) * inv_n

    return pl.pallas_call(
        body,
        in_specs=[
            pl.BlockSpec((rows, 2048), lambda: (0, 0)),
            pl.BlockSpec((rows, 128), lambda: (0, 0)),
            pl.BlockSpec((1, 1), lambda: (0, 0)),
        ],
        out_specs=pl.BlockSpec((1, 1), lambda: (0, 0)),
        out_shape=jax.ShapeDtypeStruct((1, 1), jnp.float32),
    )


def kernel(hidden, targets, W_emb, bias, noise_ids):
    B, S, D = hidden.shape
    N = B * S
    K = noise_ids.shape[0]
    V = W_emb.shape[0]

    nids = noise_ids.astype(jnp.int32)
    hid2 = hidden.reshape(N, D)
    const = math.log(float(V)) - math.log(float(K))

    nalign = jnp.minimum((nids // 128) * 128, V - 128)
    bmask = ((nids - nalign)[:, None] == jnp.arange(128)[None, :]).astype(jnp.float32)
    noise_total = _tc_noise_fn(N, D, K, V, 512, const)(
        nids, nalign, hid2, W_emb, bias, bmask
    )

    rpw = N // _NW
    ch = 16
    st_part, bias_true = _sc_true_scores_fn(N, S, D, rpw, ch)(
        W_emb, targets.astype(jnp.int32), bias, hid2)

    total = _tc_final_fn(N, const)(
        st_part, bias_true.reshape(N // 128, 128), noise_total
    )
    return total[0, 0]

# --- scband reference (transcript-rebuilt; emitter-appended) ---
"""Pipeline reference for scband-nceloss-11441792877179 (READ-ONLY COPY).

The authoritative reference and input builder live on the scoring server;
editing this copy changes nothing except your own understanding.
"""

import jax, jax.numpy as jnp
import numpy as np

VOCAB = 100000
D_MODEL = 1024
K = 20
B, S = 4, 2048

def setup_inputs(seed: int = 0) -> dict:
    key = jax.random.key(seed)
    k1, k2, k3, k4 = jax.random.split(key, 4)
    hidden = jax.random.normal(k1, (B, S, D_MODEL), dtype=jnp.float32)
    targets = jax.random.randint(k2, (B, S), 0, VOCAB, dtype=jnp.int64)
    W_emb = jax.random.normal(k3, (VOCAB, D_MODEL), dtype=jnp.float32) * 0.02
    bias = jnp.zeros((VOCAB,), dtype=jnp.float32)
    # noise_dist is None in the torch module -> uniform randint noise ids (k,)
    noise_ids = jax.random.randint(k4, (K,), 0, VOCAB, dtype=jnp.int64)
    return {"hidden": hidden, "targets": targets, "W_emb": W_emb, "bias": bias, "noise_ids": noise_ids}

def reference(hidden, targets, W_emb, bias, noise_ids):
    Bc, Sc, Dc = hidden.shape
    vocab = W_emb.shape[0]
    k = noise_ids.shape[0]
    # true-token scores: gather embedding rows + bias
    emb_true = jnp.take(W_emb, targets, axis=0)          # [B,S,D]
    bias_true = jnp.take(bias, targets, axis=0)          # [B,S]
    s_true = jnp.sum(hidden * emb_true, axis=-1) + bias_true
    log_q_true = jnp.full_like(s_true, -jnp.log(float(vocab)))
    delta_true = s_true - (jnp.log(float(k)) + log_q_true)
    loss_true = -jax.nn.log_sigmoid(delta_true)
    # noise scores: shared k noise tokens for all positions
    noise_emb = jnp.take(W_emb, noise_ids, axis=0)       # [k,D]
    noise_bias = jnp.take(bias, noise_ids, axis=0)       # [k]
    # (hidden_exp * noise_emb_exp).sum(-1) == einsum bsd,kd->bsk
    s_noise = jnp.einsum('bsd,kd->bsk', hidden, noise_emb) + noise_bias[None, None, :]
    log_q_noise = jnp.full_like(s_noise, -jnp.log(float(vocab)))
    delta_noise = s_noise - (jnp.log(float(k)) + log_q_noise)
    loss_noise = -jax.nn.log_sigmoid(-delta_noise)
    loss = loss_true + jnp.sum(loss_noise, axis=-1)
    return jnp.mean(loss)

if __name__ == "__main__":
    import jax
    _d = setup_inputs()
    print(jax.jit(kernel)(*tuple(_d.values())))

</pallas_src>

<mosaic_0001>
#map = affine_map<(d0, d1) -> (0, 0)>
#map1 = affine_map<(d0, d1) -> (0)>
module attributes {stable_mosaic.version = 14 : i64} {
  func.func @sc_true(%arg0: i32, %arg1: i32, %arg2: memref<100000x1024xf32, #tpu.memory_space<hbm>>, %arg3: memref<4x2048xi32, #tpu.memory_space<hbm>>, %arg4: memref<100000xf32, #tpu.memory_space<hbm>>, %arg5: memref<8192x1024xf32, #tpu.memory_space<hbm>>, %arg6: memref<64x2048xf32, #tpu.memory_space<hbm>>, %arg7: memref<8192xf32, #tpu.memory_space<hbm>>, %arg8: memref<256xi32, #tpu.memory_space<vmem>>, %arg9: memref<256xf32, #tpu.memory_space<vmem>>, %arg10: memref<2x2048xf32, #tpu.memory_space<vmem>>, %arg11: memref<16x1024xf32, #tpu.memory_space<vmem>>, %arg12: memref<16x1024xf32, #tpu.memory_space<vmem>>, %arg13: memref<16x1024xf32, #tpu.memory_space<vmem>>, %arg14: memref<16x1024xf32, #tpu.memory_space<vmem>>, %arg15: memref<16x1024xf32, #tpu.memory_space<vmem>>, %arg16: memref<16x1024xf32, #tpu.memory_space<vmem>>, %arg17: memref<!tpu.dma_semaphore, #tpu.memory_space<semaphore_mem>>, %arg18: memref<!tpu.dma_semaphore, #tpu.memory_space<semaphore_mem>>, %arg19: memref<!tpu.dma_semaphore, #tpu.memory_space<semaphore_mem>>, %arg20: memref<!tpu.dma_semaphore, #tpu.memory_space<semaphore_mem>>, %arg21: memref<!tpu.dma_semaphore, #tpu.memory_space<semaphore_mem>>, %arg22: memref<!tpu.dma_semaphore, #tpu.memory_space<semaphore_mem>>, %arg23: memref<!tpu.dma_semaphore, #tpu.memory_space<semaphore_mem>>) attributes {dimension_semantics = [#tpu.dimension_semantics<core_parallel>, #tpu.dimension_semantics<subcore_parallel>], iteration_bounds = array<i64: 2, 16>, scalar_prefetch = 0 : i64, scratch_operands = 16 : i64, tpu.core_type = #tpu.core_type<sc_vector_subcore>, window_params = [{transform_indices = #map}, {transform_indices = #map}, {transform_indices = #map1}, {transform_indices = #map}, {transform_indices = #map}, {transform_indices = #map1}]} {
    %mul3A = arith.constant 2 : i32
    %mul3A_0 = arith.muli %arg1, %mul3A : i32
    %add3A = arith.addi %mul3A_0, %arg0 : i32
    %mul3A_1 = arith.constant 256 : i32
    %mul3A_2 = arith.muli %add3A, %mul3A_1 : i32
    %jit3A = arith.constant 2048 : i32
    %div3A = arith.divsi %mul3A_2, %jit3A : i32
    %sign3A = arith.constant 0 : i32
    %sign3A_3 = arith.cmpi sgt, %mul3A_2, %sign3A : i32
    %sign3A_4 = arith.extui %sign3A_3 : i1 to i32
    %sign3A_5 = arith.constant 0 : i32
    %sign3A_6 = arith.cmpi slt, %mul3A_2, %sign3A_5 : i32
    %sign3A_7 = arith.extui %sign3A_6 : i1 to i32
    %sign3A_8 = arith.subi %sign3A_4, %sign3A_7 : i32
    %sign3A_9 = arith.constant 0 : i32
    %sign3A_10 = arith.cmpi sgt, %jit3A, %sign3A_9 : i32
    %sign3A_11 = arith.extui %sign3A_10 : i1 to i32
    %sign3A_12 = arith.constant 0 : i32
    %sign3A_13 = arith.cmpi slt, %jit3A, %sign3A_12 : i32
    %sign3A_14 = arith.extui %sign3A_13 : i1 to i32
    %sign3A_15 = arith.subi %sign3A_11, %sign3A_14 : i32
    %ne3A = arith.cmpi ne, %sign3A_8, %sign3A_15 : i32
    %rem3A = arith.remsi %mul3A_2, %jit3A : i32
    %ne3A_16 = arith.constant 0 : i32
    %ne3A_17 = arith.cmpi ne, %rem3A, %ne3A_16 : i32
    %and3A = arith.andi %ne3A, %ne3A_17 : i1
    %sub3A = arith.constant 1 : i32
    %sub3A_18 = arith.subi %div3A, %sub3A : i32
    %select_n3A = arith.select %and3A, %sub3A_18, %div3A : i32
    %jit3A_19 = arith.constant 2048 : i32
    %eq3A = arith.constant 0 : i32
    %eq3A_20 = arith.cmpi eq, %jit3A_19, %eq3A : i32
    %jit3A_21 = arith.constant 1 : i32
    %select_n3A_22 = arith.select %eq3A_20, %jit3A_21, %jit3A_19 : i32
    %rem3A_23 = arith.remsi %mul3A_2, %select_n3A_22 : i32
    %ne3A_24 = arith.constant 0 : i32
    %ne3A_25 = arith.cmpi ne, %rem3A_23, %ne3A_24 : i32
    %lt3A = arith.constant 0 : i32
    %lt3A_26 = arith.cmpi slt, %rem3A_23, %lt3A : i32
    %lt3A_27 = arith.constant 0 : i32
    %lt3A_28 = arith.cmpi slt, %select_n3A_22, %lt3A_27 : i32
    %ne3A_29 = arith.xori %lt3A_26, %lt3A_28 : i1
    %and3A_30 = arith.andi %ne3A_29, %ne3A_25 : i1
    %add3A_31 = arith.addi %rem3A_23, %select_n3A_22 : i32
    %select_n3A_32 = arith.select %and3A_30, %add3A_31, %rem3A_23 : i32
    %multiple_of3A = tpu.assume_multiple %select_n3A_32, 8 : i32
    "tpu.region"() ({
      %run_scoped3A = tpu.sem_alloc : memref<!tpu.dma_semaphore, #tpu.memory_space<semaphore_mem>>
      %dma_start3A_111 = tpu.memref_slice %arg3[%select_n3A, %multiple_of3A] : memref<4x2048xi32, #tpu.memory_space<hbm>> -> memref<1x256xi32, #tpu.memory_space<hbm>>
      %dma_start3A_112 = tpu.memref_squeeze %dma_start3A_111 : memref<1x256xi32, #tpu.memory_space<hbm>> -> memref<256xi32, #tpu.memory_space<hbm>>
      %dma_start3A_113 = tpu.memref_slice %arg3[%select_n3A, %multiple_of3A] : memref<4x2048xi32, #tpu.memory_space<hbm>> -> memref<1x256xi32, #tpu.memory_space<hbm>>
      %dma_start3A_114 = tpu.memref_squeeze %dma_start3A_113 : memref<1x256xi32, #tpu.memory_space<hbm>> -> memref<256xi32, #tpu.memory_space<hbm>>
      tpu.enqueue_dma source(%dma_start3A_114 : memref<256xi32, #tpu.memory_space<hbm>>) target(%arg8 : memref<256xi32, #tpu.memory_space<vmem>>) target_semaphore(%run_scoped3A : memref<!tpu.dma_semaphore, #tpu.memory_space<semaphore_mem>>)
      %dma_wait3A_115 = tpu.memref_slice %arg3[%select_n3A, %multiple_of3A] : memref<4x2048xi32, #tpu.memory_space<hbm>> -> memref<1x256xi32, #tpu.memory_space<hbm>>
      %dma_wait3A_116 = tpu.memref_squeeze %dma_wait3A_115 : memref<1x256xi32, #tpu.memory_space<hbm>> -> memref<256xi32, #tpu.memory_space<hbm>>
      %dma_wait3A_117 = tpu.memref_slice %arg3[%select_n3A, %multiple_of3A] : memref<4x2048xi32, #tpu.memory_space<hbm>> -> memref<1x256xi32, #tpu.memory_space<hbm>>
      %dma_wait3A_118 = tpu.memref_squeeze %dma_wait3A_117 : memref<1x256xi32, #tpu.memory_space<hbm>> -> memref<256xi32, #tpu.memory_space<hbm>>
      tpu.wait_dma2 semaphore(%run_scoped3A : memref<!tpu.dma_semaphore, #tpu.memory_space<semaphore_mem>>) src(%dma_wait3A_118 : memref<256xi32, #tpu.memory_space<hbm>>) dst(%arg8 : memref<256xi32, #tpu.memory_space<vmem>>)
      tpu.yield
    }) : () -> ()
    %multiple_of3A_33 = arith.constant 0 : i32
    %multiple_of3A_34 = tpu.assume_multiple %multiple_of3A_33, 16 : i32
    %dma_start3A = tpu.memref_slice %arg8[%multiple_of3A_34] : memref<256xi32, #tpu.memory_space<vmem>> -> memref<16xi32, #tpu.memory_space<vmem>>
    %dma_start3A_35 = arith.constant 0 : i32
    %dma_start3A_36 = arith.constant 0 : i32
    %dma_start3A_37 = tpu.memref_slice %arg2[%dma_start3A_35, %dma_start3A_36] : memref<100000x1024xf32, #tpu.memory_space<hbm>> -> memref<100000x1024xf32, #tpu.memory_space<hbm>>
    tpu.enqueue_indirect_dma source(%dma_start3A_37 : memref<100000x1024xf32, #tpu.memory_space<hbm>>) target(%arg11 : memref<16x1024xf32, #tpu.memory_space<vmem>>) offsets(%dma_start3A : memref<16xi32, #tpu.memory_space<vmem>>) semaphore(%arg17 : memref<!tpu.dma_semaphore, #tpu.memory_space<semaphore_mem>>)
    %add3A_38 = arith.addi %mul3A_2, %multiple_of3A_34 : i32
    %dma_start3A_39 = arith.constant 0 : i32
    %dma_start3A_40 = tpu.memref_slice %arg5[%add3A_38, %dma_start3A_39] : memref<8192x1024xf32, #tpu.memory_space<hbm>> -> memref<16x1024xf32, #tpu.memory_space<hbm>>
    %dma_start3A_41 = arith.constant 0 : i32
    %dma_start3A_42 = tpu.memref_slice %arg5[%add3A_38, %dma_start3A_41] : memref<8192x1024xf32, #tpu.memory_space<hbm>> -> memref<16x1024xf32, #tpu.memory_space<hbm>>
    tpu.enqueue_dma source(%dma_start3A_42 : memref<16x1024xf32, #tpu.memory_space<hbm>>) target(%arg14 : memref<16x1024xf32, #tpu.memory_space<vmem>>) target_semaphore(%arg20 : memref<!tpu.dma_semaphore, #tpu.memory_space<semaphore_mem>>)
    %multiple_of3A_43 = arith.constant 16 : i32
    %multiple_of3A_44 = tpu.assume_multiple %multiple_of3A_43, 16 : i32
    %dma_start3A_45 = tpu.memref_slice %arg8[%multiple_of3A_44] : memref<256xi32, #tpu.memory_space<vmem>> -> memref<16xi32, #tpu.memory_space<vmem>>
    %dma_start3A_46 = arith.constant 0 : i32
    %dma_start3A_47 = arith.constant 0 : i32
    %dma_start3A_48 = tpu.memref_slice %arg2[%dma_start3A_46, %dma_start3A_47] : memref<100000x1024xf32, #tpu.memory_space<hbm>> -> memref<100000x1024xf32, #tpu.memory_space<hbm>>
    tpu.enqueue_indirect_dma source(%dma_start3A_48 : memref<100000x1024xf32, #tpu.memory_space<hbm>>) target(%arg12 : memref<16x1024xf32, #tpu.memory_space<vmem>>) offsets(%dma_start3A_45 : memref<16xi32, #tpu.memory_space<vmem>>) semaphore(%arg18 : memref<!tpu.dma_semaphore, #tpu.memory_space<semaphore_mem>>)
    %add3A_49 = arith.addi %mul3A_2, %multiple_of3A_44 : i32
    %dma_start3A_50 = arith.constant 0 : i32
    %dma_start3A_51 = tpu.memref_slice %arg5[%add3A_49, %dma_start3A_50] : memref<8192x1024xf32, #tpu.memory_space<hbm>> -> memref<16x1024xf32, #tpu.memory_space<hbm>>
    %dma_start3A_52 = arith.constant 0 : i32
    %dma_start3A_53 = tpu.memref_slice %arg5[%add3A_49, %dma_start3A_52] : memref<8192x1024xf32, #tpu.memory_space<hbm>> -> memref<16x1024xf32, #tpu.memory_space<hbm>>
    tpu.enqueue_dma source(%dma_start3A_53 : memref<16x1024xf32, #tpu.memory_space<hbm>>) target(%arg15 : memref<16x1024xf32, #tpu.memory_space<vmem>>) target_semaphore(%arg21 : memref<!tpu.dma_semaphore, #tpu.memory_space<semaphore_mem>>)
    %multiple_of3A_54 = arith.constant 32 : i32
    %multiple_of3A_55 = tpu.assume_multiple %multiple_of3A_54, 16 : i32
    %dma_start3A_56 = tpu.memref_slice %arg8[%multiple_of3A_55] : memref<256xi32, #tpu.memory_space<vmem>> -> memref<16xi32, #tpu.memory_space<vmem>>
    %dma_start3A_57 = arith.constant 0 : i32
    %dma_start3A_58 = arith.constant 0 : i32
    %dma_start3A_59 = tpu.memref_slice %arg2[%dma_start3A_57, %dma_start3A_58] : memref<100000x1024xf32, #tpu.memory_space<hbm>> -> memref<100000x1024xf32, #tpu.memory_space<hbm>>
    tpu.enqueue_indirect_dma source(%dma_start3A_59 : memref<100000x1024xf32, #tpu.memory_space<hbm>>) target(%arg13 : memref<16x1024xf32, #tpu.memory_space<vmem>>) offsets(%dma_start3A_56 : memref<16xi32, #tpu.memory_space<vmem>>) semaphore(%arg19 : memref<!tpu.dma_semaphore, #tpu.memory_space<semaphore_mem>>)
    %add3A_60 = arith.addi %mul3A_2, %multiple_of3A_55 : i32
    %dma_start3A_61 = arith.constant 0 : i32
    %dma_start3A_62 = tpu.memref_slice %arg5[%add3A_60, %dma_start3A_61] : memref<8192x1024xf32, #tpu.memory_space<hbm>> -> memref<16x1024xf32, #tpu.memory_space<hbm>>
    %dma_start3A_63 = arith.constant 0 : i32
    %dma_start3A_64 = tpu.memref_slice %arg5[%add3A_60, %dma_start3A_63] : memref<8192x1024xf32, #tpu.memory_space<hbm>> -> memref<16x1024xf32, #tpu.memory_space<hbm>>
    tpu.enqueue_dma source(%dma_start3A_64 : memref<16x1024xf32, #tpu.memory_space<hbm>>) target(%arg16 : memref<16x1024xf32, #tpu.memory_space<vmem>>) target_semaphore(%arg22 : memref<!tpu.dma_semaphore, #tpu.memory_space<semaphore_mem>>)
    %dma_start3A_65 = arith.constant 0 : i32
    %dma_start3A_66 = tpu.memref_slice %arg9[%dma_start3A_65] : memref<256xf32, #tpu.memory_space<vmem>> -> memref<128xf32, #tpu.memory_space<vmem>>
    %dma_start3A_67 = arith.constant 0 : i32
    %dma_start3A_68 = tpu.memref_slice %arg8[%dma_start3A_67] : memref<256xi32, #tpu.memory_space<vmem>> -> memref<128xi32, #tpu.memory_space<vmem>>
    %dma_start3A_69 = arith.constant 0 : i32
    %dma_start3A_70 = tpu.memref_slice %arg4[%dma_start3A_69] : memref<100000xf32, #tpu.memory_space<hbm>> -> memref<100000xf32, #tpu.memory_space<hbm>>
    tpu.enqueue_indirect_dma source(%dma_start3A_70 : memref<100000xf32, #tpu.memory_space<hbm>>) target(%dma_start3A_66 : memref<128xf32, #tpu.memory_space<vmem>>) offsets(%dma_start3A_68 : memref<128xi32, #tpu.memory_space<vmem>>) semaphore(%arg23 : memref<!tpu.dma_semaphore, #tpu.memory_space<semaphore_mem>>)
    %dma_start3A_71 = arith.constant 128 : i32
    %dma_start3A_72 = tpu.memref_slice %arg9[%dma_start3A_71] : memref<256xf32, #tpu.memory_space<vmem>> -> memref<128xf32, #tpu.memory_space<vmem>>
    %dma_start3A_73 = arith.constant 128 : i32
    %dma_start3A_74 = tpu.memref_slice %arg8[%dma_start3A_73] : memref<256xi32, #tpu.memory_space<vmem>> -> memref<128xi32, #tpu.memory_space<vmem>>
    %dma_start3A_75 = arith.constant 0 : i32
    %dma_start3A_76 = tpu.memref_slice %arg4[%dma_start3A_75] : memref<100000xf32, #tpu.memory_space<hbm>> -> memref<100000xf32, #tpu.memory_space<hbm>>
    tpu.enqueue_indirect_dma source(%dma_start3A_76 : memref<100000xf32, #tpu.memory_space<hbm>>) target(%dma_start3A_72 : memref<128xf32, #tpu.memory_space<vmem>>) offsets(%dma_start3A_74 : memref<128xi32, #tpu.memory_space<vmem>>) semaphore(%arg23 : memref<!tpu.dma_semaphore, #tpu.memory_space<semaphore_mem>>)
    %scan3A = arith.constant 0 : i32
    %scan3A_77 = arith.constant 5 : i32
    %scan3A_78 = arith.addi %scan3A, %scan3A_77 : i32
    %scan3A_79 = arith.constant 1 : i32
    scf.for %scan3A_111 = %scan3A to %scan3A_78 step %scan3A_79  : i32 {
      %mul3A_112 = arith.constant 3 : i32
      %mul3A_113 = arith.muli %scan3A_111, %mul3A_112 : i32
      %add3A_114 = arith.constant 0 : i32
      %add3A_115 = arith.addi %add3A_114, %mul3A_113 : i32
      %add3A_116 = arith.constant 0 : i32
      %add3A_117 = arith.addi %add3A_115, %add3A_116 : i32
      %dma_wait3A_118 = arith.constant 0 : i32
      %dma_wait3A_119 = tpu.memref_slice %arg8[%dma_wait3A_118] : memref<256xi32, #tpu.memory_space<vmem>> -> memref<16xi32, #tpu.memory_space<vmem>>
      %dma_wait3A_120 = arith.constant 0 : i32
      %dma_wait3A_121 = arith.constant 0 : i32
      %dma_wait3A_122 = tpu.memref_slice %arg2[%dma_wait3A_120, %dma_wait3A_121] : memref<100000x1024xf32, #tpu.memory_space<hbm>> -> memref<100000x1024xf32, #tpu.memory_space<hbm>>
      tpu.wait_indirect_dma semaphore(%arg17 : memref<!tpu.dma_semaphore, #tpu.memory_space<semaphore_mem>>) src(%dma_wait3A_122 : memref<100000x1024xf32, #tpu.memory_space<hbm>>) dst(%arg11 : memref<16x1024xf32, #tpu.memory_space<vmem>>)
      %dma_wait3A_123 = arith.constant 0 : i32
      %dma_wait3A_124 = arith.constant 0 : i32
      %dma_wait3A_125 = tpu.memref_slice %arg5[%dma_wait3A_123, %dma_wait3A_124] : memref<8192x1024xf32, #tpu.memory_space<hbm>> -> memref<16x1024xf32, #tpu.memory_space<hbm>>
      %dma_wait3A_126 = arith.constant 0 : i32
      %dma_wait3A_127 = arith.constant 0 : i32
      %dma_wait3A_128 = tpu.memref_slice %arg5[%dma_wait3A_126, %dma_wait3A_127] : memref<8192x1024xf32, #tpu.memory_space<hbm>> -> memref<16x1024xf32, #tpu.memory_space<hbm>>
      tpu.wait_dma2 semaphore(%arg20 : memref<!tpu.dma_semaphore, #tpu.memory_space<semaphore_mem>>) src(%dma_wait3A_128 : memref<16x1024xf32, #tpu.memory_space<hbm>>) dst(%arg14 : memref<16x1024xf32, #tpu.memory_space<vmem>>)
      %scan3A_129 = arith.constant 0 : i32
      %scan3A_130 = arith.constant 0 : i32
      %scan3A_131 = arith.constant 16 : i32
      %scan3A_132 = arith.addi %scan3A_130, %scan3A_131 : i32
      %scan3A_133 = arith.constant 1 : i32
      scf.for %scan3A_192 = %scan3A_130 to %scan3A_132 step %scan3A_133  : i32 {
        %get3A = arith.index_cast %scan3A_192 : i32 to index
        %get3A_193 = arith.constant 0 : index
        %get3A_194 = tpu.vector_load %arg11[%get3A, %get3A_193] {strides = array<i32>} : memref<16x1024xf32, #tpu.memory_space<vmem>>, vector<1x16xf32>,
        %get3A_195 = vector.shape_cast %get3A_194 : vector<1x16xf32> to vector<16xf32>
        %get3A_196 = arith.index_cast %scan3A_192 : i32 to index
        %get3A_197 = arith.constant 0 : index
        %get3A_198 = tpu.vector_load %arg14[%get3A_196, %get3A_197] {strides = array<i32>} : memref<16x1024xf32, #tpu.memory_space<vmem>>, vector<1x16xf32>,
        %get3A_199 = vector.shape_cast %get3A_198 : vector<1x16xf32> to vector<16xf32>
        %mul3A_200 = arith.mulf %get3A_195, %get3A_199 : vector<16xf32>
        %get3A_201 = arith.index_cast %scan3A_192 : i32 to index
        %get3A_202 = arith.constant 16 : index
        %get3A_203 = tpu.vector_load %arg11[%get3A_201, %get3A_202] {strides = array<i32>} : memref<16x1024xf32, #tpu.memory_space<vmem>>, vector<1x16xf32>,
        %get3A_204 = vector.shape_cast %get3A_203 : vector<1x16xf32> to vector<16xf32>
        %get3A_205 = arith.index_cast %scan3A_192 : i32 to index
        %get3A_206 = arith.constant 16 : index
        %get3A_207 = tpu.vector_load %arg14[%get3A_205, %get3A_206] {strides = array<i32>} : memref<16x1024xf32, #tpu.memory_space<vmem>>, vector<1x16xf32>,
        %get3A_208 = vector.shape_cast %get3A_207 : vector<1x16xf32> to vector<16xf32>
        %mul3A_209 = arith.mulf %get3A_204, %get3A_208 : vector<16xf32>
        %add3A_210 = arith.addf %mul3A_200, %mul3A_209 : vector<16xf32>
        %get3A_211 = arith.index_cast %scan3A_192 : i32 to index
        %get3A_212 = arith.constant 32 : index
        %get3A_213 = tpu.vector_load %arg11[%get3A_211, %get3A_212] {strides = array<i32>} : memref<16x1024xf32, #tpu.memory_space<vmem>>, vector<1x16xf32>,
        %get3A_214 = vector.shape_cast %get3A_213 : vector<1x16xf32> to vector<16xf32>
        %get3A_215 = arith.index_cast %scan3A_192 : i32 to index
        %get3A_216 = arith.constant 32 : index
        %get3A_217 = tpu.vector_load %arg14[%get3A_215, %get3A_216] {strides = array<i32>} : memref<16x1024xf32, #tpu.memory_space<vmem>>, vector<1x16xf32>,
        %get3A_218 = vector.shape_cast %get3A_217 : vector<1x16xf32> to vector<16xf32>
        %mul3A_219 = arith.mulf %get3A_214, %get3A_218 : vector<16xf32>
        %add3A_220 = arith.addf %add3A_210, %mul3A_219 : vector<16xf32>
        %get3A_221 = arith.index_cast %scan3A_192 : i32 to index
        %get3A_222 = arith.constant 48 : index
        %get3A_223 = tpu.vector_load %arg11[%get3A_221, %get3A_222] {strides = array<i32>} : memref<16x1024xf32, #tpu.memory_space<vmem>>, vector<1x16xf32>,
        %get3A_224 = vector.shape_cast %get3A_223 : vector<1x16xf32> to vector<16xf32>
        %get3A_225 = arith.index_cast %scan3A_192 : i32 to index
        %get3A_226 = arith.constant 48 : index
        %get3A_227 = tpu.vector_load %arg14[%get3A_225, %get3A_226] {strides = array<i32>} : memref<16x1024xf32, #tpu.memory_space<vmem>>, vector<1x16xf32>,
        %get3A_228 = vector.shape_cast %get3A_227 : vector<1x16xf32> to vector<16xf32>
        %mul3A_229 = arith.mulf %get3A_224, %get3A_228 : vector<16xf32>
        %add3A_230 = arith.addf %add3A_220, %mul3A_229 : vector<16xf32>
        %get3A_231 = arith.index_cast %scan3A_192 : i32 to index
        %get3A_232 = arith.constant 64 : index
        %get3A_233 = tpu.vector_load %arg11[%get3A_231, %get3A_232] {strides = array<i32>} : memref<16x1024xf32, #tpu.memory_space<vmem>>, vector<1x16xf32>,
        %get3A_234 = vector.shape_cast %get3A_233 : vector<1x16xf32> to vector<16xf32>
        %get3A_235 = arith.index_cast %scan3A_192 : i32 to index
        %get3A_236 = arith.constant 64 : index
        %get3A_237 = tpu.vector_load %arg14[%get3A_235, %get3A_236] {strides = array<i32>} : memref<16x1024xf32, #tpu.memory_space<vmem>>, vector<1x16xf32>,
        %get3A_238 = vector.shape_cast %get3A_237 : vector<1x16xf32> to vector<16xf32>
        %mul3A_239 = arith.mulf %get3A_234, %get3A_238 : vector<16xf32>
        %add3A_240 = arith.addf %add3A_230, %mul3A_239 : vector<16xf32>
        %get3A_241 = arith.index_cast %scan3A_192 : i32 to index
        %get3A_242 = arith.constant 80 : index
        %get3A_243 = tpu.vector_load %arg11[%get3A_241, %get3A_242] {strides = array<i32>} : memref<16x1024xf32, #tpu.memory_space<vmem>>, vector<1x16xf32>,
        %get3A_244 = vector.shape_cast %get3A_243 : vector<1x16xf32> to vector<16xf32>
        %get3A_245 = arith.index_cast %scan3A_192 : i32 to index
        %get3A_246 = arith.constant 80 : index
        %get3A_247 = tpu.vector_load %arg14[%get3A_245, %get3A_246] {strides = array<i32>} : memref<16x1024xf32, #tpu.memory_space<vmem>>, vector<1x16xf32>,
        %get3A_248 = vector.shape_cast %get3A_247 : vector<1x16xf32> to vector<16xf32>
        %mul3A_249 = arith.mulf %get3A_244, %get3A_248 : vector<16xf32>
        %add3A_250 = arith.addf %add3A_240, %mul3A_249 : vector<16xf32>
        %get3A_251 = arith.index_cast %scan3A_192 : i32 to index
        %get3A_252 = arith.constant 96 : index
        %get3A_253 = tpu.vector_load %arg11[%get3A_251, %get3A_252] {strides = array<i32>} : memref<16x1024xf32, #tpu.memory_space<vmem>>, vector<1x16xf32>,
        %get3A_254 = vector.shape_cast %get3A_253 : vector<1x16xf32> to vector<16xf32>
        %get3A_255 = arith.index_cast %scan3A_192 : i32 to index
        %get3A_256 = arith.constant 96 : index
        %get3A_257 = tpu.vector_load %arg14[%get3A_255, %get3A_256] {strides = array<i32>} : memref<16x1024xf32, #tpu.memory_space<vmem>>, vector<1x16xf32>,
        %get3A_258 = vector.shape_cast %get3A_257 : vector<1x16xf32> to vector<16xf32>
        %mul3A_259 = arith.mulf %get3A_254, %get3A_258 : vector<16xf32>
        %add3A_260 = arith.addf %add3A_250, %mul3A_259 : vector<16xf32>
        %get3A_261 = arith.index_cast %scan3A_192 : i32 to index
        %get3A_262 = arith.constant 112 : index
        %get3A_263 = tpu.vector_load %arg11[%get3A_261, %get3A_262] {strides = array<i32>} : memref<16x1024xf32, #tpu.memory_space<vmem>>, vector<1x16xf32>,
        %get3A_264 = vector.shape_cast %get3A_263 : vector<1x16xf32> to vector<16xf32>
        %get3A_265 = arith.index_cast %scan3A_192 : i32 to index
        %get3A_266 = arith.constant 112 : index
        %get3A_267 = tpu.vector_load %arg14[%get3A_265, %get3A_266] {strides = array<i32>} : memref<16x1024xf32, #tpu.memory_space<vmem>>, vector<1x16xf32>,
        %get3A_268 = vector.shape_cast %get3A_267 : vector<1x16xf32> to vector<16xf32>
        %mul3A_269 = arith.mulf %get3A_264, %get3A_268 : vector<16xf32>
        %add3A_270 = arith.addf %add3A_260, %mul3A_269 : vector<16xf32>
        %get3A_271 = arith.index_cast %scan3A_192 : i32 to index
        %get3A_272 = arith.constant 128 : index
        %get3A_273 = tpu.vector_load %arg11[%get3A_271, %get3A_272] {strides = array<i32>} : memref<16x1024xf32, #tpu.memory_space<vmem>>, vector<1x16xf32>,
        %get3A_274 = vector.shape_cast %get3A_273 : vector<1x16xf32> to vector<16xf32>
        %get3A_275 = arith.index_cast %scan3A_192 : i32 to index
        %get3A_276 = arith.constant 128 : index
        %get3A_277 = tpu.vector_load %arg14[%get3A_275, %get3A_276] {strides = array<i32>} : memref<16x1024xf32, #tpu.memory_space<vmem>>, vector<1x16xf32>,
        %get3A_278 = vector.shape_cast %get3A_277 : vector<1x16xf32> to vector<16xf32>
        %mul3A_279 = arith.mulf %get3A_274, %get3A_278 : vector<16xf32>
        %add3A_280 = arith.addf %add3A_270, %mul3A_279 : vector<16xf32>
        %get3A_281 = arith.index_cast %scan3A_192 : i32 to index
        %get3A_282 = arith.constant 144 : index
        %get3A_283 = tpu.vector_load %arg11[%get3A_281, %get3A_282] {strides = array<i32>} : memref<16x1024xf32, #tpu.memory_space<vmem>>, vector<1x16xf32>,
        %get3A_284 = vector.shape_cast %get3A_283 : vector<1x16xf32> to vector<16xf32>
        %get3A_285 = arith.index_cast %scan3A_192 : i32 to index
        %get3A_286 = arith.constant 144 : index
        %get3A_287 = tpu.vector_load %arg14[%get3A_285, %get3A_286] {strides = array<i32>} : memref<16x1024xf32, #tpu.memory_space<vmem>>, vector<1x16xf32>,
        %get3A_288 = vector.shape_cast %get3A_287 : vector<1x16xf32> to vector<16xf32>
        %mul3A_289 = arith.mulf %get3A_284, %get3A_288 : vector<16xf32>
        %add3A_290 = arith.addf %add3A_280, %mul3A_289 : vector<16xf32>
        %get3A_291 = arith.index_cast %scan3A_192 : i32 to index
        %get3A_292 = arith.constant 160 : index
        %get3A_293 = tpu.vector_load %arg11[%get3A_291, %get3A_292] {strides = array<i32>} : memref<16x1024xf32, #tpu.memory_space<vmem>>, vector<1x16xf32>,
        %get3A_294 = vector.shape_cast %get3A_293 : vector<1x16xf32> to vector<16xf32>
        %get3A_295 = arith.index_cast %scan3A_192 : i32 to index
        %get3A_296 = arith.constant 160 : index
        %get3A_297 = tpu.vector_load %arg14[%get3A_295, %get3A_296] {strides = array<i32>} : memref<16x1024xf32, #tpu.memory_space<vmem>>, vector<1x16xf32>,
        %get3A_298 = vector.shape_cast %get3A_297 : vector<1x16xf32> to vector<16xf32>
        %mul3A_299 = arith.mulf %get3A_294, %get3A_298 : vector<16xf32>
        %add3A_300 = arith.addf %add3A_290, %mul3A_299 : vector<16xf32>
        %get3A_301 = arith.index_cast %scan3A_192 : i32 to index
        %get3A_302 = arith.constant 176 : index
        %get3A_303 = tpu.vector_load %arg11[%get3A_301, %get3A_302] {strides = array<i32>} : memref<16x1024xf32, #tpu.memory_space<vmem>>, vector<1x16xf32>,
        %get3A_304 = vector.shape_cast %get3A_303 : vector<1x16xf32> to vector<16xf32>
        %get3A_305 = arith.index_cast %scan3A_192 : i32 to index
        %get3A_306 = arith.constant 176 : index
        %get3A_307 = tpu.vector_load %arg14[%get3A_305, %get3A_306] {strides = array<i32>} : memref<16x1024xf32, #tpu.memory_space<vmem>>, vector<1x16xf32>,
        %get3A_308 = vector.shape_cast %get3A_307 : vector<1x16xf32> to vector<16xf32>
        %mul3A_309 = arith.mulf %get3A_304, %get3A_308 : vector<16xf32>
        %add3A_310 = arith.addf %add3A_300, %mul3A_309 : vector<16xf32>
        %get3A_311 = arith.index_cast %scan3A_192 : i32 to index
        %get3A_312 = arith.constant 192 : index
        %get3A_313 = tpu.vector_load %arg11[%get3A_311, %get3A_312] {strides = array<i32>} : memref<16x1024xf32, #tpu.memory_space<vmem>>, vector<1x16xf32>,
        %get3A_314 = vector.shape_cast %get3A_313 : vector<1x16xf32> to vector<16xf32>
        %get3A_315 = arith.index_cast %scan3A_192 : i32 to index
        %get3A_316 = arith.constant 192 : index
        %get3A_317 = tpu.vector_load %arg14[%get3A_315, %get3A_316] {strides = array<i32>} : memref<16x1024xf32, #tpu.memory_space<vmem>>, vector<1x16xf32>,
        %get3A_318 = vector.shape_cast %get3A_317 : vector<1x16xf32> to vector<16xf32>
        %mul3A_319 = arith.mulf %get3A_314, %get3A_318 : vector<16xf32>
        %add3A_320 = arith.addf %add3A_310, %mul3A_319 : vector<16xf32>
        %get3A_321 = arith.index_cast %scan3A_192 : i32 to index
        %get3A_322 = arith.constant 208 : index
        %get3A_323 = tpu.vector_load %arg11[%get3A_321, %get3A_322] {strides = array<i32>} : memref<16x1024xf32, #tpu.memory_space<vmem>>, vector<1x16xf32>,
        %get3A_324 = vector.shape_cast %get3A_323 : vector<1x16xf32> to vector<16xf32>
        %get3A_325 = arith.index_cast %scan3A_192 : i32 to index
        %get3A_326 = arith.constant 208 : index
        %get3A_327 = tpu.vector_load %arg14[%get3A_325, %get3A_326] {strides = array<i32>} : memref<16x1024xf32, #tpu.memory_space<vmem>>, vector<1x16xf32>,
        %get3A_328 = vector.shape_cast %get3A_327 : vector<1x16xf32> to vector<16xf32>
        %mul3A_329 = arith.mulf %get3A_324, %get3A_328 : vector<16xf32>
        %add3A_330 = arith.addf %add3A_320, %mul3A_329 : vector<16xf32>
        %get3A_331 = arith.index_cast %scan3A_192 : i32 to index
        %get3A_332 = arith.constant 224 : index
        %get3A_333 = tpu.vector_load %arg11[%get3A_331, %get3A_332] {strides = array<i32>} : memref<16x1024xf32, #tpu.memory_space<vmem>>, vector<1x16xf32>,
        %get3A_334 = vector.shape_cast %get3A_333 : vector<1x16xf32> to vector<16xf32>
        %get3A_335 = arith.index_cast %scan3A_192 : i32 to index
        %get3A_336 = arith.constant 224 : index
        %get3A_337 = tpu.vector_load %arg14[%get3A_335, %get3A_336] {strides = array<i32>} : memref<16x1024xf32, #tpu.memory_space<vmem>>, vector<1x16xf32>,
        %get3A_338 = vector.shape_cast %get3A_337 : vector<1x16xf32> to vector<16xf32>
        %mul3A_339 = arith.mulf %get3A_334, %get3A_338 : vector<16xf32>
        %add3A_340 = arith.addf %add3A_330, %mul3A_339 : vector<16xf32>
        %get3A_341 = arith.index_cast %scan3A_192 : i32 to index
        %get3A_342 = arith.constant 240 : index
        %get3A_343 = tpu.vector_load %arg11[%get3A_341, %get3A_342] {strides = array<i32>} : memref<16x1024xf32, #tpu.memory_space<vmem>>, vector<1x16xf32>,
        %get3A_344 = vector.shape_cast %get3A_343 : vector<1x16xf32> to vector<16xf32>
        %get3A_345 = arith.index_cast %scan3A_192 : i32 to index
        %get3A_346 = arith.constant 240 : index
        %get3A_347 = tpu.vector_load %arg14[%get3A_345, %get3A_346] {strides = array<i32>} : memref<16x1024xf32, #tpu.memory_space<vmem>>, vector<1x16xf32>,
        %get3A_348 = vector.shape_cast %get3A_347 : vector<1x16xf32> to vector<16xf32>
        %mul3A_349 = arith.mulf %get3A_344, %get3A_348 : vector<16xf32>
        %add3A_350 = arith.addf %add3A_340, %mul3A_349 : vector<16xf32>
        %get3A_351 = arith.index_cast %scan3A_192 : i32 to index
        %get3A_352 = arith.constant 256 : index
        %get3A_353 = tpu.vector_load %arg11[%get3A_351, %get3A_352] {strides = array<i32>} : memref<16x1024xf32, #tpu.memory_space<vmem>>, vector<1x16xf32>,
        %get3A_354 = vector.shape_cast %get3A_353 : vector<1x16xf32> to vector<16xf32>
        %get3A_355 = arith.index_cast %scan3A_192 : i32 to index
        %get3A_356 = arith.constant 256 : index
        %get3A_357 = tpu.vector_load %arg14[%get3A_355, %get3A_356] {strides = array<i32>} : memref<16x1024xf32, #tpu.memory_space<vmem>>, vector<1x16xf32>,
        %get3A_358 = vector.shape_cast %get3A_357 : vector<1x16xf32> to vector<16xf32>
        %mul3A_359 = arith.mulf %get3A_354, %get3A_358 : vector<16xf32>
        %add3A_360 = arith.addf %add3A_350, %mul3A_359 : vector<16xf32>
        %get3A_361 = arith.index_cast %scan3A_192 : i32 to index
        %get3A_362 = arith.constant 272 : index
        %get3A_363 = tpu.vector_load %arg11[%get3A_361, %get3A_362] {strides = array<i32>} : memref<16x1024xf32, #tpu.memory_space<vmem>>, vector<1x16xf32>,
        %get3A_364 = vector.shape_cast %get3A_363 : vector<1x16xf32> to vector<16xf32>
        %get3A_365 = arith.index_cast %scan3A_192 : i32 to index
        %get3A_366 = arith.constant 272 : index
        %get3A_367 = tpu.vector_load %arg14[%get3A_365, %get3A_366] {strides = array<i32>} : memref<16x1024xf32, #tpu.memory_space<vmem>>, vector<1x16xf32>,
        %get3A_368 = vector.shape_cast %get3A_367 : vector<1x16xf32> to vector<16xf32>
        %mul3A_369 = arith.mulf %get3A_364, %get3A_368 : vector<16xf32>
        %add3A_370 = arith.addf %add3A_360, %mul3A_369 : vector<16xf32>
        %get3A_371 = arith.index_cast %scan3A_192 : i32 to index
        %get3A_372 = arith.constant 288 : index
        %get3A_373 = tpu.vector_load %arg11[%get3A_371, %get3A_372] {strides = array<i32>} : memref<16x1024xf32, #tpu.memory_space<vmem>>, vector<1x16xf32>,
        %get3A_374 = vector.shape_cast %get3A_373 : vector<1x16xf32> to vector<16xf32>
        %get3A_375 = arith.index_cast %scan3A_192 : i32 to index
        %get3A_376 = arith.constant 288 : index
        %get3A_377 = tpu.vector_load %arg14[%get3A_375, %get3A_376] {strides = array<i32>} : memref<16x1024xf32, #tpu.memory_space<vmem>>, vector<1x16xf32>,
        %get3A_378 = vector.shape_cast %get3A_377 : vector<1x16xf32> to vector<16xf32>
        %mul3A_379 = arith.mulf %get3A_374, %get3A_378 : vector<16xf32>
        %add3A_380 = arith.addf %add3A_370, %mul3A_379 : vector<16xf32>
        %get3A_381 = arith.index_cast %scan3A_192 : i32 to index
        %get3A_382 = arith.constant 304 : index
        %get3A_383 = tpu.vector_load %arg11[%get3A_381, %get3A_382] {strides = array<i32>} : memref<16x1024xf32, #tpu.memory_space<vmem>>, vector<1x16xf32>,
        %get3A_384 = vector.shape_cast %get3A_383 : vector<1x16xf32> to vector<16xf32>
        %get3A_385 = arith.index_cast %scan3A_192 : i32 to index
        %get3A_386 = arith.constant 304 : index
        %get3A_387 = tpu.vector_load %arg14[%get3A_385, %get3A_386] {strides = array<i32>} : memref<16x1024xf32, #tpu.memory_space<vmem>>, vector<1x16xf32>,
        %get3A_388 = vector.shape_cast %get3A_387 : vector<1x16xf32> to vector<16xf32>
        %mul3A_389 = arith.mulf %get3A_384, %get3A_388 : vector<16xf32>
        %add3A_390 = arith.addf %add3A_380, %mul3A_389 : vector<16xf32>
        %get3A_391 = arith.index_cast %scan3A_192 : i32 to index
        %get3A_392 = arith.constant 320 : index
        %get3A_393 = tpu.vector_load %arg11[%get3A_391, %get3A_392] {strides = array<i32>} : memref<16x1024xf32, #tpu.memory_space<vmem>>, vector<1x16xf32>,
        %get3A_394 = vector.shape_cast %get3A_393 : vector<1x16xf32> to vector<16xf32>
        %get3A_395 = arith.index_cast %scan3A_192 : i32 to index
        %get3A_396 = arith.constant 320 : index
        %get3A_397 = tpu.vector_load %arg14[%get3A_395, %get3A_396] {strides = array<i32>} : memref<16x1024xf32, #tpu.memory_space<vmem>>, vector<1x16xf32>,
        %get3A_398 = vector.shape_cast %get3A_397 : vector<1x16xf32> to vector<16xf32>
        %mul3A_399 = arith.mulf %get3A_394, %get3A_398 : vector<16xf32>
        %add3A_400 = arith.addf %add3A_390, %mul3A_399 : vector<16xf32>
        %get3A_401 = arith.index_cast %scan3A_192 : i32 to index
        %get3A_402 = arith.constant 336 : index
        %get3A_403 = tpu.vector_load %arg11[%get3A_401, %get3A_402] {strides = array<i32>} : memref<16x1024xf32, #tpu.memory_space<vmem>>, vector<1x16xf32>,
        %get3A_404 = vector.shape_cast %get3A_403 : vector<1x16xf32> to vector<16xf32>
        %get3A_405 = arith.index_cast %scan3A_192 : i32 to index
        %get3A_406 = arith.constant 336 : index
        %get3A_407 = tpu.vector_load %arg14[%get3A_405, %get3A_406] {strides = array<i32>} : memref<16x1024xf32, #tpu.memory_space<vmem>>, vector<1x16xf32>,
        %get3A_408 = vector.shape_cast %get3A_407 : vector<1x16xf32> to vector<16xf32>
        %mul3A_409 = arith.mulf %get3A_404, %get3A_408 : vector<16xf32>
        %add3A_410 = arith.addf %add3A_400, %mul3A_409 : vector<16xf32>
        %get3A_411 = arith.index_cast %scan3A_192 : i32 to index
        %get3A_412 = arith.constant 352 : index
        %get3A_413 = tpu.vector_load %arg11[%get3A_411, %get3A_412] {strides = array<i32>} : memref<16x1024xf32, #tpu.memory_space<vmem>>, vector<1x16xf32>,
        %get3A_414 = vector.shape_cast %get3A_413 : vector<1x16xf32> to vector<16xf32>
        %get3A_415 = arith.index_cast %scan3A_192 : i32 to index
        %get3A_416 = arith.constant 352 : index
        %get3A_417 = tpu.vector_load %arg14[%get3A_415, %get3A_416] {strides = array<i32>} : memref<16x1024xf32, #tpu.memory_space<vmem>>, vector<1x16xf32>,
        %get3A_418 = vector.shape_cast %get3A_417 : vector<1x16xf32> to vector<16xf32>
        %mul3A_419 = arith.mulf %get3A_414, %get3A_418 : vector<16xf32>
        %add3A_420 = arith.addf %add3A_410, %mul3A_419 : vector<16xf32>
        %get3A_421 = arith.index_cast %scan3A_192 : i32 to index
        %get3A_422 = arith.constant 368 : index
        %get3A_423 = tpu.vector_load %arg11[%get3A_421, %get3A_422] {strides = array<i32>} : memref<16x1024xf32, #tpu.memory_space<vmem>>, vector<1x16xf32>,
        %get3A_424 = vector.shape_cast %get3A_423 : vector<1x16xf32> to vector<16xf32>
        %get3A_425 = arith.index_cast %scan3A_192 : i32 to index
        %get3A_426 = arith.constant 368 : index
        %get3A_427 = tpu.vector_load %arg14[%get3A_425, %get3A_426] {strides = array<i32>} : memref<16x1024xf32, #tpu.memory_space<vmem>>, vector<1x16xf32>,
        %get3A_428 = vector.shape_cast %get3A_427 : vector<1x16xf32> to vector<16xf32>
        %mul3A_429 = arith.mulf %get3A_424, %get3A_428 : vector<16xf32>
        %add3A_430 = arith.addf %add3A_420, %mul3A_429 : vector<16xf32>
        %get3A_431 = arith.index_cast %scan3A_192 : i32 to index
        %get3A_432 = arith.constant 384 : index
        %get3A_433 = tpu.vector_load %arg11[%get3A_431, %get3A_432] {strides = array<i32>} : memref<16x1024xf32, #tpu.memory_space<vmem>>, vector<1x16xf32>,
        %get3A_434 = vector.shape_cast %get3A_433 : vector<1x16xf32> to vector<16xf32>
        %get3A_435 = arith.index_cast %scan3A_192 : i32 to index
        %get3A_436 = arith.constant 384 : index
        %get3A_437 = tpu.vector_load %arg14[%get3A_435, %get3A_436] {strides = array<i32>} : memref<16x1024xf32, #tpu.memory_space<vmem>>, vector<1x16xf32>,
        %get3A_438 = vector.shape_cast %get3A_437 : vector<1x16xf32> to vector<16xf32>
        %mul3A_439 = arith.mulf %get3A_434, %get3A_438 : vector<16xf32>
        %add3A_440 = arith.addf %add3A_430, %mul3A_439 : vector<16xf32>
        %get3A_441 = arith.index_cast %scan3A_192 : i32 to index
        %get3A_442 = arith.constant 400 : index
        %get3A_443 = tpu.vector_load %arg11[%get3A_441, %get3A_442] {strides = array<i32>} : memref<16x1024xf32, #tpu.memory_space<vmem>>, vector<1x16xf32>,
        %get3A_444 = vector.shape_cast %get3A_443 : vector<1x16xf32> to vector<16xf32>
        %get3A_445 = arith.index_cast %scan3A_192 : i32 to index
        %get3A_446 = arith.constant 400 : index
        %get3A_447 = tpu.vector_load %arg14[%get3A_445, %get3A_446] {strides = array<i32>} : memref<16x1024xf32, #tpu.memory_space<vmem>>, vector<1x16xf32>,
        %get3A_448 = vector.shape_cast %get3A_447 : vector<1x16xf32> to vector<16xf32>
        %mul3A_449 = arith.mulf %get3A_444, %get3A_448 : vector<16xf32>
        %add3A_450 = arith.addf %add3A_440, %mul3A_449 : vector<16xf32>
        %get3A_451 = arith.index_cast %scan3A_192 : i32 to index
        %get3A_452 = arith.constant 416 : index
        %get3A_453 = tpu.vector_load %arg11[%get3A_451, %get3A_452] {strides = array<i32>} : memref<16x1024xf32, #tpu.memory_space<vmem>>, vector<1x16xf32>,
        %get3A_454 = vector.shape_cast %get3A_453 : vector<1x16xf32> to vector<16xf32>
        %get3A_455 = arith.index_cast %scan3A_192 : i32 to index
        %get3A_456 = arith.constant 416 : index
        %get3A_457 = tpu.vector_load %arg14[%get3A_455, %get3A_456] {strides = array<i32>} : memref<16x1024xf32, #tpu.memory_space<vmem>>, vector<1x16xf32>,
        %get3A_458 = vector.shape_cast %get3A_457 : vector<1x16xf32> to vector<16xf32>
        %mul3A_459 = arith.mulf %get3A_454, %get3A_458 : vector<16xf32>
        %add3A_460 = arith.addf %add3A_450, %mul3A_459 : vector<16xf32>
        %get3A_461 = arith.index_cast %scan3A_192 : i32 to index
        %get3A_462 = arith.constant 432 : index
        %get3A_463 = tpu.vector_load %arg11[%get3A_461, %get3A_462] {strides = array<i32>} : memref<16x1024xf32, #tpu.memory_space<vmem>>, vector<1x16xf32>,
        %get3A_464 = vector.shape_cast %get3A_463 : vector<1x16xf32> to vector<16xf32>
        %get3A_465 = arith.index_cast %scan3A_192 : i32 to index
        %get3A_466 = arith.constant 432 : index
        %get3A_467 = tpu.vector_load %arg14[%get3A_465, %get3A_466] {strides = array<i32>} : memref<16x1024xf32, #tpu.memory_space<vmem>>, vector<1x16xf32>,
        %get3A_468 = vector.shape_cast %get3A_467 : vector<1x16xf32> to vector<16xf32>
        %mul3A_469 = arith.mulf %get3A_464, %get3A_468 : vector<16xf32>
        %add3A_470 = arith.addf %add3A_460, %mul3A_469 : vector<16xf32>
        %get3A_471 = arith.index_cast %scan3A_192 : i32 to index
        %get3A_472 = arith.constant 448 : index
        %get3A_473 = tpu.vector_load %arg11[%get3A_471, %get3A_472] {strides = array<i32>} : memref<16x1024xf32, #tpu.memory_space<vmem>>, vector<1x16xf32>,
        %get3A_474 = vector.shape_cast %get3A_473 : vector<1x16xf32> to vector<16xf32>
        %get3A_475 = arith.index_cast %scan3A_192 : i32 to index
        %get3A_476 = arith.constant 448 : index
        %get3A_477 = tpu.vector_load %arg14[%get3A_475, %get3A_476] {strides = array<i32>} : memref<16x1024xf32, #tpu.memory_space<vmem>>, vector<1x16xf32>,
        %get3A_478 = vector.shape_cast %get3A_477 : vector<1x16xf32> to vector<16xf32>
        %mul3A_479 = arith.mulf %get3A_474, %get3A_478 : vector<16xf32>
        %add3A_480 = arith.addf %add3A_470, %mul3A_479 : vector<16xf32>
        %get3A_481 = arith.index_cast %scan3A_192 : i32 to index
        %get3A_482 = arith.constant 464 : index
        %get3A_483 = tpu.vector_load %arg11[%get3A_481, %get3A_482] {strides = array<i32>} : memref<16x1024xf32, #tpu.memory_space<vmem>>, vector<1x16xf32>,
        %get3A_484 = vector.shape_cast %get3A_483 : vector<1x16xf32> to vector<16xf32>
        %get3A_485 = arith.index_cast %scan3A_192 : i32 to index
        %get3A_486 = arith.constant 464 : index
        %get3A_487 = tpu.vector_load %arg14[%get3A_485, %get3A_486] {strides = array<i32>} : memref<16x1024xf32, #tpu.memory_space<vmem>>, vector<1x16xf32>,
        %get3A_488 = vector.shape_cast %get3A_487 : vector<1x16xf32> to vector<16xf32>
        %mul3A_489 = arith.mulf %get3A_484, %get3A_488 : vector<16xf32>
        %add3A_490 = arith.addf %add3A_480, %mul3A_489 : vector<16xf32>
        %get3A_491 = arith.index_cast %scan3A_192 : i32 to index
        %get3A_492 = arith.constant 480 : index
        %get3A_493 = tpu.vector_load %arg11[%get3A_491, %get3A_492] {strides = array<i32>} : memref<16x1024xf32, #tpu.memory_space<vmem>>, vector<1x16xf32>,
        %get3A_494 = vector.shape_cast %get3A_493 : vector<1x16xf32> to vector<16xf32>
        %get3A_495 = arith.index_cast %scan3A_192 : i32 to index
        %get3A_496 = arith.constant 480 : index
        %get3A_497 = tpu.vector_load %arg14[%get3A_495, %get3A_496] {strides = array<i32>} : memref<16x1024xf32, #tpu.memory_space<vmem>>, vector<1x16xf32>,
        %get3A_498 = vector.shape_cast %get3A_497 : vector<1x16xf32> to vector<16xf32>
        %mul3A_499 = arith.mulf %get3A_494, %get3A_498 : vector<16xf32>
        %add3A_500 = arith.addf %add3A_490, %mul3A_499 : vector<16xf32>
        %get3A_501 = arith.index_cast %scan3A_192 : i32 to index
        %get3A_502 = arith.constant 496 : index
        %get3A_503 = tpu.vector_load %arg11[%get3A_501, %get3A_502] {strides = array<i32>} : memref<16x1024xf32, #tpu.memory_space<vmem>>, vector<1x16xf32>,
        %get3A_504 = vector.shape_cast %get3A_503 : vector<1x16xf32> to vector<16xf32>
        %get3A_505 = arith.index_cast %scan3A_192 : i32 to index
        %get3A_506 = arith.constant 496 : index
        %get3A_507 = tpu.vector_load %arg14[%get3A_505, %get3A_506] {strides = array<i32>} : memref<16x1024xf32, #tpu.memory_space<vmem>>, vector<1x16xf32>,
        %get3A_508 = vector.shape_cast %get3A_507 : vector<1x16xf32> to vector<16xf32>
        %mul3A_509 = arith.mulf %get3A_504, %get3A_508 : vector<16xf32>
        %add3A_510 = arith.addf %add3A_500, %mul3A_509 : vector<16xf32>
        %get3A_511 = arith.index_cast %scan3A_192 : i32 to index
        %get3A_512 = arith.constant 512 : index
        %get3A_513 = tpu.vector_load %arg11[%get3A_511, %get3A_512] {strides = array<i32>} : memref<16x1024xf32, #tpu.memory_space<vmem>>, vector<1x16xf32>,
        %get3A_514 = vector.shape_cast %get3A_513 : vector<1x16xf32> to vector<16xf32>
        %get3A_515 = arith.index_cast %scan3A_192 : i32 to index
        %get3A_516 = arith.constant 512 : index
        %get3A_517 = tpu.vector_load %arg14[%get3A_515, %get3A_516] {strides = array<i32>} : memref<16x1024xf32, #tpu.memory_space<vmem>>, vector<1x16xf32>,
        %get3A_518 = vector.shape_cast %get3A_517 : vector<1x16xf32> to vector<16xf32>
        %mul3A_519 = arith.mulf %get3A_514, %get3A_518 : vector<16xf32>
        %add3A_520 = arith.addf %add3A_510, %mul3A_519 : vector<16xf32>
        %get3A_521 = arith.index_cast %scan3A_192 : i32 to index
        %get3A_522 = arith.constant 528 : index
        %get3A_523 = tpu.vector_load %arg11[%get3A_521, %get3A_522] {strides = array<i32>} : memref<16x1024xf32, #tpu.memory_space<vmem>>, vector<1x16xf32>,
        %get3A_524 = vector.shape_cast %get3A_523 : vector<1x16xf32> to vector<16xf32>
        %get3A_525 = arith.index_cast %scan3A_192 : i32 to index
        %get3A_526 = arith.constant 528 : index
        %get3A_527 = tpu.vector_load %arg14[%get3A_525, %get3A_526] {strides = array<i32>} : memref<16x1024xf32, #tpu.memory_space<vmem>>, vector<1x16xf32>,
        %get3A_528 = vector.shape_cast %get3A_527 : vector<1x16xf32> to vector<16xf32>
        %mul3A_529 = arith.mulf %get3A_524, %get3A_528 : vector<16xf32>
        %add3A_530 = arith.addf %add3A_520, %mul3A_529 : vector<16xf32>
        %get3A_531 = arith.index_cast %scan3A_192 : i32 to index
        %get3A_532 = arith.constant 544 : index
        %get3A_533 = tpu.vector_load %arg11[%get3A_531, %get3A_532] {strides = array<i32>} : memref<16x1024xf32, #tpu.memory_space<vmem>>, vector<1x16xf32>,
        %get3A_534 = vector.shape_cast %get3A_533 : vector<1x16xf32> to vector<16xf32>
        %get3A_535 = arith.index_cast %scan3A_192 : i32 to index
        %get3A_536 = arith.constant 544 : index
        %get3A_537 = tpu.vector_load %arg14[%get3A_535, %get3A_536] {strides = array<i32>} : memref<16x1024xf32, #tpu.memory_space<vmem>>, vector<1x16xf32>,
        %get3A_538 = vector.shape_cast %get3A_537 : vector<1x16xf32> to vector<16xf32>
        %mul3A_539 = arith.mulf %get3A_534, %get3A_538 : vector<16xf32>
        %add3A_540 = arith.addf %add3A_530, %mul3A_539 : vector<16xf32>
        %get3A_541 = arith.index_cast %scan3A_192 : i32 to index
        %get3A_542 = arith.constant 560 : index
        %get3A_543 = tpu.vector_load %arg11[%get3A_541, %get3A_542] {strides = array<i32>} : memref<16x1024xf32, #tpu.memory_space<vmem>>, vector<1x16xf32>,
        %get3A_544 = vector.shape_cast %get3A_543 : vector<1x16xf32> to vector<16xf32>
        %get3A_545 = arith.index_cast %scan3A_192 : i32 to index
        %get3A_546 = arith.constant 560 : index
        %get3A_547 = tpu.vector_load %arg14[%get3A_545, %get3A_546] {strides = array<i32>} : memref<16x1024xf32, #tpu.memory_space<vmem>>, vector<1x16xf32>,
        %get3A_548 = vector.shape_cast %get3A_547 : vector<1x16xf32> to vector<16xf32>
        %mul3A_549 = arith.mulf %get3A_544, %get3A_548 : vector<16xf32>
        %add3A_550 = arith.addf %add3A_540, %mul3A_549 : vector<16xf32>
        %get3A_551 = arith.index_cast %scan3A_192 : i32 to index
        %get3A_552 = arith.constant 576 : index
        %get3A_553 = tpu.vector_load %arg11[%get3A_551, %get3A_552] {strides = array<i32>} : memref<16x1024xf32, #tpu.memory_space<vmem>>, vector<1x16xf32>,
        %get3A_554 = vector.shape_cast %get3A_553 : vector<1x16xf32> to vector<16xf32>
        %get3A_555 = arith.index_cast %scan3A_192 : i32 to index
        %get3A_556 = arith.constant 576 : index
        %get3A_557 = tpu.vector_load %arg14[%get3A_555, %get3A_556] {strides = array<i32>} : memref<16x1024xf32, #tpu.memory_space<vmem>>, vector<1x16xf32>,
        %get3A_558 = vector.shape_cast %get3A_557 : vector<1x16xf32> to vector<16xf32>
        %mul3A_559 = arith.mulf %get3A_554, %get3A_558 : vector<16xf32>
        %add3A_560 = arith.addf %add3A_550, %mul3A_559 : vector<16xf32>
        %get3A_561 = arith.index_cast %scan3A_192 : i32 to index
        %get3A_562 = arith.constant 592 : index
        %get3A_563 = tpu.vector_load %arg11[%get3A_561, %get3A_562] {strides = array<i32>} : memref<16x1024xf32, #tpu.memory_space<vmem>>, vector<1x16xf32>,
        %get3A_564 = vector.shape_cast %get3A_563 : vector<1x16xf32> to vector<16xf32>
        %get3A_565 = arith.index_cast %scan3A_192 : i32 to index
        %get3A_566 = arith.constant 592 : index
        %get3A_567 = tpu.vector_load %arg14[%get3A_565, %get3A_566] {strides = array<i32>} : memref<16x1024xf32, #tpu.memory_space<vmem>>, vector<1x16xf32>,
        %get3A_568 = vector.shape_cast %get3A_567 : vector<1x16xf32> to vector<16xf32>
        %mul3A_569 = arith.mulf %get3A_564, %get3A_568 : vector<16xf32>
        %add3A_570 = arith.addf %add3A_560, %mul3A_569 : vector<16xf32>
        %get3A_571 = arith.index_cast %scan3A_192 : i32 to index
        %get3A_572 = arith.constant 608 : index
        %get3A_573 = tpu.vector_load %arg11[%get3A_571, %get3A_572] {strides = array<i32>} : memref<16x1024xf32, #tpu.memory_space<vmem>>, vector<1x16xf32>,
        %get3A_574 = vector.shape_cast %get3A_573 : vector<1x16xf32> to vector<16xf32>
        %get3A_575 = arith.index_cast %scan3A_192 : i32 to index
        %get3A_576 = arith.constant 608 : index
        %get3A_577 = tpu.vector_load %arg14[%get3A_575, %get3A_576] {strides = array<i32>} : memref<16x1024xf32, #tpu.memory_space<vmem>>, vector<1x16xf32>,
        %get3A_578 = vector.shape_cast %get3A_577 : vector<1x16xf32> to vector<16xf32>
        %mul3A_579 = arith.mulf %get3A_574, %get3A_578 : vector<16xf32>
        %add3A_580 = arith.addf %add3A_570, %mul3A_579 : vector<16xf32>
        %get3A_581 = arith.index_cast %scan3A_192 : i32 to index
        %get3A_582 = arith.constant 624 : index
        %get3A_583 = tpu.vector_load %arg11[%get3A_581, %get3A_582] {strides = array<i32>} : memref<16x1024xf32, #tpu.memory_space<vmem>>, vector<1x16xf32>,
        %get3A_584 = vector.shape_cast %get3A_583 : vector<1x16xf32> to vector<16xf32>
        %get3A_585 = arith.index_cast %scan3A_192 : i32 to index
        %get3A_586 = arith.constant 624 : index
        %get3A_587 = tpu.vector_load %arg14[%get3A_585, %get3A_586] {strides = array<i32>} : memref<16x1024xf32, #tpu.memory_space<vmem>>, vector<1x16xf32>,
        %get3A_588 = vector.shape_cast %get3A_587 : vector<1x16xf32> to vector<16xf32>
        %mul3A_589 = arith.mulf %get3A_584, %get3A_588 : vector<16xf32>
        %add3A_590 = arith.addf %add3A_580, %mul3A_589 : vector<16xf32>
        %get3A_591 = arith.index_cast %scan3A_192 : i32 to index
        %get3A_592 = arith.constant 640 : index
        %get3A_593 = tpu.vector_load %arg11[%get3A_591, %get3A_592] {strides = array<i32>} : memref<16x1024xf32, #tpu.memory_space<vmem>>, vector<1x16xf32>,
        %get3A_594 = vector.shape_cast %get3A_593 : vector<1x16xf32> to vector<16xf32>
        %get3A_595 = arith.index_cast %scan3A_192 : i32 to index
        %get3A_596 = arith.constant 640 : index
        %get3A_597 = tpu.vector_load %arg14[%get3A_595, %get3A_596] {strides = array<i32>} : memref<16x1024xf32, #tpu.memory_space<vmem>>, vector<1x16xf32>,
        %get3A_598 = vector.shape_cast %get3A_597 : vector<1x16xf32> to vector<16xf32>
        %mul3A_599 = arith.mulf %get3A_594, %get3A_598 : vector<16xf32>
        %add3A_600 = arith.addf %add3A_590, %mul3A_599 : vector<16xf32>
        %get3A_601 = arith.index_cast %scan3A_192 : i32 to index
        %get3A_602 = arith.constant 656 : index
        %get3A_603 = tpu.vector_load %arg11[%get3A_601, %get3A_602] {strides = array<i32>} : memref<16x1024xf32, #tpu.memory_space<vmem>>, vector<1x16xf32>,
        %get3A_604 = vector.shape_cast %get3A_603 : vector<1x16xf32> to vector<16xf32>
        %get3A_605 = arith.index_cast %scan3A_192 : i32 to index
        %get3A_606 = arith.constant 656 : index
        %get3A_607 = tpu.vector_load %arg14[%get3A_605, %get3A_606] {strides = array<i32>} : memref<16x1024xf32, #tpu.memory_space<vmem>>, vector<1x16xf32>,
        %get3A_608 = vector.shape_cast %get3A_607 : vector<1x16xf32> to vector<16xf32>
        %mul3A_609 = arith.mulf %get3A_604, %get3A_608 : vector<16xf32>
        %add3A_610 = arith.addf %add3A_600, %mul3A_609 : vector<16xf32>
        %get3A_611 = arith.index_cast %scan3A_192 : i32 to index
        %get3A_612 = arith.constant 672 : index
        %get3A_613 = tpu.vector_load %arg11[%get3A_611, %get3A_612] {strides = array<i32>} : memref<16x1024xf32, #tpu.memory_space<vmem>>, vector<1x16xf32>,
        %get3A_614 = vector.shape_cast %get3A_613 : vector<1x16xf32> to vector<16xf32>
        %get3A_615 = arith.index_cast %scan3A_192 : i32 to index
        %get3A_616 = arith.constant 672 : index
        %get3A_617 = tpu.vector_load %arg14[%get3A_615, %get3A_616] {strides = array<i32>} : memref<16x1024xf32, #tpu.memory_space<vmem>>, vector<1x16xf32>,
        %get3A_618 = vector.shape_cast %get3A_617 : vector<1x16xf32> to vector<16xf32>
        %mul3A_619 = arith.mulf %get3A_614, %get3A_618 : vector<16xf32>
        %add3A_620 = arith.addf %add3A_610, %mul3A_619 : vector<16xf32>
        %get3A_621 = arith.index_cast %scan3A_192 : i32 to index
        %get3A_622 = arith.constant 688 : index
        %get3A_623 = tpu.vector_load %arg11[%get3A_621, %get3A_622] {strides = array<i32>} : memref<16x1024xf32, #tpu.memory_space<vmem>>, vector<1x16xf32>,
        %get3A_624 = vector.shape_cast %get3A_623 : vector<1x16xf32> to vector<16xf32>
        %get3A_625 = arith.index_cast %scan3A_192 : i32 to index
        %get3A_626 = arith.constant 688 : index
        %get3A_627 = tpu.vector_load %arg14[%get3A_625, %get3A_626] {strides = array<i32>} : memref<16x1024xf32, #tpu.memory_space<vmem>>, vector<1x16xf32>,
        %get3A_628 = vector.shape_cast %get3A_627 : vector<1x16xf32> to vector<16xf32>
        %mul3A_629 = arith.mulf %get3A_624, %get3A_628 : vector<16xf32>
        %add3A_630 = arith.addf %add3A_620, %mul3A_629 : vector<16xf32>
        %get3A_631 = arith.index_cast %scan3A_192 : i32 to index
        %get3A_632 = arith.constant 704 : index
        %get3A_633 = tpu.vector_load %arg11[%get3A_631, %get3A_632] {strides = array<i32>} : memref<16x1024xf32, #tpu.memory_space<vmem>>, vector<1x16xf32>,
        %get3A_634 = vector.shape_cast %get3A_633 : vector<1x16xf32> to vector<16xf32>
        %get3A_635 = arith.index_cast %scan3A_192 : i32 to index
        %get3A_636 = arith.constant 704 : index
        %get3A_637 = tpu.vector_load %arg14[%get3A_635, %get3A_636] {strides = array<i32>} : memref<16x1024xf32, #tpu.memory_space<vmem>>, vector<1x16xf32>,
        %get3A_638 = vector.shape_cast %get3A_637 : vector<1x16xf32> to vector<16xf32>
        %mul3A_639 = arith.mulf %get3A_634, %get3A_638 : vector<16xf32>
        %add3A_640 = arith.addf %add3A_630, %mul3A_639 : vector<16xf32>
        %get3A_641 = arith.index_cast %scan3A_192 : i32 to index
        %get3A_642 = arith.constant 720 : index
        %get3A_643 = tpu.vector_load %arg11[%get3A_641, %get3A_642] {strides = array<i32>} : memref<16x1024xf32, #tpu.memory_space<vmem>>, vector<1x16xf32>,
        %get3A_644 = vector.shape_cast %get3A_643 : vector<1x16xf32> to vector<16xf32>
        %get3A_645 = arith.index_cast %scan3A_192 : i32 to index
        %get3A_646 = arith.constant 720 : index
        %get3A_647 = tpu.vector_load %arg14[%get3A_645, %get3A_646] {strides = array<i32>} : memref<16x1024xf32, #tpu.memory_space<vmem>>, vector<1x16xf32>,
        %get3A_648 = vector.shape_cast %get3A_647 : vector<1x16xf32> to vector<16xf32>
        %mul3A_649 = arith.mulf %get3A_644, %get3A_648 : vector<16xf32>
        %add3A_650 = arith.addf %add3A_640, %mul3A_649 : vector<16xf32>
        %get3A_651 = arith.index_cast %scan3A_192 : i32 to index
        %get3A_652 = arith.constant 736 : index
        %get3A_653 = tpu.vector_load %arg11[%get3A_651, %get3A_652] {strides = array<i32>} : memref<16x1024xf32, #tpu.memory_space<vmem>>, vector<1x16xf32>,
        %get3A_654 = vector.shape_cast %get3A_653 : vector<1x16xf32> to vector<16xf32>
        %get3A_655 = arith.index_cast %scan3A_192 : i32 to index
        %get3A_656 = arith.constant 736 : index
        %get3A_657 = tpu.vector_load %arg14[%get3A_655, %get3A_656] {strides = array<i32>} : memref<16x1024xf32, #tpu.memory_space<vmem>>, vector<1x16xf32>,
        %get3A_658 = vector.shape_cast %get3A_657 : vector<1x16xf32> to vector<16xf32>
        %mul3A_659 = arith.mulf %get3A_654, %get3A_658 : vector<16xf32>
        %add3A_660 = arith.addf %add3A_650, %mul3A_659 : vector<16xf32>
        %get3A_661 = arith.index_cast %scan3A_192 : i32 to index
        %get3A_662 = arith.constant 752 : index
        %get3A_663 = tpu.vector_load %arg11[%get3A_661, %get3A_662] {strides = array<i32>} : memref<16x1024xf32, #tpu.memory_space<vmem>>, vector<1x16xf32>,
        %get3A_664 = vector.shape_cast %get3A_663 : vector<1x16xf32> to vector<16xf32>
        %get3A_665 = arith.index_cast %scan3A_192 : i32 to index
        %get3A_666 = arith.constant 752 : index
        %get3A_667 = tpu.vector_load %arg14[%get3A_665, %get3A_666] {strides = array<i32>} : memref<16x1024xf32, #tpu.memory_space<vmem>>, vector<1x16xf32>,
        %get3A_668 = vector.shape_cast %get3A_667 : vector<1x16xf32> to vector<16xf32>
        %mul3A_669 = arith.mulf %get3A_664, %get3A_668 : vector<16xf32>
        %add3A_670 = arith.addf %add3A_660, %mul3A_669 : vector<16xf32>
        %get3A_671 = arith.index_cast %scan3A_192 : i32 to index
        %get3A_672 = arith.constant 768 : index
        %get3A_673 = tpu.vector_load %arg11[%get3A_671, %get3A_672] {strides = array<i32>} : memref<16x1024xf32, #tpu.memory_space<vmem>>, vector<1x16xf32>,
        %get3A_674 = vector.shape_cast %get3A_673 : vector<1x16xf32> to vector<16xf32>
        %get3A_675 = arith.index_cast %scan3A_192 : i32 to index
        %get3A_676 = arith.constant 768 : index
        %get3A_677 = tpu.vector_load %arg14[%get3A_675, %get3A_676] {strides = array<i32>} : memref<16x1024xf32, #tpu.memory_space<vmem>>, vector<1x16xf32>,
        %get3A_678 = vector.shape_cast %get3A_677 : vector<1x16xf32> to vector<16xf32>
        %mul3A_679 = arith.mulf %get3A_674, %get3A_678 : vector<16xf32>
        %add3A_680 = arith.addf %add3A_670, %mul3A_679 : vector<16xf32>
        %get3A_681 = arith.index_cast %scan3A_192 : i32 to index
        %get3A_682 = arith.constant 784 : index
        %get3A_683 = tpu.vector_load %arg11[%get3A_681, %get3A_682] {strides = array<i32>} : memref<16x1024xf32, #tpu.memory_space<vmem>>, vector<1x16xf32>,
        %get3A_684 = vector.shape_cast %get3A_683 : vector<1x16xf32> to vector<16xf32>
        %get3A_685 = arith.index_cast %scan3A_192 : i32 to index
        %get3A_686 = arith.constant 784 : index
        %get3A_687 = tpu.vector_load %arg14[%get3A_685, %get3A_686] {strides = array<i32>} : memref<16x1024xf32, #tpu.memory_space<vmem>>, vector<1x16xf32>,
        %get3A_688 = vector.shape_cast %get3A_687 : vector<1x16xf32> to vector<16xf32>
        %mul3A_689 = arith.mulf %get3A_684, %get3A_688 : vector<16xf32>
        %add3A_690 = arith.addf %add3A_680, %mul3A_689 : vector<16xf32>
        %get3A_691 = arith.index_cast %scan3A_192 : i32 to index
        %get3A_692 = arith.constant 800 : index
        %get3A_693 = tpu.vector_load %arg11[%get3A_691, %get3A_692] {strides = array<i32>} : memref<16x1024xf32, #tpu.memory_space<vmem>>, vector<1x16xf32>,
        %get3A_694 = vector.shape_cast %get3A_693 : vector<1x16xf32> to vector<16xf32>
        %get3A_695 = arith.index_cast %scan3A_192 : i32 to index
        %get3A_696 = arith.constant 800 : index
        %get3A_697 = tpu.vector_load %arg14[%get3A_695, %get3A_696] {strides = array<i32>} : memref<16x1024xf32, #tpu.memory_space<vmem>>, vector<1x16xf32>,
        %get3A_698 = vector.shape_cast %get3A_697 : vector<1x16xf32> to vector<16xf32>
        %mul3A_699 = arith.mulf %get3A_694, %get3A_698 : vector<16xf32>
        %add3A_700 = arith.addf %add3A_690, %mul3A_699 : vector<16xf32>
        %get3A_701 = arith.index_cast %scan3A_192 : i32 to index
        %get3A_702 = arith.constant 816 : index
        %get3A_703 = tpu.vector_load %arg11[%get3A_701, %get3A_702] {strides = array<i32>} : memref<16x1024xf32, #tpu.memory_space<vmem>>, vector<1x16xf32>,
        %get3A_704 = vector.shape_cast %get3A_703 : vector<1x16xf32> to vector<16xf32>
        %get3A_705 = arith.index_cast %scan3A_192 : i32 to index
        %get3A_706 = arith.constant 816 : index
        %get3A_707 = tpu.vector_load %arg14[%get3A_705, %get3A_706] {strides = array<i32>} : memref<16x1024xf32, #tpu.memory_space<vmem>>, vector<1x16xf32>,
        %get3A_708 = vector.shape_cast %get3A_707 : vector<1x16xf32> to vector<16xf32>
        %mul3A_709 = arith.mulf %get3A_704, %get3A_708 : vector<16xf32>
        %add3A_710 = arith.addf %add3A_700, %mul3A_709 : vector<16xf32>
        %get3A_711 = arith.index_cast %scan3A_192 : i32 to index
        %get3A_712 = arith.constant 832 : index
        %get3A_713 = tpu.vector_load %arg11[%get3A_711, %get3A_712] {strides = array<i32>} : memref<16x1024xf32, #tpu.memory_space<vmem>>, vector<1x16xf32>,
        %get3A_714 = vector.shape_cast %get3A_713 : vector<1x16xf32> to vector<16xf32>
        %get3A_715 = arith.index_cast %scan3A_192 : i32 to index
        %get3A_716 = arith.constant 832 : index
        %get3A_717 = tpu.vector_load %arg14[%get3A_715, %get3A_716] {strides = array<i32>} : memref<16x1024xf32, #tpu.memory_space<vmem>>, vector<1x16xf32>,
        %get3A_718 = vector.shape_cast %get3A_717 : vector<1x16xf32> to vector<16xf32>
        %mul3A_719 = arith.mulf %get3A_714, %get3A_718 : vector<16xf32>
        %add3A_720 = arith.addf %add3A_710, %mul3A_719 : vector<16xf32>
        %get3A_721 = arith.index_cast %scan3A_192 : i32 to index
        %get3A_722 = arith.constant 848 : index
        %get3A_723 = tpu.vector_load %arg11[%get3A_721, %get3A_722] {strides = array<i32>} : memref<16x1024xf32, #tpu.memory_space<vmem>>, vector<1x16xf32>,
        %get3A_724 = vector.shape_cast %get3A_723 : vector<1x16xf32> to vector<16xf32>
        %get3A_725 = arith.index_cast %scan3A_192 : i32 to index
        %get3A_726 = arith.constant 848 : index
        %get3A_727 = tpu.vector_load %arg14[%get3A_725, %get3A_726] {strides = array<i32>} : memref<16x1024xf32, #tpu.memory_space<vmem>>, vector<1x16xf32>,
        %get3A_728 = vector.shape_cast %get3A_727 : vector<1x16xf32> to vector<16xf32>
        %mul3A_729 = arith.mulf %get3A_724, %get3A_728 : vector<16xf32>
        %add3A_730 = arith.addf %add3A_720, %mul3A_729 : vector<16xf32>
        %get3A_731 = arith.index_cast %scan3A_192 : i32 to index
        %get3A_732 = arith.constant 864 : index
        %get3A_733 = tpu.vector_load %arg11[%get3A_731, %get3A_732] {strides = array<i32>} : memref<16x1024xf32, #tpu.memory_space<vmem>>, vector<1x16xf32>,
        %get3A_734 = vector.shape_cast %get3A_733 : vector<1x16xf32> to vector<16xf32>
        %get3A_735 = arith.index_cast %scan3A_192 : i32 to index
        %get3A_736 = arith.constant 864 : index
        %get3A_737 = tpu.vector_load %arg14[%get3A_735, %get3A_736] {strides = array<i32>} : memref<16x1024xf32, #tpu.memory_space<vmem>>, vector<1x16xf32>,
        %get3A_738 = vector.shape_cast %get3A_737 : vector<1x16xf32> to vector<16xf32>
        %mul3A_739 = arith.mulf %get3A_734, %get3A_738 : vector<16xf32>
        %add3A_740 = arith.addf %add3A_730, %mul3A_739 : vector<16xf32>
        %get3A_741 = arith.index_cast %scan3A_192 : i32 to index
        %get3A_742 = arith.constant 880 : index
        %get3A_743 = tpu.vector_load %arg11[%get3A_741, %get3A_742] {strides = array<i32>} : memref<16x1024xf32, #tpu.memory_space<vmem>>, vector<1x16xf32>,
        %get3A_744 = vector.shape_cast %get3A_743 : vector<1x16xf32> to vector<16xf32>
        %get3A_745 = arith.index_cast %scan3A_192 : i32 to index
        %get3A_746 = arith.constant 880 : index
        %get3A_747 = tpu.vector_load %arg14[%get3A_745, %get3A_746] {strides = array<i32>} : memref<16x1024xf32, #tpu.memory_space<vmem>>, vector<1x16xf32>,
        %get3A_748 = vector.shape_cast %get3A_747 : vector<1x16xf32> to vector<16xf32>
        %mul3A_749 = arith.mulf %get3A_744, %get3A_748 : vector<16xf32>
        %add3A_750 = arith.addf %add3A_740, %mul3A_749 : vector<16xf32>
        %get3A_751 = arith.index_cast %scan3A_192 : i32 to index
        %get3A_752 = arith.constant 896 : index
        %get3A_753 = tpu.vector_load %arg11[%get3A_751, %get3A_752] {strides = array<i32>} : memref<16x1024xf32, #tpu.memory_space<vmem>>, vector<1x16xf32>,
        %get3A_754 = vector.shape_cast %get3A_753 : vector<1x16xf32> to vector<16xf32>
        %get3A_755 = arith.index_cast %scan3A_192 : i32 to index
        %get3A_756 = arith.constant 896 : index
        %get3A_757 = tpu.vector_load %arg14[%get3A_755, %get3A_756] {strides = array<i32>} : memref<16x1024xf32, #tpu.memory_space<vmem>>, vector<1x16xf32>,
        %get3A_758 = vector.shape_cast %get3A_757 : vector<1x16xf32> to vector<16xf32>
        %mul3A_759 = arith.mulf %get3A_754, %get3A_758 : vector<16xf32>
        %add3A_760 = arith.addf %add3A_750, %mul3A_759 : vector<16xf32>
        %get3A_761 = arith.index_cast %scan3A_192 : i32 to index
        %get3A_762 = arith.constant 912 : index
        %get3A_763 = tpu.vector_load %arg11[%get3A_761, %get3A_762] {strides = array<i32>} : memref<16x1024xf32, #tpu.memory_space<vmem>>, vector<1x16xf32>,
        %get3A_764 = vector.shape_cast %get3A_763 : vector<1x16xf32> to vector<16xf32>
        %get3A_765 = arith.index_cast %scan3A_192 : i32 to index
        %get3A_766 = arith.constant 912 : index
        %get3A_767 = tpu.vector_load %arg14[%get3A_765, %get3A_766] {strides = array<i32>} : memref<16x1024xf32, #tpu.memory_space<vmem>>, vector<1x16xf32>,
        %get3A_768 = vector.shape_cast %get3A_767 : vector<1x16xf32> to vector<16xf32>
        %mul3A_769 = arith.mulf %get3A_764, %get3A_768 : vector<16xf32>
        %add3A_770 = arith.addf %add3A_760, %mul3A_769 : vector<16xf32>
        %get3A_771 = arith.index_cast %scan3A_192 : i32 to index
        %get3A_772 = arith.constant 928 : index
        %get3A_773 = tpu.vector_load %arg11[%get3A_771, %get3A_772] {strides = array<i32>} : memref<16x1024xf32, #tpu.memory_space<vmem>>, vector<1x16xf32>,
        %get3A_774 = vector.shape_cast %get3A_773 : vector<1x16xf32> to vector<16xf32>
        %get3A_775 = arith.index_cast %scan3A_192 : i32 to index
        %get3A_776 = arith.constant 928 : index
        %get3A_777 = tpu.vector_load %arg14[%get3A_775, %get3A_776] {strides = array<i32>} : memref<16x1024xf32, #tpu.memory_space<vmem>>, vector<1x16xf32>,
        %get3A_778 = vector.shape_cast %get3A_777 : vector<1x16xf32> to vector<16xf32>
        %mul3A_779 = arith.mulf %get3A_774, %get3A_778 : vector<16xf32>
        %add3A_780 = arith.addf %add3A_770, %mul3A_779 : vector<16xf32>
        %get3A_781 = arith.index_cast %scan3A_192 : i32 to index
        %get3A_782 = arith.constant 944 : index
        %get3A_783 = tpu.vector_load %arg11[%get3A_781, %get3A_782] {strides = array<i32>} : memref<16x1024xf32, #tpu.memory_space<vmem>>, vector<1x16xf32>,
        %get3A_784 = vector.shape_cast %get3A_783 : vector<1x16xf32> to vector<16xf32>
        %get3A_785 = arith.index_cast %scan3A_192 : i32 to index
        %get3A_786 = arith.constant 944 : index
        %get3A_787 = tpu.vector_load %arg14[%get3A_785, %get3A_786] {strides = array<i32>} : memref<16x1024xf32, #tpu.memory_space<vmem>>, vector<1x16xf32>,
        %get3A_788 = vector.shape_cast %get3A_787 : vector<1x16xf32> to vector<16xf32>
        %mul3A_789 = arith.mulf %get3A_784, %get3A_788 : vector<16xf32>
        %add3A_790 = arith.addf %add3A_780, %mul3A_789 : vector<16xf32>
        %get3A_791 = arith.index_cast %scan3A_192 : i32 to index
        %get3A_792 = arith.constant 960 : index
        %get3A_793 = tpu.vector_load %arg11[%get3A_791, %get3A_792] {strides = array<i32>} : memref<16x1024xf32, #tpu.memory_space<vmem>>, vector<1x16xf32>,
        %get3A_794 = vector.shape_cast %get3A_793 : vector<1x16xf32> to vector<16xf32>
        %get3A_795 = arith.index_cast %scan3A_192 : i32 to index
        %get3A_796 = arith.constant 960 : index
        %get3A_797 = tpu.vector_load %arg14[%get3A_795, %get3A_796] {strides = array<i32>} : memref<16x1024xf32, #tpu.memory_space<vmem>>, vector<1x16xf32>,
        %get3A_798 = vector.shape_cast %get3A_797 : vector<1x16xf32> to vector<16xf32>
        %mul3A_799 = arith.mulf %get3A_794, %get3A_798 : vector<16xf32>
        %add3A_800 = arith.addf %add3A_790, %mul3A_799 : vector<16xf32>
        %get3A_801 = arith.index_cast %scan3A_192 : i32 to index
        %get3A_802 = arith.constant 976 : index
        %get3A_803 = tpu.vector_load %arg11[%get3A_801, %get3A_802] {strides = array<i32>} : memref<16x1024xf32, #tpu.memory_space<vmem>>, vector<1x16xf32>,
        %get3A_804 = vector.shape_cast %get3A_803 : vector<1x16xf32> to vector<16xf32>
        %get3A_805 = arith.index_cast %scan3A_192 : i32 to index
        %get3A_806 = arith.constant 976 : index
        %get3A_807 = tpu.vector_load %arg14[%get3A_805, %get3A_806] {strides = array<i32>} : memref<16x1024xf32, #tpu.memory_space<vmem>>, vector<1x16xf32>,
        %get3A_808 = vector.shape_cast %get3A_807 : vector<1x16xf32> to vector<16xf32>
        %mul3A_809 = arith.mulf %get3A_804, %get3A_808 : vector<16xf32>
        %add3A_810 = arith.addf %add3A_800, %mul3A_809 : vector<16xf32>
        %get3A_811 = arith.index_cast %scan3A_192 : i32 to index
        %get3A_812 = arith.constant 992 : index
        %get3A_813 = tpu.vector_load %arg11[%get3A_811, %get3A_812] {strides = array<i32>} : memref<16x1024xf32, #tpu.memory_space<vmem>>, vector<1x16xf32>,
        %get3A_814 = vector.shape_cast %get3A_813 : vector<1x16xf32> to vector<16xf32>
        %get3A_815 = arith.index_cast %scan3A_192 : i32 to index
        %get3A_816 = arith.constant 992 : index
        %get3A_817 = tpu.vector_load %arg14[%get3A_815, %get3A_816] {strides = array<i32>} : memref<16x1024xf32, #tpu.memory_space<vmem>>, vector<1x16xf32>,
        %get3A_818 = vector.shape_cast %get3A_817 : vector<1x16xf32> to vector<16xf32>
        %mul3A_819 = arith.mulf %get3A_814, %get3A_818 : vector<16xf32>
        %add3A_820 = arith.addf %add3A_810, %mul3A_819 : vector<16xf32>
        %get3A_821 = arith.index_cast %scan3A_192 : i32 to index
        %get3A_822 = arith.constant 1008 : index
        %get3A_823 = tpu.vector_load %arg11[%get3A_821, %get3A_822] {strides = array<i32>} : memref<16x1024xf32, #tpu.memory_space<vmem>>, vector<1x16xf32>,
        %get3A_824 = vector.shape_cast %get3A_823 : vector<1x16xf32> to vector<16xf32>
        %get3A_825 = arith.index_cast %scan3A_192 : i32 to index
        %get3A_826 = arith.constant 1008 : index
        %get3A_827 = tpu.vector_load %arg14[%get3A_825, %get3A_826] {strides = array<i32>} : memref<16x1024xf32, #tpu.memory_space<vmem>>, vector<1x16xf32>,
        %get3A_828 = vector.shape_cast %get3A_827 : vector<1x16xf32> to vector<16xf32>
        %mul3A_829 = arith.mulf %get3A_824, %get3A_828 : vector<16xf32>
        %add3A_830 = arith.addf %add3A_820, %mul3A_829 : vector<16xf32>
        %mul3A_831 = arith.constant 16 : i32
        %mul3A_832 = arith.muli %add3A_117, %mul3A_831 : i32
        %add3A_833 = arith.addi %mul3A_832, %scan3A_192 : i32
        %shift_right_arithmetic3A = arith.constant 7 : i32
        %shift_right_arithmetic3A_834 = arith.shrsi %add3A_833, %shift_right_arithmetic3A : i32
        %and3A_835 = arith.constant 127 : i32
        %and3A_836 = arith.andi %add3A_833, %and3A_835 : i32
        %mul3A_837 = arith.constant 16 : i32
        %mul3A_838 = arith.muli %and3A_836, %mul3A_837 : i32
        %multiple_of3A_839 = tpu.assume_multiple %mul3A_838, 16 : i32
        %swap3A = arith.index_cast %shift_right_arithmetic3A_834 : i32 to index
        %swap3A_840 = arith.index_cast %multiple_of3A_839 : i32 to index
        %swap3A_841 = tpu.vector_load %arg10[%swap3A, %swap3A_840] {strides = array<i32>} : memref<2x2048xf32, #tpu.memory_space<vmem>>, vector<1x16xf32>,
        %swap3A_842 = vector.shape_cast %swap3A_841 : vector<1x16xf32> to vector<16xf32>
        %swap3A_843 = vector.shape_cast %add3A_830 : vector<16xf32> to vector<1x16xf32>
        tpu.vector_store %arg10[%swap3A, %swap3A_840], %swap3A_843 {strides = array<i32>} : memref<2x2048xf32, #tpu.memory_space<vmem>>, vector<1x16xf32>,
      }
      %scan3A_134 = arith.constant 16 : i32
      %add3A_135 = arith.constant 3 : i32
      %add3A_136 = arith.addi %add3A_117, %add3A_135 : i32
      %lt3A_137 = arith.constant 16 : i32
      %lt3A_138 = arith.cmpi slt, %add3A_136, %lt3A_137 : i32
      %convert_element_type3A = arith.extui %lt3A_138 : i1 to i32
      %cond3A = arith.constant 0 : i32
      %cond3A_139 = arith.cmpi ne, %convert_element_type3A, %cond3A : i32
      scf.if %cond3A_139 {
        %add3A_192 = arith.constant 3 : i32
        %add3A_193 = arith.addi %add3A_117, %add3A_192 : i32
        %mul3A_194 = arith.constant 16 : i32
        %mul3A_195 = arith.muli %add3A_193, %mul3A_194 : i32
        %multiple_of3A_196 = tpu.assume_multiple %mul3A_195, 16 : i32
        %dma_start3A_197 = tpu.memref_slice %arg8[%multiple_of3A_196] : memref<256xi32, #tpu.memory_space<vmem>> -> memref<16xi32, #tpu.memory_space<vmem>>
        %dma_start3A_198 = arith.constant 0 : i32
        %dma_start3A_199 = arith.constant 0 : i32
        %dma_start3A_200 = tpu.memref_slice %arg2[%dma_start3A_198, %dma_start3A_199] : memref<100000x1024xf32, #tpu.memory_space<hbm>> -> memref<100000x1024xf32, #tpu.memory_space<hbm>>
        tpu.enqueue_indirect_dma source(%dma_start3A_200 : memref<100000x1024xf32, #tpu.memory_space<hbm>>) target(%arg11 : memref<16x1024xf32, #tpu.memory_space<vmem>>) offsets(%dma_start3A_197 : memref<16xi32, #tpu.memory_space<vmem>>) semaphore(%arg17 : memref<!tpu.dma_semaphore, #tpu.memory_space<semaphore_mem>>)
        %add3A_201 = arith.addi %mul3A_2, %multiple_of3A_196 : i32
        %dma_start3A_202 = arith.constant 0 : i32
        %dma_start3A_203 = tpu.memref_slice %arg5[%add3A_201, %dma_start3A_202] : memref<8192x1024xf32, #tpu.memory_space<hbm>> -> memref<16x1024xf32, #tpu.memory_space<hbm>>
        %dma_start3A_204 = arith.constant 0 : i32
        %dma_start3A_205 = tpu.memref_slice %arg5[%add3A_201, %dma_start3A_204] : memref<8192x1024xf32, #tpu.memory_space<hbm>> -> memref<16x1024xf32, #tpu.memory_space<hbm>>
        tpu.enqueue_dma source(%dma_start3A_205 : memref<16x1024xf32, #tpu.memory_space<hbm>>) target(%arg14 : memref<16x1024xf32, #tpu.memory_space<vmem>>) target_semaphore(%arg20 : memref<!tpu.dma_semaphore, #tpu.memory_space<semaphore_mem>>)
      } else {
      }
      %add3A_140 = arith.constant 1 : i32
      %add3A_141 = arith.addi %add3A_115, %add3A_140 : i32
      %dma_wait3A_142 = arith.constant 0 : i32
      %dma_wait3A_143 = tpu.memref_slice %arg8[%dma_wait3A_142] : memref<256xi32, #tpu.memory_space<vmem>> -> memref<16xi32, #tpu.memory_space<vmem>>
      %dma_wait3A_144 = arith.constant 0 : i32
      %dma_wait3A_145 = arith.constant 0 : i32
      %dma_wait3A_146 = tpu.memref_slice %arg2[%dma_wait3A_144, %dma_wait3A_145] : memref<100000x1024xf32, #tpu.memory_space<hbm>> -> memref<100000x1024xf32, #tpu.memory_space<hbm>>
      tpu.wait_indirect_dma semaphore(%arg18 : memref<!tpu.dma_semaphore, #tpu.memory_space<semaphore_mem>>) src(%dma_wait3A_146 : memref<100000x1024xf32, #tpu.memory_space<hbm>>) dst(%arg12 : memref<16x1024xf32, #tpu.memory_space<vmem>>)
      %dma_wait3A_147 = arith.constant 0 : i32
      %dma_wait3A_148 = arith.constant 0 : i32
      %dma_wait3A_149 = tpu.memref_slice %arg5[%dma_wait3A_147, %dma_wait3A_148] : memref<8192x1024xf32, #tpu.memory_space<hbm>> -> memref<16x1024xf32, #tpu.memory_space<hbm>>
      %dma_wait3A_150 = arith.constant 0 : i32
      %dma_wait3A_151 = arith.constant 0 : i32
      %dma_wait3A_152 = tpu.memref_slice %arg5[%dma_wait3A_150, %dma_wait3A_151] : memref<8192x1024xf32, #tpu.memory_space<hbm>> -> memref<16x1024xf32, #tpu.memory_space<hbm>>
      tpu.wait_dma2 semaphore(%arg21 : memref<!tpu.dma_semaphore, #tpu.memory_space<semaphore_mem>>) src(%dma_wait3A_152 : memref<16x1024xf32, #tpu.memory_space<hbm>>) dst(%arg15 : memref<16x1024xf32, #tpu.memory_space<vmem>>)
      %scan3A_153 = arith.constant 0 : i32
      %scan3A_154 = arith.constant 0 : i32
      %scan3A_155 = arith.constant 16 : i32
      %scan3A_156 = arith.addi %scan3A_154, %scan3A_155 : i32
      %scan3A_157 = arith.constant 1 : i32
      scf.for %scan3A_192 = %scan3A_154 to %scan3A_156 step %scan3A_157  : i32 {
        %get3A = arith.index_cast %scan3A_192 : i32 to index
        %get3A_193 = arith.constant 0 : index
        %get3A_194 = tpu.vector_load %arg12[%get3A, %get3A_193] {strides = array<i32>} : memref<16x1024xf32, #tpu.memory_space<vmem>>, vector<1x16xf32>,
        %get3A_195 = vector.shape_cast %get3A_194 : vector<1x16xf32> to vector<16xf32>
        %get3A_196 = arith.index_cast %scan3A_192 : i32 to index
        %get3A_197 = arith.constant 0 : index
        %get3A_198 = tpu.vector_load %arg15[%get3A_196, %get3A_197] {strides = array<i32>} : memref<16x1024xf32, #tpu.memory_space<vmem>>, vector<1x16xf32>,
        %get3A_199 = vector.shape_cast %get3A_198 : vector<1x16xf32> to vector<16xf32>
        %mul3A_200 = arith.mulf %get3A_195, %get3A_199 : vector<16xf32>
        %get3A_201 = arith.index_cast %scan3A_192 : i32 to index
        %get3A_202 = arith.constant 16 : index
        %get3A_203 = tpu.vector_load %arg12[%get3A_201, %get3A_202] {strides = array<i32>} : memref<16x1024xf32, #tpu.memory_space<vmem>>, vector<1x16xf32>,
        %get3A_204 = vector.shape_cast %get3A_203 : vector<1x16xf32> to vector<16xf32>
        %get3A_205 = arith.index_cast %scan3A_192 : i32 to index
        %get3A_206 = arith.constant 16 : index
        %get3A_207 = tpu.vector_load %arg15[%get3A_205, %get3A_206] {strides = array<i32>} : memref<16x1024xf32, #tpu.memory_space<vmem>>, vector<1x16xf32>,
        %get3A_208 = vector.shape_cast %get3A_207 : vector<1x16xf32> to vector<16xf32>
        %mul3A_209 = arith.mulf %get3A_204, %get3A_208 : vector<16xf32>
        %add3A_210 = arith.addf %mul3A_200, %mul3A_209 : vector<16xf32>
        %get3A_211 = arith.index_cast %scan3A_192 : i32 to index
        %get3A_212 = arith.constant 32 : index
        %get3A_213 = tpu.vector_load %arg12[%get3A_211, %get3A_212] {strides = array<i32>} : memref<16x1024xf32, #tpu.memory_space<vmem>>, vector<1x16xf32>,
        %get3A_214 = vector.shape_cast %get3A_213 : vector<1x16xf32> to vector<16xf32>
        %get3A_215 = arith.index_cast %scan3A_192 : i32 to index
        %get3A_216 = arith.constant 32 : index
        %get3A_217 = tpu.vector_load %arg15[%get3A_215, %get3A_216] {strides = array<i32>} : memref<16x1024xf32, #tpu.memory_space<vmem>>, vector<1x16xf32>,
        %get3A_218 = vector.shape_cast %get3A_217 : vector<1x16xf32> to vector<16xf32>
        %mul3A_219 = arith.mulf %get3A_214, %get3A_218 : vector<16xf32>
        %add3A_220 = arith.addf %add3A_210, %mul3A_219 : vector<16xf32>
        %get3A_221 = arith.index_cast %scan3A_192 : i32 to index
        %get3A_222 = arith.constant 48 : index
        %get3A_223 = tpu.vector_load %arg12[%get3A_221, %get3A_222] {strides = array<i32>} : memref<16x1024xf32, #tpu.memory_space<vmem>>, vector<1x16xf32>,
        %get3A_224 = vector.shape_cast %get3A_223 : vector<1x16xf32> to vector<16xf32>
        %get3A_225 = arith.index_cast %scan3A_192 : i32 to index
        %get3A_226 = arith.constant 48 : index
        %get3A_227 = tpu.vector_load %arg15[%get3A_225, %get3A_226] {strides = array<i32>} : memref<16x1024xf32, #tpu.memory_space<vmem>>, vector<1x16xf32>,
        %get3A_228 = vector.shape_cast %get3A_227 : vector<1x16xf32> to vector<16xf32>
        %mul3A_229 = arith.mulf %get3A_224, %get3A_228 : vector<16xf32>
        %add3A_230 = arith.addf %add3A_220, %mul3A_229 : vector<16xf32>
        %get3A_231 = arith.index_cast %scan3A_192 : i32 to index
        %get3A_232 = arith.constant 64 : index
        %get3A_233 = tpu.vector_load %arg12[%get3A_231, %get3A_232] {strides = array<i32>} : memref<16x1024xf32, #tpu.memory_space<vmem>>, vector<1x16xf32>,
        %get3A_234 = vector.shape_cast %get3A_233 : vector<1x16xf32> to vector<16xf32>
        %get3A_235 = arith.index_cast %scan3A_192 : i32 to index
        %get3A_236 = arith.constant 64 : index
        %get3A_237 = tpu.vector_load %arg15[%get3A_235, %get3A_236] {strides = array<i32>} : memref<16x1024xf32, #tpu.memory_space<vmem>>, vector<1x16xf32>,
        %get3A_238 = vector.shape_cast %get3A_237 : vector<1x16xf32> to vector<16xf32>
        %mul3A_239 = arith.mulf %get3A_234, %get3A_238 : vector<16xf32>
        %add3A_240 = arith.addf %add3A_230, %mul3A_239 : vector<16xf32>
        %get3A_241 = arith.index_cast %scan3A_192 : i32 to index
        %get3A_242 = arith.constant 80 : index
        %get3A_243 = tpu.vector_load %arg12[%get3A_241, %get3A_242] {strides = array<i32>} : memref<16x1024xf32, #tpu.memory_space<vmem>>, vector<1x16xf32>,
        %get3A_244 = vector.shape_cast %get3A_243 : vector<1x16xf32> to vector<16xf32>
        %get3A_245 = arith.index_cast %scan3A_192 : i32 to index
        %get3A_246 = arith.constant 80 : index
        %get3A_247 = tpu.vector_load %arg15[%get3A_245, %get3A_246] {strides = array<i32>} : memref<16x1024xf32, #tpu.memory_space<vmem>>, vector<1x16xf32>,
        %get3A_248 = vector.shape_cast %get3A_247 : vector<1x16xf32> to vector<16xf32>
        %mul3A_249 = arith.mulf %get3A_244, %get3A_248 : vector<16xf32>
        %add3A_250 = arith.addf %add3A_240, %mul3A_249 : vector<16xf32>
        %get3A_251 = arith.index_cast %scan3A_192 : i32 to index
        %get3A_252 = arith.constant 96 : index
        %get3A_253 = tpu.vector_load %arg12[%get3A_251, %get3A_252] {strides = array<i32>} : memref<16x1024xf32, #tpu.memory_space<vmem>>, vector<1x16xf32>,
        %get3A_254 = vector.shape_cast %get3A_253 : vector<1x16xf32> to vector<16xf32>
        %get3A_255 = arith.index_cast %scan3A_192 : i32 to index
        %get3A_256 = arith.constant 96 : index
        %get3A_257 = tpu.vector_load %arg15[%get3A_255, %get3A_256] {strides = array<i32>} : memref<16x1024xf32, #tpu.memory_space<vmem>>, vector<1x16xf32>,
        %get3A_258 = vector.shape_cast %get3A_257 : vector<1x16xf32> to vector<16xf32>
        %mul3A_259 = arith.mulf %get3A_254, %get3A_258 : vector<16xf32>
        %add3A_260 = arith.addf %add3A_250, %mul3A_259 : vector<16xf32>
        %get3A_261 = arith.index_cast %scan3A_192 : i32 to index
        %get3A_262 = arith.constant 112 : index
        %get3A_263 = tpu.vector_load %arg12[%get3A_261, %get3A_262] {strides = array<i32>} : memref<16x1024xf32, #tpu.memory_space<vmem>>, vector<1x16xf32>,
        %get3A_264 = vector.shape_cast %get3A_263 : vector<1x16xf32> to vector<16xf32>
        %get3A_265 = arith.index_cast %scan3A_192 : i32 to index
        %get3A_266 = arith.constant 112 : index
        %get3A_267 = tpu.vector_load %arg15[%get3A_265, %get3A_266] {strides = array<i32>} : memref<16x1024xf32, #tpu.memory_space<vmem>>, vector<1x16xf32>,
        %get3A_268 = vector.shape_cast %get3A_267 : vector<1x16xf32> to vector<16xf32>
        %mul3A_269 = arith.mulf %get3A_264, %get3A_268 : vector<16xf32>
        %add3A_270 = arith.addf %add3A_260, %mul3A_269 : vector<16xf32>
        %get3A_271 = arith.index_cast %scan3A_192 : i32 to index
        %get3A_272 = arith.constant 128 : index
        %get3A_273 = tpu.vector_load %arg12[%get3A_271, %get3A_272] {strides = array<i32>} : memref<16x1024xf32, #tpu.memory_space<vmem>>, vector<1x16xf32>,
        %get3A_274 = vector.shape_cast %get3A_273 : vector<1x16xf32> to vector<16xf32>
        %get3A_275 = arith.index_cast %scan3A_192 : i32 to index
        %get3A_276 = arith.constant 128 : index
        %get3A_277 = tpu.vector_load %arg15[%get3A_275, %get3A_276] {strides = array<i32>} : memref<16x1024xf32, #tpu.memory_space<vmem>>, vector<1x16xf32>,
        %get3A_278 = vector.shape_cast %get3A_277 : vector<1x16xf32> to vector<16xf32>
        %mul3A_279 = arith.mulf %get3A_274, %get3A_278 : vector<16xf32>
        %add3A_280 = arith.addf %add3A_270, %mul3A_279 : vector<16xf32>
        %get3A_281 = arith.index_cast %scan3A_192 : i32 to index
        %get3A_282 = arith.constant 144 : index
        %get3A_283 = tpu.vector_load %arg12[%get3A_281, %get3A_282] {strides = array<i32>} : memref<16x1024xf32, #tpu.memory_space<vmem>>, vector<1x16xf32>,
        %get3A_284 = vector.shape_cast %get3A_283 : vector<1x16xf32> to vector<16xf32>
        %get3A_285 = arith.index_cast %scan3A_192 : i32 to index
        %get3A_286 = arith.constant 144 : index
        %get3A_287 = tpu.vector_load %arg15[%get3A_285, %get3A_286] {strides = array<i32>} : memref<16x1024xf32, #tpu.memory_space<vmem>>, vector<1x16xf32>,
        %get3A_288 = vector.shape_cast %get3A_287 : vector<1x16xf32> to vector<16xf32>
        %mul3A_289 = arith.mulf %get3A_284, %get3A_288 : vector<16xf32>
        %add3A_290 = arith.addf %add3A_280, %mul3A_289 : vector<16xf32>
        %get3A_291 = arith.index_cast %scan3A_192 : i32 to index
        %get3A_292 = arith.constant 160 : index
        %get3A_293 = tpu.vector_load %arg12[%get3A_291, %get3A_292] {strides = array<i32>} : memref<16x1024xf32, #tpu.memory_space<vmem>>, vector<1x16xf32>,
        %get3A_294 = vector.shape_cast %get3A_293 : vector<1x16xf32> to vector<16xf32>
        %get3A_295 = arith.index_cast %scan3A_192 : i32 to index
        %get3A_296 = arith.constant 160 : index
        %get3A_297 = tpu.vector_load %arg15[%get3A_295, %get3A_296] {strides = array<i32>} : memref<16x1024xf32, #tpu.memory_space<vmem>>, vector<1x16xf32>,
        %get3A_298 = vector.shape_cast %get3A_297 : vector<1x16xf32> to vector<16xf32>
        %mul3A_299 = arith.mulf %get3A_294, %get3A_298 : vector<16xf32>
        %add3A_300 = arith.addf %add3A_290, %mul3A_299 : vector<16xf32>
        %get3A_301 = arith.index_cast %scan3A_192 : i32 to index
        %get3A_302 = arith.constant 176 : index
        %get3A_303 = tpu.vector_load %arg12[%get3A_301, %get3A_302] {strides = array<i32>} : memref<16x1024xf32, #tpu.memory_space<vmem>>, vector<1x16xf32>,
        %get3A_304 = vector.shape_cast %get3A_303 : vector<1x16xf32> to vector<16xf32>
        %get3A_305 = arith.index_cast %scan3A_192 : i32 to index
        %get3A_306 = arith.constant 176 : index
        %get3A_307 = tpu.vector_load %arg15[%get3A_305, %get3A_306] {strides = array<i32>} : memref<16x1024xf32, #tpu.memory_space<vmem>>, vector<1x16xf32>,
        %get3A_308 = vector.shape_cast %get3A_307 : vector<1x16xf32> to vector<16xf32>
        %mul3A_309 = arith.mulf %get3A_304, %get3A_308 : vector<16xf32>
        %add3A_310 = arith.addf %add3A_300, %mul3A_309 : vector<16xf32>
        %get3A_311 = arith.index_cast %scan3A_192 : i32 to index
        %get3A_312 = arith.constant 192 : index
        %get3A_313 = tpu.vector_load %arg12[%get3A_311, %get3A_312] {strides = array<i32>} : memref<16x1024xf32, #tpu.memory_space<vmem>>, vector<1x16xf32>,
        %get3A_314 = vector.shape_cast %get3A_313 : vector<1x16xf32> to vector<16xf32>
        %get3A_315 = arith.index_cast %scan3A_192 : i32 to index
        %get3A_316 = arith.constant 192 : index
        %get3A_317 = tpu.vector_load %arg15[%get3A_315, %get3A_316] {strides = array<i32>} : memref<16x1024xf32, #tpu.memory_space<vmem>>, vector<1x16xf32>,
        %get3A_318 = vector.shape_cast %get3A_317 : vector<1x16xf32> to vector<16xf32>
        %mul3A_319 = arith.mulf %get3A_314, %get3A_318 : vector<16xf32>
        %add3A_320 = arith.addf %add3A_310, %mul3A_319 : vector<16xf32>
        %get3A_321 = arith.index_cast %scan3A_192 : i32 to index
        %get3A_322 = arith.constant 208 : index
        %get3A_323 = tpu.vector_load %arg12[%get3A_321, %get3A_322] {strides = array<i32>} : memref<16x1024xf32, #tpu.memory_space<vmem>>, vector<1x16xf32>,
        %get3A_324 = vector.shape_cast %get3A_323 : vector<1x16xf32> to vector<16xf32>
        %get3A_325 = arith.index_cast %scan3A_192 : i32 to index
        %get3A_326 = arith.constant 208 : index
        %get3A_327 = tpu.vector_load %arg15[%get3A_325, %get3A_326] {strides = array<i32>} : memref<16x1024xf32, #tpu.memory_space<vmem>>, vector<1x16xf32>,
        %get3A_328 = vector.shape_cast %get3A_327 : vector<1x16xf32> to vector<16xf32>
        %mul3A_329 = arith.mulf %get3A_324, %get3A_328 : vector<16xf32>
        %add3A_330 = arith.addf %add3A_320, %mul3A_329 : vector<16xf32>
        %get3A_331 = arith.index_cast %scan3A_192 : i32 to index
        %get3A_332 = arith.constant 224 : index
        %get3A_333 = tpu.vector_load %arg12[%get3A_331, %get3A_332] {strides = array<i32>} : memref<16x1024xf32, #tpu.memory_space<vmem>>, vector<1x16xf32>,
        %get3A_334 = vector.shape_cast %get3A_333 : vector<1x16xf32> to vector<16xf32>
        %get3A_335 = arith.index_cast %scan3A_192 : i32 to index
        %get3A_336 = arith.constant 224 : index
        %get3A_337 = tpu.vector_load %arg15[%get3A_335, %get3A_336] {strides = array<i32>} : memref<16x1024xf32, #tpu.memory_space<vmem>>, vector<1x16xf32>,
        %get3A_338 = vector.shape_cast %get3A_337 : vector<1x16xf32> to vector<16xf32>
        %mul3A_339 = arith.mulf %get3A_334, %get3A_338 : vector<16xf32>
        %add3A_340 = arith.addf %add3A_330, %mul3A_339 : vector<16xf32>
        %get3A_341 = arith.index_cast %scan3A_192 : i32 to index
        %get3A_342 = arith.constant 240 : index
        %get3A_343 = tpu.vector_load %arg12[%get3A_341, %get3A_342] {strides = array<i32>} : memref<16x1024xf32, #tpu.memory_space<vmem>>, vector<1x16xf32>,
        %get3A_344 = vector.shape_cast %get3A_343 : vector<1x16xf32> to vector<16xf32>
        %get3A_345 = arith.index_cast %scan3A_192 : i32 to index
        %get3A_346 = arith.constant 240 : index
        %get3A_347 = tpu.vector_load %arg15[%get3A_345, %get3A_346] {strides = array<i32>} : memref<16x1024xf32, #tpu.memory_space<vmem>>, vector<1x16xf32>,
        %get3A_348 = vector.shape_cast %get3A_347 : vector<1x16xf32> to vector<16xf32>
        %mul3A_349 = arith.mulf %get3A_344, %get3A_348 : vector<16xf32>
        %add3A_350 = arith.addf %add3A_340, %mul3A_349 : vector<16xf32>
        %get3A_351 = arith.index_cast %scan3A_192 : i32 to index
        %get3A_352 = arith.constant 256 : index
        %get3A_353 = tpu.vector_load %arg12[%get3A_351, %get3A_352] {strides = array<i32>} : memref<16x1024xf32, #tpu.memory_space<vmem>>, vector<1x16xf32>,
        %get3A_354 = vector.shape_cast %get3A_353 : vector<1x16xf32> to vector<16xf32>
        %get3A_355 = arith.index_cast %scan3A_192 : i32 to index
        %get3A_356 = arith.constant 256 : index
        %get3A_357 = tpu.vector_load %arg15[%get3A_355, %get3A_356] {strides = array<i32>} : memref<16x1024xf32, #tpu.memory_space<vmem>>, vector<1x16xf32>,
        %get3A_358 = vector.shape_cast %get3A_357 : vector<1x16xf32> to vector<16xf32>
        %mul3A_359 = arith.mulf %get3A_354, %get3A_358 : vector<16xf32>
        %add3A_360 = arith.addf %add3A_350, %mul3A_359 : vector<16xf32>
        %get3A_361 = arith.index_cast %scan3A_192 : i32 to index
        %get3A_362 = arith.constant 272 : index
        %get3A_363 = tpu.vector_load %arg12[%get3A_361, %get3A_362] {strides = array<i32>} : memref<16x1024xf32, #tpu.memory_space<vmem>>, vector<1x16xf32>,
        %get3A_364 = vector.shape_cast %get3A_363 : vector<1x16xf32> to vector<16xf32>
        %get3A_365 = arith.index_cast %scan3A_192 : i32 to index
        %get3A_366 = arith.constant 272 : index
        %get3A_367 = tpu.vector_load %arg15[%get3A_365, %get3A_366] {strides = array<i32>} : memref<16x1024xf32, #tpu.memory_space<vmem>>, vector<1x16xf32>,
        %get3A_368 = vector.shape_cast %get3A_367 : vector<1x16xf32> to vector<16xf32>
        %mul3A_369 = arith.mulf %get3A_364, %get3A_368 : vector<16xf32>
        %add3A_370 = arith.addf %add3A_360, %mul3A_369 : vector<16xf32>
        %get3A_371 = arith.index_cast %scan3A_192 : i32 to index
        %get3A_372 = arith.constant 288 : index
        %get3A_373 = tpu.vector_load %arg12[%get3A_371, %get3A_372] {strides = array<i32>} : memref<16x1024xf32, #tpu.memory_space<vmem>>, vector<1x16xf32>,
        %get3A_374 = vector.shape_cast %get3A_373 : vector<1x16xf32> to vector<16xf32>
        %get3A_375 = arith.index_cast %scan3A_192 : i32 to index
        %get3A_376 = arith.constant 288 : index
        %get3A_377 = tpu.vector_load %arg15[%get3A_375, %get3A_376] {strides = array<i32>} : memref<16x1024xf32, #tpu.memory_space<vmem>>, vector<1x16xf32>,
        %get3A_378 = vector.shape_cast %get3A_377 : vector<1x16xf32> to vector<16xf32>
        %mul3A_379 = arith.mulf %get3A_374, %get3A_378 : vector<16xf32>
        %add3A_380 = arith.addf %add3A_370, %mul3A_379 : vector<16xf32>
        %get3A_381 = arith.index_cast %scan3A_192 : i32 to index
        %get3A_382 = arith.constant 304 : index
        %get3A_383 = tpu.vector_load %arg12[%get3A_381, %get3A_382] {strides = array<i32>} : memref<16x1024xf32, #tpu.memory_space<vmem>>, vector<1x16xf32>,
        %get3A_384 = vector.shape_cast %get3A_383 : vector<1x16xf32> to vector<16xf32>
        %get3A_385 = arith.index_cast %scan3A_192 : i32 to index
        %get3A_386 = arith.constant 304 : index
        %get3A_387 = tpu.vector_load %arg15[%get3A_385, %get3A_386] {strides = array<i32>} : memref<16x1024xf32, #tpu.memory_space<vmem>>, vector<1x16xf32>,
        %get3A_388 = vector.shape_cast %get3A_387 : vector<1x16xf32> to vector<16xf32>
        %mul3A_389 = arith.mulf %get3A_384, %get3A_388 : vector<16xf32>
        %add3A_390 = arith.addf %add3A_380, %mul3A_389 : vector<16xf32>
        %get3A_391 = arith.index_cast %scan3A_192 : i32 to index
        %get3A_392 = arith.constant 320 : index
        %get3A_393 = tpu.vector_load %arg12[%get3A_391, %get3A_392] {strides = array<i32>} : memref<16x1024xf32, #tpu.memory_space<vmem>>, vector<1x16xf32>,
        %get3A_394 = vector.shape_cast %get3A_393 : vector<1x16xf32> to vector<16xf32>
        %get3A_395 = arith.index_cast %scan3A_192 : i32 to index
        %get3A_396 = arith.constant 320 : index
        %get3A_397 = tpu.vector_load %arg15[%get3A_395, %get3A_396] {strides = array<i32>} : memref<16x1024xf32, #tpu.memory_space<vmem>>, vector<1x16xf32>,
        %get3A_398 = vector.shape_cast %get3A_397 : vector<1x16xf32> to vector<16xf32>
        %mul3A_399 = arith.mulf %get3A_394, %get3A_398 : vector<16xf32>
        %add3A_400 = arith.addf %add3A_390, %mul3A_399 : vector<16xf32>
        %get3A_401 = arith.index_cast %scan3A_192 : i32 to index
        %get3A_402 = arith.constant 336 : index
        %get3A_403 = tpu.vector_load %arg12[%get3A_401, %get3A_402] {strides = array<i32>} : memref<16x1024xf32, #tpu.memory_space<vmem>>, vector<1x16xf32>,
        %get3A_404 = vector.shape_cast %get3A_403 : vector<1x16xf32> to vector<16xf32>
        %get3A_405 = arith.index_cast %scan3A_192 : i32 to index
        %get3A_406 = arith.constant 336 : index
        %get3A_407 = tpu.vector_load %arg15[%get3A_405, %get3A_406] {strides = array<i32>} : memref<16x1024xf32, #tpu.memory_space<vmem>>, vector<1x16xf32>,
        %get3A_408 = vector.shape_cast %get3A_407 : vector<1x16xf32> to vector<16xf32>
        %mul3A_409 = arith.mulf %get3A_404, %get3A_408 : vector<16xf32>
        %add3A_410 = arith.addf %add3A_400, %mul3A_409 : vector<16xf32>
        %get3A_411 = arith.index_cast %scan3A_192 : i32 to index
        %get3A_412 = arith.constant 352 : index
        %get3A_413 = tpu.vector_load %arg12[%get3A_411, %get3A_412] {strides = array<i32>} : memref<16x1024xf32, #tpu.memory_space<vmem>>, vector<1x16xf32>,
        %get3A_414 = vector.shape_cast %get3A_413 : vector<1x16xf32> to vector<16xf32>
        %get3A_415 = arith.index_cast %scan3A_192 : i32 to index
        %get3A_416 = arith.constant 352 : index
        %get3A_417 = tpu.vector_load %arg15[%get3A_415, %get3A_416] {strides = array<i32>} : memref<16x1024xf32, #tpu.memory_space<vmem>>, vector<1x16xf32>,
        %get3A_418 = vector.shape_cast %get3A_417 : vector<1x16xf32> to vector<16xf32>
        %mul3A_419 = arith.mulf %get3A_414, %get3A_418 : vector<16xf32>
        %add3A_420 = arith.addf %add3A_410, %mul3A_419 : vector<16xf32>
        %get3A_421 = arith.index_cast %scan3A_192 : i32 to index
        %get3A_422 = arith.constant 368 : index
        %get3A_423 = tpu.vector_load %arg12[%get3A_421, %get3A_422] {strides = array<i32>} : memref<16x1024xf32, #tpu.memory_space<vmem>>, vector<1x16xf32>,
        %get3A_424 = vector.shape_cast %get3A_423 : vector<1x16xf32> to vector<16xf32>
        %get3A_425 = arith.index_cast %scan3A_192 : i32 to index
        %get3A_426 = arith.constant 368 : index
        %get3A_427 = tpu.vector_load %arg15[%get3A_425, %get3A_426] {strides = array<i32>} : memref<16x1024xf32, #tpu.memory_space<vmem>>, vector<1x16xf32>,
        %get3A_428 = vector.shape_cast %get3A_427 : vector<1x16xf32> to vector<16xf32>
        %mul3A_429 = arith.mulf %get3A_424, %get3A_428 : vector<16xf32>
        %add3A_430 = arith.addf %add3A_420, %mul3A_429 : vector<16xf32>
        %get3A_431 = arith.index_cast %scan3A_192 : i32 to index
        %get3A_432 = arith.constant 384 : index
        %get3A_433 = tpu.vector_load %arg12[%get3A_431, %get3A_432] {strides = array<i32>} : memref<16x1024xf32, #tpu.memory_space<vmem>>, vector<1x16xf32>,
        %get3A_434 = vector.shape_cast %get3A_433 : vector<1x16xf32> to vector<16xf32>
        %get3A_435 = arith.index_cast %scan3A_192 : i32 to index
        %get3A_436 = arith.constant 384 : index
        %get3A_437 = tpu.vector_load %arg15[%get3A_435, %get3A_436] {strides = array<i32>} : memref<16x1024xf32, #tpu.memory_space<vmem>>, vector<1x16xf32>,
        %get3A_438 = vector.shape_cast %get3A_437 : vector<1x16xf32> to vector<16xf32>
        %mul3A_439 = arith.mulf %get3A_434, %get3A_438 : vector<16xf32>
        %add3A_440 = arith.addf %add3A_430, %mul3A_439 : vector<16xf32>
        %get3A_441 = arith.index_cast %scan3A_192 : i32 to index
        %get3A_442 = arith.constant 400 : index
        %get3A_443 = tpu.vector_load %arg12[%get3A_441, %get3A_442] {strides = array<i32>} : memref<16x1024xf32, #tpu.memory_space<vmem>>, vector<1x16xf32>,
        %get3A_444 = vector.shape_cast %get3A_443 : vector<1x16xf32> to vector<16xf32>
        %get3A_445 = arith.index_cast %scan3A_192 : i32 to index
        %get3A_446 = arith.constant 400 : index
        %get3A_447 = tpu.vector_load %arg15[%get3A_445, %get3A_446] {strides = array<i32>} : memref<16x1024xf32, #tpu.memory_space<vmem>>, vector<1x16xf32>,
        %get3A_448 = vector.shape_cast %get3A_447 : vector<1x16xf32> to vector<16xf32>
        %mul3A_449 = arith.mulf %get3A_444, %get3A_448 : vector<16xf32>
        %add3A_450 = arith.addf %add3A_440, %mul3A_449 : vector<16xf32>
        %get3A_451 = arith.index_cast %scan3A_192 : i32 to index
        %get3A_452 = arith.constant 416 : index
        %get3A_453 = tpu.vector_load %arg12[%get3A_451, %get3A_452] {strides = array<i32>} : memref<16x1024xf32, #tpu.memory_space<vmem>>, vector<1x16xf32>,
        %get3A_454 = vector.shape_cast %get3A_453 : vector<1x16xf32> to vector<16xf32>
        %get3A_455 = arith.index_cast %scan3A_192 : i32 to index
        %get3A_456 = arith.constant 416 : index
        %get3A_457 = tpu.vector_load %arg15[%get3A_455, %get3A_456] {strides = array<i32>} : memref<16x1024xf32, #tpu.memory_space<vmem>>, vector<1x16xf32>,
        %get3A_458 = vector.shape_cast %get3A_457 : vector<1x16xf32> to vector<16xf32>
        %mul3A_459 = arith.mulf %get3A_454, %get3A_458 : vector<16xf32>
        %add3A_460 = arith.addf %add3A_450, %mul3A_459 : vector<16xf32>
        %get3A_461 = arith.index_cast %scan3A_192 : i32 to index
        %get3A_462 = arith.constant 432 : index
        %get3A_463 = tpu.vector_load %arg12[%get3A_461, %get3A_462] {strides = array<i32>} : memref<16x1024xf32, #tpu.memory_space<vmem>>, vector<1x16xf32>,
        %get3A_464 = vector.shape_cast %get3A_463 : vector<1x16xf32> to vector<16xf32>
        %get3A_465 = arith.index_cast %scan3A_192 : i32 to index
        %get3A_466 = arith.constant 432 : index
        %get3A_467 = tpu.vector_load %arg15[%get3A_465, %get3A_466] {strides = array<i32>} : memref<16x1024xf32, #tpu.memory_space<vmem>>, vector<1x16xf32>,
        %get3A_468 = vector.shape_cast %get3A_467 : vector<1x16xf32> to vector<16xf32>
        %mul3A_469 = arith.mulf %get3A_464, %get3A_468 : vector<16xf32>
        %add3A_470 = arith.addf %add3A_460, %mul3A_469 : vector<16xf32>
        %get3A_471 = arith.index_cast %scan3A_192 : i32 to index
        %get3A_472 = arith.constant 448 : index
        %get3A_473 = tpu.vector_load %arg12[%get3A_471, %get3A_472] {strides = array<i32>} : memref<16x1024xf32, #tpu.memory_space<vmem>>, vector<1x16xf32>,
        %get3A_474 = vector.shape_cast %get3A_473 : vector<1x16xf32> to vector<16xf32>
        %get3A_475 = arith.index_cast %scan3A_192 : i32 to index
        %get3A_476 = arith.constant 448 : index
        %get3A_477 = tpu.vector_load %arg15[%get3A_475, %get3A_476] {strides = array<i32>} : memref<16x1024xf32, #tpu.memory_space<vmem>>, vector<1x16xf32>,
        %get3A_478 = vector.shape_cast %get3A_477 : vector<1x16xf32> to vector<16xf32>
        %mul3A_479 = arith.mulf %get3A_474, %get3A_478 : vector<16xf32>
        %add3A_480 = arith.addf %add3A_470, %mul3A_479 : vector<16xf32>
        %get3A_481 = arith.index_cast %scan3A_192 : i32 to index
        %get3A_482 = arith.constant 464 : index
        %get3A_483 = tpu.vector_load %arg12[%get3A_481, %get3A_482] {strides = array<i32>} : memref<16x1024xf32, #tpu.memory_space<vmem>>, vector<1x16xf32>,
        %get3A_484 = vector.shape_cast %get3A_483 : vector<1x16xf32> to vector<16xf32>
        %get3A_485 = arith.index_cast %scan3A_192 : i32 to index
        %get3A_486 = arith.constant 464 : index
        %get3A_487 = tpu.vector_load %arg15[%get3A_485, %get3A_486] {strides = array<i32>} : memref<16x1024xf32, #tpu.memory_space<vmem>>, vector<1x16xf32>,
        %get3A_488 = vector.shape_cast %get3A_487 : vector<1x16xf32> to vector<16xf32>
        %mul3A_489 = arith.mulf %get3A_484, %get3A_488 : vector<16xf32>
        %add3A_490 = arith.addf %add3A_480, %mul3A_489 : vector<16xf32>
        %get3A_491 = arith.index_cast %scan3A_192 : i32 to index
        %get3A_492 = arith.constant 480 : index
        %get3A_493 = tpu.vector_load %arg12[%get3A_491, %get3A_492] {strides = array<i32>} : memref<16x1024xf32, #tpu.memory_space<vmem>>, vector<1x16xf32>,
        %get3A_494 = vector.shape_cast %get3A_493 : vector<1x16xf32> to vector<16xf32>
        %get3A_495 = arith.index_cast %scan3A_192 : i32 to index
        %get3A_496 = arith.constant 480 : index
        %get3A_497 = tpu.vector_load %arg15[%get3A_495, %get3A_496] {strides = array<i32>} : memref<16x1024xf32, #tpu.memory_space<vmem>>, vector<1x16xf32>,
        %get3A_498 = vector.shape_cast %get3A_497 : vector<1x16xf32> to vector<16xf32>
        %mul3A_499 = arith.mulf %get3A_494, %get3A_498 : vector<16xf32>
        %add3A_500 = arith.addf %add3A_490, %mul3A_499 : vector<16xf32>
        %get3A_501 = arith.index_cast %scan3A_192 : i32 to index
        %get3A_502 = arith.constant 496 : index
        %get3A_503 = tpu.vector_load %arg12[%get3A_501, %get3A_502] {strides = array<i32>} : memref<16x1024xf32, #tpu.memory_space<vmem>>, vector<1x16xf32>,
        %get3A_504 = vector.shape_cast %get3A_503 : vector<1x16xf32> to vector<16xf32>
        %get3A_505 = arith.index_cast %scan3A_192 : i32 to index
        %get3A_506 = arith.constant 496 : index
        %get3A_507 = tpu.vector_load %arg15[%get3A_505, %get3A_506] {strides = array<i32>} : memref<16x1024xf32, #tpu.memory_space<vmem>>, vector<1x16xf32>,
        %get3A_508 = vector.shape_cast %get3A_507 : vector<1x16xf32> to vector<16xf32>
        %mul3A_509 = arith.mulf %get3A_504, %get3A_508 : vector<16xf32>
        %add3A_510 = arith.addf %add3A_500, %mul3A_509 : vector<16xf32>
        %get3A_511 = arith.index_cast %scan3A_192 : i32 to index
        %get3A_512 = arith.constant 512 : index
        %get3A_513 = tpu.vector_load %arg12[%get3A_511, %get3A_512] {strides = array<i32>} : memref<16x1024xf32, #tpu.memory_space<vmem>>, vector<1x16xf32>,
        %get3A_514 = vector.shape_cast %get3A_513 : vector<1x16xf32> to vector<16xf32>
        %get3A_515 = arith.index_cast %scan3A_192 : i32 to index
        %get3A_516 = arith.constant 512 : index
        %get3A_517 = tpu.vector_load %arg15[%get3A_515, %get3A_516] {strides = array<i32>} : memref<16x1024xf32, #tpu.memory_space<vmem>>, vector<1x16xf32>,
        %get3A_518 = vector.shape_cast %get3A_517 : vector<1x16xf32> to vector<16xf32>
        %mul3A_519 = arith.mulf %get3A_514, %get3A_518 : vector<16xf32>
        %add3A_520 = arith.addf %add3A_510, %mul3A_519 : vector<16xf32>
        %get3A_521 = arith.index_cast %scan3A_192 : i32 to index
        %get3A_522 = arith.constant 528 : index
        %get3A_523 = tpu.vector_load %arg12[%get3A_521, %get3A_522] {strides = array<i32>} : memref<16x1024xf32, #tpu.memory_space<vmem>>, vector<1x16xf32>,
        %get3A_524 = vector.shape_cast %get3A_523 : vector<1x16xf32> to vector<16xf32>
        %get3A_525 = arith.index_cast %scan3A_192 : i32 to index
        %get3A_526 = arith.constant 528 : index
        %get3A_527 = tpu.vector_load %arg15[%get3A_525, %get3A_526] {strides = array<i32>} : memref<16x1024xf32, #tpu.memory_space<vmem>>, vector<1x16xf32>,
        %get3A_528 = vector.shape_cast %get3A_527 : vector<1x16xf32> to vector<16xf32>
        %mul3A_529 = arith.mulf %get3A_524, %get3A_528 : vector<16xf32>
        %add3A_530 = arith.addf %add3A_520, %mul3A_529 : vector<16xf32>
        %get3A_531 = arith.index_cast %scan3A_192 : i32 to index
        %get3A_532 = arith.constant 544 : index
        %get3A_533 = tpu.vector_load %arg12[%get3A_531, %get3A_532] {strides = array<i32>} : memref<16x1024xf32, #tpu.memory_space<vmem>>, vector<1x16xf32>,
        %get3A_534 = vector.shape_cast %get3A_533 : vector<1x16xf32> to vector<16xf32>
        %get3A_535 = arith.index_cast %scan3A_192 : i32 to index
        %get3A_536 = arith.constant 544 : index
        %get3A_537 = tpu.vector_load %arg15[%get3A_535, %get3A_536] {strides = array<i32>} : memref<16x1024xf32, #tpu.memory_space<vmem>>, vector<1x16xf32>,
        %get3A_538 = vector.shape_cast %get3A_537 : vector<1x16xf32> to vector<16xf32>
        %mul3A_539 = arith.mulf %get3A_534, %get3A_538 : vector<16xf32>
        %add3A_540 = arith.addf %add3A_530, %mul3A_539 : vector<16xf32>
        %get3A_541 = arith.index_cast %scan3A_192 : i32 to index
        %get3A_542 = arith.constant 560 : index
        %get3A_543 = tpu.vector_load %arg12[%get3A_541, %get3A_542] {strides = array<i32>} : memref<16x1024xf32, #tpu.memory_space<vmem>>, vector<1x16xf32>,
        %get3A_544 = vector.shape_cast %get3A_543 : vector<1x16xf32> to vector<16xf32>
        %get3A_545 = arith.index_cast %scan3A_192 : i32 to index
        %get3A_546 = arith.constant 560 : index
        %get3A_547 = tpu.vector_load %arg15[%get3A_545, %get3A_546] {strides = array<i32>} : memref<16x1024xf32, #tpu.memory_space<vmem>>, vector<1x16xf32>,
        %get3A_548 = vector.shape_cast %get3A_547 : vector<1x16xf32> to vector<16xf32>
        %mul3A_549 = arith.mulf %get3A_544, %get3A_548 : vector<16xf32>
        %add3A_550 = arith.addf %add3A_540, %mul3A_549 : vector<16xf32>
        %get3A_551 = arith.index_cast %scan3A_192 : i32 to index
        %get3A_552 = arith.constant 576 : index
        %get3A_553 = tpu.vector_load %arg12[%get3A_551, %get3A_552] {strides = array<i32>} : memref<16x1024xf32, #tpu.memory_space<vmem>>, vector<1x16xf32>,
        %get3A_554 = vector.shape_cast %get3A_553 : vector<1x16xf32> to vector<16xf32>
        %get3A_555 = arith.index_cast %scan3A_192 : i32 to index
        %get3A_556 = arith.constant 576 : index
        %get3A_557 = tpu.vector_load %arg15[%get3A_555, %get3A_556] {strides = array<i32>} : memref<16x1024xf32, #tpu.memory_space<vmem>>, vector<1x16xf32>,
        %get3A_558 = vector.shape_cast %get3A_557 : vector<1x16xf32> to vector<16xf32>
        %mul3A_559 = arith.mulf %get3A_554, %get3A_558 : vector<16xf32>
        %add3A_560 = arith.addf %add3A_550, %mul3A_559 : vector<16xf32>
        %get3A_561 = arith.index_cast %scan3A_192 : i32 to index
        %get3A_562 = arith.constant 592 : index
        %get3A_563 = tpu.vector_load %arg12[%get3A_561, %get3A_562] {strides = array<i32>} : memref<16x1024xf32, #tpu.memory_space<vmem>>, vector<1x16xf32>,
        %get3A_564 = vector.shape_cast %get3A_563 : vector<1x16xf32> to vector<16xf32>
        %get3A_565 = arith.index_cast %scan3A_192 : i32 to index
        %get3A_566 = arith.constant 592 : index
        %get3A_567 = tpu.vector_load %arg15[%get3A_565, %get3A_566] {strides = array<i32>} : memref<16x1024xf32, #tpu.memory_space<vmem>>, vector<1x16xf32>,
        %get3A_568 = vector.shape_cast %get3A_567 : vector<1x16xf32> to vector<16xf32>
        %mul3A_569 = arith.mulf %get3A_564, %get3A_568 : vector<16xf32>
        %add3A_570 = arith.addf %add3A_560, %mul3A_569 : vector<16xf32>
        %get3A_571 = arith.index_cast %scan3A_192 : i32 to index
        %get3A_572 = arith.constant 608 : index
        %get3A_573 = tpu.vector_load %arg12[%get3A_571, %get3A_572] {strides = array<i32>} : memref<16x1024xf32, #tpu.memory_space<vmem>>, vector<1x16xf32>,
        %get3A_574 = vector.shape_cast %get3A_573 : vector<1x16xf32> to vector<16xf32>
        %get3A_575 = arith.index_cast %scan3A_192 : i32 to index
        %get3A_576 = arith.constant 608 : index
        %get3A_577 = tpu.vector_load %arg15[%get3A_575, %get3A_576] {strides = array<i32>} : memref<16x1024xf32, #tpu.memory_space<vmem>>, vector<1x16xf32>,
        %get3A_578 = vector.shape_cast %get3A_577 : vector<1x16xf32> to vector<16xf32>
        %mul3A_579 = arith.mulf %get3A_574, %get3A_578 : vector<16xf32>
        %add3A_580 = arith.addf %add3A_570, %mul3A_579 : vector<16xf32>
        %get3A_581 = arith.index_cast %scan3A_192 : i32 to index
        %get3A_582 = arith.constant 624 : index
        %get3A_583 = tpu.vector_load %arg12[%get3A_581, %get3A_582] {strides = array<i32>} : memref<16x1024xf32, #tpu.memory_space<vmem>>, vector<1x16xf32>,
        %get3A_584 = vector.shape_cast %get3A_583 : vector<1x16xf32> to vector<16xf32>
        %get3A_585 = arith.index_cast %scan3A_192 : i32 to index
        %get3A_586 = arith.constant 624 : index
        %get3A_587 = tpu.vector_load %arg15[%get3A_585, %get3A_586] {strides = array<i32>} : memref<16x1024xf32, #tpu.memory_space<vmem>>, vector<1x16xf32>,
        %get3A_588 = vector.shape_cast %get3A_587 : vector<1x16xf32> to vector<16xf32>
        %mul3A_589 = arith.mulf %get3A_584, %get3A_588 : vector<16xf32>
        %add3A_590 = arith.addf %add3A_580, %mul3A_589 : vector<16xf32>
        %get3A_591 = arith.index_cast %scan3A_192 : i32 to index
        %get3A_592 = arith.constant 640 : index
        %get3A_593 = tpu.vector_load %arg12[%get3A_591, %get3A_592] {strides = array<i32>} : memref<16x1024xf32, #tpu.memory_space<vmem>>, vector<1x16xf32>,
        %get3A_594 = vector.shape_cast %get3A_593 : vector<1x16xf32> to vector<16xf32>
        %get3A_595 = arith.index_cast %scan3A_192 : i32 to index
        %get3A_596 = arith.constant 640 : index
        %get3A_597 = tpu.vector_load %arg15[%get3A_595, %get3A_596] {strides = array<i32>} : memref<16x1024xf32, #tpu.memory_space<vmem>>, vector<1x16xf32>,
        %get3A_598 = vector.shape_cast %get3A_597 : vector<1x16xf32> to vector<16xf32>
        %mul3A_599 = arith.mulf %get3A_594, %get3A_598 : vector<16xf32>
        %add3A_600 = arith.addf %add3A_590, %mul3A_599 : vector<16xf32>
        %get3A_601 = arith.index_cast %scan3A_192 : i32 to index
        %get3A_602 = arith.constant 656 : index
        %get3A_603 = tpu.vector_load %arg12[%get3A_601, %get3A_602] {strides = array<i32>} : memref<16x1024xf32, #tpu.memory_space<vmem>>, vector<1x16xf32>,
        %get3A_604 = vector.shape_cast %get3A_603 : vector<1x16xf32> to vector<16xf32>
        %get3A_605 = arith.index_cast %scan3A_192 : i32 to index
        %get3A_606 = arith.constant 656 : index
        %get3A_607 = tpu.vector_load %arg15[%get3A_605, %get3A_606] {strides = array<i32>} : memref<16x1024xf32, #tpu.memory_space<vmem>>, vector<1x16xf32>,
        %get3A_608 = vector.shape_cast %get3A_607 : vector<1x16xf32> to vector<16xf32>
        %mul3A_609 = arith.mulf %get3A_604, %get3A_608 : vector<16xf32>
        %add3A_610 = arith.addf %add3A_600, %mul3A_609 : vector<16xf32>
        %get3A_611 = arith.index_cast %scan3A_192 : i32 to index
        %get3A_612 = arith.constant 672 : index
        %get3A_613 = tpu.vector_load %arg12[%get3A_611, %get3A_612] {strides = array<i32>} : memref<16x1024xf32, #tpu.memory_space<vmem>>, vector<1x16xf32>,
        %get3A_614 = vector.shape_cast %get3A_613 : vector<1x16xf32> to vector<16xf32>
        %get3A_615 = arith.index_cast %scan3A_192 : i32 to index
        %get3A_616 = arith.constant 672 : index
        %get3A_617 = tpu.vector_load %arg15[%get3A_615, %get3A_616] {strides = array<i32>} : memref<16x1024xf32, #tpu.memory_space<vmem>>, vector<1x16xf32>,
        %get3A_618 = vector.shape_cast %get3A_617 : vector<1x16xf32> to vector<16xf32>
        %mul3A_619 = arith.mulf %get3A_614, %get3A_618 : vector<16xf32>
        %add3A_620 = arith.addf %add3A_610, %mul3A_619 : vector<16xf32>
        %get3A_621 = arith.index_cast %scan3A_192 : i32 to index
        %get3A_622 = arith.constant 688 : index
        %get3A_623 = tpu.vector_load %arg12[%get3A_621, %get3A_622] {strides = array<i32>} : memref<16x1024xf32, #tpu.memory_space<vmem>>, vector<1x16xf32>,
        %get3A_624 = vector.shape_cast %get3A_623 : vector<1x16xf32> to vector<16xf32>
        %get3A_625 = arith.index_cast %scan3A_192 : i32 to index
        %get3A_626 = arith.constant 688 : index
        %get3A_627 = tpu.vector_load %arg15[%get3A_625, %get3A_626] {strides = array<i32>} : memref<16x1024xf32, #tpu.memory_space<vmem>>, vector<1x16xf32>,
        %get3A_628 = vector.shape_cast %get3A_627 : vector<1x16xf32> to vector<16xf32>
        %mul3A_629 = arith.mulf %get3A_624, %get3A_628 : vector<16xf32>
        %add3A_630 = arith.addf %add3A_620, %mul3A_629 : vector<16xf32>
        %get3A_631 = arith.index_cast %scan3A_192 : i32 to index
        %get3A_632 = arith.constant 704 : index
        %get3A_633 = tpu.vector_load %arg12[%get3A_631, %get3A_632] {strides = array<i32>} : memref<16x1024xf32, #tpu.memory_space<vmem>>, vector<1x16xf32>,
        %get3A_634 = vector.shape_cast %get3A_633 : vector<1x16xf32> to vector<16xf32>
        %get3A_635 = arith.index_cast %scan3A_192 : i32 to index
        %get3A_636 = arith.constant 704 : index
        %get3A_637 = tpu.vector_load %arg15[%get3A_635, %get3A_636] {strides = array<i32>} : memref<16x1024xf32, #tpu.memory_space<vmem>>, vector<1x16xf32>,
        %get3A_638 = vector.shape_cast %get3A_637 : vector<1x16xf32> to vector<16xf32>
        %mul3A_639 = arith.mulf %get3A_634, %get3A_638 : vector<16xf32>
        %add3A_640 = arith.addf %add3A_630, %mul3A_639 : vector<16xf32>
        %get3A_641 = arith.index_cast %scan3A_192 : i32 to index
        %get3A_642 = arith.constant 720 : index
        %get3A_643 = tpu.vector_load %arg12[%get3A_641, %get3A_642] {strides = array<i32>} : memref<16x1024xf32, #tpu.memory_space<vmem>>, vector<1x16xf32>,
        %get3A_644 = vector.shape_cast %get3A_643 : vector<1x16xf32> to vector<16xf32>
        %get3A_645 = arith.index_cast %scan3A_192 : i32 to index
        %get3A_646 = arith.constant 720 : index
        %get3A_647 = tpu.vector_load %arg15[%get3A_645, %get3A_646] {strides = array<i32>} : memref<16x1024xf32, #tpu.memory_space<vmem>>, vector<1x16xf32>,
        %get3A_648 = vector.shape_cast %get3A_647 : vector<1x16xf32> to vector<16xf32>
        %mul3A_649 = arith.mulf %get3A_644, %get3A_648 : vector<16xf32>
        %add3A_650 = arith.addf %add3A_640, %mul3A_649 : vector<16xf32>
        %get3A_651 = arith.index_cast %scan3A_192 : i32 to index
        %get3A_652 = arith.constant 736 : index
        %get3A_653 = tpu.vector_load %arg12[%get3A_651, %get3A_652] {strides = array<i32>} : memref<16x1024xf32, #tpu.memory_space<vmem>>, vector<1x16xf32>,
        %get3A_654 = vector.shape_cast %get3A_653 : vector<1x16xf32> to vector<16xf32>
        %get3A_655 = arith.index_cast %scan3A_192 : i32 to index
        %get3A_656 = arith.constant 736 : index
        %get3A_657 = tpu.vector_load %arg15[%get3A_655, %get3A_656] {strides = array<i32>} : memref<16x1024xf32, #tpu.memory_space<vmem>>, vector<1x16xf32>,
        %get3A_658 = vector.shape_cast %get3A_657 : vector<1x16xf32> to vector<16xf32>
        %mul3A_659 = arith.mulf %get3A_654, %get3A_658 : vector<16xf32>
        %add3A_660 = arith.addf %add3A_650, %mul3A_659 : vector<16xf32>
        %get3A_661 = arith.index_cast %scan3A_192 : i32 to index
        %get3A_662 = arith.constant 752 : index
        %get3A_663 = tpu.vector_load %arg12[%get3A_661, %get3A_662] {strides = array<i32>} : memref<16x1024xf32, #tpu.memory_space<vmem>>, vector<1x16xf32>,
        %get3A_664 = vector.shape_cast %get3A_663 : vector<1x16xf32> to vector<16xf32>
        %get3A_665 = arith.index_cast %scan3A_192 : i32 to index
        %get3A_666 = arith.constant 752 : index
        %get3A_667 = tpu.vector_load %arg15[%get3A_665, %get3A_666] {strides = array<i32>} : memref<16x1024xf32, #tpu.memory_space<vmem>>, vector<1x16xf32>,
        %get3A_668 = vector.shape_cast %get3A_667 : vector<1x16xf32> to vector<16xf32>
        %mul3A_669 = arith.mulf %get3A_664, %get3A_668 : vector<16xf32>
        %add3A_670 = arith.addf %add3A_660, %mul3A_669 : vector<16xf32>
        %get3A_671 = arith.index_cast %scan3A_192 : i32 to index
        %get3A_672 = arith.constant 768 : index
        %get3A_673 = tpu.vector_load %arg12[%get3A_671, %get3A_672] {strides = array<i32>} : memref<16x1024xf32, #tpu.memory_space<vmem>>, vector<1x16xf32>,
        %get3A_674 = vector.shape_cast %get3A_673 : vector<1x16xf32> to vector<16xf32>
        %get3A_675 = arith.index_cast %scan3A_192 : i32 to index
        %get3A_676 = arith.constant 768 : index
        %get3A_677 = tpu.vector_load %arg15[%get3A_675, %get3A_676] {strides = array<i32>} : memref<16x1024xf32, #tpu.memory_space<vmem>>, vector<1x16xf32>,
        %get3A_678 = vector.shape_cast %get3A_677 : vector<1x16xf32> to vector<16xf32>
        %mul3A_679 = arith.mulf %get3A_674, %get3A_678 : vector<16xf32>
        %add3A_680 = arith.addf %add3A_670, %mul3A_679 : vector<16xf32>
        %get3A_681 = arith.index_cast %scan3A_192 : i32 to index
        %get3A_682 = arith.constant 784 : index
        %get3A_683 = tpu.vector_load %arg12[%get3A_681, %get3A_682] {strides = array<i32>} : memref<16x1024xf32, #tpu.memory_space<vmem>>, vector<1x16xf32>,
        %get3A_684 = vector.shape_cast %get3A_683 : vector<1x16xf32> to vector<16xf32>
        %get3A_685 = arith.index_cast %scan3A_192 : i32 to index
        %get3A_686 = arith.constant 784 : index
        %get3A_687 = tpu.vector_load %arg15[%get3A_685, %get3A_686] {strides = array<i32>} : memref<16x1024xf32, #tpu.memory_space<vmem>>, vector<1x16xf32>,
        %get3A_688 = vector.shape_cast %get3A_687 : vector<1x16xf32> to vector<16xf32>
        %mul3A_689 = arith.mulf %get3A_684, %get3A_688 : vector<16xf32>
        %add3A_690 = arith.addf %add3A_680, %mul3A_689 : vector<16xf32>
        %get3A_691 = arith.index_cast %scan3A_192 : i32 to index
        %get3A_692 = arith.constant 800 : index
        %get3A_693 = tpu.vector_load %arg12[%get3A_691, %get3A_692] {strides = array<i32>} : memref<16x1024xf32, #tpu.memory_space<vmem>>, vector<1x16xf32>,
        %get3A_694 = vector.shape_cast %get3A_693 : vector<1x16xf32> to vector<16xf32>
        %get3A_695 = arith.index_cast %scan3A_192 : i32 to index
        %get3A_696 = arith.constant 800 : index
        %get3A_697 = tpu.vector_load %arg15[%get3A_695, %get3A_696] {strides = array<i32>} : memref<16x1024xf32, #tpu.memory_space<vmem>>, vector<1x16xf32>,
        %get3A_698 = vector.shape_cast %get3A_697 : vector<1x16xf32> to vector<16xf32>
        %mul3A_699 = arith.mulf %get3A_694, %get3A_698 : vector<16xf32>
        %add3A_700 = arith.addf %add3A_690, %mul3A_699 : vector<16xf32>
        %get3A_701 = arith.index_cast %scan3A_192 : i32 to index
        %get3A_702 = arith.constant 816 : index
        %get3A_703 = tpu.vector_load %arg12[%get3A_701, %get3A_702] {strides = array<i32>} : memref<16x1024xf32, #tpu.memory_space<vmem>>, vector<1x16xf32>,
        %get3A_704 = vector.shape_cast %get3A_703 : vector<1x16xf32> to vector<16xf32>
        %get3A_705 = arith.index_cast %scan3A_192 : i32 to index
        %get3A_706 = arith.constant 816 : index
        %get3A_707 = tpu.vector_load %arg15[%get3A_705, %get3A_706] {strides = array<i32>} : memref<16x1024xf32, #tpu.memory_space<vmem>>, vector<1x16xf32>,
        %get3A_708 = vector.shape_cast %get3A_707 : vector<1x16xf32> to vector<16xf32>
        %mul3A_709 = arith.mulf %get3A_704, %get3A_708 : vector<16xf32>
        %add3A_710 = arith.addf %add3A_700, %mul3A_709 : vector<16xf32>
        %get3A_711 = arith.index_cast %scan3A_192 : i32 to index
        %get3A_712 = arith.constant 832 : index
        %get3A_713 = tpu.vector_load %arg12[%get3A_711, %get3A_712] {strides = array<i32>} : memref<16x1024xf32, #tpu.memory_space<vmem>>, vector<1x16xf32>,
        %get3A_714 = vector.shape_cast %get3A_713 : vector<1x16xf32> to vector<16xf32>
        %get3A_715 = arith.index_cast %scan3A_192 : i32 to index
        %get3A_716 = arith.constant 832 : index
        %get3A_717 = tpu.vector_load %arg15[%get3A_715, %get3A_716] {strides = array<i32>} : memref<16x1024xf32, #tpu.memory_space<vmem>>, vector<1x16xf32>,
        %get3A_718 = vector.shape_cast %get3A_717 : vector<1x16xf32> to vector<16xf32>
        %mul3A_719 = arith.mulf %get3A_714, %get3A_718 : vector<16xf32>
        %add3A_720 = arith.addf %add3A_710, %mul3A_719 : vector<16xf32>
        %get3A_721 = arith.index_cast %scan3A_192 : i32 to index
        %get3A_722 = arith.constant 848 : index
        %get3A_723 = tpu.vector_load %arg12[%get3A_721, %get3A_722] {strides = array<i32>} : memref<16x1024xf32, #tpu.memory_space<vmem>>, vector<1x16xf32>,
        %get3A_724 = vector.shape_cast %get3A_723 : vector<1x16xf32> to vector<16xf32>
        %get3A_725 = arith.index_cast %scan3A_192 : i32 to index
        %get3A_726 = arith.constant 848 : index
        %get3A_727 = tpu.vector_load %arg15[%get3A_725, %get3A_726] {strides = array<i32>} : memref<16x1024xf32, #tpu.memory_space<vmem>>, vector<1x16xf32>,
        %get3A_728 = vector.shape_cast %get3A_727 : vector<1x16xf32> to vector<16xf32>
        %mul3A_729 = arith.mulf %get3A_724, %get3A_728 : vector<16xf32>
        %add3A_730 = arith.addf %add3A_720, %mul3A_729 : vector<16xf32>
        %get3A_731 = arith.index_cast %scan3A_192 : i32 to index
        %get3A_732 = arith.constant 864 : index
        %get3A_733 = tpu.vector_load %arg12[%get3A_731, %get3A_732] {strides = array<i32>} : memref<16x1024xf32, #tpu.memory_space<vmem>>, vector<1x16xf32>,
        %get3A_734 = vector.shape_cast %get3A_733 : vector<1x16xf32> to vector<16xf32>
        %get3A_735 = arith.index_cast %scan3A_192 : i32 to index
        %get3A_736 = arith.constant 864 : index
        %get3A_737 = tpu.vector_load %arg15[%get3A_735, %get3A_736] {strides = array<i32>} : memref<16x1024xf32, #tpu.memory_space<vmem>>, vector<1x16xf32>,
        %get3A_738 = vector.shape_cast %get3A_737 : vector<1x16xf32> to vector<16xf32>
        %mul3A_739 = arith.mulf %get3A_734, %get3A_738 : vector<16xf32>
        %add3A_740 = arith.addf %add3A_730, %mul3A_739 : vector<16xf32>
        %get3A_741 = arith.index_cast %scan3A_192 : i32 to index
        %get3A_742 = arith.constant 880 : index
        %get3A_743 = tpu.vector_load %arg12[%get3A_741, %get3A_742] {strides = array<i32>} : memref<16x1024xf32, #tpu.memory_space<vmem>>, vector<1x16xf32>,
        %get3A_744 = vector.shape_cast %get3A_743 : vector<1x16xf32> to vector<16xf32>
        %get3A_745 = arith.index_cast %scan3A_192 : i32 to index
        %get3A_746 = arith.constant 880 : index
        %get3A_747 = tpu.vector_load %arg15[%get3A_745, %get3A_746] {strides = array<i32>} : memref<16x1024xf32, #tpu.memory_space<vmem>>, vector<1x16xf32>,
        %get3A_748 = vector.shape_cast %get3A_747 : vector<1x16xf32> to vector<16xf32>
        %mul3A_749 = arith.mulf %get3A_744, %get3A_748 : vector<16xf32>
        %add3A_750 = arith.addf %add3A_740, %mul3A_749 : vector<16xf32>
        %get3A_751 = arith.index_cast %scan3A_192 : i32 to index
        %get3A_752 = arith.constant 896 : index
        %get3A_753 = tpu.vector_load %arg12[%get3A_751, %get3A_752] {strides = array<i32>} : memref<16x1024xf32, #tpu.memory_space<vmem>>, vector<1x16xf32>,
        %get3A_754 = vector.shape_cast %get3A_753 : vector<1x16xf32> to vector<16xf32>
        %get3A_755 = arith.index_cast %scan3A_192 : i32 to index
        %get3A_756 = arith.constant 896 : index
        %get3A_757 = tpu.vector_load %arg15[%get3A_755, %get3A_756] {strides = array<i32>} : memref<16x1024xf32, #tpu.memory_space<vmem>>, vector<1x16xf32>,
        %get3A_758 = vector.shape_cast %get3A_757 : vector<1x16xf32> to vector<16xf32>
        %mul3A_759 = arith.mulf %get3A_754, %get3A_758 : vector<16xf32>
        %add3A_760 = arith.addf %add3A_750, %mul3A_759 : vector<16xf32>
        %get3A_761 = arith.index_cast %scan3A_192 : i32 to index
        %get3A_762 = arith.constant 912 : index
        %get3A_763 = tpu.vector_load %arg12[%get3A_761, %get3A_762] {strides = array<i32>} : memref<16x1024xf32, #tpu.memory_space<vmem>>, vector<1x16xf32>,
        %get3A_764 = vector.shape_cast %get3A_763 : vector<1x16xf32> to vector<16xf32>
        %get3A_765 = arith.index_cast %scan3A_192 : i32 to index
        %get3A_766 = arith.constant 912 : index
        %get3A_767 = tpu.vector_load %arg15[%get3A_765, %get3A_766] {strides = array<i32>} : memref<16x1024xf32, #tpu.memory_space<vmem>>, vector<1x16xf32>,
        %get3A_768 = vector.shape_cast %get3A_767 : vector<1x16xf32> to vector<16xf32>
        %mul3A_769 = arith.mulf %get3A_764, %get3A_768 : vector<16xf32>
        %add3A_770 = arith.addf %add3A_760, %mul3A_769 : vector<16xf32>
        %get3A_771 = arith.index_cast %scan3A_192 : i32 to index
        %get3A_772 = arith.constant 928 : index
        %get3A_773 = tpu.vector_load %arg12[%get3A_771, %get3A_772] {strides = array<i32>} : memref<16x1024xf32, #tpu.memory_space<vmem>>, vector<1x16xf32>,
        %get3A_774 = vector.shape_cast %get3A_773 : vector<1x16xf32> to vector<16xf32>
        %get3A_775 = arith.index_cast %scan3A_192 : i32 to index
        %get3A_776 = arith.constant 928 : index
        %get3A_777 = tpu.vector_load %arg15[%get3A_775, %get3A_776] {strides = array<i32>} : memref<16x1024xf32, #tpu.memory_space<vmem>>, vector<1x16xf32>,
        %get3A_778 = vector.shape_cast %get3A_777 : vector<1x16xf32> to vector<16xf32>
        %mul3A_779 = arith.mulf %get3A_774, %get3A_778 : vector<16xf32>
        %add3A_780 = arith.addf %add3A_770, %mul3A_779 : vector<16xf32>
        %get3A_781 = arith.index_cast %scan3A_192 : i32 to index
        %get3A_782 = arith.constant 944 : index
        %get3A_783 = tpu.vector_load %arg12[%get3A_781, %get3A_782] {strides = array<i32>} : memref<16x1024xf32, #tpu.memory_space<vmem>>, vector<1x16xf32>,
        %get3A_784 = vector.shape_cast %get3A_783 : vector<1x16xf32> to vector<16xf32>
        %get3A_785 = arith.index_cast %scan3A_192 : i32 to index
        %get3A_786 = arith.constant 944 : index
        %get3A_787 = tpu.vector_load %arg15[%get3A_785, %get3A_786] {strides = array<i32>} : memref<16x1024xf32, #tpu.memory_space<vmem>>, vector<1x16xf32>,
        %get3A_788 = vector.shape_cast %get3A_787 : vector<1x16xf32> to vector<16xf32>
        %mul3A_789 = arith.mulf %get3A_784, %get3A_788 : vector<16xf32>
        %add3A_790 = arith.addf %add3A_780, %mul3A_789 : vector<16xf32>
        %get3A_791 = arith.index_cast %scan3A_192 : i32 to index
        %get3A_792 = arith.constant 960 : index
        %get3A_793 = tpu.vector_load %arg12[%get3A_791, %get3A_792] {strides = array<i32>} : memref<16x1024xf32, #tpu.memory_space<vmem>>, vector<1x16xf32>,
        %get3A_794 = vector.shape_cast %get3A_793 : vector<1x16xf32> to vector<16xf32>
        %get3A_795 = arith.index_cast %scan3A_192 : i32 to index
        %get3A_796 = arith.constant 960 : index
        %get3A_797 = tpu.vector_load %arg15[%get3A_795, %get3A_796] {strides = array<i32>} : memref<16x1024xf32, #tpu.memory_space<vmem>>, vector<1x16xf32>,
        %get3A_798 = vector.shape_cast %get3A_797 : vector<1x16xf32> to vector<16xf32>
        %mul3A_799 = arith.mulf %get3A_794, %get3A_798 : vector<16xf32>
        %add3A_800 = arith.addf %add3A_790, %mul3A_799 : vector<16xf32>
        %get3A_801 = arith.index_cast %scan3A_192 : i32 to index
        %get3A_802 = arith.constant 976 : index
        %get3A_803 = tpu.vector_load %arg12[%get3A_801, %get3A_802] {strides = array<i32>} : memref<16x1024xf32, #tpu.memory_space<vmem>>, vector<1x16xf32>,
        %get3A_804 = vector.shape_cast %get3A_803 : vector<1x16xf32> to vector<16xf32>
        %get3A_805 = arith.index_cast %scan3A_192 : i32 to index
        %get3A_806 = arith.constant 976 : index
        %get3A_807 = tpu.vector_load %arg15[%get3A_805, %get3A_806] {strides = array<i32>} : memref<16x1024xf32, #tpu.memory_space<vmem>>, vector<1x16xf32>,
        %get3A_808 = vector.shape_cast %get3A_807 : vector<1x16xf32> to vector<16xf32>
        %mul3A_809 = arith.mulf %get3A_804, %get3A_808 : vector<16xf32>
        %add3A_810 = arith.addf %add3A_800, %mul3A_809 : vector<16xf32>
        %get3A_811 = arith.index_cast %scan3A_192 : i32 to index
        %get3A_812 = arith.constant 992 : index
        %get3A_813 = tpu.vector_load %arg12[%get3A_811, %get3A_812] {strides = array<i32>} : memref<16x1024xf32, #tpu.memory_space<vmem>>, vector<1x16xf32>,
        %get3A_814 = vector.shape_cast %get3A_813 : vector<1x16xf32> to vector<16xf32>
        %get3A_815 = arith.index_cast %scan3A_192 : i32 to index
        %get3A_816 = arith.constant 992 : index
        %get3A_817 = tpu.vector_load %arg15[%get3A_815, %get3A_816] {strides = array<i32>} : memref<16x1024xf32, #tpu.memory_space<vmem>>, vector<1x16xf32>,
        %get3A_818 = vector.shape_cast %get3A_817 : vector<1x16xf32> to vector<16xf32>
        %mul3A_819 = arith.mulf %get3A_814, %get3A_818 : vector<16xf32>
        %add3A_820 = arith.addf %add3A_810, %mul3A_819 : vector<16xf32>
        %get3A_821 = arith.index_cast %scan3A_192 : i32 to index
        %get3A_822 = arith.constant 1008 : index
        %get3A_823 = tpu.vector_load %arg12[%get3A_821, %get3A_822] {strides = array<i32>} : memref<16x1024xf32, #tpu.memory_space<vmem>>, vector<1x16xf32>,
        %get3A_824 = vector.shape_cast %get3A_823 : vector<1x16xf32> to vector<16xf32>
        %get3A_825 = arith.index_cast %scan3A_192 : i32 to index
        %get3A_826 = arith.constant 1008 : index
        %get3A_827 = tpu.vector_load %arg15[%get3A_825, %get3A_826] {strides = array<i32>} : memref<16x1024xf32, #tpu.memory_space<vmem>>, vector<1x16xf32>,
        %get3A_828 = vector.shape_cast %get3A_827 : vector<1x16xf32> to vector<16xf32>
        %mul3A_829 = arith.mulf %get3A_824, %get3A_828 : vector<16xf32>
        %add3A_830 = arith.addf %add3A_820, %mul3A_829 : vector<16xf32>
        %mul3A_831 = arith.constant 16 : i32
        %mul3A_832 = arith.muli %add3A_141, %mul3A_831 : i32
        %add3A_833 = arith.addi %mul3A_832, %scan3A_192 : i32
        %shift_right_arithmetic3A = arith.constant 7 : i32
        %shift_right_arithmetic3A_834 = arith.shrsi %add3A_833, %shift_right_arithmetic3A : i32
        %and3A_835 = arith.constant 127 : i32
        %and3A_836 = arith.andi %add3A_833, %and3A_835 : i32
        %mul3A_837 = arith.constant 16 : i32
        %mul3A_838 = arith.muli %and3A_836, %mul3A_837 : i32
        %multiple_of3A_839 = tpu.assume_multiple %mul3A_838, 16 : i32
        %swap3A = arith.index_cast %shift_right_arithmetic3A_834 : i32 to index
        %swap3A_840 = arith.index_cast %multiple_of3A_839 : i32 to index
        %swap3A_841 = tpu.vector_load %arg10[%swap3A, %swap3A_840] {strides = array<i32>} : memref<2x2048xf32, #tpu.memory_space<vmem>>, vector<1x16xf32>,
        %swap3A_842 = vector.shape_cast %swap3A_841 : vector<1x16xf32> to vector<16xf32>
        %swap3A_843 = vector.shape_cast %add3A_830 : vector<16xf32> to vector<1x16xf32>
        tpu.vector_store %arg10[%swap3A, %swap3A_840], %swap3A_843 {strides = array<i32>} : memref<2x2048xf32, #tpu.memory_space<vmem>>, vector<1x16xf32>,
      }
      %scan3A_158 = arith.constant 16 : i32
      %add3A_159 = arith.constant 3 : i32
      %add3A_160 = arith.addi %add3A_141, %add3A_159 : i32
      %lt3A_161 = arith.constant 16 : i32
      %lt3A_162 = arith.cmpi slt, %add3A_160, %lt3A_161 : i32
      %convert_element_type3A_163 = arith.extui %lt3A_162 : i1 to i32
      %cond3A_164 = arith.constant 0 : i32
      %cond3A_165 = arith.cmpi ne, %convert_element_type3A_163, %cond3A_164 : i32
      scf.if %cond3A_165 {
        %add3A_192 = arith.constant 3 : i32
        %add3A_193 = arith.addi %add3A_141, %add3A_192 : i32
        %mul3A_194 = arith.constant 16 : i32
        %mul3A_195 = arith.muli %add3A_193, %mul3A_194 : i32
        %multiple_of3A_196 = tpu.assume_multiple %mul3A_195, 16 : i32
        %dma_start3A_197 = tpu.memref_slice %arg8[%multiple_of3A_196] : memref<256xi32, #tpu.memory_space<vmem>> -> memref<16xi32, #tpu.memory_space<vmem>>
        %dma_start3A_198 = arith.constant 0 : i32
        %dma_start3A_199 = arith.constant 0 : i32
        %dma_start3A_200 = tpu.memref_slice %arg2[%dma_start3A_198, %dma_start3A_199] : memref<100000x1024xf32, #tpu.memory_space<hbm>> -> memref<100000x1024xf32, #tpu.memory_space<hbm>>
        tpu.enqueue_indirect_dma source(%dma_start3A_200 : memref<100000x1024xf32, #tpu.memory_space<hbm>>) target(%arg12 : memref<16x1024xf32, #tpu.memory_space<vmem>>) offsets(%dma_start3A_197 : memref<16xi32, #tpu.memory_space<vmem>>) semaphore(%arg18 : memref<!tpu.dma_semaphore, #tpu.memory_space<semaphore_mem>>)
        %add3A_201 = arith.addi %mul3A_2, %multiple_of3A_196 : i32
        %dma_start3A_202 = arith.constant 0 : i32
        %dma_start3A_203 = tpu.memref_slice %arg5[%add3A_201, %dma_start3A_202] : memref<8192x1024xf32, #tpu.memory_space<hbm>> -> memref<16x1024xf32, #tpu.memory_space<hbm>>
        %dma_start3A_204 = arith.constant 0 : i32
        %dma_start3A_205 = tpu.memref_slice %arg5[%add3A_201, %dma_start3A_204] : memref<8192x1024xf32, #tpu.memory_space<hbm>> -> memref<16x1024xf32, #tpu.memory_space<hbm>>
        tpu.enqueue_dma source(%dma_start3A_205 : memref<16x1024xf32, #tpu.memory_space<hbm>>) target(%arg15 : memref<16x1024xf32, #tpu.memory_space<vmem>>) target_semaphore(%arg21 : memref<!tpu.dma_semaphore, #tpu.memory_space<semaphore_mem>>)
      } else {
      }
      %add3A_166 = arith.constant 2 : i32
      %add3A_167 = arith.addi %add3A_115, %add3A_166 : i32
      %dma_wait3A_168 = arith.constant 0 : i32
      %dma_wait3A_169 = tpu.memref_slice %arg8[%dma_wait3A_168] : memref<256xi32, #tpu.memory_space<vmem>> -> memref<16xi32, #tpu.memory_space<vmem>>
      %dma_wait3A_170 = arith.constant 0 : i32
      %dma_wait3A_171 = arith.constant 0 : i32
      %dma_wait3A_172 = tpu.memref_slice %arg2[%dma_wait3A_170, %dma_wait3A_171] : memref<100000x1024xf32, #tpu.memory_space<hbm>> -> memref<100000x1024xf32, #tpu.memory_space<hbm>>
      tpu.wait_indirect_dma semaphore(%arg19 : memref<!tpu.dma_semaphore, #tpu.memory_space<semaphore_mem>>) src(%dma_wait3A_172 : memref<100000x1024xf32, #tpu.memory_space<hbm>>) dst(%arg13 : memref<16x1024xf32, #tpu.memory_space<vmem>>)
      %dma_wait3A_173 = arith.constant 0 : i32
      %dma_wait3A_174 = arith.constant 0 : i32
      %dma_wait3A_175 = tpu.memref_slice %arg5[%dma_wait3A_173, %dma_wait3A_174] : memref<8192x1024xf32, #tpu.memory_space<hbm>> -> memref<16x1024xf32, #tpu.memory_space<hbm>>
      %dma_wait3A_176 = arith.constant 0 : i32
      %dma_wait3A_177 = arith.constant 0 : i32
      %dma_wait3A_178 = tpu.memref_slice %arg5[%dma_wait3A_176, %dma_wait3A_177] : memref<8192x1024xf32, #tpu.memory_space<hbm>> -> memref<16x1024xf32, #tpu.memory_space<hbm>>
      tpu.wait_dma2 semaphore(%arg22 : memref<!tpu.dma_semaphore, #tpu.memory_space<semaphore_mem>>) src(%dma_wait3A_178 : memref<16x1024xf32, #tpu.memory_space<hbm>>) dst(%arg16 : memref<16x1024xf32, #tpu.memory_space<vmem>>)
      %scan3A_179 = arith.constant 0 : i32
      %scan3A_180 = arith.constant 0 : i32
      %scan3A_181 = arith.constant 16 : i32
      %scan3A_182 = arith.addi %scan3A_180, %scan3A_181 : i32
      %scan3A_183 = arith.constant 1 : i32
      scf.for %scan3A_192 = %scan3A_180 to %scan3A_182 step %scan3A_183  : i32 {
        %get3A = arith.index_cast %scan3A_192 : i32 to index
        %get3A_193 = arith.constant 0 : index
        %get3A_194 = tpu.vector_load %arg13[%get3A, %get3A_193] {strides = array<i32>} : memref<16x1024xf32, #tpu.memory_space<vmem>>, vector<1x16xf32>,
        %get3A_195 = vector.shape_cast %get3A_194 : vector<1x16xf32> to vector<16xf32>
        %get3A_196 = arith.index_cast %scan3A_192 : i32 to index
        %get3A_197 = arith.constant 0 : index
        %get3A_198 = tpu.vector_load %arg16[%get3A_196, %get3A_197] {strides = array<i32>} : memref<16x1024xf32, #tpu.memory_space<vmem>>, vector<1x16xf32>,
        %get3A_199 = vector.shape_cast %get3A_198 : vector<1x16xf32> to vector<16xf32>
        %mul3A_200 = arith.mulf %get3A_195, %get3A_199 : vector<16xf32>
        %get3A_201 = arith.index_cast %scan3A_192 : i32 to index
        %get3A_202 = arith.constant 16 : index
        %get3A_203 = tpu.vector_load %arg13[%get3A_201, %get3A_202] {strides = array<i32>} : memref<16x1024xf32, #tpu.memory_space<vmem>>, vector<1x16xf32>,
        %get3A_204 = vector.shape_cast %get3A_203 : vector<1x16xf32> to vector<16xf32>
        %get3A_205 = arith.index_cast %scan3A_192 : i32 to index
        %get3A_206 = arith.constant 16 : index
        %get3A_207 = tpu.vector_load %arg16[%get3A_205, %get3A_206] {strides = array<i32>} : memref<16x1024xf32, #tpu.memory_space<vmem>>, vector<1x16xf32>,
        %get3A_208 = vector.shape_cast %get3A_207 : vector<1x16xf32> to vector<16xf32>
        %mul3A_209 = arith.mulf %get3A_204, %get3A_208 : vector<16xf32>
        %add3A_210 = arith.addf %mul3A_200, %mul3A_209 : vector<16xf32>
        %get3A_211 = arith.index_cast %scan3A_192 : i32 to index
        %get3A_212 = arith.constant 32 : index
        %get3A_213 = tpu.vector_load %arg13[%get3A_211, %get3A_212] {strides = array<i32>} : memref<16x1024xf32, #tpu.memory_space<vmem>>, vector<1x16xf32>,
        %get3A_214 = vector.shape_cast %get3A_213 : vector<1x16xf32> to vector<16xf32>
        %get3A_215 = arith.index_cast %scan3A_192 : i32 to index
        %get3A_216 = arith.constant 32 : index
        %get3A_217 = tpu.vector_load %arg16[%get3A_215, %get3A_216] {strides = array<i32>} : memref<16x1024xf32, #tpu.memory_space<vmem>>, vector<1x16xf32>,
        %get3A_218 = vector.shape_cast %get3A_217 : vector<1x16xf32> to vector<16xf32>
        %mul3A_219 = arith.mulf %get3A_214, %get3A_218 : vector<16xf32>
        %add3A_220 = arith.addf %add3A_210, %mul3A_219 : vector<16xf32>
        %get3A_221 = arith.index_cast %scan3A_192 : i32 to index
        %get3A_222 = arith.constant 48 : index
        %get3A_223 = tpu.vector_load %arg13[%get3A_221, %get3A_222] {strides = array<i32>} : memref<16x1024xf32, #tpu.memory_space<vmem>>, vector<1x16xf32>,
        %get3A_224 = vector.shape_cast %get3A_223 : vector<1x16xf32> to vector<16xf32>
        %get3A_225 = arith.index_cast %scan3A_192 : i32 to index
        %get3A_226 = arith.constant 48 : index
        %get3A_227 = tpu.vector_load %arg16[%get3A_225, %get3A_226] {strides = array<i32>} : memref<16x1024xf32, #tpu.memory_space<vmem>>, vector<1x16xf32>,
        %get3A_228 = vector.shape_cast %get3A_227 : vector<1x16xf32> to vector<16xf32>
        %mul3A_229 = arith.mulf %get3A_224, %get3A_228 : vector<16xf32>
        %add3A_230 = arith.addf %add3A_220, %mul3A_229 : vector<16xf32>
        %get3A_231 = arith.index_cast %scan3A_192 : i32 to index
        %get3A_232 = arith.constant 64 : index
        %get3A_233 = tpu.vector_load %arg13[%get3A_231, %get3A_232] {strides = array<i32>} : memref<16x1024xf32, #tpu.memory_space<vmem>>, vector<1x16xf32>,
        %get3A_234 = vector.shape_cast %get3A_233 : vector<1x16xf32> to vector<16xf32>
        %get3A_235 = arith.index_cast %scan3A_192 : i32 to index
        %get3A_236 = arith.constant 64 : index
        %get3A_237 = tpu.vector_load %arg16[%get3A_235, %get3A_236] {strides = array<i32>} : memref<16x1024xf32, #tpu.memory_space<vmem>>, vector<1x16xf32>,
        %get3A_238 = vector.shape_cast %get3A_237 : vector<1x16xf32> to vector<16xf32>
        %mul3A_239 = arith.mulf %get3A_234, %get3A_238 : vector<16xf32>
        %add3A_240 = arith.addf %add3A_230, %mul3A_239 : vector<16xf32>
        %get3A_241 = arith.index_cast %scan3A_192 : i32 to index
        %get3A_242 = arith.constant 80 : index
        %get3A_243 = tpu.vector_load %arg13[%get3A_241, %get3A_242] {strides = array<i32>} : memref<16x1024xf32, #tpu.memory_space<vmem>>, vector<1x16xf32>,
        %get3A_244 = vector.shape_cast %get3A_243 : vector<1x16xf32> to vector<16xf32>
        %get3A_245 = arith.index_cast %scan3A_192 : i32 to index
        %get3A_246 = arith.constant 80 : index
        %get3A_247 = tpu.vector_load %arg16[%get3A_245, %get3A_246] {strides = array<i32>} : memref<16x1024xf32, #tpu.memory_space<vmem>>, vector<1x16xf32>,
        %get3A_248 = vector.shape_cast %get3A_247 : vector<1x16xf32> to vector<16xf32>
        %mul3A_249 = arith.mulf %get3A_244, %get3A_248 : vector<16xf32>
        %add3A_250 = arith.addf %add3A_240, %mul3A_249 : vector<16xf32>
        %get3A_251 = arith.index_cast %scan3A_192 : i32 to index
        %get3A_252 = arith.constant 96 : index
        %get3A_253 = tpu.vector_load %arg13[%get3A_251, %get3A_252] {strides = array<i32>} : memref<16x1024xf32, #tpu.memory_space<vmem>>, vector<1x16xf32>,
        %get3A_254 = vector.shape_cast %get3A_253 : vector<1x16xf32> to vector<16xf32>
        %get3A_255 = arith.index_cast %scan3A_192 : i32 to index
        %get3A_256 = arith.constant 96 : index
        %get3A_257 = tpu.vector_load %arg16[%get3A_255, %get3A_256] {strides = array<i32>} : memref<16x1024xf32, #tpu.memory_space<vmem>>, vector<1x16xf32>,
        %get3A_258 = vector.shape_cast %get3A_257 : vector<1x16xf32> to vector<16xf32>
        %mul3A_259 = arith.mulf %get3A_254, %get3A_258 : vector<16xf32>
        %add3A_260 = arith.addf %add3A_250, %mul3A_259 : vector<16xf32>
        %get3A_261 = arith.index_cast %scan3A_192 : i32 to index
        %get3A_262 = arith.constant 112 : index
        %get3A_263 = tpu.vector_load %arg13[%get3A_261, %get3A_262] {strides = array<i32>} : memref<16x1024xf32, #tpu.memory_space<vmem>>, vector<1x16xf32>,
        %get3A_264 = vector.shape_cast %get3A_263 : vector<1x16xf32> to vector<16xf32>
        %get3A_265 = arith.index_cast %scan3A_192 : i32 to index
        %get3A_266 = arith.constant 112 : index
        %get3A_267 = tpu.vector_load %arg16[%get3A_265, %get3A_266] {strides = array<i32>} : memref<16x1024xf32, #tpu.memory_space<vmem>>, vector<1x16xf32>,
        %get3A_268 = vector.shape_cast %get3A_267 : vector<1x16xf32> to vector<16xf32>
        %mul3A_269 = arith.mulf %get3A_264, %get3A_268 : vector<16xf32>
        %add3A_270 = arith.addf %add3A_260, %mul3A_269 : vector<16xf32>
        %get3A_271 = arith.index_cast %scan3A_192 : i32 to index
        %get3A_272 = arith.constant 128 : index
        %get3A_273 = tpu.vector_load %arg13[%get3A_271, %get3A_272] {strides = array<i32>} : memref<16x1024xf32, #tpu.memory_space<vmem>>, vector<1x16xf32>,
        %get3A_274 = vector.shape_cast %get3A_273 : vector<1x16xf32> to vector<16xf32>
        %get3A_275 = arith.index_cast %scan3A_192 : i32 to index
        %get3A_276 = arith.constant 128 : index
        %get3A_277 = tpu.vector_load %arg16[%get3A_275, %get3A_276] {strides = array<i32>} : memref<16x1024xf32, #tpu.memory_space<vmem>>, vector<1x16xf32>,
        %get3A_278 = vector.shape_cast %get3A_277 : vector<1x16xf32> to vector<16xf32>
        %mul3A_279 = arith.mulf %get3A_274, %get3A_278 : vector<16xf32>
        %add3A_280 = arith.addf %add3A_270, %mul3A_279 : vector<16xf32>
        %get3A_281 = arith.index_cast %scan3A_192 : i32 to index
        %get3A_282 = arith.constant 144 : index
        %get3A_283 = tpu.vector_load %arg13[%get3A_281, %get3A_282] {strides = array<i32>} : memref<16x1024xf32, #tpu.memory_space<vmem>>, vector<1x16xf32>,
        %get3A_284 = vector.shape_cast %get3A_283 : vector<1x16xf32> to vector<16xf32>
        %get3A_285 = arith.index_cast %scan3A_192 : i32 to index
        %get3A_286 = arith.constant 144 : index
        %get3A_287 = tpu.vector_load %arg16[%get3A_285, %get3A_286] {strides = array<i32>} : memref<16x1024xf32, #tpu.memory_space<vmem>>, vector<1x16xf32>,
        %get3A_288 = vector.shape_cast %get3A_287 : vector<1x16xf32> to vector<16xf32>
        %mul3A_289 = arith.mulf %get3A_284, %get3A_288 : vector<16xf32>
        %add3A_290 = arith.addf %add3A_280, %mul3A_289 : vector<16xf32>
        %get3A_291 = arith.index_cast %scan3A_192 : i32 to index
        %get3A_292 = arith.constant 160 : index
        %get3A_293 = tpu.vector_load %arg13[%get3A_291, %get3A_292] {strides = array<i32>} : memref<16x1024xf32, #tpu.memory_space<vmem>>, vector<1x16xf32>,
        %get3A_294 = vector.shape_cast %get3A_293 : vector<1x16xf32> to vector<16xf32>
        %get3A_295 = arith.index_cast %scan3A_192 : i32 to index
        %get3A_296 = arith.constant 160 : index
        %get3A_297 = tpu.vector_load %arg16[%get3A_295, %get3A_296] {strides = array<i32>} : memref<16x1024xf32, #tpu.memory_space<vmem>>, vector<1x16xf32>,
        %get3A_298 = vector.shape_cast %get3A_297 : vector<1x16xf32> to vector<16xf32>
        %mul3A_299 = arith.mulf %get3A_294, %get3A_298 : vector<16xf32>
        %add3A_300 = arith.addf %add3A_290, %mul3A_299 : vector<16xf32>
        %get3A_301 = arith.index_cast %scan3A_192 : i32 to index
        %get3A_302 = arith.constant 176 : index
        %get3A_303 = tpu.vector_load %arg13[%get3A_301, %get3A_302] {strides = array<i32>} : memref<16x1024xf32, #tpu.memory_space<vmem>>, vector<1x16xf32>,
        %get3A_304 = vector.shape_cast %get3A_303 : vector<1x16xf32> to vector<16xf32>
        %get3A_305 = arith.index_cast %scan3A_192 : i32 to index
        %get3A_306 = arith.constant 176 : index
        %get3A_307 = tpu.vector_load %arg16[%get3A_305, %get3A_306] {strides = array<i32>} : memref<16x1024xf32, #tpu.memory_space<vmem>>, vector<1x16xf32>,
        %get3A_308 = vector.shape_cast %get3A_307 : vector<1x16xf32> to vector<16xf32>
        %mul3A_309 = arith.mulf %get3A_304, %get3A_308 : vector<16xf32>
        %add3A_310 = arith.addf %add3A_300, %mul3A_309 : vector<16xf32>
        %get3A_311 = arith.index_cast %scan3A_192 : i32 to index
        %get3A_312 = arith.constant 192 : index
        %get3A_313 = tpu.vector_load %arg13[%get3A_311, %get3A_312] {strides = array<i32>} : memref<16x1024xf32, #tpu.memory_space<vmem>>, vector<1x16xf32>,
        %get3A_314 = vector.shape_cast %get3A_313 : vector<1x16xf32> to vector<16xf32>
        %get3A_315 = arith.index_cast %scan3A_192 : i32 to index
        %get3A_316 = arith.constant 192 : index
        %get3A_317 = tpu.vector_load %arg16[%get3A_315, %get3A_316] {strides = array<i32>} : memref<16x1024xf32, #tpu.memory_space<vmem>>, vector<1x16xf32>,
        %get3A_318 = vector.shape_cast %get3A_317 : vector<1x16xf32> to vector<16xf32>
        %mul3A_319 = arith.mulf %get3A_314, %get3A_318 : vector<16xf32>
        %add3A_320 = arith.addf %add3A_310, %mul3A_319 : vector<16xf32>
        %get3A_321 = arith.index_cast %scan3A_192 : i32 to index
        %get3A_322 = arith.constant 208 : index
        %get3A_323 = tpu.vector_load %arg13[%get3A_321, %get3A_322] {strides = array<i32>} : memref<16x1024xf32, #tpu.memory_space<vmem>>, vector<1x16xf32>,
        %get3A_324 = vector.shape_cast %get3A_323 : vector<1x16xf32> to vector<16xf32>
        %get3A_325 = arith.index_cast %scan3A_192 : i32 to index
        %get3A_326 = arith.constant 208 : index
        %get3A_327 = tpu.vector_load %arg16[%get3A_325, %get3A_326] {strides = array<i32>} : memref<16x1024xf32, #tpu.memory_space<vmem>>, vector<1x16xf32>,
        %get3A_328 = vector.shape_cast %get3A_327 : vector<1x16xf32> to vector<16xf32>
        %mul3A_329 = arith.mulf %get3A_324, %get3A_328 : vector<16xf32>
        %add3A_330 = arith.addf %add3A_320, %mul3A_329 : vector<16xf32>
        %get3A_331 = arith.index_cast %scan3A_192 : i32 to index
        %get3A_332 = arith.constant 224 : index
        %get3A_333 = tpu.vector_load %arg13[%get3A_331, %get3A_332] {strides = array<i32>} : memref<16x1024xf32, #tpu.memory_space<vmem>>, vector<1x16xf32>,
        %get3A_334 = vector.shape_cast %get3A_333 : vector<1x16xf32> to vector<16xf32>
        %get3A_335 = arith.index_cast %scan3A_192 : i32 to index
        %get3A_336 = arith.constant 224 : index
        %get3A_337 = tpu.vector_load %arg16[%get3A_335, %get3A_336] {strides = array<i32>} : memref<16x1024xf32, #tpu.memory_space<vmem>>, vector<1x16xf32>,
        %get3A_338 = vector.shape_cast %get3A_337 : vector<1x16xf32> to vector<16xf32>
        %mul3A_339 = arith.mulf %get3A_334, %get3A_338 : vector<16xf32>
        %add3A_340 = arith.addf %add3A_330, %mul3A_339 : vector<16xf32>
        %get3A_341 = arith.index_cast %scan3A_192 : i32 to index
        %get3A_342 = arith.constant 240 : index
        %get3A_343 = tpu.vector_load %arg13[%get3A_341, %get3A_342] {strides = array<i32>} : memref<16x1024xf32, #tpu.memory_space<vmem>>, vector<1x16xf32>,
        %get3A_344 = vector.shape_cast %get3A_343 : vector<1x16xf32> to vector<16xf32>
        %get3A_345 = arith.index_cast %scan3A_192 : i32 to index
        %get3A_346 = arith.constant 240 : index
        %get3A_347 = tpu.vector_load %arg16[%get3A_345, %get3A_346] {strides = array<i32>} : memref<16x1024xf32, #tpu.memory_space<vmem>>, vector<1x16xf32>,
        %get3A_348 = vector.shape_cast %get3A_347 : vector<1x16xf32> to vector<16xf32>
        %mul3A_349 = arith.mulf %get3A_344, %get3A_348 : vector<16xf32>
        %add3A_350 = arith.addf %add3A_340, %mul3A_349 : vector<16xf32>
        %get3A_351 = arith.index_cast %scan3A_192 : i32 to index
        %get3A_352 = arith.constant 256 : index
        %get3A_353 = tpu.vector_load %arg13[%get3A_351, %get3A_352] {strides = array<i32>} : memref<16x1024xf32, #tpu.memory_space<vmem>>, vector<1x16xf32>,
        %get3A_354 = vector.shape_cast %get3A_353 : vector<1x16xf32> to vector<16xf32>
        %get3A_355 = arith.index_cast %scan3A_192 : i32 to index
        %get3A_356 = arith.constant 256 : index
        %get3A_357 = tpu.vector_load %arg16[%get3A_355, %get3A_356] {strides = array<i32>} : memref<16x1024xf32, #tpu.memory_space<vmem>>, vector<1x16xf32>,
        %get3A_358 = vector.shape_cast %get3A_357 : vector<1x16xf32> to vector<16xf32>
        %mul3A_359 = arith.mulf %get3A_354, %get3A_358 : vector<16xf32>
        %add3A_360 = arith.addf %add3A_350, %mul3A_359 : vector<16xf32>
        %get3A_361 = arith.index_cast %scan3A_192 : i32 to index
        %get3A_362 = arith.constant 272 : index
        %get3A_363 = tpu.vector_load %arg13[%get3A_361, %get3A_362] {strides = array<i32>} : memref<16x1024xf32, #tpu.memory_space<vmem>>, vector<1x16xf32>,
        %get3A_364 = vector.shape_cast %get3A_363 : vector<1x16xf32> to vector<16xf32>
        %get3A_365 = arith.index_cast %scan3A_192 : i32 to index
        %get3A_366 = arith.constant 272 : index
        %get3A_367 = tpu.vector_load %arg16[%get3A_365, %get3A_366] {strides = array<i32>} : memref<16x1024xf32, #tpu.memory_space<vmem>>, vector<1x16xf32>,
        %get3A_368 = vector.shape_cast %get3A_367 : vector<1x16xf32> to vector<16xf32>
        %mul3A_369 = arith.mulf %get3A_364, %get3A_368 : vector<16xf32>
        %add3A_370 = arith.addf %add3A_360, %mul3A_369 : vector<16xf32>
        %get3A_371 = arith.index_cast %scan3A_192 : i32 to index
        %get3A_372 = arith.constant 288 : index
        %get3A_373 = tpu.vector_load %arg13[%get3A_371, %get3A_372] {strides = array<i32>} : memref<16x1024xf32, #tpu.memory_space<vmem>>, vector<1x16xf32>,
        %get3A_374 = vector.shape_cast %get3A_373 : vector<1x16xf32> to vector<16xf32>
        %get3A_375 = arith.index_cast %scan3A_192 : i32 to index
        %get3A_376 = arith.constant 288 : index
        %get3A_377 = tpu.vector_load %arg16[%get3A_375, %get3A_376] {strides = array<i32>} : memref<16x1024xf32, #tpu.memory_space<vmem>>, vector<1x16xf32>,
        %get3A_378 = vector.shape_cast %get3A_377 : vector<1x16xf32> to vector<16xf32>
        %mul3A_379 = arith.mulf %get3A_374, %get3A_378 : vector<16xf32>
        %add3A_380 = arith.addf %add3A_370, %mul3A_379 : vector<16xf32>
        %get3A_381 = arith.index_cast %scan3A_192 : i32 to index
        %get3A_382 = arith.constant 304 : index
        %get3A_383 = tpu.vector_load %arg13[%get3A_381, %get3A_382] {strides = array<i32>} : memref<16x1024xf32, #tpu.memory_space<vmem>>, vector<1x16xf32>,
        %get3A_384 = vector.shape_cast %get3A_383 : vector<1x16xf32> to vector<16xf32>
        %get3A_385 = arith.index_cast %scan3A_192 : i32 to index
        %get3A_386 = arith.constant 304 : index
        %get3A_387 = tpu.vector_load %arg16[%get3A_385, %get3A_386] {strides = array<i32>} : memref<16x1024xf32, #tpu.memory_space<vmem>>, vector<1x16xf32>,
        %get3A_388 = vector.shape_cast %get3A_387 : vector<1x16xf32> to vector<16xf32>
        %mul3A_389 = arith.mulf %get3A_384, %get3A_388 : vector<16xf32>
        %add3A_390 = arith.addf %add3A_380, %mul3A_389 : vector<16xf32>
        %get3A_391 = arith.index_cast %scan3A_192 : i32 to index
        %get3A_392 = arith.constant 320 : index
        %get3A_393 = tpu.vector_load %arg13[%get3A_391, %get3A_392] {strides = array<i32>} : memref<16x1024xf32, #tpu.memory_space<vmem>>, vector<1x16xf32>,
        %get3A_394 = vector.shape_cast %get3A_393 : vector<1x16xf32> to vector<16xf32>
        %get3A_395 = arith.index_cast %scan3A_192 : i32 to index
        %get3A_396 = arith.constant 320 : index
        %get3A_397 = tpu.vector_load %arg16[%get3A_395, %get3A_396] {strides = array<i32>} : memref<16x1024xf32, #tpu.memory_space<vmem>>, vector<1x16xf32>,
        %get3A_398 = vector.shape_cast %get3A_397 : vector<1x16xf32> to vector<16xf32>
        %mul3A_399 = arith.mulf %get3A_394, %get3A_398 : vector<16xf32>
        %add3A_400 = arith.addf %add3A_390, %mul3A_399 : vector<16xf32>
        %get3A_401 = arith.index_cast %scan3A_192 : i32 to index
        %get3A_402 = arith.constant 336 : index
        %get3A_403 = tpu.vector_load %arg13[%get3A_401, %get3A_402] {strides = array<i32>} : memref<16x1024xf32, #tpu.memory_space<vmem>>, vector<1x16xf32>,
        %get3A_404 = vector.shape_cast %get3A_403 : vector<1x16xf32> to vector<16xf32>
        %get3A_405 = arith.index_cast %scan3A_192 : i32 to index
        %get3A_406 = arith.constant 336 : index
        %get3A_407 = tpu.vector_load %arg16[%get3A_405, %get3A_406] {strides = array<i32>} : memref<16x1024xf32, #tpu.memory_space<vmem>>, vector<1x16xf32>,
        %get3A_408 = vector.shape_cast %get3A_407 : vector<1x16xf32> to vector<16xf32>
        %mul3A_409 = arith.mulf %get3A_404, %get3A_408 : vector<16xf32>
        %add3A_410 = arith.addf %add3A_400, %mul3A_409 : vector<16xf32>
        %get3A_411 = arith.index_cast %scan3A_192 : i32 to index
        %get3A_412 = arith.constant 352 : index
        %get3A_413 = tpu.vector_load %arg13[%get3A_411, %get3A_412] {strides = array<i32>} : memref<16x1024xf32, #tpu.memory_space<vmem>>, vector<1x16xf32>,
        %get3A_414 = vector.shape_cast %get3A_413 : vector<1x16xf32> to vector<16xf32>
        %get3A_415 = arith.index_cast %scan3A_192 : i32 to index
        %get3A_416 = arith.constant 352 : index
        %get3A_417 = tpu.vector_load %arg16[%get3A_415, %get3A_416] {strides = array<i32>} : memref<16x1024xf32, #tpu.memory_space<vmem>>, vector<1x16xf32>,
        %get3A_418 = vector.shape_cast %get3A_417 : vector<1x16xf32> to vector<16xf32>
        %mul3A_419 = arith.mulf %get3A_414, %get3A_418 : vector<16xf32>
        %add3A_420 = arith.addf %add3A_410, %mul3A_419 : vector<16xf32>
        %get3A_421 = arith.index_cast %scan3A_192 : i32 to index
        %get3A_422 = arith.constant 368 : index
        %get3A_423 = tpu.vector_load %arg13[%get3A_421, %get3A_422] {strides = array<i32>} : memref<16x1024xf32, #tpu.memory_space<vmem>>, vector<1x16xf32>,
        %get3A_424 = vector.shape_cast %get3A_423 : vector<1x16xf32> to vector<16xf32>
        %get3A_425 = arith.index_cast %scan3A_192 : i32 to index
        %get3A_426 = arith.constant 368 : index
        %get3A_427 = tpu.vector_load %arg16[%get3A_425, %get3A_426] {strides = array<i32>} : memref<16x1024xf32, #tpu.memory_space<vmem>>, vector<1x16xf32>,
        %get3A_428 = vector.shape_cast %get3A_427 : vector<1x16xf32> to vector<16xf32>
        %mul3A_429 = arith.mulf %get3A_424, %get3A_428 : vector<16xf32>
        %add3A_430 = arith.addf %add3A_420, %mul3A_429 : vector<16xf32>
        %get3A_431 = arith.index_cast %scan3A_192 : i32 to index
        %get3A_432 = arith.constant 384 : index
        %get3A_433 = tpu.vector_load %arg13[%get3A_431, %get3A_432] {strides = array<i32>} : memref<16x1024xf32, #tpu.memory_space<vmem>>, vector<1x16xf32>,
        %get3A_434 = vector.shape_cast %get3A_433 : vector<1x16xf32> to vector<16xf32>
        %get3A_435 = arith.index_cast %scan3A_192 : i32 to index
        %get3A_436 = arith.constant 384 : index
        %get3A_437 = tpu.vector_load %arg16[%get3A_435, %get3A_436] {strides = array<i32>} : memref<16x1024xf32, #tpu.memory_space<vmem>>, vector<1x16xf32>,
        %get3A_438 = vector.shape_cast %get3A_437 : vector<1x16xf32> to vector<16xf32>
        %mul3A_439 = arith.mulf %get3A_434, %get3A_438 : vector<16xf32>
        %add3A_440 = arith.addf %add3A_430, %mul3A_439 : vector<16xf32>
        %get3A_441 = arith.index_cast %scan3A_192 : i32 to index
        %get3A_442 = arith.constant 400 : index
        %get3A_443 = tpu.vector_load %arg13[%get3A_441, %get3A_442] {strides = array<i32>} : memref<16x1024xf32, #tpu.memory_space<vmem>>, vector<1x16xf32>,
        %get3A_444 = vector.shape_cast %get3A_443 : vector<1x16xf32> to vector<16xf32>
        %get3A_445 = arith.index_cast %scan3A_192 : i32 to index
        %get3A_446 = arith.constant 400 : index
        %get3A_447 = tpu.vector_load %arg16[%get3A_445, %get3A_446] {strides = array<i32>} : memref<16x1024xf32, #tpu.memory_space<vmem>>, vector<1x16xf32>,
        %get3A_448 = vector.shape_cast %get3A_447 : vector<1x16xf32> to vector<16xf32>
        %mul3A_449 = arith.mulf %get3A_444, %get3A_448 : vector<16xf32>
        %add3A_450 = arith.addf %add3A_440, %mul3A_449 : vector<16xf32>
        %get3A_451 = arith.index_cast %scan3A_192 : i32 to index
        %get3A_452 = arith.constant 416 : index
        %get3A_453 = tpu.vector_load %arg13[%get3A_451, %get3A_452] {strides = array<i32>} : memref<16x1024xf32, #tpu.memory_space<vmem>>, vector<1x16xf32>,
        %get3A_454 = vector.shape_cast %get3A_453 : vector<1x16xf32> to vector<16xf32>
        %get3A_455 = arith.index_cast %scan3A_192 : i32 to index
        %get3A_456 = arith.constant 416 : index
        %get3A_457 = tpu.vector_load %arg16[%get3A_455, %get3A_456] {strides = array<i32>} : memref<16x1024xf32, #tpu.memory_space<vmem>>, vector<1x16xf32>,
        %get3A_458 = vector.shape_cast %get3A_457 : vector<1x16xf32> to vector<16xf32>
        %mul3A_459 = arith.mulf %get3A_454, %get3A_458 : vector<16xf32>
        %add3A_460 = arith.addf %add3A_450, %mul3A_459 : vector<16xf32>
        %get3A_461 = arith.index_cast %scan3A_192 : i32 to index
        %get3A_462 = arith.constant 432 : index
        %get3A_463 = tpu.vector_load %arg13[%get3A_461, %get3A_462] {strides = array<i32>} : memref<16x1024xf32, #tpu.memory_space<vmem>>, vector<1x16xf32>,
        %get3A_464 = vector.shape_cast %get3A_463 : vector<1x16xf32> to vector<16xf32>
        %get3A_465 = arith.index_cast %scan3A_192 : i32 to index
        %get3A_466 = arith.constant 432 : index
        %get3A_467 = tpu.vector_load %arg16[%get3A_465, %get3A_466] {strides = array<i32>} : memref<16x1024xf32, #tpu.memory_space<vmem>>, vector<1x16xf32>,
        %get3A_468 = vector.shape_cast %get3A_467 : vector<1x16xf32> to vector<16xf32>
        %mul3A_469 = arith.mulf %get3A_464, %get3A_468 : vector<16xf32>
        %add3A_470 = arith.addf %add3A_460, %mul3A_469 : vector<16xf32>
        %get3A_471 = arith.index_cast %scan3A_192 : i32 to index
        %get3A_472 = arith.constant 448 : index
        %get3A_473 = tpu.vector_load %arg13[%get3A_471, %get3A_472] {strides = array<i32>} : memref<16x1024xf32, #tpu.memory_space<vmem>>, vector<1x16xf32>,
        %get3A_474 = vector.shape_cast %get3A_473 : vector<1x16xf32> to vector<16xf32>
        %get3A_475 = arith.index_cast %scan3A_192 : i32 to index
        %get3A_476 = arith.constant 448 : index
        %get3A_477 = tpu.vector_load %arg16[%get3A_475, %get3A_476] {strides = array<i32>} : memref<16x1024xf32, #tpu.memory_space<vmem>>, vector<1x16xf32>,
        %get3A_478 = vector.shape_cast %get3A_477 : vector<1x16xf32> to vector<16xf32>
        %mul3A_479 = arith.mulf %get3A_474, %get3A_478 : vector<16xf32>
        %add3A_480 = arith.addf %add3A_470, %mul3A_479 : vector<16xf32>
        %get3A_481 = arith.index_cast %scan3A_192 : i32 to index
        %get3A_482 = arith.constant 464 : index
        %get3A_483 = tpu.vector_load %arg13[%get3A_481, %get3A_482] {strides = array<i32>} : memref<16x1024xf32, #tpu.memory_space<vmem>>, vector<1x16xf32>,
        %get3A_484 = vector.shape_cast %get3A_483 : vector<1x16xf32> to vector<16xf32>
        %get3A_485 = arith.index_cast %scan3A_192 : i32 to index
        %get3A_486 = arith.constant 464 : index
        %get3A_487 = tpu.vector_load %arg16[%get3A_485, %get3A_486] {strides = array<i32>} : memref<16x1024xf32, #tpu.memory_space<vmem>>, vector<1x16xf32>,
        %get3A_488 = vector.shape_cast %get3A_487 : vector<1x16xf32> to vector<16xf32>
        %mul3A_489 = arith.mulf %get3A_484, %get3A_488 : vector<16xf32>
        %add3A_490 = arith.addf %add3A_480, %mul3A_489 : vector<16xf32>
        %get3A_491 = arith.index_cast %scan3A_192 : i32 to index
        %get3A_492 = arith.constant 480 : index
        %get3A_493 = tpu.vector_load %arg13[%get3A_491, %get3A_492] {strides = array<i32>} : memref<16x1024xf32, #tpu.memory_space<vmem>>, vector<1x16xf32>,
        %get3A_494 = vector.shape_cast %get3A_493 : vector<1x16xf32> to vector<16xf32>
        %get3A_495 = arith.index_cast %scan3A_192 : i32 to index
        %get3A_496 = arith.constant 480 : index
        %get3A_497 = tpu.vector_load %arg16[%get3A_495, %get3A_496] {strides = array<i32>} : memref<16x1024xf32, #tpu.memory_space<vmem>>, vector<1x16xf32>,
        %get3A_498 = vector.shape_cast %get3A_497 : vector<1x16xf32> to vector<16xf32>
        %mul3A_499 = arith.mulf %get3A_494, %get3A_498 : vector<16xf32>
        %add3A_500 = arith.addf %add3A_490, %mul3A_499 : vector<16xf32>
        %get3A_501 = arith.index_cast %scan3A_192 : i32 to index
        %get3A_502 = arith.constant 496 : index
        %get3A_503 = tpu.vector_load %arg13[%get3A_501, %get3A_502] {strides = array<i32>} : memref<16x1024xf32, #tpu.memory_space<vmem>>, vector<1x16xf32>,
        %get3A_504 = vector.shape_cast %get3A_503 : vector<1x16xf32> to vector<16xf32>
        %get3A_505 = arith.index_cast %scan3A_192 : i32 to index
        %get3A_506 = arith.constant 496 : index
        %get3A_507 = tpu.vector_load %arg16[%get3A_505, %get3A_506] {strides = array<i32>} : memref<16x1024xf32, #tpu.memory_space<vmem>>, vector<1x16xf32>,
        %get3A_508 = vector.shape_cast %get3A_507 : vector<1x16xf32> to vector<16xf32>
        %mul3A_509 = arith.mulf %get3A_504, %get3A_508 : vector<16xf32>
        %add3A_510 = arith.addf %add3A_500, %mul3A_509 : vector<16xf32>
        %get3A_511 = arith.index_cast %scan3A_192 : i32 to index
        %get3A_512 = arith.constant 512 : index
        %get3A_513 = tpu.vector_load %arg13[%get3A_511, %get3A_512] {strides = array<i32>} : memref<16x1024xf32, #tpu.memory_space<vmem>>, vector<1x16xf32>,
        %get3A_514 = vector.shape_cast %get3A_513 : vector<1x16xf32> to vector<16xf32>
        %get3A_515 = arith.index_cast %scan3A_192 : i32 to index
        %get3A_516 = arith.constant 512 : index
        %get3A_517 = tpu.vector_load %arg16[%get3A_515, %get3A_516] {strides = array<i32>} : memref<16x1024xf32, #tpu.memory_space<vmem>>, vector<1x16xf32>,
        %get3A_518 = vector.shape_cast %get3A_517 : vector<1x16xf32> to vector<16xf32>
        %mul3A_519 = arith.mulf %get3A_514, %get3A_518 : vector<16xf32>
        %add3A_520 = arith.addf %add3A_510, %mul3A_519 : vector<16xf32>
        %get3A_521 = arith.index_cast %scan3A_192 : i32 to index
        %get3A_522 = arith.constant 528 : index
        %get3A_523 = tpu.vector_load %arg13[%get3A_521, %get3A_522] {strides = array<i32>} : memref<16x1024xf32, #tpu.memory_space<vmem>>, vector<1x16xf32>,
        %get3A_524 = vector.shape_cast %get3A_523 : vector<1x16xf32> to vector<16xf32>
        %get3A_525 = arith.index_cast %scan3A_192 : i32 to index
        %get3A_526 = arith.constant 528 : index
        %get3A_527 = tpu.vector_load %arg16[%get3A_525, %get3A_526] {strides = array<i32>} : memref<16x1024xf32, #tpu.memory_space<vmem>>, vector<1x16xf32>,
        %get3A_528 = vector.shape_cast %get3A_527 : vector<1x16xf32> to vector<16xf32>
        %mul3A_529 = arith.mulf %get3A_524, %get3A_528 : vector<16xf32>
        %add3A_530 = arith.addf %add3A_520, %mul3A_529 : vector<16xf32>
        %get3A_531 = arith.index_cast %scan3A_192 : i32 to index
        %get3A_532 = arith.constant 544 : index
        %get3A_533 = tpu.vector_load %arg13[%get3A_531, %get3A_532] {strides = array<i32>} : memref<16x1024xf32, #tpu.memory_space<vmem>>, vector<1x16xf32>,
        %get3A_534 = vector.shape_cast %get3A_533 : vector<1x16xf32> to vector<16xf32>
        %get3A_535 = arith.index_cast %scan3A_192 : i32 to index
        %get3A_536 = arith.constant 544 : index
        %get3A_537 = tpu.vector_load %arg16[%get3A_535, %get3A_536] {strides = array<i32>} : memref<16x1024xf32, #tpu.memory_space<vmem>>, vector<1x16xf32>,
        %get3A_538 = vector.shape_cast %get3A_537 : vector<1x16xf32> to vector<16xf32>
        %mul3A_539 = arith.mulf %get3A_534, %get3A_538 : vector<16xf32>
        %add3A_540 = arith.addf %add3A_530, %mul3A_539 : vector<16xf32>
        %get3A_541 = arith.index_cast %scan3A_192 : i32 to index
        %get3A_542 = arith.constant 560 : index
        %get3A_543 = tpu.vector_load %arg13[%get3A_541, %get3A_542] {strides = array<i32>} : memref<16x1024xf32, #tpu.memory_space<vmem>>, vector<1x16xf32>,
        %get3A_544 = vector.shape_cast %get3A_543 : vector<1x16xf32> to vector<16xf32>
        %get3A_545 = arith.index_cast %scan3A_192 : i32 to index
        %get3A_546 = arith.constant 560 : index
        %get3A_547 = tpu.vector_load %arg16[%get3A_545, %get3A_546] {strides = array<i32>} : memref<16x1024xf32, #tpu.memory_space<vmem>>, vector<1x16xf32>,
        %get3A_548 = vector.shape_cast %get3A_547 : vector<1x16xf32> to vector<16xf32>
        %mul3A_549 = arith.mulf %get3A_544, %get3A_548 : vector<16xf32>
        %add3A_550 = arith.addf %add3A_540, %mul3A_549 : vector<16xf32>
        %get3A_551 = arith.index_cast %scan3A_192 : i32 to index
        %get3A_552 = arith.constant 576 : index
        %get3A_553 = tpu.vector_load %arg13[%get3A_551, %get3A_552] {strides = array<i32>} : memref<16x1024xf32, #tpu.memory_space<vmem>>, vector<1x16xf32>,
        %get3A_554 = vector.shape_cast %get3A_553 : vector<1x16xf32> to vector<16xf32>
        %get3A_555 = arith.index_cast %scan3A_192 : i32 to index
        %get3A_556 = arith.constant 576 : index
        %get3A_557 = tpu.vector_load %arg16[%get3A_555, %get3A_556] {strides = array<i32>} : memref<16x1024xf32, #tpu.memory_space<vmem>>, vector<1x16xf32>,
        %get3A_558 = vector.shape_cast %get3A_557 : vector<1x16xf32> to vector<16xf32>
        %mul3A_559 = arith.mulf %get3A_554, %get3A_558 : vector<16xf32>
        %add3A_560 = arith.addf %add3A_550, %mul3A_559 : vector<16xf32>
        %get3A_561 = arith.index_cast %scan3A_192 : i32 to index
        %get3A_562 = arith.constant 592 : index
        %get3A_563 = tpu.vector_load %arg13[%get3A_561, %get3A_562] {strides = array<i32>} : memref<16x1024xf32, #tpu.memory_space<vmem>>, vector<1x16xf32>,
        %get3A_564 = vector.shape_cast %get3A_563 : vector<1x16xf32> to vector<16xf32>
        %get3A_565 = arith.index_cast %scan3A_192 : i32 to index
        %get3A_566 = arith.constant 592 : index
        %get3A_567 = tpu.vector_load %arg16[%get3A_565, %get3A_566] {strides = array<i32>} : memref<16x1024xf32, #tpu.memory_space<vmem>>, vector<1x16xf32>,
        %get3A_568 = vector.shape_cast %get3A_567 : vector<1x16xf32> to vector<16xf32>
        %mul3A_569 = arith.mulf %get3A_564, %get3A_568 : vector<16xf32>
        %add3A_570 = arith.addf %add3A_560, %mul3A_569 : vector<16xf32>
        %get3A_571 = arith.index_cast %scan3A_192 : i32 to index
        %get3A_572 = arith.constant 608 : index
        %get3A_573 = tpu.vector_load %arg13[%get3A_571, %get3A_572] {strides = array<i32>} : memref<16x1024xf32, #tpu.memory_space<vmem>>, vector<1x16xf32>,
        %get3A_574 = vector.shape_cast %get3A_573 : vector<1x16xf32> to vector<16xf32>
        %get3A_575 = arith.index_cast %scan3A_192 : i32 to index
        %get3A_576 = arith.constant 608 : index
        %get3A_577 = tpu.vector_load %arg16[%get3A_575, %get3A_576] {strides = array<i32>} : memref<16x1024xf32, #tpu.memory_space<vmem>>, vector<1x16xf32>,
        %get3A_578 = vector.shape_cast %get3A_577 : vector<1x16xf32> to vector<16xf32>
        %mul3A_579 = arith.mulf %get3A_574, %get3A_578 : vector<16xf32>
        %add3A_580 = arith.addf %add3A_570, %mul3A_579 : vector<16xf32>
        %get3A_581 = arith.index_cast %scan3A_192 : i32 to index
        %get3A_582 = arith.constant 624 : index
        %get3A_583 = tpu.vector_load %arg13[%get3A_581, %get3A_582] {strides = array<i32>} : memref<16x1024xf32, #tpu.memory_space<vmem>>, vector<1x16xf32>,
        %get3A_584 = vector.shape_cast %get3A_583 : vector<1x16xf32> to vector<16xf32>
        %get3A_585 = arith.index_cast %scan3A_192 : i32 to index
        %get3A_586 = arith.constant 624 : index
        %get3A_587 = tpu.vector_load %arg16[%get3A_585, %get3A_586] {strides = array<i32>} : memref<16x1024xf32, #tpu.memory_space<vmem>>, vector<1x16xf32>,
        %get3A_588 = vector.shape_cast %get3A_587 : vector<1x16xf32> to vector<16xf32>
        %mul3A_589 = arith.mulf %get3A_584, %get3A_588 : vector<16xf32>
        %add3A_590 = arith.addf %add3A_580, %mul3A_589 : vector<16xf32>
        %get3A_591 = arith.index_cast %scan3A_192 : i32 to index
        %get3A_592 = arith.constant 640 : index
        %get3A_593 = tpu.vector_load %arg13[%get3A_591, %get3A_592] {strides = array<i32>} : memref<16x1024xf32, #tpu.memory_space<vmem>>, vector<1x16xf32>,
        %get3A_594 = vector.shape_cast %get3A_593 : vector<1x16xf32> to vector<16xf32>
        %get3A_595 = arith.index_cast %scan3A_192 : i32 to index
        %get3A_596 = arith.constant 640 : index
        %get3A_597 = tpu.vector_load %arg16[%get3A_595, %get3A_596] {strides = array<i32>} : memref<16x1024xf32, #tpu.memory_space<vmem>>, vector<1x16xf32>,
        %get3A_598 = vector.shape_cast %get3A_597 : vector<1x16xf32> to vector<16xf32>
        %mul3A_599 = arith.mulf %get3A_594, %get3A_598 : vector<16xf32>
        %add3A_600 = arith.addf %add3A_590, %mul3A_599 : vector<16xf32>
        %get3A_601 = arith.index_cast %scan3A_192 : i32 to index
        %get3A_602 = arith.constant 656 : index
        %get3A_603 = tpu.vector_load %arg13[%get3A_601, %get3A_602] {strides = array<i32>} : memref<16x1024xf32, #tpu.memory_space<vmem>>, vector<1x16xf32>,
        %get3A_604 = vector.shape_cast %get3A_603 : vector<1x16xf32> to vector<16xf32>
        %get3A_605 = arith.index_cast %scan3A_192 : i32 to index
        %get3A_606 = arith.constant 656 : index
        %get3A_607 = tpu.vector_load %arg16[%get3A_605, %get3A_606] {strides = array<i32>} : memref<16x1024xf32, #tpu.memory_space<vmem>>, vector<1x16xf32>,
        %get3A_608 = vector.shape_cast %get3A_607 : vector<1x16xf32> to vector<16xf32>
        %mul3A_609 = arith.mulf %get3A_604, %get3A_608 : vector<16xf32>
        %add3A_610 = arith.addf %add3A_600, %mul3A_609 : vector<16xf32>
        %get3A_611 = arith.index_cast %scan3A_192 : i32 to index
        %get3A_612 = arith.constant 672 : index
        %get3A_613 = tpu.vector_load %arg13[%get3A_611, %get3A_612] {strides = array<i32>} : memref<16x1024xf32, #tpu.memory_space<vmem>>, vector<1x16xf32>,
        %get3A_614 = vector.shape_cast %get3A_613 : vector<1x16xf32> to vector<16xf32>
        %get3A_615 = arith.index_cast %scan3A_192 : i32 to index
        %get3A_616 = arith.constant 672 : index
        %get3A_617 = tpu.vector_load %arg16[%get3A_615, %get3A_616] {strides = array<i32>} : memref<16x1024xf32, #tpu.memory_space<vmem>>, vector<1x16xf32>,
        %get3A_618 = vector.shape_cast %get3A_617 : vector<1x16xf32> to vector<16xf32>
        %mul3A_619 = arith.mulf %get3A_614, %get3A_618 : vector<16xf32>
        %add3A_620 = arith.addf %add3A_610, %mul3A_619 : vector<16xf32>
        %get3A_621 = arith.index_cast %scan3A_192 : i32 to index
        %get3A_622 = arith.constant 688 : index
        %get3A_623 = tpu.vector_load %arg13[%get3A_621, %get3A_622] {strides = array<i32>} : memref<16x1024xf32, #tpu.memory_space<vmem>>, vector<1x16xf32>,
        %get3A_624 = vector.shape_cast %get3A_623 : vector<1x16xf32> to vector<16xf32>
        %get3A_625 = arith.index_cast %scan3A_192 : i32 to index
        %get3A_626 = arith.constant 688 : index
        %get3A_627 = tpu.vector_load %arg16[%get3A_625, %get3A_626] {strides = array<i32>} : memref<16x1024xf32, #tpu.memory_space<vmem>>, vector<1x16xf32>,
        %get3A_628 = vector.shape_cast %get3A_627 : vector<1x16xf32> to vector<16xf32>
        %mul3A_629 = arith.mulf %get3A_624, %get3A_628 : vector<16xf32>
        %add3A_630 = arith.addf %add3A_620, %mul3A_629 : vector<16xf32>
        %get3A_631 = arith.index_cast %scan3A_192 : i32 to index
        %get3A_632 = arith.constant 704 : index
        %get3A_633 = tpu.vector_load %arg13[%get3A_631, %get3A_632] {strides = array<i32>} : memref<16x1024xf32, #tpu.memory_space<vmem>>, vector<1x16xf32>,
        %get3A_634 = vector.shape_cast %get3A_633 : vector<1x16xf32> to vector<16xf32>
        %get3A_635 = arith.index_cast %scan3A_192 : i32 to index
        %get3A_636 = arith.constant 704 : index
        %get3A_637 = tpu.vector_load %arg16[%get3A_635, %get3A_636] {strides = array<i32>} : memref<16x1024xf32, #tpu.memory_space<vmem>>, vector<1x16xf32>,
        %get3A_638 = vector.shape_cast %get3A_637 : vector<1x16xf32> to vector<16xf32>
        %mul3A_639 = arith.mulf %get3A_634, %get3A_638 : vector<16xf32>
        %add3A_640 = arith.addf %add3A_630, %mul3A_639 : vector<16xf32>
        %get3A_641 = arith.index_cast %scan3A_192 : i32 to index
        %get3A_642 = arith.constant 720 : index
        %get3A_643 = tpu.vector_load %arg13[%get3A_641, %get3A_642] {strides = array<i32>} : memref<16x1024xf32, #tpu.memory_space<vmem>>, vector<1x16xf32>,
        %get3A_644 = vector.shape_cast %get3A_643 : vector<1x16xf32> to vector<16xf32>
        %get3A_645 = arith.index_cast %scan3A_192 : i32 to index
        %get3A_646 = arith.constant 720 : index
        %get3A_647 = tpu.vector_load %arg16[%get3A_645, %get3A_646] {strides = array<i32>} : memref<16x1024xf32, #tpu.memory_space<vmem>>, vector<1x16xf32>,
        %get3A_648 = vector.shape_cast %get3A_647 : vector<1x16xf32> to vector<16xf32>
        %mul3A_649 = arith.mulf %get3A_644, %get3A_648 : vector<16xf32>
        %add3A_650 = arith.addf %add3A_640, %mul3A_649 : vector<16xf32>
        %get3A_651 = arith.index_cast %scan3A_192 : i32 to index
        %get3A_652 = arith.constant 736 : index
        %get3A_653 = tpu.vector_load %arg13[%get3A_651, %get3A_652] {strides = array<i32>} : memref<16x1024xf32, #tpu.memory_space<vmem>>, vector<1x16xf32>,
        %get3A_654 = vector.shape_cast %get3A_653 : vector<1x16xf32> to vector<16xf32>
        %get3A_655 = arith.index_cast %scan3A_192 : i32 to index
        %get3A_656 = arith.constant 736 : index
        %get3A_657 = tpu.vector_load %arg16[%get3A_655, %get3A_656] {strides = array<i32>} : memref<16x1024xf32, #tpu.memory_space<vmem>>, vector<1x16xf32>,
        %get3A_658 = vector.shape_cast %get3A_657 : vector<1x16xf32> to vector<16xf32>
        %mul3A_659 = arith.mulf %get3A_654, %get3A_658 : vector<16xf32>
        %add3A_660 = arith.addf %add3A_650, %mul3A_659 : vector<16xf32>
        %get3A_661 = arith.index_cast %scan3A_192 : i32 to index
        %get3A_662 = arith.constant 752 : index
        %get3A_663 = tpu.vector_load %arg13[%get3A_661, %get3A_662] {strides = array<i32>} : memref<16x1024xf32, #tpu.memory_space<vmem>>, vector<1x16xf32>,
        %get3A_664 = vector.shape_cast %get3A_663 : vector<1x16xf32> to vector<16xf32>
        %get3A_665 = arith.index_cast %scan3A_192 : i32 to index
        %get3A_666 = arith.constant 752 : index
        %get3A_667 = tpu.vector_load %arg16[%get3A_665, %get3A_666] {strides = array<i32>} : memref<16x1024xf32, #tpu.memory_space<vmem>>, vector<1x16xf32>,
        %get3A_668 = vector.shape_cast %get3A_667 : vector<1x16xf32> to vector<16xf32>
        %mul3A_669 = arith.mulf %get3A_664, %get3A_668 : vector<16xf32>
        %add3A_670 = arith.addf %add3A_660, %mul3A_669 : vector<16xf32>
        %get3A_671 = arith.index_cast %scan3A_192 : i32 to index
        %get3A_672 = arith.constant 768 : index
        %get3A_673 = tpu.vector_load %arg13[%get3A_671, %get3A_672] {strides = array<i32>} : memref<16x1024xf32, #tpu.memory_space<vmem>>, vector<1x16xf32>,
        %get3A_674 = vector.shape_cast %get3A_673 : vector<1x16xf32> to vector<16xf32>
        %get3A_675 = arith.index_cast %scan3A_192 : i32 to index
        %get3A_676 = arith.constant 768 : index
        %get3A_677 = tpu.vector_load %arg16[%get3A_675, %get3A_676] {strides = array<i32>} : memref<16x1024xf32, #tpu.memory_space<vmem>>, vector<1x16xf32>,
        %get3A_678 = vector.shape_cast %get3A_677 : vector<1x16xf32> to vector<16xf32>
        %mul3A_679 = arith.mulf %get3A_674, %get3A_678 : vector<16xf32>
        %add3A_680 = arith.addf %add3A_670, %mul3A_679 : vector<16xf32>
        %get3A_681 = arith.index_cast %scan3A_192 : i32 to index
        %get3A_682 = arith.constant 784 : index
        %get3A_683 = tpu.vector_load %arg13[%get3A_681, %get3A_682] {strides = array<i32>} : memref<16x1024xf32, #tpu.memory_space<vmem>>, vector<1x16xf32>,
        %get3A_684 = vector.shape_cast %get3A_683 : vector<1x16xf32> to vector<16xf32>
        %get3A_685 = arith.index_cast %scan3A_192 : i32 to index
        %get3A_686 = arith.constant 784 : index
        %get3A_687 = tpu.vector_load %arg16[%get3A_685, %get3A_686] {strides = array<i32>} : memref<16x1024xf32, #tpu.memory_space<vmem>>, vector<1x16xf32>,
        %get3A_688 = vector.shape_cast %get3A_687 : vector<1x16xf32> to vector<16xf32>
        %mul3A_689 = arith.mulf %get3A_684, %get3A_688 : vector<16xf32>
        %add3A_690 = arith.addf %add3A_680, %mul3A_689 : vector<16xf32>
        %get3A_691 = arith.index_cast %scan3A_192 : i32 to index
        %get3A_692 = arith.constant 800 : index
        %get3A_693 = tpu.vector_load %arg13[%get3A_691, %get3A_692] {strides = array<i32>} : memref<16x1024xf32, #tpu.memory_space<vmem>>, vector<1x16xf32>,
        %get3A_694 = vector.shape_cast %get3A_693 : vector<1x16xf32> to vector<16xf32>
        %get3A_695 = arith.index_cast %scan3A_192 : i32 to index
        %get3A_696 = arith.constant 800 : index
        %get3A_697 = tpu.vector_load %arg16[%get3A_695, %get3A_696] {strides = array<i32>} : memref<16x1024xf32, #tpu.memory_space<vmem>>, vector<1x16xf32>,
        %get3A_698 = vector.shape_cast %get3A_697 : vector<1x16xf32> to vector<16xf32>
        %mul3A_699 = arith.mulf %get3A_694, %get3A_698 : vector<16xf32>
        %add3A_700 = arith.addf %add3A_690, %mul3A_699 : vector<16xf32>
        %get3A_701 = arith.index_cast %scan3A_192 : i32 to index
        %get3A_702 = arith.constant 816 : index
        %get3A_703 = tpu.vector_load %arg13[%get3A_701, %get3A_702] {strides = array<i32>} : memref<16x1024xf32, #tpu.memory_space<vmem>>, vector<1x16xf32>,
        %get3A_704 = vector.shape_cast %get3A_703 : vector<1x16xf32> to vector<16xf32>
        %get3A_705 = arith.index_cast %scan3A_192 : i32 to index
        %get3A_706 = arith.constant 816 : index
        %get3A_707 = tpu.vector_load %arg16[%get3A_705, %get3A_706] {strides = array<i32>} : memref<16x1024xf32, #tpu.memory_space<vmem>>, vector<1x16xf32>,
        %get3A_708 = vector.shape_cast %get3A_707 : vector<1x16xf32> to vector<16xf32>
        %mul3A_709 = arith.mulf %get3A_704, %get3A_708 : vector<16xf32>
        %add3A_710 = arith.addf %add3A_700, %mul3A_709 : vector<16xf32>
        %get3A_711 = arith.index_cast %scan3A_192 : i32 to index
        %get3A_712 = arith.constant 832 : index
        %get3A_713 = tpu.vector_load %arg13[%get3A_711, %get3A_712] {strides = array<i32>} : memref<16x1024xf32, #tpu.memory_space<vmem>>, vector<1x16xf32>,
        %get3A_714 = vector.shape_cast %get3A_713 : vector<1x16xf32> to vector<16xf32>
        %get3A_715 = arith.index_cast %scan3A_192 : i32 to index
        %get3A_716 = arith.constant 832 : index
        %get3A_717 = tpu.vector_load %arg16[%get3A_715, %get3A_716] {strides = array<i32>} : memref<16x1024xf32, #tpu.memory_space<vmem>>, vector<1x16xf32>,
        %get3A_718 = vector.shape_cast %get3A_717 : vector<1x16xf32> to vector<16xf32>
        %mul3A_719 = arith.mulf %get3A_714, %get3A_718 : vector<16xf32>
        %add3A_720 = arith.addf %add3A_710, %mul3A_719 : vector<16xf32>
        %get3A_721 = arith.index_cast %scan3A_192 : i32 to index
        %get3A_722 = arith.constant 848 : index
        %get3A_723 = tpu.vector_load %arg13[%get3A_721, %get3A_722] {strides = array<i32>} : memref<16x1024xf32, #tpu.memory_space<vmem>>, vector<1x16xf32>,
        %get3A_724 = vector.shape_cast %get3A_723 : vector<1x16xf32> to vector<16xf32>
        %get3A_725 = arith.index_cast %scan3A_192 : i32 to index
        %get3A_726 = arith.constant 848 : index
        %get3A_727 = tpu.vector_load %arg16[%get3A_725, %get3A_726] {strides = array<i32>} : memref<16x1024xf32, #tpu.memory_space<vmem>>, vector<1x16xf32>,
        %get3A_728 = vector.shape_cast %get3A_727 : vector<1x16xf32> to vector<16xf32>
        %mul3A_729 = arith.mulf %get3A_724, %get3A_728 : vector<16xf32>
        %add3A_730 = arith.addf %add3A_720, %mul3A_729 : vector<16xf32>
        %get3A_731 = arith.index_cast %scan3A_192 : i32 to index
        %get3A_732 = arith.constant 864 : index
        %get3A_733 = tpu.vector_load %arg13[%get3A_731, %get3A_732] {strides = array<i32>} : memref<16x1024xf32, #tpu.memory_space<vmem>>, vector<1x16xf32>,
        %get3A_734 = vector.shape_cast %get3A_733 : vector<1x16xf32> to vector<16xf32>
        %get3A_735 = arith.index_cast %scan3A_192 : i32 to index
        %get3A_736 = arith.constant 864 : index
        %get3A_737 = tpu.vector_load %arg16[%get3A_735, %get3A_736] {strides = array<i32>} : memref<16x1024xf32, #tpu.memory_space<vmem>>, vector<1x16xf32>,
        %get3A_738 = vector.shape_cast %get3A_737 : vector<1x16xf32> to vector<16xf32>
        %mul3A_739 = arith.mulf %get3A_734, %get3A_738 : vector<16xf32>
        %add3A_740 = arith.addf %add3A_730, %mul3A_739 : vector<16xf32>
        %get3A_741 = arith.index_cast %scan3A_192 : i32 to index
        %get3A_742 = arith.constant 880 : index
        %get3A_743 = tpu.vector_load %arg13[%get3A_741, %get3A_742] {strides = array<i32>} : memref<16x1024xf32, #tpu.memory_space<vmem>>, vector<1x16xf32>,
        %get3A_744 = vector.shape_cast %get3A_743 : vector<1x16xf32> to vector<16xf32>
        %get3A_745 = arith.index_cast %scan3A_192 : i32 to index
        %get3A_746 = arith.constant 880 : index
        %get3A_747 = tpu.vector_load %arg16[%get3A_745, %get3A_746] {strides = array<i32>} : memref<16x1024xf32, #tpu.memory_space<vmem>>, vector<1x16xf32>,
        %get3A_748 = vector.shape_cast %get3A_747 : vector<1x16xf32> to vector<16xf32>
        %mul3A_749 = arith.mulf %get3A_744, %get3A_748 : vector<16xf32>
        %add3A_750 = arith.addf %add3A_740, %mul3A_749 : vector<16xf32>
        %get3A_751 = arith.index_cast %scan3A_192 : i32 to index
        %get3A_752 = arith.constant 896 : index
        %get3A_753 = tpu.vector_load %arg13[%get3A_751, %get3A_752] {strides = array<i32>} : memref<16x1024xf32, #tpu.memory_space<vmem>>, vector<1x16xf32>,
        %get3A_754 = vector.shape_cast %get3A_753 : vector<1x16xf32> to vector<16xf32>
        %get3A_755 = arith.index_cast %scan3A_192 : i32 to index
        %get3A_756 = arith.constant 896 : index
        %get3A_757 = tpu.vector_load %arg16[%get3A_755, %get3A_756] {strides = array<i32>} : memref<16x1024xf32, #tpu.memory_space<vmem>>, vector<1x16xf32>,
        %get3A_758 = vector.shape_cast %get3A_757 : vector<1x16xf32> to vector<16xf32>
        %mul3A_759 = arith.mulf %get3A_754, %get3A_758 : vector<16xf32>
        %add3A_760 = arith.addf %add3A_750, %mul3A_759 : vector<16xf32>
        %get3A_761 = arith.index_cast %scan3A_192 : i32 to index
        %get3A_762 = arith.constant 912 : index
        %get3A_763 = tpu.vector_load %arg13[%get3A_761, %get3A_762] {strides = array<i32>} : memref<16x1024xf32, #tpu.memory_space<vmem>>, vector<1x16xf32>,
        %get3A_764 = vector.shape_cast %get3A_763 : vector<1x16xf32> to vector<16xf32>
        %get3A_765 = arith.index_cast %scan3A_192 : i32 to index
        %get3A_766 = arith.constant 912 : index
        %get3A_767 = tpu.vector_load %arg16[%get3A_765, %get3A_766] {strides = array<i32>} : memref<16x1024xf32, #tpu.memory_space<vmem>>, vector<1x16xf32>,
        %get3A_768 = vector.shape_cast %get3A_767 : vector<1x16xf32> to vector<16xf32>
        %mul3A_769 = arith.mulf %get3A_764, %get3A_768 : vector<16xf32>
        %add3A_770 = arith.addf %add3A_760, %mul3A_769 : vector<16xf32>
        %get3A_771 = arith.index_cast %scan3A_192 : i32 to index
        %get3A_772 = arith.constant 928 : index
        %get3A_773 = tpu.vector_load %arg13[%get3A_771, %get3A_772] {strides = array<i32>} : memref<16x1024xf32, #tpu.memory_space<vmem>>, vector<1x16xf32>,
        %get3A_774 = vector.shape_cast %get3A_773 : vector<1x16xf32> to vector<16xf32>
        %get3A_775 = arith.index_cast %scan3A_192 : i32 to index
        %get3A_776 = arith.constant 928 : index
        %get3A_777 = tpu.vector_load %arg16[%get3A_775, %get3A_776] {strides = array<i32>} : memref<16x1024xf32, #tpu.memory_space<vmem>>, vector<1x16xf32>,
        %get3A_778 = vector.shape_cast %get3A_777 : vector<1x16xf32> to vector<16xf32>
        %mul3A_779 = arith.mulf %get3A_774, %get3A_778 : vector<16xf32>
        %add3A_780 = arith.addf %add3A_770, %mul3A_779 : vector<16xf32>
        %get3A_781 = arith.index_cast %scan3A_192 : i32 to index
        %get3A_782 = arith.constant 944 : index
        %get3A_783 = tpu.vector_load %arg13[%get3A_781, %get3A_782] {strides = array<i32>} : memref<16x1024xf32, #tpu.memory_space<vmem>>, vector<1x16xf32>,
        %get3A_784 = vector.shape_cast %get3A_783 : vector<1x16xf32> to vector<16xf32>
        %get3A_785 = arith.index_cast %scan3A_192 : i32 to index
        %get3A_786 = arith.constant 944 : index
        %get3A_787 = tpu.vector_load %arg16[%get3A_785, %get3A_786] {strides = array<i32>} : memref<16x1024xf32, #tpu.memory_space<vmem>>, vector<1x16xf32>,
        %get3A_788 = vector.shape_cast %get3A_787 : vector<1x16xf32> to vector<16xf32>
        %mul3A_789 = arith.mulf %get3A_784, %get3A_788 : vector<16xf32>
        %add3A_790 = arith.addf %add3A_780, %mul3A_789 : vector<16xf32>
        %get3A_791 = arith.index_cast %scan3A_192 : i32 to index
        %get3A_792 = arith.constant 960 : index
        %get3A_793 = tpu.vector_load %arg13[%get3A_791, %get3A_792] {strides = array<i32>} : memref<16x1024xf32, #tpu.memory_space<vmem>>, vector<1x16xf32>,
        %get3A_794 = vector.shape_cast %get3A_793 : vector<1x16xf32> to vector<16xf32>
        %get3A_795 = arith.index_cast %scan3A_192 : i32 to index
        %get3A_796 = arith.constant 960 : index
        %get3A_797 = tpu.vector_load %arg16[%get3A_795, %get3A_796] {strides = array<i32>} : memref<16x1024xf32, #tpu.memory_space<vmem>>, vector<1x16xf32>,
        %get3A_798 = vector.shape_cast %get3A_797 : vector<1x16xf32> to vector<16xf32>
        %mul3A_799 = arith.mulf %get3A_794, %get3A_798 : vector<16xf32>
        %add3A_800 = arith.addf %add3A_790, %mul3A_799 : vector<16xf32>
        %get3A_801 = arith.index_cast %scan3A_192 : i32 to index
        %get3A_802 = arith.constant 976 : index
        %get3A_803 = tpu.vector_load %arg13[%get3A_801, %get3A_802] {strides = array<i32>} : memref<16x1024xf32, #tpu.memory_space<vmem>>, vector<1x16xf32>,
        %get3A_804 = vector.shape_cast %get3A_803 : vector<1x16xf32> to vector<16xf32>
        %get3A_805 = arith.index_cast %scan3A_192 : i32 to index
        %get3A_806 = arith.constant 976 : index
        %get3A_807 = tpu.vector_load %arg16[%get3A_805, %get3A_806] {strides = array<i32>} : memref<16x1024xf32, #tpu.memory_space<vmem>>, vector<1x16xf32>,
        %get3A_808 = vector.shape_cast %get3A_807 : vector<1x16xf32> to vector<16xf32>
        %mul3A_809 = arith.mulf %get3A_804, %get3A_808 : vector<16xf32>
        %add3A_810 = arith.addf %add3A_800, %mul3A_809 : vector<16xf32>
        %get3A_811 = arith.index_cast %scan3A_192 : i32 to index
        %get3A_812 = arith.constant 992 : index
        %get3A_813 = tpu.vector_load %arg13[%get3A_811, %get3A_812] {strides = array<i32>} : memref<16x1024xf32, #tpu.memory_space<vmem>>, vector<1x16xf32>,
        %get3A_814 = vector.shape_cast %get3A_813 : vector<1x16xf32> to vector<16xf32>
        %get3A_815 = arith.index_cast %scan3A_192 : i32 to index
        %get3A_816 = arith.constant 992 : index
        %get3A_817 = tpu.vector_load %arg16[%get3A_815, %get3A_816] {strides = array<i32>} : memref<16x1024xf32, #tpu.memory_space<vmem>>, vector<1x16xf32>,
        %get3A_818 = vector.shape_cast %get3A_817 : vector<1x16xf32> to vector<16xf32>
        %mul3A_819 = arith.mulf %get3A_814, %get3A_818 : vector<16xf32>
        %add3A_820 = arith.addf %add3A_810, %mul3A_819 : vector<16xf32>
        %get3A_821 = arith.index_cast %scan3A_192 : i32 to index
        %get3A_822 = arith.constant 1008 : index
        %get3A_823 = tpu.vector_load %arg13[%get3A_821, %get3A_822] {strides = array<i32>} : memref<16x1024xf32, #tpu.memory_space<vmem>>, vector<1x16xf32>,
        %get3A_824 = vector.shape_cast %get3A_823 : vector<1x16xf32> to vector<16xf32>
        %get3A_825 = arith.index_cast %scan3A_192 : i32 to index
        %get3A_826 = arith.constant 1008 : index
        %get3A_827 = tpu.vector_load %arg16[%get3A_825, %get3A_826] {strides = array<i32>} : memref<16x1024xf32, #tpu.memory_space<vmem>>, vector<1x16xf32>,
        %get3A_828 = vector.shape_cast %get3A_827 : vector<1x16xf32> to vector<16xf32>
        %mul3A_829 = arith.mulf %get3A_824, %get3A_828 : vector<16xf32>
        %add3A_830 = arith.addf %add3A_820, %mul3A_829 : vector<16xf32>
        %mul3A_831 = arith.constant 16 : i32
        %mul3A_832 = arith.muli %add3A_167, %mul3A_831 : i32
        %add3A_833 = arith.addi %mul3A_832, %scan3A_192 : i32
        %shift_right_arithmetic3A = arith.constant 7 : i32
        %shift_right_arithmetic3A_834 = arith.shrsi %add3A_833, %shift_right_arithmetic3A : i32
        %and3A_835 = arith.constant 127 : i32
        %and3A_836 = arith.andi %add3A_833, %and3A_835 : i32
        %mul3A_837 = arith.constant 16 : i32
        %mul3A_838 = arith.muli %and3A_836, %mul3A_837 : i32
        %multiple_of3A_839 = tpu.assume_multiple %mul3A_838, 16 : i32
        %swap3A = arith.index_cast %shift_right_arithmetic3A_834 : i32 to index
        %swap3A_840 = arith.index_cast %multiple_of3A_839 : i32 to index
        %swap3A_841 = tpu.vector_load %arg10[%swap3A, %swap3A_840] {strides = array<i32>} : memref<2x2048xf32, #tpu.memory_space<vmem>>, vector<1x16xf32>,
        %swap3A_842 = vector.shape_cast %swap3A_841 : vector<1x16xf32> to vector<16xf32>
        %swap3A_843 = vector.shape_cast %add3A_830 : vector<16xf32> to vector<1x16xf32>
        tpu.vector_store %arg10[%swap3A, %swap3A_840], %swap3A_843 {strides = array<i32>} : memref<2x2048xf32, #tpu.memory_space<vmem>>, vector<1x16xf32>,
      }
      %scan3A_184 = arith.constant 16 : i32
      %add3A_185 = arith.constant 3 : i32
      %add3A_186 = arith.addi %add3A_167, %add3A_185 : i32
      %lt3A_187 = arith.constant 16 : i32
      %lt3A_188 = arith.cmpi slt, %add3A_186, %lt3A_187 : i32
      %convert_element_type3A_189 = arith.extui %lt3A_188 : i1 to i32
      %cond3A_190 = arith.constant 0 : i32
      %cond3A_191 = arith.cmpi ne, %convert_element_type3A_189, %cond3A_190 : i32
      scf.if %cond3A_191 {
        %add3A_192 = arith.constant 3 : i32
        %add3A_193 = arith.addi %add3A_167, %add3A_192 : i32
        %mul3A_194 = arith.constant 16 : i32
        %mul3A_195 = arith.muli %add3A_193, %mul3A_194 : i32
        %multiple_of3A_196 = tpu.assume_multiple %mul3A_195, 16 : i32
        %dma_start3A_197 = tpu.memref_slice %arg8[%multiple_of3A_196] : memref<256xi32, #tpu.memory_space<vmem>> -> memref<16xi32, #tpu.memory_space<vmem>>
        %dma_start3A_198 = arith.constant 0 : i32
        %dma_start3A_199 = arith.constant 0 : i32
        %dma_start3A_200 = tpu.memref_slice %arg2[%dma_start3A_198, %dma_start3A_199] : memref<100000x1024xf32, #tpu.memory_space<hbm>> -> memref<100000x1024xf32, #tpu.memory_space<hbm>>
        tpu.enqueue_indirect_dma source(%dma_start3A_200 : memref<100000x1024xf32, #tpu.memory_space<hbm>>) target(%arg13 : memref<16x1024xf32, #tpu.memory_space<vmem>>) offsets(%dma_start3A_197 : memref<16xi32, #tpu.memory_space<vmem>>) semaphore(%arg19 : memref<!tpu.dma_semaphore, #tpu.memory_space<semaphore_mem>>)
        %add3A_201 = arith.addi %mul3A_2, %multiple_of3A_196 : i32
        %dma_start3A_202 = arith.constant 0 : i32
        %dma_start3A_203 = tpu.memref_slice %arg5[%add3A_201, %dma_start3A_202] : memref<8192x1024xf32, #tpu.memory_space<hbm>> -> memref<16x1024xf32, #tpu.memory_space<hbm>>
        %dma_start3A_204 = arith.constant 0 : i32
        %dma_start3A_205 = tpu.memref_slice %arg5[%add3A_201, %dma_start3A_204] : memref<8192x1024xf32, #tpu.memory_space<hbm>> -> memref<16x1024xf32, #tpu.memory_space<hbm>>
        tpu.enqueue_dma source(%dma_start3A_205 : memref<16x1024xf32, #tpu.memory_space<hbm>>) target(%arg16 : memref<16x1024xf32, #tpu.memory_space<vmem>>) target_semaphore(%arg22 : memref<!tpu.dma_semaphore, #tpu.memory_space<semaphore_mem>>)
      } else {
      }
    }
    %scan3A_80 = arith.constant 5 : i32
    %dma_wait3A = arith.constant 0 : i32
    %dma_wait3A_81 = tpu.memref_slice %arg8[%dma_wait3A] : memref<256xi32, #tpu.memory_space<vmem>> -> memref<16xi32, #tpu.memory_space<vmem>>
    %dma_wait3A_82 = arith.constant 0 : i32
    %dma_wait3A_83 = arith.constant 0 : i32
    %dma_wait3A_84 = tpu.memref_slice %arg2[%dma_wait3A_82, %dma_wait3A_83] : memref<100000x1024xf32, #tpu.memory_space<hbm>> -> memref<100000x1024xf32, #tpu.memory_space<hbm>>
    tpu.wait_indirect_dma semaphore(%arg17 : memref<!tpu.dma_semaphore, #tpu.memory_space<semaphore_mem>>) src(%dma_wait3A_84 : memref<100000x1024xf32, #tpu.memory_space<hbm>>) dst(%arg11 : memref<16x1024xf32, #tpu.memory_space<vmem>>)
    %dma_wait3A_85 = arith.constant 0 : i32
    %dma_wait3A_86 = arith.constant 0 : i32
    %dma_wait3A_87 = tpu.memref_slice %arg5[%dma_wait3A_85, %dma_wait3A_86] : memref<8192x1024xf32, #tpu.memory_space<hbm>> -> memref<16x1024xf32, #tpu.memory_space<hbm>>
    %dma_wait3A_88 = arith.constant 0 : i32
    %dma_wait3A_89 = arith.constant 0 : i32
    %dma_wait3A_90 = tpu.memref_slice %arg5[%dma_wait3A_88, %dma_wait3A_89] : memref<8192x1024xf32, #tpu.memory_space<hbm>> -> memref<16x1024xf32, #tpu.memory_space<hbm>>
    tpu.wait_dma2 semaphore(%arg20 : memref<!tpu.dma_semaphore, #tpu.memory_space<semaphore_mem>>) src(%dma_wait3A_90 : memref<16x1024xf32, #tpu.memory_space<hbm>>) dst(%arg14 : memref<16x1024xf32, #tpu.memory_space<vmem>>)
    %scan3A_91 = arith.constant 0 : i32
    %scan3A_92 = arith.constant 0 : i32
    %scan3A_93 = arith.constant 16 : i32
    %scan3A_94 = arith.addi %scan3A_92, %scan3A_93 : i32
    %scan3A_95 = arith.constant 1 : i32
    scf.for %scan3A_111 = %scan3A_92 to %scan3A_94 step %scan3A_95  : i32 {
      %get3A = arith.index_cast %scan3A_111 : i32 to index
      %get3A_112 = arith.constant 0 : index
      %get3A_113 = tpu.vector_load %arg11[%get3A, %get3A_112] {strides = array<i32>} : memref<16x1024xf32, #tpu.memory_space<vmem>>, vector<1x16xf32>,
      %get3A_114 = vector.shape_cast %get3A_113 : vector<1x16xf32> to vector<16xf32>
      %get3A_115 = arith.index_cast %scan3A_111 : i32 to index
      %get3A_116 = arith.constant 0 : index
      %get3A_117 = tpu.vector_load %arg14[%get3A_115, %get3A_116] {strides = array<i32>} : memref<16x1024xf32, #tpu.memory_space<vmem>>, vector<1x16xf32>,
      %get3A_118 = vector.shape_cast %get3A_117 : vector<1x16xf32> to vector<16xf32>
      %mul3A_119 = arith.mulf %get3A_114, %get3A_118 : vector<16xf32>
      %get3A_120 = arith.index_cast %scan3A_111 : i32 to index
      %get3A_121 = arith.constant 16 : index
      %get3A_122 = tpu.vector_load %arg11[%get3A_120, %get3A_121] {strides = array<i32>} : memref<16x1024xf32, #tpu.memory_space<vmem>>, vector<1x16xf32>,
      %get3A_123 = vector.shape_cast %get3A_122 : vector<1x16xf32> to vector<16xf32>
      %get3A_124 = arith.index_cast %scan3A_111 : i32 to index
      %get3A_125 = arith.constant 16 : index
      %get3A_126 = tpu.vector_load %arg14[%get3A_124, %get3A_125] {strides = array<i32>} : memref<16x1024xf32, #tpu.memory_space<vmem>>, vector<1x16xf32>,
      %get3A_127 = vector.shape_cast %get3A_126 : vector<1x16xf32> to vector<16xf32>
      %mul3A_128 = arith.mulf %get3A_123, %get3A_127 : vector<16xf32>
      %add3A_129 = arith.addf %mul3A_119, %mul3A_128 : vector<16xf32>
      %get3A_130 = arith.index_cast %scan3A_111 : i32 to index
      %get3A_131 = arith.constant 32 : index
      %get3A_132 = tpu.vector_load %arg11[%get3A_130, %get3A_131] {strides = array<i32>} : memref<16x1024xf32, #tpu.memory_space<vmem>>, vector<1x16xf32>,
      %get3A_133 = vector.shape_cast %get3A_132 : vector<1x16xf32> to vector<16xf32>
      %get3A_134 = arith.index_cast %scan3A_111 : i32 to index
      %get3A_135 = arith.constant 32 : index
      %get3A_136 = tpu.vector_load %arg14[%get3A_134, %get3A_135] {strides = array<i32>} : memref<16x1024xf32, #tpu.memory_space<vmem>>, vector<1x16xf32>,
      %get3A_137 = vector.shape_cast %get3A_136 : vector<1x16xf32> to vector<16xf32>
      %mul3A_138 = arith.mulf %get3A_133, %get3A_137 : vector<16xf32>
      %add3A_139 = arith.addf %add3A_129, %mul3A_138 : vector<16xf32>
      %get3A_140 = arith.index_cast %scan3A_111 : i32 to index
      %get3A_141 = arith.constant 48 : index
      %get3A_142 = tpu.vector_load %arg11[%get3A_140, %get3A_141] {strides = array<i32>} : memref<16x1024xf32, #tpu.memory_space<vmem>>, vector<1x16xf32>,
      %get3A_143 = vector.shape_cast %get3A_142 : vector<1x16xf32> to vector<16xf32>
      %get3A_144 = arith.index_cast %scan3A_111 : i32 to index
      %get3A_145 = arith.constant 48 : index
      %get3A_146 = tpu.vector_load %arg14[%get3A_144, %get3A_145] {strides = array<i32>} : memref<16x1024xf32, #tpu.memory_space<vmem>>, vector<1x16xf32>,
      %get3A_147 = vector.shape_cast %get3A_146 : vector<1x16xf32> to vector<16xf32>
      %mul3A_148 = arith.mulf %get3A_143, %get3A_147 : vector<16xf32>
      %add3A_149 = arith.addf %add3A_139, %mul3A_148 : vector<16xf32>
      %get3A_150 = arith.index_cast %scan3A_111 : i32 to index
      %get3A_151 = arith.constant 64 : index
      %get3A_152 = tpu.vector_load %arg11[%get3A_150, %get3A_151] {strides = array<i32>} : memref<16x1024xf32, #tpu.memory_space<vmem>>, vector<1x16xf32>,
      %get3A_153 = vector.shape_cast %get3A_152 : vector<1x16xf32> to vector<16xf32>
      %get3A_154 = arith.index_cast %scan3A_111 : i32 to index
      %get3A_155 = arith.constant 64 : index
      %get3A_156 = tpu.vector_load %arg14[%get3A_154, %get3A_155] {strides = array<i32>} : memref<16x1024xf32, #tpu.memory_space<vmem>>, vector<1x16xf32>,
      %get3A_157 = vector.shape_cast %get3A_156 : vector<1x16xf32> to vector<16xf32>
      %mul3A_158 = arith.mulf %get3A_153, %get3A_157 : vector<16xf32>
      %add3A_159 = arith.addf %add3A_149, %mul3A_158 : vector<16xf32>
      %get3A_160 = arith.index_cast %scan3A_111 : i32 to index
      %get3A_161 = arith.constant 80 : index
      %get3A_162 = tpu.vector_load %arg11[%get3A_160, %get3A_161] {strides = array<i32>} : memref<16x1024xf32, #tpu.memory_space<vmem>>, vector<1x16xf32>,
      %get3A_163 = vector.shape_cast %get3A_162 : vector<1x16xf32> to vector<16xf32>
      %get3A_164 = arith.index_cast %scan3A_111 : i32 to index
      %get3A_165 = arith.constant 80 : index
      %get3A_166 = tpu.vector_load %arg14[%get3A_164, %get3A_165] {strides = array<i32>} : memref<16x1024xf32, #tpu.memory_space<vmem>>, vector<1x16xf32>,
      %get3A_167 = vector.shape_cast %get3A_166 : vector<1x16xf32> to vector<16xf32>
      %mul3A_168 = arith.mulf %get3A_163, %get3A_167 : vector<16xf32>
      %add3A_169 = arith.addf %add3A_159, %mul3A_168 : vector<16xf32>
      %get3A_170 = arith.index_cast %scan3A_111 : i32 to index
      %get3A_171 = arith.constant 96 : index
      %get3A_172 = tpu.vector_load %arg11[%get3A_170, %get3A_171] {strides = array<i32>} : memref<16x1024xf32, #tpu.memory_space<vmem>>, vector<1x16xf32>,
      %get3A_173 = vector.shape_cast %get3A_172 : vector<1x16xf32> to vector<16xf32>
      %get3A_174 = arith.index_cast %scan3A_111 : i32 to index
      %get3A_175 = arith.constant 96 : index
      %get3A_176 = tpu.vector_load %arg14[%get3A_174, %get3A_175] {strides = array<i32>} : memref<16x1024xf32, #tpu.memory_space<vmem>>, vector<1x16xf32>,
      %get3A_177 = vector.shape_cast %get3A_176 : vector<1x16xf32> to vector<16xf32>
      %mul3A_178 = arith.mulf %get3A_173, %get3A_177 : vector<16xf32>
      %add3A_179 = arith.addf %add3A_169, %mul3A_178 : vector<16xf32>
      %get3A_180 = arith.index_cast %scan3A_111 : i32 to index
      %get3A_181 = arith.constant 112 : index
      %get3A_182 = tpu.vector_load %arg11[%get3A_180, %get3A_181] {strides = array<i32>} : memref<16x1024xf32, #tpu.memory_space<vmem>>, vector<1x16xf32>,
      %get3A_183 = vector.shape_cast %get3A_182 : vector<1x16xf32> to vector<16xf32>
      %get3A_184 = arith.index_cast %scan3A_111 : i32 to index
      %get3A_185 = arith.constant 112 : index
      %get3A_186 = tpu.vector_load %arg14[%get3A_184, %get3A_185] {strides = array<i32>} : memref<16x1024xf32, #tpu.memory_space<vmem>>, vector<1x16xf32>,
      %get3A_187 = vector.shape_cast %get3A_186 : vector<1x16xf32> to vector<16xf32>
      %mul3A_188 = arith.mulf %get3A_183, %get3A_187 : vector<16xf32>
      %add3A_189 = arith.addf %add3A_179, %mul3A_188 : vector<16xf32>
      %get3A_190 = arith.index_cast %scan3A_111 : i32 to index
      %get3A_191 = arith.constant 128 : index
      %get3A_192 = tpu.vector_load %arg11[%get3A_190, %get3A_191] {strides = array<i32>} : memref<16x1024xf32, #tpu.memory_space<vmem>>, vector<1x16xf32>,
      %get3A_193 = vector.shape_cast %get3A_192 : vector<1x16xf32> to vector<16xf32>
      %get3A_194 = arith.index_cast %scan3A_111 : i32 to index
      %get3A_195 = arith.constant 128 : index
      %get3A_196 = tpu.vector_load %arg14[%get3A_194, %get3A_195] {strides = array<i32>} : memref<16x1024xf32, #tpu.memory_space<vmem>>, vector<1x16xf32>,
      %get3A_197 = vector.shape_cast %get3A_196 : vector<1x16xf32> to vector<16xf32>
      %mul3A_198 = arith.mulf %get3A_193, %get3A_197 : vector<16xf32>
      %add3A_199 = arith.addf %add3A_189, %mul3A_198 : vector<16xf32>
      %get3A_200 = arith.index_cast %scan3A_111 : i32 to index
      %get3A_201 = arith.constant 144 : index
      %get3A_202 = tpu.vector_load %arg11[%get3A_200, %get3A_201] {strides = array<i32>} : memref<16x1024xf32, #tpu.memory_space<vmem>>, vector<1x16xf32>,
      %get3A_203 = vector.shape_cast %get3A_202 : vector<1x16xf32> to vector<16xf32>
      %get3A_204 = arith.index_cast %scan3A_111 : i32 to index
      %get3A_205 = arith.constant 144 : index
      %get3A_206 = tpu.vector_load %arg14[%get3A_204, %get3A_205] {strides = array<i32>} : memref<16x1024xf32, #tpu.memory_space<vmem>>, vector<1x16xf32>,
      %get3A_207 = vector.shape_cast %get3A_206 : vector<1x16xf32> to vector<16xf32>
      %mul3A_208 = arith.mulf %get3A_203, %get3A_207 : vector<16xf32>
      %add3A_209 = arith.addf %add3A_199, %mul3A_208 : vector<16xf32>
      %get3A_210 = arith.index_cast %scan3A_111 : i32 to index
      %get3A_211 = arith.constant 160 : index
      %get3A_212 = tpu.vector_load %arg11[%get3A_210, %get3A_211] {strides = array<i32>} : memref<16x1024xf32, #tpu.memory_space<vmem>>, vector<1x16xf32>,
      %get3A_213 = vector.shape_cast %get3A_212 : vector<1x16xf32> to vector<16xf32>
      %get3A_214 = arith.index_cast %scan3A_111 : i32 to index
      %get3A_215 = arith.constant 160 : index
      %get3A_216 = tpu.vector_load %arg14[%get3A_214, %get3A_215] {strides = array<i32>} : memref<16x1024xf32, #tpu.memory_space<vmem>>, vector<1x16xf32>,
      %get3A_217 = vector.shape_cast %get3A_216 : vector<1x16xf32> to vector<16xf32>
      %mul3A_218 = arith.mulf %get3A_213, %get3A_217 : vector<16xf32>
      %add3A_219 = arith.addf %add3A_209, %mul3A_218 : vector<16xf32>
      %get3A_220 = arith.index_cast %scan3A_111 : i32 to index
      %get3A_221 = arith.constant 176 : index
      %get3A_222 = tpu.vector_load %arg11[%get3A_220, %get3A_221] {strides = array<i32>} : memref<16x1024xf32, #tpu.memory_space<vmem>>, vector<1x16xf32>,
      %get3A_223 = vector.shape_cast %get3A_222 : vector<1x16xf32> to vector<16xf32>
      %get3A_224 = arith.index_cast %scan3A_111 : i32 to index
      %get3A_225 = arith.constant 176 : index
      %get3A_226 = tpu.vector_load %arg14[%get3A_224, %get3A_225] {strides = array<i32>} : memref<16x1024xf32, #tpu.memory_space<vmem>>, vector<1x16xf32>,
      %get3A_227 = vector.shape_cast %get3A_226 : vector<1x16xf32> to vector<16xf32>
      %mul3A_228 = arith.mulf %get3A_223, %get3A_227 : vector<16xf32>
      %add3A_229 = arith.addf %add3A_219, %mul3A_228 : vector<16xf32>
      %get3A_230 = arith.index_cast %scan3A_111 : i32 to index
      %get3A_231 = arith.constant 192 : index
      %get3A_232 = tpu.vector_load %arg11[%get3A_230, %get3A_231] {strides = array<i32>} : memref<16x1024xf32, #tpu.memory_space<vmem>>, vector<1x16xf32>,
      %get3A_233 = vector.shape_cast %get3A_232 : vector<1x16xf32> to vector<16xf32>
      %get3A_234 = arith.index_cast %scan3A_111 : i32 to index
      %get3A_235 = arith.constant 192 : index
      %get3A_236 = tpu.vector_load %arg14[%get3A_234, %get3A_235] {strides = array<i32>} : memref<16x1024xf32, #tpu.memory_space<vmem>>, vector<1x16xf32>,
      %get3A_237 = vector.shape_cast %get3A_236 : vector<1x16xf32> to vector<16xf32>
      %mul3A_238 = arith.mulf %get3A_233, %get3A_237 : vector<16xf32>
      %add3A_239 = arith.addf %add3A_229, %mul3A_238 : vector<16xf32>
      %get3A_240 = arith.index_cast %scan3A_111 : i32 to index
      %get3A_241 = arith.constant 208 : index
      %get3A_242 = tpu.vector_load %arg11[%get3A_240, %get3A_241] {strides = array<i32>} : memref<16x1024xf32, #tpu.memory_space<vmem>>, vector<1x16xf32>,
      %get3A_243 = vector.shape_cast %get3A_242 : vector<1x16xf32> to vector<16xf32>
      %get3A_244 = arith.index_cast %scan3A_111 : i32 to index
      %get3A_245 = arith.constant 208 : index
      %get3A_246 = tpu.vector_load %arg14[%get3A_244, %get3A_245] {strides = array<i32>} : memref<16x1024xf32, #tpu.memory_space<vmem>>, vector<1x16xf32>,
      %get3A_247 = vector.shape_cast %get3A_246 : vector<1x16xf32> to vector<16xf32>
      %mul3A_248 = arith.mulf %get3A_243, %get3A_247 : vector<16xf32>
      %add3A_249 = arith.addf %add3A_239, %mul3A_248 : vector<16xf32>
      %get3A_250 = arith.index_cast %scan3A_111 : i32 to index
      %get3A_251 = arith.constant 224 : index
      %get3A_252 = tpu.vector_load %arg11[%get3A_250, %get3A_251] {strides = array<i32>} : memref<16x1024xf32, #tpu.memory_space<vmem>>, vector<1x16xf32>,
      %get3A_253 = vector.shape_cast %get3A_252 : vector<1x16xf32> to vector<16xf32>
      %get3A_254 = arith.index_cast %scan3A_111 : i32 to index
      %get3A_255 = arith.constant 224 : index
      %get3A_256 = tpu.vector_load %arg14[%get3A_254, %get3A_255] {strides = array<i32>} : memref<16x1024xf32, #tpu.memory_space<vmem>>, vector<1x16xf32>,
      %get3A_257 = vector.shape_cast %get3A_256 : vector<1x16xf32> to vector<16xf32>
      %mul3A_258 = arith.mulf %get3A_253, %get3A_257 : vector<16xf32>
      %add3A_259 = arith.addf %add3A_249, %mul3A_258 : vector<16xf32>
      %get3A_260 = arith.index_cast %scan3A_111 : i32 to index
      %get3A_261 = arith.constant 240 : index
      %get3A_262 = tpu.vector_load %arg11[%get3A_260, %get3A_261] {strides = array<i32>} : memref<16x1024xf32, #tpu.memory_space<vmem>>, vector<1x16xf32>,
      %get3A_263 = vector.shape_cast %get3A_262 : vector<1x16xf32> to vector<16xf32>
      %get3A_264 = arith.index_cast %scan3A_111 : i32 to index
      %get3A_265 = arith.constant 240 : index
      %get3A_266 = tpu.vector_load %arg14[%get3A_264, %get3A_265] {strides = array<i32>} : memref<16x1024xf32, #tpu.memory_space<vmem>>, vector<1x16xf32>,
      %get3A_267 = vector.shape_cast %get3A_266 : vector<1x16xf32> to vector<16xf32>
      %mul3A_268 = arith.mulf %get3A_263, %get3A_267 : vector<16xf32>
      %add3A_269 = arith.addf %add3A_259, %mul3A_268 : vector<16xf32>
      %get3A_270 = arith.index_cast %scan3A_111 : i32 to index
      %get3A_271 = arith.constant 256 : index
      %get3A_272 = tpu.vector_load %arg11[%get3A_270, %get3A_271] {strides = array<i32>} : memref<16x1024xf32, #tpu.memory_space<vmem>>, vector<1x16xf32>,
      %get3A_273 = vector.shape_cast %get3A_272 : vector<1x16xf32> to vector<16xf32>
      %get3A_274 = arith.index_cast %scan3A_111 : i32 to index
      %get3A_275 = arith.constant 256 : index
      %get3A_276 = tpu.vector_load %arg14[%get3A_274, %get3A_275] {strides = array<i32>} : memref<16x1024xf32, #tpu.memory_space<vmem>>, vector<1x16xf32>,
      %get3A_277 = vector.shape_cast %get3A_276 : vector<1x16xf32> to vector<16xf32>
      %mul3A_278 = arith.mulf %get3A_273, %get3A_277 : vector<16xf32>
      %add3A_279 = arith.addf %add3A_269, %mul3A_278 : vector<16xf32>
      %get3A_280 = arith.index_cast %scan3A_111 : i32 to index
      %get3A_281 = arith.constant 272 : index
      %get3A_282 = tpu.vector_load %arg11[%get3A_280, %get3A_281] {strides = array<i32>} : memref<16x1024xf32, #tpu.memory_space<vmem>>, vector<1x16xf32>,
      %get3A_283 = vector.shape_cast %get3A_282 : vector<1x16xf32> to vector<16xf32>
      %get3A_284 = arith.index_cast %scan3A_111 : i32 to index
      %get3A_285 = arith.constant 272 : index
      %get3A_286 = tpu.vector_load %arg14[%get3A_284, %get3A_285] {strides = array<i32>} : memref<16x1024xf32, #tpu.memory_space<vmem>>, vector<1x16xf32>,
      %get3A_287 = vector.shape_cast %get3A_286 : vector<1x16xf32> to vector<16xf32>
      %mul3A_288 = arith.mulf %get3A_283, %get3A_287 : vector<16xf32>
      %add3A_289 = arith.addf %add3A_279, %mul3A_288 : vector<16xf32>
      %get3A_290 = arith.index_cast %scan3A_111 : i32 to index
      %get3A_291 = arith.constant 288 : index
      %get3A_292 = tpu.vector_load %arg11[%get3A_290, %get3A_291] {strides = array<i32>} : memref<16x1024xf32, #tpu.memory_space<vmem>>, vector<1x16xf32>,
      %get3A_293 = vector.shape_cast %get3A_292 : vector<1x16xf32> to vector<16xf32>
      %get3A_294 = arith.index_cast %scan3A_111 : i32 to index
      %get3A_295 = arith.constant 288 : index
      %get3A_296 = tpu.vector_load %arg14[%get3A_294, %get3A_295] {strides = array<i32>} : memref<16x1024xf32, #tpu.memory_space<vmem>>, vector<1x16xf32>,
      %get3A_297 = vector.shape_cast %get3A_296 : vector<1x16xf32> to vector<16xf32>
      %mul3A_298 = arith.mulf %get3A_293, %get3A_297 : vector<16xf32>
      %add3A_299 = arith.addf %add3A_289, %mul3A_298 : vector<16xf32>
      %get3A_300 = arith.index_cast %scan3A_111 : i32 to index
      %get3A_301 = arith.constant 304 : index
      %get3A_302 = tpu.vector_load %arg11[%get3A_300, %get3A_301] {strides = array<i32>} : memref<16x1024xf32, #tpu.memory_space<vmem>>, vector<1x16xf32>,
      %get3A_303 = vector.shape_cast %get3A_302 : vector<1x16xf32> to vector<16xf32>
      %get3A_304 = arith.index_cast %scan3A_111 : i32 to index
      %get3A_305 = arith.constant 304 : index
      %get3A_306 = tpu.vector_load %arg14[%get3A_304, %get3A_305] {strides = array<i32>} : memref<16x1024xf32, #tpu.memory_space<vmem>>, vector<1x16xf32>,
      %get3A_307 = vector.shape_cast %get3A_306 : vector<1x16xf32> to vector<16xf32>
      %mul3A_308 = arith.mulf %get3A_303, %get3A_307 : vector<16xf32>
      %add3A_309 = arith.addf %add3A_299, %mul3A_308 : vector<16xf32>
      %get3A_310 = arith.index_cast %scan3A_111 : i32 to index
      %get3A_311 = arith.constant 320 : index
      %get3A_312 = tpu.vector_load %arg11[%get3A_310, %get3A_311] {strides = array<i32>} : memref<16x1024xf32, #tpu.memory_space<vmem>>, vector<1x16xf32>,
      %get3A_313 = vector.shape_cast %get3A_312 : vector<1x16xf32> to vector<16xf32>
      %get3A_314 = arith.index_cast %scan3A_111 : i32 to index
      %get3A_315 = arith.constant 320 : index
      %get3A_316 = tpu.vector_load %arg14[%get3A_314, %get3A_315] {strides = array<i32>} : memref<16x1024xf32, #tpu.memory_space<vmem>>, vector<1x16xf32>,
      %get3A_317 = vector.shape_cast %get3A_316 : vector<1x16xf32> to vector<16xf32>
      %mul3A_318 = arith.mulf %get3A_313, %get3A_317 : vector<16xf32>
      %add3A_319 = arith.addf %add3A_309, %mul3A_318 : vector<16xf32>
      %get3A_320 = arith.index_cast %scan3A_111 : i32 to index
      %get3A_321 = arith.constant 336 : index
      %get3A_322 = tpu.vector_load %arg11[%get3A_320, %get3A_321] {strides = array<i32>} : memref<16x1024xf32, #tpu.memory_space<vmem>>, vector<1x16xf32>,
      %get3A_323 = vector.shape_cast %get3A_322 : vector<1x16xf32> to vector<16xf32>
      %get3A_324 = arith.index_cast %scan3A_111 : i32 to index
      %get3A_325 = arith.constant 336 : index
      %get3A_326 = tpu.vector_load %arg14[%get3A_324, %get3A_325] {strides = array<i32>} : memref<16x1024xf32, #tpu.memory_space<vmem>>, vector<1x16xf32>,
      %get3A_327 = vector.shape_cast %get3A_326 : vector<1x16xf32> to vector<16xf32>
      %mul3A_328 = arith.mulf %get3A_323, %get3A_327 : vector<16xf32>
      %add3A_329 = arith.addf %add3A_319, %mul3A_328 : vector<16xf32>
      %get3A_330 = arith.index_cast %scan3A_111 : i32 to index
      %get3A_331 = arith.constant 352 : index
      %get3A_332 = tpu.vector_load %arg11[%get3A_330, %get3A_331] {strides = array<i32>} : memref<16x1024xf32, #tpu.memory_space<vmem>>, vector<1x16xf32>,
      %get3A_333 = vector.shape_cast %get3A_332 : vector<1x16xf32> to vector<16xf32>
      %get3A_334 = arith.index_cast %scan3A_111 : i32 to index
      %get3A_335 = arith.constant 352 : index
      %get3A_336 = tpu.vector_load %arg14[%get3A_334, %get3A_335] {strides = array<i32>} : memref<16x1024xf32, #tpu.memory_space<vmem>>, vector<1x16xf32>,
      %get3A_337 = vector.shape_cast %get3A_336 : vector<1x16xf32> to vector<16xf32>
      %mul3A_338 = arith.mulf %get3A_333, %get3A_337 : vector<16xf32>
      %add3A_339 = arith.addf %add3A_329, %mul3A_338 : vector<16xf32>
      %get3A_340 = arith.index_cast %scan3A_111 : i32 to index
      %get3A_341 = arith.constant 368 : index
      %get3A_342 = tpu.vector_load %arg11[%get3A_340, %get3A_341] {strides = array<i32>} : memref<16x1024xf32, #tpu.memory_space<vmem>>, vector<1x16xf32>,
      %get3A_343 = vector.shape_cast %get3A_342 : vector<1x16xf32> to vector<16xf32>
      %get3A_344 = arith.index_cast %scan3A_111 : i32 to index
      %get3A_345 = arith.constant 368 : index
      %get3A_346 = tpu.vector_load %arg14[%get3A_344, %get3A_345] {strides = array<i32>} : memref<16x1024xf32, #tpu.memory_space<vmem>>, vector<1x16xf32>,
      %get3A_347 = vector.shape_cast %get3A_346 : vector<1x16xf32> to vector<16xf32>
      %mul3A_348 = arith.mulf %get3A_343, %get3A_347 : vector<16xf32>
      %add3A_349 = arith.addf %add3A_339, %mul3A_348 : vector<16xf32>
      %get3A_350 = arith.index_cast %scan3A_111 : i32 to index
      %get3A_351 = arith.constant 384 : index
      %get3A_352 = tpu.vector_load %arg11[%get3A_350, %get3A_351] {strides = array<i32>} : memref<16x1024xf32, #tpu.memory_space<vmem>>, vector<1x16xf32>,
      %get3A_353 = vector.shape_cast %get3A_352 : vector<1x16xf32> to vector<16xf32>
      %get3A_354 = arith.index_cast %scan3A_111 : i32 to index
      %get3A_355 = arith.constant 384 : index
      %get3A_356 = tpu.vector_load %arg14[%get3A_354, %get3A_355] {strides = array<i32>} : memref<16x1024xf32, #tpu.memory_space<vmem>>, vector<1x16xf32>,
      %get3A_357 = vector.shape_cast %get3A_356 : vector<1x16xf32> to vector<16xf32>
      %mul3A_358 = arith.mulf %get3A_353, %get3A_357 : vector<16xf32>
      %add3A_359 = arith.addf %add3A_349, %mul3A_358 : vector<16xf32>
      %get3A_360 = arith.index_cast %scan3A_111 : i32 to index
      %get3A_361 = arith.constant 400 : index
      %get3A_362 = tpu.vector_load %arg11[%get3A_360, %get3A_361] {strides = array<i32>} : memref<16x1024xf32, #tpu.memory_space<vmem>>, vector<1x16xf32>,
      %get3A_363 = vector.shape_cast %get3A_362 : vector<1x16xf32> to vector<16xf32>
      %get3A_364 = arith.index_cast %scan3A_111 : i32 to index
      %get3A_365 = arith.constant 400 : index
      %get3A_366 = tpu.vector_load %arg14[%get3A_364, %get3A_365] {strides = array<i32>} : memref<16x1024xf32, #tpu.memory_space<vmem>>, vector<1x16xf32>,
      %get3A_367 = vector.shape_cast %get3A_366 : vector<1x16xf32> to vector<16xf32>
      %mul3A_368 = arith.mulf %get3A_363, %get3A_367 : vector<16xf32>
      %add3A_369 = arith.addf %add3A_359, %mul3A_368 : vector<16xf32>
      %get3A_370 = arith.index_cast %scan3A_111 : i32 to index
      %get3A_371 = arith.constant 416 : index
      %get3A_372 = tpu.vector_load %arg11[%get3A_370, %get3A_371] {strides = array<i32>} : memref<16x1024xf32, #tpu.memory_space<vmem>>, vector<1x16xf32>,
      %get3A_373 = vector.shape_cast %get3A_372 : vector<1x16xf32> to vector<16xf32>
      %get3A_374 = arith.index_cast %scan3A_111 : i32 to index
      %get3A_375 = arith.constant 416 : index
      %get3A_376 = tpu.vector_load %arg14[%get3A_374, %get3A_375] {strides = array<i32>} : memref<16x1024xf32, #tpu.memory_space<vmem>>, vector<1x16xf32>,
      %get3A_377 = vector.shape_cast %get3A_376 : vector<1x16xf32> to vector<16xf32>
      %mul3A_378 = arith.mulf %get3A_373, %get3A_377 : vector<16xf32>
      %add3A_379 = arith.addf %add3A_369, %mul3A_378 : vector<16xf32>
      %get3A_380 = arith.index_cast %scan3A_111 : i32 to index
      %get3A_381 = arith.constant 432 : index
      %get3A_382 = tpu.vector_load %arg11[%get3A_380, %get3A_381] {strides = array<i32>} : memref<16x1024xf32, #tpu.memory_space<vmem>>, vector<1x16xf32>,
      %get3A_383 = vector.shape_cast %get3A_382 : vector<1x16xf32> to vector<16xf32>
      %get3A_384 = arith.index_cast %scan3A_111 : i32 to index
      %get3A_385 = arith.constant 432 : index
      %get3A_386 = tpu.vector_load %arg14[%get3A_384, %get3A_385] {strides = array<i32>} : memref<16x1024xf32, #tpu.memory_space<vmem>>, vector<1x16xf32>,
      %get3A_387 = vector.shape_cast %get3A_386 : vector<1x16xf32> to vector<16xf32>
      %mul3A_388 = arith.mulf %get3A_383, %get3A_387 : vector<16xf32>
      %add3A_389 = arith.addf %add3A_379, %mul3A_388 : vector<16xf32>
      %get3A_390 = arith.index_cast %scan3A_111 : i32 to index
      %get3A_391 = arith.constant 448 : index
      %get3A_392 = tpu.vector_load %arg11[%get3A_390, %get3A_391] {strides = array<i32>} : memref<16x1024xf32, #tpu.memory_space<vmem>>, vector<1x16xf32>,
      %get3A_393 = vector.shape_cast %get3A_392 : vector<1x16xf32> to vector<16xf32>
      %get3A_394 = arith.index_cast %scan3A_111 : i32 to index
      %get3A_395 = arith.constant 448 : index
      %get3A_396 = tpu.vector_load %arg14[%get3A_394, %get3A_395] {strides = array<i32>} : memref<16x1024xf32, #tpu.memory_space<vmem>>, vector<1x16xf32>,
      %get3A_397 = vector.shape_cast %get3A_396 : vector<1x16xf32> to vector<16xf32>
      %mul3A_398 = arith.mulf %get3A_393, %get3A_397 : vector<16xf32>
      %add3A_399 = arith.addf %add3A_389, %mul3A_398 : vector<16xf32>
      %get3A_400 = arith.index_cast %scan3A_111 : i32 to index
      %get3A_401 = arith.constant 464 : index
      %get3A_402 = tpu.vector_load %arg11[%get3A_400, %get3A_401] {strides = array<i32>} : memref<16x1024xf32, #tpu.memory_space<vmem>>, vector<1x16xf32>,
      %get3A_403 = vector.shape_cast %get3A_402 : vector<1x16xf32> to vector<16xf32>
      %get3A_404 = arith.index_cast %scan3A_111 : i32 to index
      %get3A_405 = arith.constant 464 : index
      %get3A_406 = tpu.vector_load %arg14[%get3A_404, %get3A_405] {strides = array<i32>} : memref<16x1024xf32, #tpu.memory_space<vmem>>, vector<1x16xf32>,
      %get3A_407 = vector.shape_cast %get3A_406 : vector<1x16xf32> to vector<16xf32>
      %mul3A_408 = arith.mulf %get3A_403, %get3A_407 : vector<16xf32>
      %add3A_409 = arith.addf %add3A_399, %mul3A_408 : vector<16xf32>
      %get3A_410 = arith.index_cast %scan3A_111 : i32 to index
      %get3A_411 = arith.constant 480 : index
      %get3A_412 = tpu.vector_load %arg11[%get3A_410, %get3A_411] {strides = array<i32>} : memref<16x1024xf32, #tpu.memory_space<vmem>>, vector<1x16xf32>,
      %get3A_413 = vector.shape_cast %get3A_412 : vector<1x16xf32> to vector<16xf32>
      %get3A_414 = arith.index_cast %scan3A_111 : i32 to index
      %get3A_415 = arith.constant 480 : index
      %get3A_416 = tpu.vector_load %arg14[%get3A_414, %get3A_415] {strides = array<i32>} : memref<16x1024xf32, #tpu.memory_space<vmem>>, vector<1x16xf32>,
      %get3A_417 = vector.shape_cast %get3A_416 : vector<1x16xf32> to vector<16xf32>
      %mul3A_418 = arith.mulf %get3A_413, %get3A_417 : vector<16xf32>
      %add3A_419 = arith.addf %add3A_409, %mul3A_418 : vector<16xf32>
      %get3A_420 = arith.index_cast %scan3A_111 : i32 to index
      %get3A_421 = arith.constant 496 : index
      %get3A_422 = tpu.vector_load %arg11[%get3A_420, %get3A_421] {strides = array<i32>} : memref<16x1024xf32, #tpu.memory_space<vmem>>, vector<1x16xf32>,
      %get3A_423 = vector.shape_cast %get3A_422 : vector<1x16xf32> to vector<16xf32>
      %get3A_424 = arith.index_cast %scan3A_111 : i32 to index
      %get3A_425 = arith.constant 496 : index
      %get3A_426 = tpu.vector_load %arg14[%get3A_424, %get3A_425] {strides = array<i32>} : memref<16x1024xf32, #tpu.memory_space<vmem>>, vector<1x16xf32>,
      %get3A_427 = vector.shape_cast %get3A_426 : vector<1x16xf32> to vector<16xf32>
      %mul3A_428 = arith.mulf %get3A_423, %get3A_427 : vector<16xf32>
      %add3A_429 = arith.addf %add3A_419, %mul3A_428 : vector<16xf32>
      %get3A_430 = arith.index_cast %scan3A_111 : i32 to index
      %get3A_431 = arith.constant 512 : index
      %get3A_432 = tpu.vector_load %arg11[%get3A_430, %get3A_431] {strides = array<i32>} : memref<16x1024xf32, #tpu.memory_space<vmem>>, vector<1x16xf32>,
      %get3A_433 = vector.shape_cast %get3A_432 : vector<1x16xf32> to vector<16xf32>
      %get3A_434 = arith.index_cast %scan3A_111 : i32 to index
      %get3A_435 = arith.constant 512 : index
      %get3A_436 = tpu.vector_load %arg14[%get3A_434, %get3A_435] {strides = array<i32>} : memref<16x1024xf32, #tpu.memory_space<vmem>>, vector<1x16xf32>,
      %get3A_437 = vector.shape_cast %get3A_436 : vector<1x16xf32> to vector<16xf32>
      %mul3A_438 = arith.mulf %get3A_433, %get3A_437 : vector<16xf32>
      %add3A_439 = arith.addf %add3A_429, %mul3A_438 : vector<16xf32>
      %get3A_440 = arith.index_cast %scan3A_111 : i32 to index
      %get3A_441 = arith.constant 528 : index
      %get3A_442 = tpu.vector_load %arg11[%get3A_440, %get3A_441] {strides = array<i32>} : memref<16x1024xf32, #tpu.memory_space<vmem>>, vector<1x16xf32>,
      %get3A_443 = vector.shape_cast %get3A_442 : vector<1x16xf32> to vector<16xf32>
      %get3A_444 = arith.index_cast %scan3A_111 : i32 to index
      %get3A_445 = arith.constant 528 : index
      %get3A_446 = tpu.vector_load %arg14[%get3A_444, %get3A_445] {strides = array<i32>} : memref<16x1024xf32, #tpu.memory_space<vmem>>, vector<1x16xf32>,
      %get3A_447 = vector.shape_cast %get3A_446 : vector<1x16xf32> to vector<16xf32>
      %mul3A_448 = arith.mulf %get3A_443, %get3A_447 : vector<16xf32>
      %add3A_449 = arith.addf %add3A_439, %mul3A_448 : vector<16xf32>
      %get3A_450 = arith.index_cast %scan3A_111 : i32 to index
      %get3A_451 = arith.constant 544 : index
      %get3A_452 = tpu.vector_load %arg11[%get3A_450, %get3A_451] {strides = array<i32>} : memref<16x1024xf32, #tpu.memory_space<vmem>>, vector<1x16xf32>,
      %get3A_453 = vector.shape_cast %get3A_452 : vector<1x16xf32> to vector<16xf32>
      %get3A_454 = arith.index_cast %scan3A_111 : i32 to index
      %get3A_455 = arith.constant 544 : index
      %get3A_456 = tpu.vector_load %arg14[%get3A_454, %get3A_455] {strides = array<i32>} : memref<16x1024xf32, #tpu.memory_space<vmem>>, vector<1x16xf32>,
      %get3A_457 = vector.shape_cast %get3A_456 : vector<1x16xf32> to vector<16xf32>
      %mul3A_458 = arith.mulf %get3A_453, %get3A_457 : vector<16xf32>
      %add3A_459 = arith.addf %add3A_449, %mul3A_458 : vector<16xf32>
      %get3A_460 = arith.index_cast %scan3A_111 : i32 to index
      %get3A_461 = arith.constant 560 : index
      %get3A_462 = tpu.vector_load %arg11[%get3A_460, %get3A_461] {strides = array<i32>} : memref<16x1024xf32, #tpu.memory_space<vmem>>, vector<1x16xf32>,
      %get3A_463 = vector.shape_cast %get3A_462 : vector<1x16xf32> to vector<16xf32>
      %get3A_464 = arith.index_cast %scan3A_111 : i32 to index
      %get3A_465 = arith.constant 560 : index
      %get3A_466 = tpu.vector_load %arg14[%get3A_464, %get3A_465] {strides = array<i32>} : memref<16x1024xf32, #tpu.memory_space<vmem>>, vector<1x16xf32>,
      %get3A_467 = vector.shape_cast %get3A_466 : vector<1x16xf32> to vector<16xf32>
      %mul3A_468 = arith.mulf %get3A_463, %get3A_467 : vector<16xf32>
      %add3A_469 = arith.addf %add3A_459, %mul3A_468 : vector<16xf32>
      %get3A_470 = arith.index_cast %scan3A_111 : i32 to index
      %get3A_471 = arith.constant 576 : index
      %get3A_472 = tpu.vector_load %arg11[%get3A_470, %get3A_471] {strides = array<i32>} : memref<16x1024xf32, #tpu.memory_space<vmem>>, vector<1x16xf32>,
      %get3A_473 = vector.shape_cast %get3A_472 : vector<1x16xf32> to vector<16xf32>
      %get3A_474 = arith.index_cast %scan3A_111 : i32 to index
      %get3A_475 = arith.constant 576 : index
      %get3A_476 = tpu.vector_load %arg14[%get3A_474, %get3A_475] {strides = array<i32>} : memref<16x1024xf32, #tpu.memory_space<vmem>>, vector<1x16xf32>,
      %get3A_477 = vector.shape_cast %get3A_476 : vector<1x16xf32> to vector<16xf32>
      %mul3A_478 = arith.mulf %get3A_473, %get3A_477 : vector<16xf32>
      %add3A_479 = arith.addf %add3A_469, %mul3A_478 : vector<16xf32>
      %get3A_480 = arith.index_cast %scan3A_111 : i32 to index
      %get3A_481 = arith.constant 592 : index
      %get3A_482 = tpu.vector_load %arg11[%get3A_480, %get3A_481] {strides = array<i32>} : memref<16x1024xf32, #tpu.memory_space<vmem>>, vector<1x16xf32>,
      %get3A_483 = vector.shape_cast %get3A_482 : vector<1x16xf32> to vector<16xf32>
      %get3A_484 = arith.index_cast %scan3A_111 : i32 to index
      %get3A_485 = arith.constant 592 : index
      %get3A_486 = tpu.vector_load %arg14[%get3A_484, %get3A_485] {strides = array<i32>} : memref<16x1024xf32, #tpu.memory_space<vmem>>, vector<1x16xf32>,
      %get3A_487 = vector.shape_cast %get3A_486 : vector<1x16xf32> to vector<16xf32>
      %mul3A_488 = arith.mulf %get3A_483, %get3A_487 : vector<16xf32>
      %add3A_489 = arith.addf %add3A_479, %mul3A_488 : vector<16xf32>
      %get3A_490 = arith.index_cast %scan3A_111 : i32 to index
      %get3A_491 = arith.constant 608 : index
      %get3A_492 = tpu.vector_load %arg11[%get3A_490, %get3A_491] {strides = array<i32>} : memref<16x1024xf32, #tpu.memory_space<vmem>>, vector<1x16xf32>,
      %get3A_493 = vector.shape_cast %get3A_492 : vector<1x16xf32> to vector<16xf32>
      %get3A_494 = arith.index_cast %scan3A_111 : i32 to index
      %get3A_495 = arith.constant 608 : index
      %get3A_496 = tpu.vector_load %arg14[%get3A_494, %get3A_495] {strides = array<i32>} : memref<16x1024xf32, #tpu.memory_space<vmem>>, vector<1x16xf32>,
      %get3A_497 = vector.shape_cast %get3A_496 : vector<1x16xf32> to vector<16xf32>
      %mul3A_498 = arith.mulf %get3A_493, %get3A_497 : vector<16xf32>
      %add3A_499 = arith.addf %add3A_489, %mul3A_498 : vector<16xf32>
      %get3A_500 = arith.index_cast %scan3A_111 : i32 to index
      %get3A_501 = arith.constant 624 : index
      %get3A_502 = tpu.vector_load %arg11[%get3A_500, %get3A_501] {strides = array<i32>} : memref<16x1024xf32, #tpu.memory_space<vmem>>, vector<1x16xf32>,
      %get3A_503 = vector.shape_cast %get3A_502 : vector<1x16xf32> to vector<16xf32>
      %get3A_504 = arith.index_cast %scan3A_111 : i32 to index
      %get3A_505 = arith.constant 624 : index
      %get3A_506 = tpu.vector_load %arg14[%get3A_504, %get3A_505] {strides = array<i32>} : memref<16x1024xf32, #tpu.memory_space<vmem>>, vector<1x16xf32>,
      %get3A_507 = vector.shape_cast %get3A_506 : vector<1x16xf32> to vector<16xf32>
      %mul3A_508 = arith.mulf %get3A_503, %get3A_507 : vector<16xf32>
      %add3A_509 = arith.addf %add3A_499, %mul3A_508 : vector<16xf32>
      %get3A_510 = arith.index_cast %scan3A_111 : i32 to index
      %get3A_511 = arith.constant 640 : index
      %get3A_512 = tpu.vector_load %arg11[%get3A_510, %get3A_511] {strides = array<i32>} : memref<16x1024xf32, #tpu.memory_space<vmem>>, vector<1x16xf32>,
      %get3A_513 = vector.shape_cast %get3A_512 : vector<1x16xf32> to vector<16xf32>
      %get3A_514 = arith.index_cast %scan3A_111 : i32 to index
      %get3A_515 = arith.constant 640 : index
      %get3A_516 = tpu.vector_load %arg14[%get3A_514, %get3A_515] {strides = array<i32>} : memref<16x1024xf32, #tpu.memory_space<vmem>>, vector<1x16xf32>,
      %get3A_517 = vector.shape_cast %get3A_516 : vector<1x16xf32> to vector<16xf32>
      %mul3A_518 = arith.mulf %get3A_513, %get3A_517 : vector<16xf32>
      %add3A_519 = arith.addf %add3A_509, %mul3A_518 : vector<16xf32>
      %get3A_520 = arith.index_cast %scan3A_111 : i32 to index
      %get3A_521 = arith.constant 656 : index
      %get3A_522 = tpu.vector_load %arg11[%get3A_520, %get3A_521] {strides = array<i32>} : memref<16x1024xf32, #tpu.memory_space<vmem>>, vector<1x16xf32>,
      %get3A_523 = vector.shape_cast %get3A_522 : vector<1x16xf32> to vector<16xf32>
      %get3A_524 = arith.index_cast %scan3A_111 : i32 to index
      %get3A_525 = arith.constant 656 : index
      %get3A_526 = tpu.vector_load %arg14[%get3A_524, %get3A_525] {strides = array<i32>} : memref<16x1024xf32, #tpu.memory_space<vmem>>, vector<1x16xf32>,
      %get3A_527 = vector.shape_cast %get3A_526 : vector<1x16xf32> to vector<16xf32>
      %mul3A_528 = arith.mulf %get3A_523, %get3A_527 : vector<16xf32>
      %add3A_529 = arith.addf %add3A_519, %mul3A_528 : vector<16xf32>
      %get3A_530 = arith.index_cast %scan3A_111 : i32 to index
      %get3A_531 = arith.constant 672 : index
      %get3A_532 = tpu.vector_load %arg11[%get3A_530, %get3A_531] {strides = array<i32>} : memref<16x1024xf32, #tpu.memory_space<vmem>>, vector<1x16xf32>,
      %get3A_533 = vector.shape_cast %get3A_532 : vector<1x16xf32> to vector<16xf32>
      %get3A_534 = arith.index_cast %scan3A_111 : i32 to index
      %get3A_535 = arith.constant 672 : index
      %get3A_536 = tpu.vector_load %arg14[%get3A_534, %get3A_535] {strides = array<i32>} : memref<16x1024xf32, #tpu.memory_space<vmem>>, vector<1x16xf32>,
      %get3A_537 = vector.shape_cast %get3A_536 : vector<1x16xf32> to vector<16xf32>
      %mul3A_538 = arith.mulf %get3A_533, %get3A_537 : vector<16xf32>
      %add3A_539 = arith.addf %add3A_529, %mul3A_538 : vector<16xf32>
      %get3A_540 = arith.index_cast %scan3A_111 : i32 to index
      %get3A_541 = arith.constant 688 : index
      %get3A_542 = tpu.vector_load %arg11[%get3A_540, %get3A_541] {strides = array<i32>} : memref<16x1024xf32, #tpu.memory_space<vmem>>, vector<1x16xf32>,
      %get3A_543 = vector.shape_cast %get3A_542 : vector<1x16xf32> to vector<16xf32>
      %get3A_544 = arith.index_cast %scan3A_111 : i32 to index
      %get3A_545 = arith.constant 688 : index
      %get3A_546 = tpu.vector_load %arg14[%get3A_544, %get3A_545] {strides = array<i32>} : memref<16x1024xf32, #tpu.memory_space<vmem>>, vector<1x16xf32>,
      %get3A_547 = vector.shape_cast %get3A_546 : vector<1x16xf32> to vector<16xf32>
      %mul3A_548 = arith.mulf %get3A_543, %get3A_547 : vector<16xf32>
      %add3A_549 = arith.addf %add3A_539, %mul3A_548 : vector<16xf32>
      %get3A_550 = arith.index_cast %scan3A_111 : i32 to index
      %get3A_551 = arith.constant 704 : index
      %get3A_552 = tpu.vector_load %arg11[%get3A_550, %get3A_551] {strides = array<i32>} : memref<16x1024xf32, #tpu.memory_space<vmem>>, vector<1x16xf32>,
      %get3A_553 = vector.shape_cast %get3A_552 : vector<1x16xf32> to vector<16xf32>
      %get3A_554 = arith.index_cast %scan3A_111 : i32 to index
      %get3A_555 = arith.constant 704 : index
      %get3A_556 = tpu.vector_load %arg14[%get3A_554, %get3A_555] {strides = array<i32>} : memref<16x1024xf32, #tpu.memory_space<vmem>>, vector<1x16xf32>,
      %get3A_557 = vector.shape_cast %get3A_556 : vector<1x16xf32> to vector<16xf32>
      %mul3A_558 = arith.mulf %get3A_553, %get3A_557 : vector<16xf32>
      %add3A_559 = arith.addf %add3A_549, %mul3A_558 : vector<16xf32>
      %get3A_560 = arith.index_cast %scan3A_111 : i32 to index
      %get3A_561 = arith.constant 720 : index
      %get3A_562 = tpu.vector_load %arg11[%get3A_560, %get3A_561] {strides = array<i32>} : memref<16x1024xf32, #tpu.memory_space<vmem>>, vector<1x16xf32>,
      %get3A_563 = vector.shape_cast %get3A_562 : vector<1x16xf32> to vector<16xf32>
      %get3A_564 = arith.index_cast %scan3A_111 : i32 to index
      %get3A_565 = arith.constant 720 : index
      %get3A_566 = tpu.vector_load %arg14[%get3A_564, %get3A_565] {strides = array<i32>} : memref<16x1024xf32, #tpu.memory_space<vmem>>, vector<1x16xf32>,
      %get3A_567 = vector.shape_cast %get3A_566 : vector<1x16xf32> to vector<16xf32>
      %mul3A_568 = arith.mulf %get3A_563, %get3A_567 : vector<16xf32>
      %add3A_569 = arith.addf %add3A_559, %mul3A_568 : vector<16xf32>
      %get3A_570 = arith.index_cast %scan3A_111 : i32 to index
      %get3A_571 = arith.constant 736 : index
      %get3A_572 = tpu.vector_load %arg11[%get3A_570, %get3A_571] {strides = array<i32>} : memref<16x1024xf32, #tpu.memory_space<vmem>>, vector<1x16xf32>,
      %get3A_573 = vector.shape_cast %get3A_572 : vector<1x16xf32> to vector<16xf32>
      %get3A_574 = arith.index_cast %scan3A_111 : i32 to index
      %get3A_575 = arith.constant 736 : index
      %get3A_576 = tpu.vector_load %arg14[%get3A_574, %get3A_575] {strides = array<i32>} : memref<16x1024xf32, #tpu.memory_space<vmem>>, vector<1x16xf32>,
      %get3A_577 = vector.shape_cast %get3A_576 : vector<1x16xf32> to vector<16xf32>
      %mul3A_578 = arith.mulf %get3A_573, %get3A_577 : vector<16xf32>
      %add3A_579 = arith.addf %add3A_569, %mul3A_578 : vector<16xf32>
      %get3A_580 = arith.index_cast %scan3A_111 : i32 to index
      %get3A_581 = arith.constant 752 : index
      %get3A_582 = tpu.vector_load %arg11[%get3A_580, %get3A_581] {strides = array<i32>} : memref<16x1024xf32, #tpu.memory_space<vmem>>, vector<1x16xf32>,
      %get3A_583 = vector.shape_cast %get3A_582 : vector<1x16xf32> to vector<16xf32>
      %get3A_584 = arith.index_cast %scan3A_111 : i32 to index
      %get3A_585 = arith.constant 752 : index
      %get3A_586 = tpu.vector_load %arg14[%get3A_584, %get3A_585] {strides = array<i32>} : memref<16x1024xf32, #tpu.memory_space<vmem>>, vector<1x16xf32>,
      %get3A_587 = vector.shape_cast %get3A_586 : vector<1x16xf32> to vector<16xf32>
      %mul3A_588 = arith.mulf %get3A_583, %get3A_587 : vector<16xf32>
      %add3A_589 = arith.addf %add3A_579, %mul3A_588 : vector<16xf32>
      %get3A_590 = arith.index_cast %scan3A_111 : i32 to index
      %get3A_591 = arith.constant 768 : index
      %get3A_592 = tpu.vector_load %arg11[%get3A_590, %get3A_591] {strides = array<i32>} : memref<16x1024xf32, #tpu.memory_space<vmem>>, vector<1x16xf32>,
      %get3A_593 = vector.shape_cast %get3A_592 : vector<1x16xf32> to vector<16xf32>
      %get3A_594 = arith.index_cast %scan3A_111 : i32 to index
      %get3A_595 = arith.constant 768 : index
      %get3A_596 = tpu.vector_load %arg14[%get3A_594, %get3A_595] {strides = array<i32>} : memref<16x1024xf32, #tpu.memory_space<vmem>>, vector<1x16xf32>,
      %get3A_597 = vector.shape_cast %get3A_596 : vector<1x16xf32> to vector<16xf32>
      %mul3A_598 = arith.mulf %get3A_593, %get3A_597 : vector<16xf32>
      %add3A_599 = arith.addf %add3A_589, %mul3A_598 : vector<16xf32>
      %get3A_600 = arith.index_cast %scan3A_111 : i32 to index
      %get3A_601 = arith.constant 784 : index
      %get3A_602 = tpu.vector_load %arg11[%get3A_600, %get3A_601] {strides = array<i32>} : memref<16x1024xf32, #tpu.memory_space<vmem>>, vector<1x16xf32>,
      %get3A_603 = vector.shape_cast %get3A_602 : vector<1x16xf32> to vector<16xf32>
      %get3A_604 = arith.index_cast %scan3A_111 : i32 to index
      %get3A_605 = arith.constant 784 : index
      %get3A_606 = tpu.vector_load %arg14[%get3A_604, %get3A_605] {strides = array<i32>} : memref<16x1024xf32, #tpu.memory_space<vmem>>, vector<1x16xf32>,
      %get3A_607 = vector.shape_cast %get3A_606 : vector<1x16xf32> to vector<16xf32>
      %mul3A_608 = arith.mulf %get3A_603, %get3A_607 : vector<16xf32>
      %add3A_609 = arith.addf %add3A_599, %mul3A_608 : vector<16xf32>
      %get3A_610 = arith.index_cast %scan3A_111 : i32 to index
      %get3A_611 = arith.constant 800 : index
      %get3A_612 = tpu.vector_load %arg11[%get3A_610, %get3A_611] {strides = array<i32>} : memref<16x1024xf32, #tpu.memory_space<vmem>>, vector<1x16xf32>,
      %get3A_613 = vector.shape_cast %get3A_612 : vector<1x16xf32> to vector<16xf32>
      %get3A_614 = arith.index_cast %scan3A_111 : i32 to index
      %get3A_615 = arith.constant 800 : index
      %get3A_616 = tpu.vector_load %arg14[%get3A_614, %get3A_615] {strides = array<i32>} : memref<16x1024xf32, #tpu.memory_space<vmem>>, vector<1x16xf32>,
      %get3A_617 = vector.shape_cast %get3A_616 : vector<1x16xf32> to vector<16xf32>
      %mul3A_618 = arith.mulf %get3A_613, %get3A_617 : vector<16xf32>
      %add3A_619 = arith.addf %add3A_609, %mul3A_618 : vector<16xf32>
      %get3A_620 = arith.index_cast %scan3A_111 : i32 to index
      %get3A_621 = arith.constant 816 : index
      %get3A_622 = tpu.vector_load %arg11[%get3A_620, %get3A_621] {strides = array<i32>} : memref<16x1024xf32, #tpu.memory_space<vmem>>, vector<1x16xf32>,
      %get3A_623 = vector.shape_cast %get3A_622 : vector<1x16xf32> to vector<16xf32>
      %get3A_624 = arith.index_cast %scan3A_111 : i32 to index
      %get3A_625 = arith.constant 816 : index
      %get3A_626 = tpu.vector_load %arg14[%get3A_624, %get3A_625] {strides = array<i32>} : memref<16x1024xf32, #tpu.memory_space<vmem>>, vector<1x16xf32>,
      %get3A_627 = vector.shape_cast %get3A_626 : vector<1x16xf32> to vector<16xf32>
      %mul3A_628 = arith.mulf %get3A_623, %get3A_627 : vector<16xf32>
      %add3A_629 = arith.addf %add3A_619, %mul3A_628 : vector<16xf32>
      %get3A_630 = arith.index_cast %scan3A_111 : i32 to index
      %get3A_631 = arith.constant 832 : index
      %get3A_632 = tpu.vector_load %arg11[%get3A_630, %get3A_631] {strides = array<i32>} : memref<16x1024xf32, #tpu.memory_space<vmem>>, vector<1x16xf32>,
      %get3A_633 = vector.shape_cast %get3A_632 : vector<1x16xf32> to vector<16xf32>
      %get3A_634 = arith.index_cast %scan3A_111 : i32 to index
      %get3A_635 = arith.constant 832 : index
      %get3A_636 = tpu.vector_load %arg14[%get3A_634, %get3A_635] {strides = array<i32>} : memref<16x1024xf32, #tpu.memory_space<vmem>>, vector<1x16xf32>,
      %get3A_637 = vector.shape_cast %get3A_636 : vector<1x16xf32> to vector<16xf32>
      %mul3A_638 = arith.mulf %get3A_633, %get3A_637 : vector<16xf32>
      %add3A_639 = arith.addf %add3A_629, %mul3A_638 : vector<16xf32>
      %get3A_640 = arith.index_cast %scan3A_111 : i32 to index
      %get3A_641 = arith.constant 848 : index
      %get3A_642 = tpu.vector_load %arg11[%get3A_640, %get3A_641] {strides = array<i32>} : memref<16x1024xf32, #tpu.memory_space<vmem>>, vector<1x16xf32>,
      %get3A_643 = vector.shape_cast %get3A_642 : vector<1x16xf32> to vector<16xf32>
      %get3A_644 = arith.index_cast %scan3A_111 : i32 to index
      %get3A_645 = arith.constant 848 : index
      %get3A_646 = tpu.vector_load %arg14[%get3A_644, %get3A_645] {strides = array<i32>} : memref<16x1024xf32, #tpu.memory_space<vmem>>, vector<1x16xf32>,
      %get3A_647 = vector.shape_cast %get3A_646 : vector<1x16xf32> to vector<16xf32>
      %mul3A_648 = arith.mulf %get3A_643, %get3A_647 : vector<16xf32>
      %add3A_649 = arith.addf %add3A_639, %mul3A_648 : vector<16xf32>
      %get3A_650 = arith.index_cast %scan3A_111 : i32 to index
      %get3A_651 = arith.constant 864 : index
      %get3A_652 = tpu.vector_load %arg11[%get3A_650, %get3A_651] {strides = array<i32>} : memref<16x1024xf32, #tpu.memory_space<vmem>>, vector<1x16xf32>,
      %get3A_653 = vector.shape_cast %get3A_652 : vector<1x16xf32> to vector<16xf32>
      %get3A_654 = arith.index_cast %scan3A_111 : i32 to index
      %get3A_655 = arith.constant 864 : index
      %get3A_656 = tpu.vector_load %arg14[%get3A_654, %get3A_655] {strides = array<i32>} : memref<16x1024xf32, #tpu.memory_space<vmem>>, vector<1x16xf32>,
      %get3A_657 = vector.shape_cast %get3A_656 : vector<1x16xf32> to vector<16xf32>
      %mul3A_658 = arith.mulf %get3A_653, %get3A_657 : vector<16xf32>
      %add3A_659 = arith.addf %add3A_649, %mul3A_658 : vector<16xf32>
      %get3A_660 = arith.index_cast %scan3A_111 : i32 to index
      %get3A_661 = arith.constant 880 : index
      %get3A_662 = tpu.vector_load %arg11[%get3A_660, %get3A_661] {strides = array<i32>} : memref<16x1024xf32, #tpu.memory_space<vmem>>, vector<1x16xf32>,
      %get3A_663 = vector.shape_cast %get3A_662 : vector<1x16xf32> to vector<16xf32>
      %get3A_664 = arith.index_cast %scan3A_111 : i32 to index
      %get3A_665 = arith.constant 880 : index
      %get3A_666 = tpu.vector_load %arg14[%get3A_664, %get3A_665] {strides = array<i32>} : memref<16x1024xf32, #tpu.memory_space<vmem>>, vector<1x16xf32>,
      %get3A_667 = vector.shape_cast %get3A_666 : vector<1x16xf32> to vector<16xf32>
      %mul3A_668 = arith.mulf %get3A_663, %get3A_667 : vector<16xf32>
      %add3A_669 = arith.addf %add3A_659, %mul3A_668 : vector<16xf32>
      %get3A_670 = arith.index_cast %scan3A_111 : i32 to index
      %get3A_671 = arith.constant 896 : index
      %get3A_672 = tpu.vector_load %arg11[%get3A_670, %get3A_671] {strides = array<i32>} : memref<16x1024xf32, #tpu.memory_space<vmem>>, vector<1x16xf32>,
      %get3A_673 = vector.shape_cast %get3A_672 : vector<1x16xf32> to vector<16xf32>
      %get3A_674 = arith.index_cast %scan3A_111 : i32 to index
      %get3A_675 = arith.constant 896 : index
      %get3A_676 = tpu.vector_load %arg14[%get3A_674, %get3A_675] {strides = array<i32>} : memref<16x1024xf32, #tpu.memory_space<vmem>>, vector<1x16xf32>,
      %get3A_677 = vector.shape_cast %get3A_676 : vector<1x16xf32> to vector<16xf32>
      %mul3A_678 = arith.mulf %get3A_673, %get3A_677 : vector<16xf32>
      %add3A_679 = arith.addf %add3A_669, %mul3A_678 : vector<16xf32>
      %get3A_680 = arith.index_cast %scan3A_111 : i32 to index
      %get3A_681 = arith.constant 912 : index
      %get3A_682 = tpu.vector_load %arg11[%get3A_680, %get3A_681] {strides = array<i32>} : memref<16x1024xf32, #tpu.memory_space<vmem>>, vector<1x16xf32>,
      %get3A_683 = vector.shape_cast %get3A_682 : vector<1x16xf32> to vector<16xf32>
      %get3A_684 = arith.index_cast %scan3A_111 : i32 to index
      %get3A_685 = arith.constant 912 : index
      %get3A_686 = tpu.vector_load %arg14[%get3A_684, %get3A_685] {strides = array<i32>} : memref<16x1024xf32, #tpu.memory_space<vmem>>, vector<1x16xf32>,
      %get3A_687 = vector.shape_cast %get3A_686 : vector<1x16xf32> to vector<16xf32>
      %mul3A_688 = arith.mulf %get3A_683, %get3A_687 : vector<16xf32>
      %add3A_689 = arith.addf %add3A_679, %mul3A_688 : vector<16xf32>
      %get3A_690 = arith.index_cast %scan3A_111 : i32 to index
      %get3A_691 = arith.constant 928 : index
      %get3A_692 = tpu.vector_load %arg11[%get3A_690, %get3A_691] {strides = array<i32>} : memref<16x1024xf32, #tpu.memory_space<vmem>>, vector<1x16xf32>,
      %get3A_693 = vector.shape_cast %get3A_692 : vector<1x16xf32> to vector<16xf32>
      %get3A_694 = arith.index_cast %scan3A_111 : i32 to index
      %get3A_695 = arith.constant 928 : index
      %get3A_696 = tpu.vector_load %arg14[%get3A_694, %get3A_695] {strides = array<i32>} : memref<16x1024xf32, #tpu.memory_space<vmem>>, vector<1x16xf32>,
      %get3A_697 = vector.shape_cast %get3A_696 : vector<1x16xf32> to vector<16xf32>
      %mul3A_698 = arith.mulf %get3A_693, %get3A_697 : vector<16xf32>
      %add3A_699 = arith.addf %add3A_689, %mul3A_698 : vector<16xf32>
      %get3A_700 = arith.index_cast %scan3A_111 : i32 to index
      %get3A_701 = arith.constant 944 : index
      %get3A_702 = tpu.vector_load %arg11[%get3A_700, %get3A_701] {strides = array<i32>} : memref<16x1024xf32, #tpu.memory_space<vmem>>, vector<1x16xf32>,
      %get3A_703 = vector.shape_cast %get3A_702 : vector<1x16xf32> to vector<16xf32>
      %get3A_704 = arith.index_cast %scan3A_111 : i32 to index
      %get3A_705 = arith.constant 944 : index
      %get3A_706 = tpu.vector_load %arg14[%get3A_704, %get3A_705] {strides = array<i32>} : memref<16x1024xf32, #tpu.memory_space<vmem>>, vector<1x16xf32>,
      %get3A_707 = vector.shape_cast %get3A_706 : vector<1x16xf32> to vector<16xf32>
      %mul3A_708 = arith.mulf %get3A_703, %get3A_707 : vector<16xf32>
      %add3A_709 = arith.addf %add3A_699, %mul3A_708 : vector<16xf32>
      %get3A_710 = arith.index_cast %scan3A_111 : i32 to index
      %get3A_711 = arith.constant 960 : index
      %get3A_712 = tpu.vector_load %arg11[%get3A_710, %get3A_711] {strides = array<i32>} : memref<16x1024xf32, #tpu.memory_space<vmem>>, vector<1x16xf32>,
      %get3A_713 = vector.shape_cast %get3A_712 : vector<1x16xf32> to vector<16xf32>
      %get3A_714 = arith.index_cast %scan3A_111 : i32 to index
      %get3A_715 = arith.constant 960 : index
      %get3A_716 = tpu.vector_load %arg14[%get3A_714, %get3A_715] {strides = array<i32>} : memref<16x1024xf32, #tpu.memory_space<vmem>>, vector<1x16xf32>,
      %get3A_717 = vector.shape_cast %get3A_716 : vector<1x16xf32> to vector<16xf32>
      %mul3A_718 = arith.mulf %get3A_713, %get3A_717 : vector<16xf32>
      %add3A_719 = arith.addf %add3A_709, %mul3A_718 : vector<16xf32>
      %get3A_720 = arith.index_cast %scan3A_111 : i32 to index
      %get3A_721 = arith.constant 976 : index
      %get3A_722 = tpu.vector_load %arg11[%get3A_720, %get3A_721] {strides = array<i32>} : memref<16x1024xf32, #tpu.memory_space<vmem>>, vector<1x16xf32>,
      %get3A_723 = vector.shape_cast %get3A_722 : vector<1x16xf32> to vector<16xf32>
      %get3A_724 = arith.index_cast %scan3A_111 : i32 to index
      %get3A_725 = arith.constant 976 : index
      %get3A_726 = tpu.vector_load %arg14[%get3A_724, %get3A_725] {strides = array<i32>} : memref<16x1024xf32, #tpu.memory_space<vmem>>, vector<1x16xf32>,
      %get3A_727 = vector.shape_cast %get3A_726 : vector<1x16xf32> to vector<16xf32>
      %mul3A_728 = arith.mulf %get3A_723, %get3A_727 : vector<16xf32>
      %add3A_729 = arith.addf %add3A_719, %mul3A_728 : vector<16xf32>
      %get3A_730 = arith.index_cast %scan3A_111 : i32 to index
      %get3A_731 = arith.constant 992 : index
      %get3A_732 = tpu.vector_load %arg11[%get3A_730, %get3A_731] {strides = array<i32>} : memref<16x1024xf32, #tpu.memory_space<vmem>>, vector<1x16xf32>,
      %get3A_733 = vector.shape_cast %get3A_732 : vector<1x16xf32> to vector<16xf32>
      %get3A_734 = arith.index_cast %scan3A_111 : i32 to index
      %get3A_735 = arith.constant 992 : index
      %get3A_736 = tpu.vector_load %arg14[%get3A_734, %get3A_735] {strides = array<i32>} : memref<16x1024xf32, #tpu.memory_space<vmem>>, vector<1x16xf32>,
      %get3A_737 = vector.shape_cast %get3A_736 : vector<1x16xf32> to vector<16xf32>
      %mul3A_738 = arith.mulf %get3A_733, %get3A_737 : vector<16xf32>
      %add3A_739 = arith.addf %add3A_729, %mul3A_738 : vector<16xf32>
      %get3A_740 = arith.index_cast %scan3A_111 : i32 to index
      %get3A_741 = arith.constant 1008 : index
      %get3A_742 = tpu.vector_load %arg11[%get3A_740, %get3A_741] {strides = array<i32>} : memref<16x1024xf32, #tpu.memory_space<vmem>>, vector<1x16xf32>,
      %get3A_743 = vector.shape_cast %get3A_742 : vector<1x16xf32> to vector<16xf32>
      %get3A_744 = arith.index_cast %scan3A_111 : i32 to index
      %get3A_745 = arith.constant 1008 : index
      %get3A_746 = tpu.vector_load %arg14[%get3A_744, %get3A_745] {strides = array<i32>} : memref<16x1024xf32, #tpu.memory_space<vmem>>, vector<1x16xf32>,
      %get3A_747 = vector.shape_cast %get3A_746 : vector<1x16xf32> to vector<16xf32>
      %mul3A_748 = arith.mulf %get3A_743, %get3A_747 : vector<16xf32>
      %add3A_749 = arith.addf %add3A_739, %mul3A_748 : vector<16xf32>
      %add3A_750 = arith.constant 240 : i32
      %add3A_751 = arith.addi %add3A_750, %scan3A_111 : i32
      %shift_right_arithmetic3A = arith.constant 7 : i32
      %shift_right_arithmetic3A_752 = arith.shrsi %add3A_751, %shift_right_arithmetic3A : i32
      %and3A_753 = arith.constant 127 : i32
      %and3A_754 = arith.andi %add3A_751, %and3A_753 : i32
      %mul3A_755 = arith.constant 16 : i32
      %mul3A_756 = arith.muli %and3A_754, %mul3A_755 : i32
      %multiple_of3A_757 = tpu.assume_multiple %mul3A_756, 16 : i32
      %swap3A = arith.index_cast %shift_right_arithmetic3A_752 : i32 to index
      %swap3A_758 = arith.index_cast %multiple_of3A_757 : i32 to index
      %swap3A_759 = tpu.vector_load %arg10[%swap3A, %swap3A_758] {strides = array<i32>} : memref<2x2048xf32, #tpu.memory_space<vmem>>, vector<1x16xf32>,
      %swap3A_760 = vector.shape_cast %swap3A_759 : vector<1x16xf32> to vector<16xf32>
      %swap3A_761 = vector.shape_cast %add3A_749 : vector<16xf32> to vector<1x16xf32>
      tpu.vector_store %arg10[%swap3A, %swap3A_758], %swap3A_761 {strides = array<i32>} : memref<2x2048xf32, #tpu.memory_space<vmem>>, vector<1x16xf32>,
    }
    %scan3A_96 = arith.constant 16 : i32
    %dma_wait3A_97 = arith.constant 0 : i32
    %dma_wait3A_98 = tpu.memref_slice %arg9[%dma_wait3A_97] : memref<256xf32, #tpu.memory_space<vmem>> -> memref<128xf32, #tpu.memory_space<vmem>>
    %dma_wait3A_99 = arith.constant 0 : i32
    %dma_wait3A_100 = tpu.memref_slice %arg8[%dma_wait3A_99] : memref<256xi32, #tpu.memory_space<vmem>> -> memref<128xi32, #tpu.memory_space<vmem>>
    %dma_wait3A_101 = arith.constant 0 : i32
    %dma_wait3A_102 = tpu.memref_slice %arg4[%dma_wait3A_101] : memref<100000xf32, #tpu.memory_space<hbm>> -> memref<100000xf32, #tpu.memory_space<hbm>>
    tpu.wait_indirect_dma semaphore(%arg23 : memref<!tpu.dma_semaphore, #tpu.memory_space<semaphore_mem>>) src(%dma_wait3A_102 : memref<100000xf32, #tpu.memory_space<hbm>>) dst(%dma_wait3A_98 : memref<128xf32, #tpu.memory_space<vmem>>)
    %dma_wait3A_103 = arith.constant 128 : i32
    %dma_wait3A_104 = tpu.memref_slice %arg9[%dma_wait3A_103] : memref<256xf32, #tpu.memory_space<vmem>> -> memref<128xf32, #tpu.memory_space<vmem>>
    %dma_wait3A_105 = arith.constant 128 : i32
    %dma_wait3A_106 = tpu.memref_slice %arg8[%dma_wait3A_105] : memref<256xi32, #tpu.memory_space<vmem>> -> memref<128xi32, #tpu.memory_space<vmem>>
    %dma_wait3A_107 = arith.constant 0 : i32
    %dma_wait3A_108 = tpu.memref_slice %arg4[%dma_wait3A_107] : memref<100000xf32, #tpu.memory_space<hbm>> -> memref<100000xf32, #tpu.memory_space<hbm>>
    tpu.wait_indirect_dma semaphore(%arg23 : memref<!tpu.dma_semaphore, #tpu.memory_space<semaphore_mem>>) src(%dma_wait3A_108 : memref<100000xf32, #tpu.memory_space<hbm>>) dst(%dma_wait3A_104 : memref<128xf32, #tpu.memory_space<vmem>>)
    "tpu.region"() ({
      %run_scoped3A = tpu.sem_alloc : memref<!tpu.dma_semaphore, #tpu.memory_space<semaphore_mem>>
      %dma_start3A_111 = tpu.memref_slice %arg7[%mul3A_2] : memref<8192xf32, #tpu.memory_space<hbm>> -> memref<256xf32, #tpu.memory_space<hbm>>
      %dma_start3A_112 = tpu.memref_slice %arg7[%mul3A_2] : memref<8192xf32, #tpu.memory_space<hbm>> -> memref<256xf32, #tpu.memory_space<hbm>>
      tpu.enqueue_dma source(%arg9 : memref<256xf32, #tpu.memory_space<vmem>>) target(%dma_start3A_112 : memref<256xf32, #tpu.memory_space<hbm>>) target_semaphore(%run_scoped3A : memref<!tpu.dma_semaphore, #tpu.memory_space<semaphore_mem>>)
      %dma_wait3A_113 = tpu.memref_slice %arg7[%mul3A_2] : memref<8192xf32, #tpu.memory_space<hbm>> -> memref<256xf32, #tpu.memory_space<hbm>>
      %dma_wait3A_114 = tpu.memref_slice %arg7[%mul3A_2] : memref<8192xf32, #tpu.memory_space<hbm>> -> memref<256xf32, #tpu.memory_space<hbm>>
      tpu.wait_dma2 semaphore(%run_scoped3A : memref<!tpu.dma_semaphore, #tpu.memory_space<semaphore_mem>>) src(%arg9 : memref<256xf32, #tpu.memory_space<vmem>>) dst(%dma_wait3A_114 : memref<256xf32, #tpu.memory_space<hbm>>)
      tpu.yield
    }) : () -> ()
    %mul3A_109 = arith.constant 2 : i32
    %mul3A_110 = arith.muli %add3A, %mul3A_109 : i32
    "tpu.region"() ({
      %run_scoped3A = tpu.sem_alloc : memref<!tpu.dma_semaphore, #tpu.memory_space<semaphore_mem>>
      %dma_start3A_111 = arith.constant 0 : i32
      %dma_start3A_112 = tpu.memref_slice %arg6[%mul3A_110, %dma_start3A_111] : memref<64x2048xf32, #tpu.memory_space<hbm>> -> memref<2x2048xf32, #tpu.memory_space<hbm>>
      %dma_start3A_113 = arith.constant 0 : i32
      %dma_start3A_114 = tpu.memref_slice %arg6[%mul3A_110, %dma_start3A_113] : memref<64x2048xf32, #tpu.memory_space<hbm>> -> memref<2x2048xf32, #tpu.memory_space<hbm>>
      tpu.enqueue_dma source(%arg10 : memref<2x2048xf32, #tpu.memory_space<vmem>>) target(%dma_start3A_114 : memref<2x2048xf32, #tpu.memory_space<hbm>>) target_semaphore(%run_scoped3A : memref<!tpu.dma_semaphore, #tpu.memory_space<semaphore_mem>>)
      %dma_wait3A_115 = arith.constant 0 : i32
      %dma_wait3A_116 = tpu.memref_slice %arg6[%mul3A_110, %dma_wait3A_115] : memref<64x2048xf32, #tpu.memory_space<hbm>> -> memref<2x2048xf32, #tpu.memory_space<hbm>>
      %dma_wait3A_117 = arith.constant 0 : i32
      %dma_wait3A_118 = tpu.memref_slice %arg6[%mul3A_110, %dma_wait3A_117] : memref<64x2048xf32, #tpu.memory_space<hbm>> -> memref<2x2048xf32, #tpu.memory_space<hbm>>
      tpu.wait_dma2 semaphore(%run_scoped3A : memref<!tpu.dma_semaphore, #tpu.memory_space<semaphore_mem>>) src(%arg10 : memref<2x2048xf32, #tpu.memory_space<vmem>>) dst(%dma_wait3A_118 : memref<2x2048xf32, #tpu.memory_space<hbm>>)
      tpu.yield
    }) : () -> ()
    return
  }
}

module attributes {stable_mosaic.version = 14 : i64} {
  func.func @body(%arg0: i32, %arg1: memref<20xi32, #tpu.memory_space<smem>>, %arg2: memref<20xi32, #tpu.memory_space<smem>>, %arg3: memref<512x1024xf32, #tpu.memory_space<vmem>>, %arg4: memref<100000x1024xf32, #tpu.memory_space<any>>, %arg5: memref<100000xf32, #tpu.memory_space<any>>, %arg6: memref<20x128xf32, #tpu.memory_space<vmem>>, %arg7: memref<1x1xf32, #tpu.memory_space<vmem>>, %arg8: memref<20x1024xf32, #tpu.memory_space<vmem>>, %arg9: memref<20x128xf32, #tpu.memory_space<vmem>>, %arg10: memref<!tpu.dma_semaphore, #tpu.memory_space<semaphore_mem>>, %arg11: memref<!tpu.dma_semaphore, #tpu.memory_space<semaphore_mem>>) attributes {dimension_semantics = [#tpu.dimension_semantics<arbitrary>], iteration_bounds = array<i64: 16>, scalar_prefetch = 0 : i64, scratch_operands = 4 : i64, tpu.core_type = #tpu.core_type<tc>, window_params = [{transform_indices = @transform_0, window_bounds = array<i64: 20>}, {transform_indices = @transform_1, window_bounds = array<i64: 20>}, {transform_indices = @transform_2, window_bounds = array<i64: 512, 1024>}, {}, {}, {pipeline_mode = #tpu.pipeline_mode<synchronous>, transform_indices = @transform_5, window_bounds = array<i64: 20, 128>}, {pipeline_mode = #tpu.pipeline_mode<synchronous>, transform_indices = @transform_6, window_bounds = array<i64: 1, 1>}]} {
    %eq3A = arith.constant 0 : i32
    %eq3A_0 = arith.cmpi eq, %arg0, %eq3A : i32
    %convert_element_type3A = arith.extui %eq3A_0 : i1 to i32
    %cond3A = arith.constant 0 : i32
    %cond3A_1 = arith.cmpi ne, %convert_element_type3A, %cond3A : i32
    scf.if %cond3A_1 {
      %get3A_40 = arith.constant 0 : index
      %get3A_41 = memref.load %arg1[%get3A_40] : memref<20xi32, #tpu.memory_space<smem>>
      %get3A_42 = arith.constant 0 : index
      %get3A_43 = memref.load %arg2[%get3A_42] : memref<20xi32, #tpu.memory_space<smem>>
      %multiple_of3A = tpu.assume_multiple %get3A_43, 128 : i32
      %get3A_44 = arith.constant 1 : index
      %get3A_45 = memref.load %arg1[%get3A_44] : memref<20xi32, #tpu.memory_space<smem>>
      %get3A_46 = arith.constant 1 : index
      %get3A_47 = memref.load %arg2[%get3A_46] : memref<20xi32, #tpu.memory_space<smem>>
      %multiple_of3A_48 = tpu.assume_multiple %get3A_47, 128 : i32
      %get3A_49 = arith.constant 2 : index
      %get3A_50 = memref.load %arg1[%get3A_49] : memref<20xi32, #tpu.memory_space<smem>>
      %get3A_51 = arith.constant 2 : index
      %get3A_52 = memref.load %arg2[%get3A_51] : memref<20xi32, #tpu.memory_space<smem>>
      %multiple_of3A_53 = tpu.assume_multiple %get3A_52, 128 : i32
      %get3A_54 = arith.constant 3 : index
      %get3A_55 = memref.load %arg1[%get3A_54] : memref<20xi32, #tpu.memory_space<smem>>
      %get3A_56 = arith.constant 3 : index
      %get3A_57 = memref.load %arg2[%get3A_56] : memref<20xi32, #tpu.memory_space<smem>>
      %multiple_of3A_58 = tpu.assume_multiple %get3A_57, 128 : i32
      %get3A_59 = arith.constant 4 : index
      %get3A_60 = memref.load %arg1[%get3A_59] : memref<20xi32, #tpu.memory_space<smem>>
      %get3A_61 = arith.constant 4 : index
      %get3A_62 = memref.load %arg2[%get3A_61] : memref<20xi32, #tpu.memory_space<smem>>
      %multiple_of3A_63 = tpu.assume_multiple %get3A_62, 128 : i32
      %get3A_64 = arith.constant 5 : index
      %get3A_65 = memref.load %arg1[%get3A_64] : memref<20xi32, #tpu.memory_space<smem>>
      %get3A_66 = arith.constant 5 : index
      %get3A_67 = memref.load %arg2[%get3A_66] : memref<20xi32, #tpu.memory_space<smem>>
      %multiple_of3A_68 = tpu.assume_multiple %get3A_67, 128 : i32
      %get3A_69 = arith.constant 6 : index
      %get3A_70 = memref.load %arg1[%get3A_69] : memref<20xi32, #tpu.memory_space<smem>>
      %get3A_71 = arith.constant 6 : index
      %get3A_72 = memref.load %arg2[%get3A_71] : memref<20xi32, #tpu.memory_space<smem>>
      %multiple_of3A_73 = tpu.assume_multiple %get3A_72, 128 : i32
      %get3A_74 = arith.constant 7 : index
      %get3A_75 = memref.load %arg1[%get3A_74] : memref<20xi32, #tpu.memory_space<smem>>
      %get3A_76 = arith.constant 7 : index
      %get3A_77 = memref.load %arg2[%get3A_76] : memref<20xi32, #tpu.memory_space<smem>>
      %multiple_of3A_78 = tpu.assume_multiple %get3A_77, 128 : i32
      %get3A_79 = arith.constant 8 : index
      %get3A_80 = memref.load %arg1[%get3A_79] : memref<20xi32, #tpu.memory_space<smem>>
      %get3A_81 = arith.constant 8 : index
      %get3A_82 = memref.load %arg2[%get3A_81] : memref<20xi32, #tpu.memory_space<smem>>
      %multiple_of3A_83 = tpu.assume_multiple %get3A_82, 128 : i32
      %get3A_84 = arith.constant 9 : index
      %get3A_85 = memref.load %arg1[%get3A_84] : memref<20xi32, #tpu.memory_space<smem>>
      %get3A_86 = arith.constant 9 : index
      %get3A_87 = memref.load %arg2[%get3A_86] : memref<20xi32, #tpu.memory_space<smem>>
      %multiple_of3A_88 = tpu.assume_multiple %get3A_87, 128 : i32
      %get3A_89 = arith.constant 10 : index
      %get3A_90 = memref.load %arg1[%get3A_89] : memref<20xi32, #tpu.memory_space<smem>>
      %get3A_91 = arith.constant 10 : index
      %get3A_92 = memref.load %arg2[%get3A_91] : memref<20xi32, #tpu.memory_space<smem>>
      %multiple_of3A_93 = tpu.assume_multiple %get3A_92, 128 : i32
      %get3A_94 = arith.constant 11 : index
      %get3A_95 = memref.load %arg1[%get3A_94] : memref<20xi32, #tpu.memory_space<smem>>
      %get3A_96 = arith.constant 11 : index
      %get3A_97 = memref.load %arg2[%get3A_96] : memref<20xi32, #tpu.memory_space<smem>>
      %multiple_of3A_98 = tpu.assume_multiple %get3A_97, 128 : i32
      %get3A_99 = arith.constant 12 : index
      %get3A_100 = memref.load %arg1[%get3A_99] : memref<20xi32, #tpu.memory_space<smem>>
      %get3A_101 = arith.constant 12 : index
      %get3A_102 = memref.load %arg2[%get3A_101] : memref<20xi32, #tpu.memory_space<smem>>
      %multiple_of3A_103 = tpu.assume_multiple %get3A_102, 128 : i32
      %get3A_104 = arith.constant 13 : index
      %get3A_105 = memref.load %arg1[%get3A_104] : memref<20xi32, #tpu.memory_space<smem>>
      %get3A_106 = arith.constant 13 : index
      %get3A_107 = memref.load %arg2[%get3A_106] : memref<20xi32, #tpu.memory_space<smem>>
      %multiple_of3A_108 = tpu.assume_multiple %get3A_107, 128 : i32
      %get3A_109 = arith.constant 14 : index
      %get3A_110 = memref.load %arg1[%get3A_109] : memref<20xi32, #tpu.memory_space<smem>>
      %get3A_111 = arith.constant 14 : index
      %get3A_112 = memref.load %arg2[%get3A_111] : memref<20xi32, #tpu.memory_space<smem>>
      %multiple_of3A_113 = tpu.assume_multiple %get3A_112, 128 : i32
      %get3A_114 = arith.constant 15 : index
      %get3A_115 = memref.load %arg1[%get3A_114] : memref<20xi32, #tpu.memory_space<smem>>
      %get3A_116 = arith.constant 15 : index
      %get3A_117 = memref.load %arg2[%get3A_116] : memref<20xi32, #tpu.memory_space<smem>>
      %multiple_of3A_118 = tpu.assume_multiple %get3A_117, 128 : i32
      %get3A_119 = arith.constant 16 : index
      %get3A_120 = memref.load %arg1[%get3A_119] : memref<20xi32, #tpu.memory_space<smem>>
      %get3A_121 = arith.constant 16 : index
      %get3A_122 = memref.load %arg2[%get3A_121] : memref<20xi32, #tpu.memory_space<smem>>
      %multiple_of3A_123 = tpu.assume_multiple %get3A_122, 128 : i32
      %get3A_124 = arith.constant 17 : index
      %get3A_125 = memref.load %arg1[%get3A_124] : memref<20xi32, #tpu.memory_space<smem>>
      %get3A_126 = arith.constant 17 : index
      %get3A_127 = memref.load %arg2[%get3A_126] : memref<20xi32, #tpu.memory_space<smem>>
      %multiple_of3A_128 = tpu.assume_multiple %get3A_127, 128 : i32
      %get3A_129 = arith.constant 18 : index
      %get3A_130 = memref.load %arg1[%get3A_129] : memref<20xi32, #tpu.memory_space<smem>>
      %get3A_131 = arith.constant 18 : index
      %get3A_132 = memref.load %arg2[%get3A_131] : memref<20xi32, #tpu.memory_space<smem>>
      %multiple_of3A_133 = tpu.assume_multiple %get3A_132, 128 : i32
      %get3A_134 = arith.constant 19 : index
      %get3A_135 = memref.load %arg1[%get3A_134] : memref<20xi32, #tpu.memory_space<smem>>
      %get3A_136 = arith.constant 19 : index
      %get3A_137 = memref.load %arg2[%get3A_136] : memref<20xi32, #tpu.memory_space<smem>>
      %multiple_of3A_138 = tpu.assume_multiple %get3A_137, 128 : i32
      %dma_start3A = arith.constant 0 : i32
      %dma_start3A_139 = arith.constant 0 : i32
      %dma_start3A_140 = tpu.memref_slice %arg8[%dma_start3A, %dma_start3A_139] : memref<20x1024xf32, #tpu.memory_space<vmem>> -> memref<1x1024xf32, #tpu.memory_space<vmem>>
      %dma_start3A_141 = arith.constant 0 : i32
      %dma_start3A_142 = tpu.memref_slice %arg4[%get3A_41, %dma_start3A_141] : memref<100000x1024xf32, #tpu.memory_space<any>> -> memref<1x1024xf32, #tpu.memory_space<any>>
      tpu.enqueue_dma source(%dma_start3A_142 : memref<1x1024xf32, #tpu.memory_space<any>>) target(%dma_start3A_140 : memref<1x1024xf32, #tpu.memory_space<vmem>>) target_semaphore(%arg10 : memref<!tpu.dma_semaphore, #tpu.memory_space<semaphore_mem>>)
      %dma_start3A_143 = arith.constant 0 : i32
      %dma_start3A_144 = arith.constant 0 : i32
      %dma_start3A_145 = tpu.memref_slice %arg9[%dma_start3A_143, %dma_start3A_144] : memref<20x128xf32, #tpu.memory_space<vmem>> -> memref<1x128xf32, #tpu.memory_space<vmem>>
      %dma_start3A_146 = tpu.memref_squeeze %dma_start3A_145 : memref<1x128xf32, #tpu.memory_space<vmem>> -> memref<128xf32, #tpu.memory_space<vmem>>
      %dma_start3A_147 = tpu.memref_slice %arg5[%multiple_of3A] : memref<100000xf32, #tpu.memory_space<any>> -> memref<128xf32, #tpu.memory_space<any>>
      tpu.enqueue_dma source(%dma_start3A_147 : memref<128xf32, #tpu.memory_space<any>>) target(%dma_start3A_146 : memref<128xf32, #tpu.memory_space<vmem>>) target_semaphore(%arg11 : memref<!tpu.dma_semaphore, #tpu.memory_space<semaphore_mem>>)
      %dma_start3A_148 = arith.constant 1 : i32
      %dma_start3A_149 = arith.constant 0 : i32
      %dma_start3A_150 = tpu.memref_slice %arg8[%dma_start3A_148, %dma_start3A_149] : memref<20x1024xf32, #tpu.memory_space<vmem>> -> memref<1x1024xf32, #tpu.memory_space<vmem>>
      %dma_start3A_151 = arith.constant 0 : i32
      %dma_start3A_152 = tpu.memref_slice %arg4[%get3A_45, %dma_start3A_151] : memref<100000x1024xf32, #tpu.memory_space<any>> -> memref<1x1024xf32, #tpu.memory_space<any>>
      tpu.enqueue_dma source(%dma_start3A_152 : memref<1x1024xf32, #tpu.memory_space<any>>) target(%dma_start3A_150 : memref<1x1024xf32, #tpu.memory_space<vmem>>) target_semaphore(%arg10 : memref<!tpu.dma_semaphore, #tpu.memory_space<semaphore_mem>>)
      %dma_start3A_153 = arith.constant 1 : i32
      %dma_start3A_154 = arith.constant 0 : i32
      %dma_start3A_155 = tpu.memref_slice %arg9[%dma_start3A_153, %dma_start3A_154] : memref<20x128xf32, #tpu.memory_space<vmem>> -> memref<1x128xf32, #tpu.memory_space<vmem>>
      %dma_start3A_156 = tpu.memref_squeeze %dma_start3A_155 : memref<1x128xf32, #tpu.memory_space<vmem>> -> memref<128xf32, #tpu.memory_space<vmem>>
      %dma_start3A_157 = tpu.memref_slice %arg5[%multiple_of3A_48] : memref<100000xf32, #tpu.memory_space<any>> -> memref<128xf32, #tpu.memory_space<any>>
      tpu.enqueue_dma source(%dma_start3A_157 : memref<128xf32, #tpu.memory_space<any>>) target(%dma_start3A_156 : memref<128xf32, #tpu.memory_space<vmem>>) target_semaphore(%arg11 : memref<!tpu.dma_semaphore, #tpu.memory_space<semaphore_mem>>)
      %dma_start3A_158 = arith.constant 2 : i32
      %dma_start3A_159 = arith.constant 0 : i32
      %dma_start3A_160 = tpu.memref_slice %arg8[%dma_start3A_158, %dma_start3A_159] : memref<20x1024xf32, #tpu.memory_space<vmem>> -> memref<1x1024xf32, #tpu.memory_space<vmem>>
      %dma_start3A_161 = arith.constant 0 : i32
      %dma_start3A_162 = tpu.memref_slice %arg4[%get3A_50, %dma_start3A_161] : memref<100000x1024xf32, #tpu.memory_space<any>> -> memref<1x1024xf32, #tpu.memory_space<any>>
      tpu.enqueue_dma source(%dma_start3A_162 : memref<1x1024xf32, #tpu.memory_space<any>>) target(%dma_start3A_160 : memref<1x1024xf32, #tpu.memory_space<vmem>>) target_semaphore(%arg10 : memref<!tpu.dma_semaphore, #tpu.memory_space<semaphore_mem>>)
      %dma_start3A_163 = arith.constant 2 : i32
      %dma_start3A_164 = arith.constant 0 : i32
      %dma_start3A_165 = tpu.memref_slice %arg9[%dma_start3A_163, %dma_start3A_164] : memref<20x128xf32, #tpu.memory_space<vmem>> -> memref<1x128xf32, #tpu.memory_space<vmem>>
      %dma_start3A_166 = tpu.memref_squeeze %dma_start3A_165 : memref<1x128xf32, #tpu.memory_space<vmem>> -> memref<128xf32, #tpu.memory_space<vmem>>
      %dma_start3A_167 = tpu.memref_slice %arg5[%multiple_of3A_53] : memref<100000xf32, #tpu.memory_space<any>> -> memref<128xf32, #tpu.memory_space<any>>
      tpu.enqueue_dma source(%dma_start3A_167 : memref<128xf32, #tpu.memory_space<any>>) target(%dma_start3A_166 : memref<128xf32, #tpu.memory_space<vmem>>) target_semaphore(%arg11 : memref<!tpu.dma_semaphore, #tpu.memory_space<semaphore_mem>>)
      %dma_start3A_168 = arith.constant 3 : i32
      %dma_start3A_169 = arith.constant 0 : i32
      %dma_start3A_170 = tpu.memref_slice %arg8[%dma_start3A_168, %dma_start3A_169] : memref<20x1024xf32, #tpu.memory_space<vmem>> -> memref<1x1024xf32, #tpu.memory_space<vmem>>
      %dma_start3A_171 = arith.constant 0 : i32
      %dma_start3A_172 = tpu.memref_slice %arg4[%get3A_55, %dma_start3A_171] : memref<100000x1024xf32, #tpu.memory_space<any>> -> memref<1x1024xf32, #tpu.memory_space<any>>
      tpu.enqueue_dma source(%dma_start3A_172 : memref<1x1024xf32, #tpu.memory_space<any>>) target(%dma_start3A_170 : memref<1x1024xf32, #tpu.memory_space<vmem>>) target_semaphore(%arg10 : memref<!tpu.dma_semaphore, #tpu.memory_space<semaphore_mem>>)
      %dma_start3A_173 = arith.constant 3 : i32
      %dma_start3A_174 = arith.constant 0 : i32
      %dma_start3A_175 = tpu.memref_slice %arg9[%dma_start3A_173, %dma_start3A_174] : memref<20x128xf32, #tpu.memory_space<vmem>> -> memref<1x128xf32, #tpu.memory_space<vmem>>
      %dma_start3A_176 = tpu.memref_squeeze %dma_start3A_175 : memref<1x128xf32, #tpu.memory_space<vmem>> -> memref<128xf32, #tpu.memory_space<vmem>>
      %dma_start3A_177 = tpu.memref_slice %arg5[%multiple_of3A_58] : memref<100000xf32, #tpu.memory_space<any>> -> memref<128xf32, #tpu.memory_space<any>>
      tpu.enqueue_dma source(%dma_start3A_177 : memref<128xf32, #tpu.memory_space<any>>) target(%dma_start3A_176 : memref<128xf32, #tpu.memory_space<vmem>>) target_semaphore(%arg11 : memref<!tpu.dma_semaphore, #tpu.memory_space<semaphore_mem>>)
      %dma_start3A_178 = arith.constant 4 : i32
      %dma_start3A_179 = arith.constant 0 : i32
      %dma_start3A_180 = tpu.memref_slice %arg8[%dma_start3A_178, %dma_start3A_179] : memref<20x1024xf32, #tpu.memory_space<vmem>> -> memref<1x1024xf32, #tpu.memory_space<vmem>>
      %dma_start3A_181 = arith.constant 0 : i32
      %dma_start3A_182 = tpu.memref_slice %arg4[%get3A_60, %dma_start3A_181] : memref<100000x1024xf32, #tpu.memory_space<any>> -> memref<1x1024xf32, #tpu.memory_space<any>>
      tpu.enqueue_dma source(%dma_start3A_182 : memref<1x1024xf32, #tpu.memory_space<any>>) target(%dma_start3A_180 : memref<1x1024xf32, #tpu.memory_space<vmem>>) target_semaphore(%arg10 : memref<!tpu.dma_semaphore, #tpu.memory_space<semaphore_mem>>)
      %dma_start3A_183 = arith.constant 4 : i32
      %dma_start3A_184 = arith.constant 0 : i32
      %dma_start3A_185 = tpu.memref_slice %arg9[%dma_start3A_183, %dma_start3A_184] : memref<20x128xf32, #tpu.memory_space<vmem>> -> memref<1x128xf32, #tpu.memory_space<vmem>>
      %dma_start3A_186 = tpu.memref_squeeze %dma_start3A_185 : memref<1x128xf32, #tpu.memory_space<vmem>> -> memref<128xf32, #tpu.memory_space<vmem>>
      %dma_start3A_187 = tpu.memref_slice %arg5[%multiple_of3A_63] : memref<100000xf32, #tpu.memory_space<any>> -> memref<128xf32, #tpu.memory_space<any>>
      tpu.enqueue_dma source(%dma_start3A_187 : memref<128xf32, #tpu.memory_space<any>>) target(%dma_start3A_186 : memref<128xf32, #tpu.memory_space<vmem>>) target_semaphore(%arg11 : memref<!tpu.dma_semaphore, #tpu.memory_space<semaphore_mem>>)
      %dma_start3A_188 = arith.constant 5 : i32
      %dma_start3A_189 = arith.constant 0 : i32
      %dma_start3A_190 = tpu.memref_slice %arg8[%dma_start3A_188, %dma_start3A_189] : memref<20x1024xf32, #tpu.memory_space<vmem>> -> memref<1x1024xf32, #tpu.memory_space<vmem>>
      %dma_start3A_191 = arith.constant 0 : i32
      %dma_start3A_192 = tpu.memref_slice %arg4[%get3A_65, %dma_start3A_191] : memref<100000x1024xf32, #tpu.memory_space<any>> -> memref<1x1024xf32, #tpu.memory_space<any>>
      tpu.enqueue_dma source(%dma_start3A_192 : memref<1x1024xf32, #tpu.memory_space<any>>) target(%dma_start3A_190 : memref<1x1024xf32, #tpu.memory_space<vmem>>) target_semaphore(%arg10 : memref<!tpu.dma_semaphore, #tpu.memory_space<semaphore_mem>>)
      %dma_start3A_193 = arith.constant 5 : i32
      %dma_start3A_194 = arith.constant 0 : i32
      %dma_start3A_195 = tpu.memref_slice %arg9[%dma_start3A_193, %dma_start3A_194] : memref<20x128xf32, #tpu.memory_space<vmem>> -> memref<1x128xf32, #tpu.memory_space<vmem>>
      %dma_start3A_196 = tpu.memref_squeeze %dma_start3A_195 : memref<1x128xf32, #tpu.memory_space<vmem>> -> memref<128xf32, #tpu.memory_space<vmem>>
      %dma_start3A_197 = tpu.memref_slice %arg5[%multiple_of3A_68] : memref<100000xf32, #tpu.memory_space<any>> -> memref<128xf32, #tpu.memory_space<any>>
      tpu.enqueue_dma source(%dma_start3A_197 : memref<128xf32, #tpu.memory_space<any>>) target(%dma_start3A_196 : memref<128xf32, #tpu.memory_space<vmem>>) target_semaphore(%arg11 : memref<!tpu.dma_semaphore, #tpu.memory_space<semaphore_mem>>)
      %dma_start3A_198 = arith.constant 6 : i32
      %dma_start3A_199 = arith.constant 0 : i32
      %dma_start3A_200 = tpu.memref_slice %arg8[%dma_start3A_198, %dma_start3A_199] : memref<20x1024xf32, #tpu.memory_space<vmem>> -> memref<1x1024xf32, #tpu.memory_space<vmem>>
      %dma_start3A_201 = arith.constant 0 : i32
      %dma_start3A_202 = tpu.memref_slice %arg4[%get3A_70, %dma_start3A_201] : memref<100000x1024xf32, #tpu.memory_space<any>> -> memref<1x1024xf32, #tpu.memory_space<any>>
      tpu.enqueue_dma source(%dma_start3A_202 : memref<1x1024xf32, #tpu.memory_space<any>>) target(%dma_start3A_200 : memref<1x1024xf32, #tpu.memory_space<vmem>>) target_semaphore(%arg10 : memref<!tpu.dma_semaphore, #tpu.memory_space<semaphore_mem>>)
      %dma_start3A_203 = arith.constant 6 : i32
      %dma_start3A_204 = arith.constant 0 : i32
      %dma_start3A_205 = tpu.memref_slice %arg9[%dma_start3A_203, %dma_start3A_204] : memref<20x128xf32, #tpu.memory_space<vmem>> -> memref<1x128xf32, #tpu.memory_space<vmem>>
      %dma_start3A_206 = tpu.memref_squeeze %dma_start3A_205 : memref<1x128xf32, #tpu.memory_space<vmem>> -> memref<128xf32, #tpu.memory_space<vmem>>
      %dma_start3A_207 = tpu.memref_slice %arg5[%multiple_of3A_73] : memref<100000xf32, #tpu.memory_space<any>> -> memref<128xf32, #tpu.memory_space<any>>
      tpu.enqueue_dma source(%dma_start3A_207 : memref<128xf32, #tpu.memory_space<any>>) target(%dma_start3A_206 : memref<128xf32, #tpu.memory_space<vmem>>) target_semaphore(%arg11 : memref<!tpu.dma_semaphore, #tpu.memory_space<semaphore_mem>>)
      %dma_start3A_208 = arith.constant 7 : i32
      %dma_start3A_209 = arith.constant 0 : i32
      %dma_start3A_210 = tpu.memref_slice %arg8[%dma_start3A_208, %dma_start3A_209] : memref<20x1024xf32, #tpu.memory_space<vmem>> -> memref<1x1024xf32, #tpu.memory_space<vmem>>
      %dma_start3A_211 = arith.constant 0 : i32
      %dma_start3A_212 = tpu.memref_slice %arg4[%get3A_75, %dma_start3A_211] : memref<100000x1024xf32, #tpu.memory_space<any>> -> memref<1x1024xf32, #tpu.memory_space<any>>
      tpu.enqueue_dma source(%dma_start3A_212 : memref<1x1024xf32, #tpu.memory_space<any>>) target(%dma_start3A_210 : memref<1x1024xf32, #tpu.memory_space<vmem>>) target_semaphore(%arg10 : memref<!tpu.dma_semaphore, #tpu.memory_space<semaphore_mem>>)
      %dma_start3A_213 = arith.constant 7 : i32
      %dma_start3A_214 = arith.constant 0 : i32
      %dma_start3A_215 = tpu.memref_slice %arg9[%dma_start3A_213, %dma_start3A_214] : memref<20x128xf32, #tpu.memory_space<vmem>> -> memref<1x128xf32, #tpu.memory_space<vmem>>
      %dma_start3A_216 = tpu.memref_squeeze %dma_start3A_215 : memref<1x128xf32, #tpu.memory_space<vmem>> -> memref<128xf32, #tpu.memory_space<vmem>>
      %dma_start3A_217 = tpu.memref_slice %arg5[%multiple_of3A_78] : memref<100000xf32, #tpu.memory_space<any>> -> memref<128xf32, #tpu.memory_space<any>>
      tpu.enqueue_dma source(%dma_start3A_217 : memref<128xf32, #tpu.memory_space<any>>) target(%dma_start3A_216 : memref<128xf32, #tpu.memory_space<vmem>>) target_semaphore(%arg11 : memref<!tpu.dma_semaphore, #tpu.memory_space<semaphore_mem>>)
      %dma_start3A_218 = arith.constant 8 : i32
      %dma_start3A_219 = arith.constant 0 : i32
      %dma_start3A_220 = tpu.memref_slice %arg8[%dma_start3A_218, %dma_start3A_219] : memref<20x1024xf32, #tpu.memory_space<vmem>> -> memref<1x1024xf32, #tpu.memory_space<vmem>>
      %dma_start3A_221 = arith.constant 0 : i32
      %dma_start3A_222 = tpu.memref_slice %arg4[%get3A_80, %dma_start3A_221] : memref<100000x1024xf32, #tpu.memory_space<any>> -> memref<1x1024xf32, #tpu.memory_space<any>>
      tpu.enqueue_dma source(%dma_start3A_222 : memref<1x1024xf32, #tpu.memory_space<any>>) target(%dma_start3A_220 : memref<1x1024xf32, #tpu.memory_space<vmem>>) target_semaphore(%arg10 : memref<!tpu.dma_semaphore, #tpu.memory_space<semaphore_mem>>)
      %dma_start3A_223 = arith.constant 8 : i32
      %dma_start3A_224 = arith.constant 0 : i32
      %dma_start3A_225 = tpu.memref_slice %arg9[%dma_start3A_223, %dma_start3A_224] : memref<20x128xf32, #tpu.memory_space<vmem>> -> memref<1x128xf32, #tpu.memory_space<vmem>>
      %dma_start3A_226 = tpu.memref_squeeze %dma_start3A_225 : memref<1x128xf32, #tpu.memory_space<vmem>> -> memref<128xf32, #tpu.memory_space<vmem>>
      %dma_start3A_227 = tpu.memref_slice %arg5[%multiple_of3A_83] : memref<100000xf32, #tpu.memory_space<any>> -> memref<128xf32, #tpu.memory_space<any>>
      tpu.enqueue_dma source(%dma_start3A_227 : memref<128xf32, #tpu.memory_space<any>>) target(%dma_start3A_226 : memref<128xf32, #tpu.memory_space<vmem>>) target_semaphore(%arg11 : memref<!tpu.dma_semaphore, #tpu.memory_space<semaphore_mem>>)
      %dma_start3A_228 = arith.constant 9 : i32
      %dma_start3A_229 = arith.constant 0 : i32
      %dma_start3A_230 = tpu.memref_slice %arg8[%dma_start3A_228, %dma_start3A_229] : memref<20x1024xf32, #tpu.memory_space<vmem>> -> memref<1x1024xf32, #tpu.memory_space<vmem>>
      %dma_start3A_231 = arith.constant 0 : i32
      %dma_start3A_232 = tpu.memref_slice %arg4[%get3A_85, %dma_start3A_231] : memref<100000x1024xf32, #tpu.memory_space<any>> -> memref<1x1024xf32, #tpu.memory_space<any>>
      tpu.enqueue_dma source(%dma_start3A_232 : memref<1x1024xf32, #tpu.memory_space<any>>) target(%dma_start3A_230 : memref<1x1024xf32, #tpu.memory_space<vmem>>) target_semaphore(%arg10 : memref<!tpu.dma_semaphore, #tpu.memory_space<semaphore_mem>>)
      %dma_start3A_233 = arith.constant 9 : i32
      %dma_start3A_234 = arith.constant 0 : i32
      %dma_start3A_235 = tpu.memref_slice %arg9[%dma_start3A_233, %dma_start3A_234] : memref<20x128xf32, #tpu.memory_space<vmem>> -> memref<1x128xf32, #tpu.memory_space<vmem>>
      %dma_start3A_236 = tpu.memref_squeeze %dma_start3A_235 : memref<1x128xf32, #tpu.memory_space<vmem>> -> memref<128xf32, #tpu.memory_space<vmem>>
      %dma_start3A_237 = tpu.memref_slice %arg5[%multiple_of3A_88] : memref<100000xf32, #tpu.memory_space<any>> -> memref<128xf32, #tpu.memory_space<any>>
      tpu.enqueue_dma source(%dma_start3A_237 : memref<128xf32, #tpu.memory_space<any>>) target(%dma_start3A_236 : memref<128xf32, #tpu.memory_space<vmem>>) target_semaphore(%arg11 : memref<!tpu.dma_semaphore, #tpu.memory_space<semaphore_mem>>)
      %dma_start3A_238 = arith.constant 10 : i32
      %dma_start3A_239 = arith.constant 0 : i32
      %dma_start3A_240 = tpu.memref_slice %arg8[%dma_start3A_238, %dma_start3A_239] : memref<20x1024xf32, #tpu.memory_space<vmem>> -> memref<1x1024xf32, #tpu.memory_space<vmem>>
      %dma_start3A_241 = arith.constant 0 : i32
      %dma_start3A_242 = tpu.memref_slice %arg4[%get3A_90, %dma_start3A_241] : memref<100000x1024xf32, #tpu.memory_space<any>> -> memref<1x1024xf32, #tpu.memory_space<any>>
      tpu.enqueue_dma source(%dma_start3A_242 : memref<1x1024xf32, #tpu.memory_space<any>>) target(%dma_start3A_240 : memref<1x1024xf32, #tpu.memory_space<vmem>>) target_semaphore(%arg10 : memref<!tpu.dma_semaphore, #tpu.memory_space<semaphore_mem>>)
      %dma_start3A_243 = arith.constant 10 : i32
      %dma_start3A_244 = arith.constant 0 : i32
      %dma_start3A_245 = tpu.memref_slice %arg9[%dma_start3A_243, %dma_start3A_244] : memref<20x128xf32, #tpu.memory_space<vmem>> -> memref<1x128xf32, #tpu.memory_space<vmem>>
      %dma_start3A_246 = tpu.memref_squeeze %dma_start3A_245 : memref<1x128xf32, #tpu.memory_space<vmem>> -> memref<128xf32, #tpu.memory_space<vmem>>
      %dma_start3A_247 = tpu.memref_slice %arg5[%multiple_of3A_93] : memref<100000xf32, #tpu.memory_space<any>> -> memref<128xf32, #tpu.memory_space<any>>
      tpu.enqueue_dma source(%dma_start3A_247 : memref<128xf32, #tpu.memory_space<any>>) target(%dma_start3A_246 : memref<128xf32, #tpu.memory_space<vmem>>) target_semaphore(%arg11 : memref<!tpu.dma_semaphore, #tpu.memory_space<semaphore_mem>>)
      %dma_start3A_248 = arith.constant 11 : i32
      %dma_start3A_249 = arith.constant 0 : i32
      %dma_start3A_250 = tpu.memref_slice %arg8[%dma_start3A_248, %dma_start3A_249] : memref<20x1024xf32, #tpu.memory_space<vmem>> -> memref<1x1024xf32, #tpu.memory_space<vmem>>
      %dma_start3A_251 = arith.constant 0 : i32
      %dma_start3A_252 = tpu.memref_slice %arg4[%get3A_95, %dma_start3A_251] : memref<100000x1024xf32, #tpu.memory_space<any>> -> memref<1x1024xf32, #tpu.memory_space<any>>
      tpu.enqueue_dma source(%dma_start3A_252 : memref<1x1024xf32, #tpu.memory_space<any>>) target(%dma_start3A_250 : memref<1x1024xf32, #tpu.memory_space<vmem>>) target_semaphore(%arg10 : memref<!tpu.dma_semaphore, #tpu.memory_space<semaphore_mem>>)
      %dma_start3A_253 = arith.constant 11 : i32
      %dma_start3A_254 = arith.constant 0 : i32
      %dma_start3A_255 = tpu.memref_slice %arg9[%dma_start3A_253, %dma_start3A_254] : memref<20x128xf32, #tpu.memory_space<vmem>> -> memref<1x128xf32, #tpu.memory_space<vmem>>
      %dma_start3A_256 = tpu.memref_squeeze %dma_start3A_255 : memref<1x128xf32, #tpu.memory_space<vmem>> -> memref<128xf32, #tpu.memory_space<vmem>>
      %dma_start3A_257 = tpu.memref_slice %arg5[%multiple_of3A_98] : memref<100000xf32, #tpu.memory_space<any>> -> memref<128xf32, #tpu.memory_space<any>>
      tpu.enqueue_dma source(%dma_start3A_257 : memref<128xf32, #tpu.memory_space<any>>) target(%dma_start3A_256 : memref<128xf32, #tpu.memory_space<vmem>>) target_semaphore(%arg11 : memref<!tpu.dma_semaphore, #tpu.memory_space<semaphore_mem>>)
      %dma_start3A_258 = arith.constant 12 : i32
      %dma_start3A_259 = arith.constant 0 : i32
      %dma_start3A_260 = tpu.memref_slice %arg8[%dma_start3A_258, %dma_start3A_259] : memref<20x1024xf32, #tpu.memory_space<vmem>> -> memref<1x1024xf32, #tpu.memory_space<vmem>>
      %dma_start3A_261 = arith.constant 0 : i32
      %dma_start3A_262 = tpu.memref_slice %arg4[%get3A_100, %dma_start3A_261] : memref<100000x1024xf32, #tpu.memory_space<any>> -> memref<1x1024xf32, #tpu.memory_space<any>>
      tpu.enqueue_dma source(%dma_start3A_262 : memref<1x1024xf32, #tpu.memory_space<any>>) target(%dma_start3A_260 : memref<1x1024xf32, #tpu.memory_space<vmem>>) target_semaphore(%arg10 : memref<!tpu.dma_semaphore, #tpu.memory_space<semaphore_mem>>)
      %dma_start3A_263 = arith.constant 12 : i32
      %dma_start3A_264 = arith.constant 0 : i32
      %dma_start3A_265 = tpu.memref_slice %arg9[%dma_start3A_263, %dma_start3A_264] : memref<20x128xf32, #tpu.memory_space<vmem>> -> memref<1x128xf32, #tpu.memory_space<vmem>>
      %dma_start3A_266 = tpu.memref_squeeze %dma_start3A_265 : memref<1x128xf32, #tpu.memory_space<vmem>> -> memref<128xf32, #tpu.memory_space<vmem>>
      %dma_start3A_267 = tpu.memref_slice %arg5[%multiple_of3A_103] : memref<100000xf32, #tpu.memory_space<any>> -> memref<128xf32, #tpu.memory_space<any>>
      tpu.enqueue_dma source(%dma_start3A_267 : memref<128xf32, #tpu.memory_space<any>>) target(%dma_start3A_266 : memref<128xf32, #tpu.memory_space<vmem>>) target_semaphore(%arg11 : memref<!tpu.dma_semaphore, #tpu.memory_space<semaphore_mem>>)
      %dma_start3A_268 = arith.constant 13 : i32
      %dma_start3A_269 = arith.constant 0 : i32
      %dma_start3A_270 = tpu.memref_slice %arg8[%dma_start3A_268, %dma_start3A_269] : memref<20x1024xf32, #tpu.memory_space<vmem>> -> memref<1x1024xf32, #tpu.memory_space<vmem>>
      %dma_start3A_271 = arith.constant 0 : i32
      %dma_start3A_272 = tpu.memref_slice %arg4[%get3A_105, %dma_start3A_271] : memref<100000x1024xf32, #tpu.memory_space<any>> -> memref<1x1024xf32, #tpu.memory_space<any>>
      tpu.enqueue_dma source(%dma_start3A_272 : memref<1x1024xf32, #tpu.memory_space<any>>) target(%dma_start3A_270 : memref<1x1024xf32, #tpu.memory_space<vmem>>) target_semaphore(%arg10 : memref<!tpu.dma_semaphore, #tpu.memory_space<semaphore_mem>>)
      %dma_start3A_273 = arith.constant 13 : i32
      %dma_start3A_274 = arith.constant 0 : i32
      %dma_start3A_275 = tpu.memref_slice %arg9[%dma_start3A_273, %dma_start3A_274] : memref<20x128xf32, #tpu.memory_space<vmem>> -> memref<1x128xf32, #tpu.memory_space<vmem>>
      %dma_start3A_276 = tpu.memref_squeeze %dma_start3A_275 : memref<1x128xf32, #tpu.memory_space<vmem>> -> memref<128xf32, #tpu.memory_space<vmem>>
      %dma_start3A_277 = tpu.memref_slice %arg5[%multiple_of3A_108] : memref<100000xf32, #tpu.memory_space<any>> -> memref<128xf32, #tpu.memory_space<any>>
      tpu.enqueue_dma source(%dma_start3A_277 : memref<128xf32, #tpu.memory_space<any>>) target(%dma_start3A_276 : memref<128xf32, #tpu.memory_space<vmem>>) target_semaphore(%arg11 : memref<!tpu.dma_semaphore, #tpu.memory_space<semaphore_mem>>)
      %dma_start3A_278 = arith.constant 14 : i32
      %dma_start3A_279 = arith.constant 0 : i32
      %dma_start3A_280 = tpu.memref_slice %arg8[%dma_start3A_278, %dma_start3A_279] : memref<20x1024xf32, #tpu.memory_space<vmem>> -> memref<1x1024xf32, #tpu.memory_space<vmem>>
      %dma_start3A_281 = arith.constant 0 : i32
      %dma_start3A_282 = tpu.memref_slice %arg4[%get3A_110, %dma_start3A_281] : memref<100000x1024xf32, #tpu.memory_space<any>> -> memref<1x1024xf32, #tpu.memory_space<any>>
      tpu.enqueue_dma source(%dma_start3A_282 : memref<1x1024xf32, #tpu.memory_space<any>>) target(%dma_start3A_280 : memref<1x1024xf32, #tpu.memory_space<vmem>>) target_semaphore(%arg10 : memref<!tpu.dma_semaphore, #tpu.memory_space<semaphore_mem>>)
      %dma_start3A_283 = arith.constant 14 : i32
      %dma_start3A_284 = arith.constant 0 : i32
      %dma_start3A_285 = tpu.memref_slice %arg9[%dma_start3A_283, %dma_start3A_284] : memref<20x128xf32, #tpu.memory_space<vmem>> -> memref<1x128xf32, #tpu.memory_space<vmem>>
      %dma_start3A_286 = tpu.memref_squeeze %dma_start3A_285 : memref<1x128xf32, #tpu.memory_space<vmem>> -> memref<128xf32, #tpu.memory_space<vmem>>
      %dma_start3A_287 = tpu.memref_slice %arg5[%multiple_of3A_113] : memref<100000xf32, #tpu.memory_space<any>> -> memref<128xf32, #tpu.memory_space<any>>
      tpu.enqueue_dma source(%dma_start3A_287 : memref<128xf32, #tpu.memory_space<any>>) target(%dma_start3A_286 : memref<128xf32, #tpu.memory_space<vmem>>) target_semaphore(%arg11 : memref<!tpu.dma_semaphore, #tpu.memory_space<semaphore_mem>>)
      %dma_start3A_288 = arith.constant 15 : i32
      %dma_start3A_289 = arith.constant 0 : i32
      %dma_start3A_290 = tpu.memref_slice %arg8[%dma_start3A_288, %dma_start3A_289] : memref<20x1024xf32, #tpu.memory_space<vmem>> -> memref<1x1024xf32, #tpu.memory_space<vmem>>
      %dma_start3A_291 = arith.constant 0 : i32
      %dma_start3A_292 = tpu.memref_slice %arg4[%get3A_115, %dma_start3A_291] : memref<100000x1024xf32, #tpu.memory_space<any>> -> memref<1x1024xf32, #tpu.memory_space<any>>
      tpu.enqueue_dma source(%dma_start3A_292 : memref<1x1024xf32, #tpu.memory_space<any>>) target(%dma_start3A_290 : memref<1x1024xf32, #tpu.memory_space<vmem>>) target_semaphore(%arg10 : memref<!tpu.dma_semaphore, #tpu.memory_space<semaphore_mem>>)
      %dma_start3A_293 = arith.constant 15 : i32
      %dma_start3A_294 = arith.constant 0 : i32
      %dma_start3A_295 = tpu.memref_slice %arg9[%dma_start3A_293, %dma_start3A_294] : memref<20x128xf32, #tpu.memory_space<vmem>> -> memref<1x128xf32, #tpu.memory_space<vmem>>
      %dma_start3A_296 = tpu.memref_squeeze %dma_start3A_295 : memref<1x128xf32, #tpu.memory_space<vmem>> -> memref<128xf32, #tpu.memory_space<vmem>>
      %dma_start3A_297 = tpu.memref_slice %arg5[%multiple_of3A_118] : memref<100000xf32, #tpu.memory_space<any>> -> memref<128xf32, #tpu.memory_space<any>>
      tpu.enqueue_dma source(%dma_start3A_297 : memref<128xf32, #tpu.memory_space<any>>) target(%dma_start3A_296 : memref<128xf32, #tpu.memory_space<vmem>>) target_semaphore(%arg11 : memref<!tpu.dma_semaphore, #tpu.memory_space<semaphore_mem>>)
      %dma_start3A_298 = arith.constant 16 : i32
      %dma_start3A_299 = arith.constant 0 : i32
      %dma_start3A_300 = tpu.memref_slice %arg8[%dma_start3A_298, %dma_start3A_299] : memref<20x1024xf32, #tpu.memory_space<vmem>> -> memref<1x1024xf32, #tpu.memory_space<vmem>>
      %dma_start3A_301 = arith.constant 0 : i32
      %dma_start3A_302 = tpu.memref_slice %arg4[%get3A_120, %dma_start3A_301] : memref<100000x1024xf32, #tpu.memory_space<any>> -> memref<1x1024xf32, #tpu.memory_space<any>>
      tpu.enqueue_dma source(%dma_start3A_302 : memref<1x1024xf32, #tpu.memory_space<any>>) target(%dma_start3A_300 : memref<1x1024xf32, #tpu.memory_space<vmem>>) target_semaphore(%arg10 : memref<!tpu.dma_semaphore, #tpu.memory_space<semaphore_mem>>)
      %dma_start3A_303 = arith.constant 16 : i32
      %dma_start3A_304 = arith.constant 0 : i32
      %dma_start3A_305 = tpu.memref_slice %arg9[%dma_start3A_303, %dma_start3A_304] : memref<20x128xf32, #tpu.memory_space<vmem>> -> memref<1x128xf32, #tpu.memory_space<vmem>>
      %dma_start3A_306 = tpu.memref_squeeze %dma_start3A_305 : memref<1x128xf32, #tpu.memory_space<vmem>> -> memref<128xf32, #tpu.memory_space<vmem>>
      %dma_start3A_307 = tpu.memref_slice %arg5[%multiple_of3A_123] : memref<100000xf32, #tpu.memory_space<any>> -> memref<128xf32, #tpu.memory_space<any>>
      tpu.enqueue_dma source(%dma_start3A_307 : memref<128xf32, #tpu.memory_space<any>>) target(%dma_start3A_306 : memref<128xf32, #tpu.memory_space<vmem>>) target_semaphore(%arg11 : memref<!tpu.dma_semaphore, #tpu.memory_space<semaphore_mem>>)
      %dma_start3A_308 = arith.constant 17 : i32
      %dma_start3A_309 = arith.constant 0 : i32
      %dma_start3A_310 = tpu.memref_slice %arg8[%dma_start3A_308, %dma_start3A_309] : memref<20x1024xf32, #tpu.memory_space<vmem>> -> memref<1x1024xf32, #tpu.memory_space<vmem>>
      %dma_start3A_311 = arith.constant 0 : i32
      %dma_start3A_312 = tpu.memref_slice %arg4[%get3A_125, %dma_start3A_311] : memref<100000x1024xf32, #tpu.memory_space<any>> -> memref<1x1024xf32, #tpu.memory_space<any>>
      tpu.enqueue_dma source(%dma_start3A_312 : memref<1x1024xf32, #tpu.memory_space<any>>) target(%dma_start3A_310 : memref<1x1024xf32, #tpu.memory_space<vmem>>) target_semaphore(%arg10 : memref<!tpu.dma_semaphore, #tpu.memory_space<semaphore_mem>>)
      %dma_start3A_313 = arith.constant 17 : i32
      %dma_start3A_314 = arith.constant 0 : i32
      %dma_start3A_315 = tpu.memref_slice %arg9[%dma_start3A_313, %dma_start3A_314] : memref<20x128xf32, #tpu.memory_space<vmem>> -> memref<1x128xf32, #tpu.memory_space<vmem>>
      %dma_start3A_316 = tpu.memref_squeeze %dma_start3A_315 : memref<1x128xf32, #tpu.memory_space<vmem>> -> memref<128xf32, #tpu.memory_space<vmem>>
      %dma_start3A_317 = tpu.memref_slice %arg5[%multiple_of3A_128] : memref<100000xf32, #tpu.memory_space<any>> -> memref<128xf32, #tpu.memory_space<any>>
      tpu.enqueue_dma source(%dma_start3A_317 : memref<128xf32, #tpu.memory_space<any>>) target(%dma_start3A_316 : memref<128xf32, #tpu.memory_space<vmem>>) target_semaphore(%arg11 : memref<!tpu.dma_semaphore, #tpu.memory_space<semaphore_mem>>)
      %dma_start3A_318 = arith.constant 18 : i32
      %dma_start3A_319 = arith.constant 0 : i32
      %dma_start3A_320 = tpu.memref_slice %arg8[%dma_start3A_318, %dma_start3A_319] : memref<20x1024xf32, #tpu.memory_space<vmem>> -> memref<1x1024xf32, #tpu.memory_space<vmem>>
      %dma_start3A_321 = arith.constant 0 : i32
      %dma_start3A_322 = tpu.memref_slice %arg4[%get3A_130, %dma_start3A_321] : memref<100000x1024xf32, #tpu.memory_space<any>> -> memref<1x1024xf32, #tpu.memory_space<any>>
      tpu.enqueue_dma source(%dma_start3A_322 : memref<1x1024xf32, #tpu.memory_space<any>>) target(%dma_start3A_320 : memref<1x1024xf32, #tpu.memory_space<vmem>>) target_semaphore(%arg10 : memref<!tpu.dma_semaphore, #tpu.memory_space<semaphore_mem>>)
      %dma_start3A_323 = arith.constant 18 : i32
      %dma_start3A_324 = arith.constant 0 : i32
      %dma_start3A_325 = tpu.memref_slice %arg9[%dma_start3A_323, %dma_start3A_324] : memref<20x128xf32, #tpu.memory_space<vmem>> -> memref<1x128xf32, #tpu.memory_space<vmem>>
      %dma_start3A_326 = tpu.memref_squeeze %dma_start3A_325 : memref<1x128xf32, #tpu.memory_space<vmem>> -> memref<128xf32, #tpu.memory_space<vmem>>
      %dma_start3A_327 = tpu.memref_slice %arg5[%multiple_of3A_133] : memref<100000xf32, #tpu.memory_space<any>> -> memref<128xf32, #tpu.memory_space<any>>
      tpu.enqueue_dma source(%dma_start3A_327 : memref<128xf32, #tpu.memory_space<any>>) target(%dma_start3A_326 : memref<128xf32, #tpu.memory_space<vmem>>) target_semaphore(%arg11 : memref<!tpu.dma_semaphore, #tpu.memory_space<semaphore_mem>>)
      %dma_start3A_328 = arith.constant 19 : i32
      %dma_start3A_329 = arith.constant 0 : i32
      %dma_start3A_330 = tpu.memref_slice %arg8[%dma_start3A_328, %dma_start3A_329] : memref<20x1024xf32, #tpu.memory_space<vmem>> -> memref<1x1024xf32, #tpu.memory_space<vmem>>
      %dma_start3A_331 = arith.constant 0 : i32
      %dma_start3A_332 = tpu.memref_slice %arg4[%get3A_135, %dma_start3A_331] : memref<100000x1024xf32, #tpu.memory_space<any>> -> memref<1x1024xf32, #tpu.memory_space<any>>
      tpu.enqueue_dma source(%dma_start3A_332 : memref<1x1024xf32, #tpu.memory_space<any>>) target(%dma_start3A_330 : memref<1x1024xf32, #tpu.memory_space<vmem>>) target_semaphore(%arg10 : memref<!tpu.dma_semaphore, #tpu.memory_space<semaphore_mem>>)
      %dma_start3A_333 = arith.constant 19 : i32
      %dma_start3A_334 = arith.constant 0 : i32
      %dma_start3A_335 = tpu.memref_slice %arg9[%dma_start3A_333, %dma_start3A_334] : memref<20x128xf32, #tpu.memory_space<vmem>> -> memref<1x128xf32, #tpu.memory_space<vmem>>
      %dma_start3A_336 = tpu.memref_squeeze %dma_start3A_335 : memref<1x128xf32, #tpu.memory_space<vmem>> -> memref<128xf32, #tpu.memory_space<vmem>>
      %dma_start3A_337 = tpu.memref_slice %arg5[%multiple_of3A_138] : memref<100000xf32, #tpu.memory_space<any>> -> memref<128xf32, #tpu.memory_space<any>>
      tpu.enqueue_dma source(%dma_start3A_337 : memref<128xf32, #tpu.memory_space<any>>) target(%dma_start3A_336 : memref<128xf32, #tpu.memory_space<vmem>>) target_semaphore(%arg11 : memref<!tpu.dma_semaphore, #tpu.memory_space<semaphore_mem>>)
      %dma_wait3A = arith.constant 0 : i32
      %dma_wait3A_338 = arith.constant 0 : i32
      %dma_wait3A_339 = tpu.memref_slice %arg8[%dma_wait3A, %dma_wait3A_338] : memref<20x1024xf32, #tpu.memory_space<vmem>> -> memref<1x1024xf32, #tpu.memory_space<vmem>>
      %dma_wait3A_340 = arith.constant 0 : i32
      %dma_wait3A_341 = tpu.memref_slice %arg4[%get3A_41, %dma_wait3A_340] : memref<100000x1024xf32, #tpu.memory_space<any>> -> memref<1x1024xf32, #tpu.memory_space<any>>
      tpu.wait_dma2 semaphore(%arg10 : memref<!tpu.dma_semaphore, #tpu.memory_space<semaphore_mem>>) src(%dma_wait3A_341 : memref<1x1024xf32, #tpu.memory_space<any>>) dst(%dma_wait3A_339 : memref<1x1024xf32, #tpu.memory_space<vmem>>)
      %dma_wait3A_342 = arith.constant 0 : i32
      %dma_wait3A_343 = arith.constant 0 : i32
      %dma_wait3A_344 = tpu.memref_slice %arg9[%dma_wait3A_342, %dma_wait3A_343] : memref<20x128xf32, #tpu.memory_space<vmem>> -> memref<1x128xf32, #tpu.memory_space<vmem>>
      %dma_wait3A_345 = tpu.memref_squeeze %dma_wait3A_344 : memref<1x128xf32, #tpu.memory_space<vmem>> -> memref<128xf32, #tpu.memory_space<vmem>>
      %dma_wait3A_346 = tpu.memref_slice %arg5[%multiple_of3A] : memref<100000xf32, #tpu.memory_space<any>> -> memref<128xf32, #tpu.memory_space<any>>
      tpu.wait_dma2 semaphore(%arg11 : memref<!tpu.dma_semaphore, #tpu.memory_space<semaphore_mem>>) src(%dma_wait3A_346 : memref<128xf32, #tpu.memory_space<any>>) dst(%dma_wait3A_345 : memref<128xf32, #tpu.memory_space<vmem>>)
      %dma_wait3A_347 = arith.constant 1 : i32
      %dma_wait3A_348 = arith.constant 0 : i32
      %dma_wait3A_349 = tpu.memref_slice %arg8[%dma_wait3A_347, %dma_wait3A_348] : memref<20x1024xf32, #tpu.memory_space<vmem>> -> memref<1x1024xf32, #tpu.memory_space<vmem>>
      %dma_wait3A_350 = arith.constant 0 : i32
      %dma_wait3A_351 = tpu.memref_slice %arg4[%get3A_45, %dma_wait3A_350] : memref<100000x1024xf32, #tpu.memory_space<any>> -> memref<1x1024xf32, #tpu.memory_space<any>>
      tpu.wait_dma2 semaphore(%arg10 : memref<!tpu.dma_semaphore, #tpu.memory_space<semaphore_mem>>) src(%dma_wait3A_351 : memref<1x1024xf32, #tpu.memory_space<any>>) dst(%dma_wait3A_349 : memref<1x1024xf32, #tpu.memory_space<vmem>>)
      %dma_wait3A_352 = arith.constant 1 : i32
      %dma_wait3A_353 = arith.constant 0 : i32
      %dma_wait3A_354 = tpu.memref_slice %arg9[%dma_wait3A_352, %dma_wait3A_353] : memref<20x128xf32, #tpu.memory_space<vmem>> -> memref<1x128xf32, #tpu.memory_space<vmem>>
      %dma_wait3A_355 = tpu.memref_squeeze %dma_wait3A_354 : memref<1x128xf32, #tpu.memory_space<vmem>> -> memref<128xf32, #tpu.memory_space<vmem>>
      %dma_wait3A_356 = tpu.memref_slice %arg5[%multiple_of3A_48] : memref<100000xf32, #tpu.memory_space<any>> -> memref<128xf32, #tpu.memory_space<any>>
      tpu.wait_dma2 semaphore(%arg11 : memref<!tpu.dma_semaphore, #tpu.memory_space<semaphore_mem>>) src(%dma_wait3A_356 : memref<128xf32, #tpu.memory_space<any>>) dst(%dma_wait3A_355 : memref<128xf32, #tpu.memory_space<vmem>>)
      %dma_wait3A_357 = arith.constant 2 : i32
      %dma_wait3A_358 = arith.constant 0 : i32
      %dma_wait3A_359 = tpu.memref_slice %arg8[%dma_wait3A_357, %dma_wait3A_358] : memref<20x1024xf32, #tpu.memory_space<vmem>> -> memref<1x1024xf32, #tpu.memory_space<vmem>>
      %dma_wait3A_360 = arith.constant 0 : i32
      %dma_wait3A_361 = tpu.memref_slice %arg4[%get3A_50, %dma_wait3A_360] : memref<100000x1024xf32, #tpu.memory_space<any>> -> memref<1x1024xf32, #tpu.memory_space<any>>
      tpu.wait_dma2 semaphore(%arg10 : memref<!tpu.dma_semaphore, #tpu.memory_space<semaphore_mem>>) src(%dma_wait3A_361 : memref<1x1024xf32, #tpu.memory_space<any>>) dst(%dma_wait3A_359 : memref<1x1024xf32, #tpu.memory_space<vmem>>)
      %dma_wait3A_362 = arith.constant 2 : i32
      %dma_wait3A_363 = arith.constant 0 : i32
      %dma_wait3A_364 = tpu.memref_slice %arg9[%dma_wait3A_362, %dma_wait3A_363] : memref<20x128xf32, #tpu.memory_space<vmem>> -> memref<1x128xf32, #tpu.memory_space<vmem>>
      %dma_wait3A_365 = tpu.memref_squeeze %dma_wait3A_364 : memref<1x128xf32, #tpu.memory_space<vmem>> -> memref<128xf32, #tpu.memory_space<vmem>>
      %dma_wait3A_366 = tpu.memref_slice %arg5[%multiple_of3A_53] : memref<100000xf32, #tpu.memory_space<any>> -> memref<128xf32, #tpu.memory_space<any>>
      tpu.wait_dma2 semaphore(%arg11 : memref<!tpu.dma_semaphore, #tpu.memory_space<semaphore_mem>>) src(%dma_wait3A_366 : memref<128xf32, #tpu.memory_space<any>>) dst(%dma_wait3A_365 : memref<128xf32, #tpu.memory_space<vmem>>)
      %dma_wait3A_367 = arith.constant 3 : i32
      %dma_wait3A_368 = arith.constant 0 : i32
      %dma_wait3A_369 = tpu.memref_slice %arg8[%dma_wait3A_367, %dma_wait3A_368] : memref<20x1024xf32, #tpu.memory_space<vmem>> -> memref<1x1024xf32, #tpu.memory_space<vmem>>
      %dma_wait3A_370 = arith.constant 0 : i32
      %dma_wait3A_371 = tpu.memref_slice %arg4[%get3A_55, %dma_wait3A_370] : memref<100000x1024xf32, #tpu.memory_space<any>> -> memref<1x1024xf32, #tpu.memory_space<any>>
      tpu.wait_dma2 semaphore(%arg10 : memref<!tpu.dma_semaphore, #tpu.memory_space<semaphore_mem>>) src(%dma_wait3A_371 : memref<1x1024xf32, #tpu.memory_space<any>>) dst(%dma_wait3A_369 : memref<1x1024xf32, #tpu.memory_space<vmem>>)
      %dma_wait3A_372 = arith.constant 3 : i32
      %dma_wait3A_373 = arith.constant 0 : i32
      %dma_wait3A_374 = tpu.memref_slice %arg9[%dma_wait3A_372, %dma_wait3A_373] : memref<20x128xf32, #tpu.memory_space<vmem>> -> memref<1x128xf32, #tpu.memory_space<vmem>>
      %dma_wait3A_375 = tpu.memref_squeeze %dma_wait3A_374 : memref<1x128xf32, #tpu.memory_space<vmem>> -> memref<128xf32, #tpu.memory_space<vmem>>
      %dma_wait3A_376 = tpu.memref_slice %arg5[%multiple_of3A_58] : memref<100000xf32, #tpu.memory_space<any>> -> memref<128xf32, #tpu.memory_space<any>>
      tpu.wait_dma2 semaphore(%arg11 : memref<!tpu.dma_semaphore, #tpu.memory_space<semaphore_mem>>) src(%dma_wait3A_376 : memref<128xf32, #tpu.memory_space<any>>) dst(%dma_wait3A_375 : memref<128xf32, #tpu.memory_space<vmem>>)
      %dma_wait3A_377 = arith.constant 4 : i32
      %dma_wait3A_378 = arith.constant 0 : i32
      %dma_wait3A_379 = tpu.memref_slice %arg8[%dma_wait3A_377, %dma_wait3A_378] : memref<20x1024xf32, #tpu.memory_space<vmem>> -> memref<1x1024xf32, #tpu.memory_space<vmem>>
      %dma_wait3A_380 = arith.constant 0 : i32
      %dma_wait3A_381 = tpu.memref_slice %arg4[%get3A_60, %dma_wait3A_380] : memref<100000x1024xf32, #tpu.memory_space<any>> -> memref<1x1024xf32, #tpu.memory_space<any>>
      tpu.wait_dma2 semaphore(%arg10 : memref<!tpu.dma_semaphore, #tpu.memory_space<semaphore_mem>>) src(%dma_wait3A_381 : memref<1x1024xf32, #tpu.memory_space<any>>) dst(%dma_wait3A_379 : memref<1x1024xf32, #tpu.memory_space<vmem>>)
      %dma_wait3A_382 = arith.constant 4 : i32
      %dma_wait3A_383 = arith.constant 0 : i32
      %dma_wait3A_384 = tpu.memref_slice %arg9[%dma_wait3A_382, %dma_wait3A_383] : memref<20x128xf32, #tpu.memory_space<vmem>> -> memref<1x128xf32, #tpu.memory_space<vmem>>
      %dma_wait3A_385 = tpu.memref_squeeze %dma_wait3A_384 : memref<1x128xf32, #tpu.memory_space<vmem>> -> memref<128xf32, #tpu.memory_space<vmem>>
      %dma_wait3A_386 = tpu.memref_slice %arg5[%multiple_of3A_63] : memref<100000xf32, #tpu.memory_space<any>> -> memref<128xf32, #tpu.memory_space<any>>
      tpu.wait_dma2 semaphore(%arg11 : memref<!tpu.dma_semaphore, #tpu.memory_space<semaphore_mem>>) src(%dma_wait3A_386 : memref<128xf32, #tpu.memory_space<any>>) dst(%dma_wait3A_385 : memref<128xf32, #tpu.memory_space<vmem>>)
      %dma_wait3A_387 = arith.constant 5 : i32
      %dma_wait3A_388 = arith.constant 0 : i32
      %dma_wait3A_389 = tpu.memref_slice %arg8[%dma_wait3A_387, %dma_wait3A_388] : memref<20x1024xf32, #tpu.memory_space<vmem>> -> memref<1x1024xf32, #tpu.memory_space<vmem>>
      %dma_wait3A_390 = arith.constant 0 : i32
      %dma_wait3A_391 = tpu.memref_slice %arg4[%get3A_65, %dma_wait3A_390] : memref<100000x1024xf32, #tpu.memory_space<any>> -> memref<1x1024xf32, #tpu.memory_space<any>>
      tpu.wait_dma2 semaphore(%arg10 : memref<!tpu.dma_semaphore, #tpu.memory_space<semaphore_mem>>) src(%dma_wait3A_391 : memref<1x1024xf32, #tpu.memory_space<any>>) dst(%dma_wait3A_389 : memref<1x1024xf32, #tpu.memory_space<vmem>>)
      %dma_wait3A_392 = arith.constant 5 : i32
      %dma_wait3A_393 = arith.constant 0 : i32
      %dma_wait3A_394 = tpu.memref_slice %arg9[%dma_wait3A_392, %dma_wait3A_393] : memref<20x128xf32, #tpu.memory_space<vmem>> -> memref<1x128xf32, #tpu.memory_space<vmem>>
      %dma_wait3A_395 = tpu.memref_squeeze %dma_wait3A_394 : memref<1x128xf32, #tpu.memory_space<vmem>> -> memref<128xf32, #tpu.memory_space<vmem>>
      %dma_wait3A_396 = tpu.memref_slice %arg5[%multiple_of3A_68] : memref<100000xf32, #tpu.memory_space<any>> -> memref<128xf32, #tpu.memory_space<any>>
      tpu.wait_dma2 semaphore(%arg11 : memref<!tpu.dma_semaphore, #tpu.memory_space<semaphore_mem>>) src(%dma_wait3A_396 : memref<128xf32, #tpu.memory_space<any>>) dst(%dma_wait3A_395 : memref<128xf32, #tpu.memory_space<vmem>>)
      %dma_wait3A_397 = arith.constant 6 : i32
      %dma_wait3A_398 = arith.constant 0 : i32
      %dma_wait3A_399 = tpu.memref_slice %arg8[%dma_wait3A_397, %dma_wait3A_398] : memref<20x1024xf32, #tpu.memory_space<vmem>> -> memref<1x1024xf32, #tpu.memory_space<vmem>>
      %dma_wait3A_400 = arith.constant 0 : i32
      %dma_wait3A_401 = tpu.memref_slice %arg4[%get3A_70, %dma_wait3A_400] : memref<100000x1024xf32, #tpu.memory_space<any>> -> memref<1x1024xf32, #tpu.memory_space<any>>
      tpu.wait_dma2 semaphore(%arg10 : memref<!tpu.dma_semaphore, #tpu.memory_space<semaphore_mem>>) src(%dma_wait3A_401 : memref<1x1024xf32, #tpu.memory_space<any>>) dst(%dma_wait3A_399 : memref<1x1024xf32, #tpu.memory_space<vmem>>)
      %dma_wait3A_402 = arith.constant 6 : i32
      %dma_wait3A_403 = arith.constant 0 : i32
      %dma_wait3A_404 = tpu.memref_slice %arg9[%dma_wait3A_402, %dma_wait3A_403] : memref<20x128xf32, #tpu.memory_space<vmem>> -> memref<1x128xf32, #tpu.memory_space<vmem>>
      %dma_wait3A_405 = tpu.memref_squeeze %dma_wait3A_404 : memref<1x128xf32, #tpu.memory_space<vmem>> -> memref<128xf32, #tpu.memory_space<vmem>>
      %dma_wait3A_406 = tpu.memref_slice %arg5[%multiple_of3A_73] : memref<100000xf32, #tpu.memory_space<any>> -> memref<128xf32, #tpu.memory_space<any>>
      tpu.wait_dma2 semaphore(%arg11 : memref<!tpu.dma_semaphore, #tpu.memory_space<semaphore_mem>>) src(%dma_wait3A_406 : memref<128xf32, #tpu.memory_space<any>>) dst(%dma_wait3A_405 : memref<128xf32, #tpu.memory_space<vmem>>)
      %dma_wait3A_407 = arith.constant 7 : i32
      %dma_wait3A_408 = arith.constant 0 : i32
      %dma_wait3A_409 = tpu.memref_slice %arg8[%dma_wait3A_407, %dma_wait3A_408] : memref<20x1024xf32, #tpu.memory_space<vmem>> -> memref<1x1024xf32, #tpu.memory_space<vmem>>
      %dma_wait3A_410 = arith.constant 0 : i32
      %dma_wait3A_411 = tpu.memref_slice %arg4[%get3A_75, %dma_wait3A_410] : memref<100000x1024xf32, #tpu.memory_space<any>> -> memref<1x1024xf32, #tpu.memory_space<any>>
      tpu.wait_dma2 semaphore(%arg10 : memref<!tpu.dma_semaphore, #tpu.memory_space<semaphore_mem>>) src(%dma_wait3A_411 : memref<1x1024xf32, #tpu.memory_space<any>>) dst(%dma_wait3A_409 : memref<1x1024xf32, #tpu.memory_space<vmem>>)
      %dma_wait3A_412 = arith.constant 7 : i32
      %dma_wait3A_413 = arith.constant 0 : i32
      %dma_wait3A_414 = tpu.memref_slice %arg9[%dma_wait3A_412, %dma_wait3A_413] : memref<20x128xf32, #tpu.memory_space<vmem>> -> memref<1x128xf32, #tpu.memory_space<vmem>>
      %dma_wait3A_415 = tpu.memref_squeeze %dma_wait3A_414 : memref<1x128xf32, #tpu.memory_space<vmem>> -> memref<128xf32, #tpu.memory_space<vmem>>
      %dma_wait3A_416 = tpu.memref_slice %arg5[%multiple_of3A_78] : memref<100000xf32, #tpu.memory_space<any>> -> memref<128xf32, #tpu.memory_space<any>>
      tpu.wait_dma2 semaphore(%arg11 : memref<!tpu.dma_semaphore, #tpu.memory_space<semaphore_mem>>) src(%dma_wait3A_416 : memref<128xf32, #tpu.memory_space<any>>) dst(%dma_wait3A_415 : memref<128xf32, #tpu.memory_space<vmem>>)
      %dma_wait3A_417 = arith.constant 8 : i32
      %dma_wait3A_418 = arith.constant 0 : i32
      %dma_wait3A_419 = tpu.memref_slice %arg8[%dma_wait3A_417, %dma_wait3A_418] : memref<20x1024xf32, #tpu.memory_space<vmem>> -> memref<1x1024xf32, #tpu.memory_space<vmem>>
      %dma_wait3A_420 = arith.constant 0 : i32
      %dma_wait3A_421 = tpu.memref_slice %arg4[%get3A_80, %dma_wait3A_420] : memref<100000x1024xf32, #tpu.memory_space<any>> -> memref<1x1024xf32, #tpu.memory_space<any>>
      tpu.wait_dma2 semaphore(%arg10 : memref<!tpu.dma_semaphore, #tpu.memory_space<semaphore_mem>>) src(%dma_wait3A_421 : memref<1x1024xf32, #tpu.memory_space<any>>) dst(%dma_wait3A_419 : memref<1x1024xf32, #tpu.memory_space<vmem>>)
      %dma_wait3A_422 = arith.constant 8 : i32
      %dma_wait3A_423 = arith.constant 0 : i32
      %dma_wait3A_424 = tpu.memref_slice %arg9[%dma_wait3A_422, %dma_wait3A_423] : memref<20x128xf32, #tpu.memory_space<vmem>> -> memref<1x128xf32, #tpu.memory_space<vmem>>
      %dma_wait3A_425 = tpu.memref_squeeze %dma_wait3A_424 : memref<1x128xf32, #tpu.memory_space<vmem>> -> memref<128xf32, #tpu.memory_space<vmem>>
      %dma_wait3A_426 = tpu.memref_slice %arg5[%multiple_of3A_83] : memref<100000xf32, #tpu.memory_space<any>> -> memref<128xf32, #tpu.memory_space<any>>
      tpu.wait_dma2 semaphore(%arg11 : memref<!tpu.dma_semaphore, #tpu.memory_space<semaphore_mem>>) src(%dma_wait3A_426 : memref<128xf32, #tpu.memory_space<any>>) dst(%dma_wait3A_425 : memref<128xf32, #tpu.memory_space<vmem>>)
      %dma_wait3A_427 = arith.constant 9 : i32
      %dma_wait3A_428 = arith.constant 0 : i32
      %dma_wait3A_429 = tpu.memref_slice %arg8[%dma_wait3A_427, %dma_wait3A_428] : memref<20x1024xf32, #tpu.memory_space<vmem>> -> memref<1x1024xf32, #tpu.memory_space<vmem>>
      %dma_wait3A_430 = arith.constant 0 : i32
      %dma_wait3A_431 = tpu.memref_slice %arg4[%get3A_85, %dma_wait3A_430] : memref<100000x1024xf32, #tpu.memory_space<any>> -> memref<1x1024xf32, #tpu.memory_space<any>>
      tpu.wait_dma2 semaphore(%arg10 : memref<!tpu.dma_semaphore, #tpu.memory_space<semaphore_mem>>) src(%dma_wait3A_431 : memref<1x1024xf32, #tpu.memory_space<any>>) dst(%dma_wait3A_429 : memref<1x1024xf32, #tpu.memory_space<vmem>>)
      %dma_wait3A_432 = arith.constant 9 : i32
      %dma_wait3A_433 = arith.constant 0 : i32
      %dma_wait3A_434 = tpu.memref_slice %arg9[%dma_wait3A_432, %dma_wait3A_433] : memref<20x128xf32, #tpu.memory_space<vmem>> -> memref<1x128xf32, #tpu.memory_space<vmem>>
      %dma_wait3A_435 = tpu.memref_squeeze %dma_wait3A_434 : memref<1x128xf32, #tpu.memory_space<vmem>> -> memref<128xf32, #tpu.memory_space<vmem>>
      %dma_wait3A_436 = tpu.memref_slice %arg5[%multiple_of3A_88] : memref<100000xf32, #tpu.memory_space<any>> -> memref<128xf32, #tpu.memory_space<any>>
      tpu.wait_dma2 semaphore(%arg11 : memref<!tpu.dma_semaphore, #tpu.memory_space<semaphore_mem>>) src(%dma_wait3A_436 : memref<128xf32, #tpu.memory_space<any>>) dst(%dma_wait3A_435 : memref<128xf32, #tpu.memory_space<vmem>>)
      %dma_wait3A_437 = arith.constant 10 : i32
      %dma_wait3A_438 = arith.constant 0 : i32
      %dma_wait3A_439 = tpu.memref_slice %arg8[%dma_wait3A_437, %dma_wait3A_438] : memref<20x1024xf32, #tpu.memory_space<vmem>> -> memref<1x1024xf32, #tpu.memory_space<vmem>>
      %dma_wait3A_440 = arith.constant 0 : i32
      %dma_wait3A_441 = tpu.memref_slice %arg4[%get3A_90, %dma_wait3A_440] : memref<100000x1024xf32, #tpu.memory_space<any>> -> memref<1x1024xf32, #tpu.memory_space<any>>
      tpu.wait_dma2 semaphore(%arg10 : memref<!tpu.dma_semaphore, #tpu.memory_space<semaphore_mem>>) src(%dma_wait3A_441 : memref<1x1024xf32, #tpu.memory_space<any>>) dst(%dma_wait3A_439 : memref<1x1024xf32, #tpu.memory_space<vmem>>)
      %dma_wait3A_442 = arith.constant 10 : i32
      %dma_wait3A_443 = arith.constant 0 : i32
      %dma_wait3A_444 = tpu.memref_slice %arg9[%dma_wait3A_442, %dma_wait3A_443] : memref<20x128xf32, #tpu.memory_space<vmem>> -> memref<1x128xf32, #tpu.memory_space<vmem>>
      %dma_wait3A_445 = tpu.memref_squeeze %dma_wait3A_444 : memref<1x128xf32, #tpu.memory_space<vmem>> -> memref<128xf32, #tpu.memory_space<vmem>>
      %dma_wait3A_446 = tpu.memref_slice %arg5[%multiple_of3A_93] : memref<100000xf32, #tpu.memory_space<any>> -> memref<128xf32, #tpu.memory_space<any>>
      tpu.wait_dma2 semaphore(%arg11 : memref<!tpu.dma_semaphore, #tpu.memory_space<semaphore_mem>>) src(%dma_wait3A_446 : memref<128xf32, #tpu.memory_space<any>>) dst(%dma_wait3A_445 : memref<128xf32, #tpu.memory_space<vmem>>)
      %dma_wait3A_447 = arith.constant 11 : i32
      %dma_wait3A_448 = arith.constant 0 : i32
      %dma_wait3A_449 = tpu.memref_slice %arg8[%dma_wait3A_447, %dma_wait3A_448] : memref<20x1024xf32, #tpu.memory_space<vmem>> -> memref<1x1024xf32, #tpu.memory_space<vmem>>
      %dma_wait3A_450 = arith.constant 0 : i32
      %dma_wait3A_451 = tpu.memref_slice %arg4[%get3A_95, %dma_wait3A_450] : memref<100000x1024xf32, #tpu.memory_space<any>> -> memref<1x1024xf32, #tpu.memory_space<any>>
      tpu.wait_dma2 semaphore(%arg10 : memref<!tpu.dma_semaphore, #tpu.memory_space<semaphore_mem>>) src(%dma_wait3A_451 : memref<1x1024xf32, #tpu.memory_space<any>>) dst(%dma_wait3A_449 : memref<1x1024xf32, #tpu.memory_space<vmem>>)
      %dma_wait3A_452 = arith.constant 11 : i32
      %dma_wait3A_453 = arith.constant 0 : i32
      %dma_wait3A_454 = tpu.memref_slice %arg9[%dma_wait3A_452, %dma_wait3A_453] : memref<20x128xf32, #tpu.memory_space<vmem>> -> memref<1x128xf32, #tpu.memory_space<vmem>>
      %dma_wait3A_455 = tpu.memref_squeeze %dma_wait3A_454 : memref<1x128xf32, #tpu.memory_space<vmem>> -> memref<128xf32, #tpu.memory_space<vmem>>
      %dma_wait3A_456 = tpu.memref_slice %arg5[%multiple_of3A_98] : memref<100000xf32, #tpu.memory_space<any>> -> memref<128xf32, #tpu.memory_space<any>>
      tpu.wait_dma2 semaphore(%arg11 : memref<!tpu.dma_semaphore, #tpu.memory_space<semaphore_mem>>) src(%dma_wait3A_456 : memref<128xf32, #tpu.memory_space<any>>) dst(%dma_wait3A_455 : memref<128xf32, #tpu.memory_space<vmem>>)
      %dma_wait3A_457 = arith.constant 12 : i32
      %dma_wait3A_458 = arith.constant 0 : i32
      %dma_wait3A_459 = tpu.memref_slice %arg8[%dma_wait3A_457, %dma_wait3A_458] : memref<20x1024xf32, #tpu.memory_space<vmem>> -> memref<1x1024xf32, #tpu.memory_space<vmem>>
      %dma_wait3A_460 = arith.constant 0 : i32
      %dma_wait3A_461 = tpu.memref_slice %arg4[%get3A_100, %dma_wait3A_460] : memref<100000x1024xf32, #tpu.memory_space<any>> -> memref<1x1024xf32, #tpu.memory_space<any>>
      tpu.wait_dma2 semaphore(%arg10 : memref<!tpu.dma_semaphore, #tpu.memory_space<semaphore_mem>>) src(%dma_wait3A_461 : memref<1x1024xf32, #tpu.memory_space<any>>) dst(%dma_wait3A_459 : memref<1x1024xf32, #tpu.memory_space<vmem>>)
      %dma_wait3A_462 = arith.constant 12 : i32
      %dma_wait3A_463 = arith.constant 0 : i32
      %dma_wait3A_464 = tpu.memref_slice %arg9[%dma_wait3A_462, %dma_wait3A_463] : memref<20x128xf32, #tpu.memory_space<vmem>> -> memref<1x128xf32, #tpu.memory_space<vmem>>
      %dma_wait3A_465 = tpu.memref_squeeze %dma_wait3A_464 : memref<1x128xf32, #tpu.memory_space<vmem>> -> memref<128xf32, #tpu.memory_space<vmem>>
      %dma_wait3A_466 = tpu.memref_slice %arg5[%multiple_of3A_103] : memref<100000xf32, #tpu.memory_space<any>> -> memref<128xf32, #tpu.memory_space<any>>
      tpu.wait_dma2 semaphore(%arg11 : memref<!tpu.dma_semaphore, #tpu.memory_space<semaphore_mem>>) src(%dma_wait3A_466 : memref<128xf32, #tpu.memory_space<any>>) dst(%dma_wait3A_465 : memref<128xf32, #tpu.memory_space<vmem>>)
      %dma_wait3A_467 = arith.constant 13 : i32
      %dma_wait3A_468 = arith.constant 0 : i32
      %dma_wait3A_469 = tpu.memref_slice %arg8[%dma_wait3A_467, %dma_wait3A_468] : memref<20x1024xf32, #tpu.memory_space<vmem>> -> memref<1x1024xf32, #tpu.memory_space<vmem>>
      %dma_wait3A_470 = arith.constant 0 : i32
      %dma_wait3A_471 = tpu.memref_slice %arg4[%get3A_105, %dma_wait3A_470] : memref<100000x1024xf32, #tpu.memory_space<any>> -> memref<1x1024xf32, #tpu.memory_space<any>>
      tpu.wait_dma2 semaphore(%arg10 : memref<!tpu.dma_semaphore, #tpu.memory_space<semaphore_mem>>) src(%dma_wait3A_471 : memref<1x1024xf32, #tpu.memory_space<any>>) dst(%dma_wait3A_469 : memref<1x1024xf32, #tpu.memory_space<vmem>>)
      %dma_wait3A_472 = arith.constant 13 : i32
      %dma_wait3A_473 = arith.constant 0 : i32
      %dma_wait3A_474 = tpu.memref_slice %arg9[%dma_wait3A_472, %dma_wait3A_473] : memref<20x128xf32, #tpu.memory_space<vmem>> -> memref<1x128xf32, #tpu.memory_space<vmem>>
      %dma_wait3A_475 = tpu.memref_squeeze %dma_wait3A_474 : memref<1x128xf32, #tpu.memory_space<vmem>> -> memref<128xf32, #tpu.memory_space<vmem>>
      %dma_wait3A_476 = tpu.memref_slice %arg5[%multiple_of3A_108] : memref<100000xf32, #tpu.memory_space<any>> -> memref<128xf32, #tpu.memory_space<any>>
      tpu.wait_dma2 semaphore(%arg11 : memref<!tpu.dma_semaphore, #tpu.memory_space<semaphore_mem>>) src(%dma_wait3A_476 : memref<128xf32, #tpu.memory_space<any>>) dst(%dma_wait3A_475 : memref<128xf32, #tpu.memory_space<vmem>>)
      %dma_wait3A_477 = arith.constant 14 : i32
      %dma_wait3A_478 = arith.constant 0 : i32
      %dma_wait3A_479 = tpu.memref_slice %arg8[%dma_wait3A_477, %dma_wait3A_478] : memref<20x1024xf32, #tpu.memory_space<vmem>> -> memref<1x1024xf32, #tpu.memory_space<vmem>>
      %dma_wait3A_480 = arith.constant 0 : i32
      %dma_wait3A_481 = tpu.memref_slice %arg4[%get3A_110, %dma_wait3A_480] : memref<100000x1024xf32, #tpu.memory_space<any>> -> memref<1x1024xf32, #tpu.memory_space<any>>
      tpu.wait_dma2 semaphore(%arg10 : memref<!tpu.dma_semaphore, #tpu.memory_space<semaphore_mem>>) src(%dma_wait3A_481 : memref<1x1024xf32, #tpu.memory_space<any>>) dst(%dma_wait3A_479 : memref<1x1024xf32, #tpu.memory_space<vmem>>)
      %dma_wait3A_482 = arith.constant 14 : i32
      %dma_wait3A_483 = arith.constant 0 : i32
      %dma_wait3A_484 = tpu.memref_slice %arg9[%dma_wait3A_482, %dma_wait3A_483] : memref<20x128xf32, #tpu.memory_space<vmem>> -> memref<1x128xf32, #tpu.memory_space<vmem>>
      %dma_wait3A_485 = tpu.memref_squeeze %dma_wait3A_484 : memref<1x128xf32, #tpu.memory_space<vmem>> -> memref<128xf32, #tpu.memory_space<vmem>>
      %dma_wait3A_486 = tpu.memref_slice %arg5[%multiple_of3A_113] : memref<100000xf32, #tpu.memory_space<any>> -> memref<128xf32, #tpu.memory_space<any>>
      tpu.wait_dma2 semaphore(%arg11 : memref<!tpu.dma_semaphore, #tpu.memory_space<semaphore_mem>>) src(%dma_wait3A_486 : memref<128xf32, #tpu.memory_space<any>>) dst(%dma_wait3A_485 : memref<128xf32, #tpu.memory_space<vmem>>)
      %dma_wait3A_487 = arith.constant 15 : i32
      %dma_wait3A_488 = arith.constant 0 : i32
      %dma_wait3A_489 = tpu.memref_slice %arg8[%dma_wait3A_487, %dma_wait3A_488] : memref<20x1024xf32, #tpu.memory_space<vmem>> -> memref<1x1024xf32, #tpu.memory_space<vmem>>
      %dma_wait3A_490 = arith.constant 0 : i32
      %dma_wait3A_491 = tpu.memref_slice %arg4[%get3A_115, %dma_wait3A_490] : memref<100000x1024xf32, #tpu.memory_space<any>> -> memref<1x1024xf32, #tpu.memory_space<any>>
      tpu.wait_dma2 semaphore(%arg10 : memref<!tpu.dma_semaphore, #tpu.memory_space<semaphore_mem>>) src(%dma_wait3A_491 : memref<1x1024xf32, #tpu.memory_space<any>>) dst(%dma_wait3A_489 : memref<1x1024xf32, #tpu.memory_space<vmem>>)
      %dma_wait3A_492 = arith.constant 15 : i32
      %dma_wait3A_493 = arith.constant 0 : i32
      %dma_wait3A_494 = tpu.memref_slice %arg9[%dma_wait3A_492, %dma_wait3A_493] : memref<20x128xf32, #tpu.memory_space<vmem>> -> memref<1x128xf32, #tpu.memory_space<vmem>>
      %dma_wait3A_495 = tpu.memref_squeeze %dma_wait3A_494 : memref<1x128xf32, #tpu.memory_space<vmem>> -> memref<128xf32, #tpu.memory_space<vmem>>
      %dma_wait3A_496 = tpu.memref_slice %arg5[%multiple_of3A_118] : memref<100000xf32, #tpu.memory_space<any>> -> memref<128xf32, #tpu.memory_space<any>>
      tpu.wait_dma2 semaphore(%arg11 : memref<!tpu.dma_semaphore, #tpu.memory_space<semaphore_mem>>) src(%dma_wait3A_496 : memref<128xf32, #tpu.memory_space<any>>) dst(%dma_wait3A_495 : memref<128xf32, #tpu.memory_space<vmem>>)
      %dma_wait3A_497 = arith.constant 16 : i32
      %dma_wait3A_498 = arith.constant 0 : i32
      %dma_wait3A_499 = tpu.memref_slice %arg8[%dma_wait3A_497, %dma_wait3A_498] : memref<20x1024xf32, #tpu.memory_space<vmem>> -> memref<1x1024xf32, #tpu.memory_space<vmem>>
      %dma_wait3A_500 = arith.constant 0 : i32
      %dma_wait3A_501 = tpu.memref_slice %arg4[%get3A_120, %dma_wait3A_500] : memref<100000x1024xf32, #tpu.memory_space<any>> -> memref<1x1024xf32, #tpu.memory_space<any>>
      tpu.wait_dma2 semaphore(%arg10 : memref<!tpu.dma_semaphore, #tpu.memory_space<semaphore_mem>>) src(%dma_wait3A_501 : memref<1x1024xf32, #tpu.memory_space<any>>) dst(%dma_wait3A_499 : memref<1x1024xf32, #tpu.memory_space<vmem>>)
      %dma_wait3A_502 = arith.constant 16 : i32
      %dma_wait3A_503 = arith.constant 0 : i32
      %dma_wait3A_504 = tpu.memref_slice %arg9[%dma_wait3A_502, %dma_wait3A_503] : memref<20x128xf32, #tpu.memory_space<vmem>> -> memref<1x128xf32, #tpu.memory_space<vmem>>
      %dma_wait3A_505 = tpu.memref_squeeze %dma_wait3A_504 : memref<1x128xf32, #tpu.memory_space<vmem>> -> memref<128xf32, #tpu.memory_space<vmem>>
      %dma_wait3A_506 = tpu.memref_slice %arg5[%multiple_of3A_123] : memref<100000xf32, #tpu.memory_space<any>> -> memref<128xf32, #tpu.memory_space<any>>
      tpu.wait_dma2 semaphore(%arg11 : memref<!tpu.dma_semaphore, #tpu.memory_space<semaphore_mem>>) src(%dma_wait3A_506 : memref<128xf32, #tpu.memory_space<any>>) dst(%dma_wait3A_505 : memref<128xf32, #tpu.memory_space<vmem>>)
      %dma_wait3A_507 = arith.constant 17 : i32
      %dma_wait3A_508 = arith.constant 0 : i32
      %dma_wait3A_509 = tpu.memref_slice %arg8[%dma_wait3A_507, %dma_wait3A_508] : memref<20x1024xf32, #tpu.memory_space<vmem>> -> memref<1x1024xf32, #tpu.memory_space<vmem>>
      %dma_wait3A_510 = arith.constant 0 : i32
      %dma_wait3A_511 = tpu.memref_slice %arg4[%get3A_125, %dma_wait3A_510] : memref<100000x1024xf32, #tpu.memory_space<any>> -> memref<1x1024xf32, #tpu.memory_space<any>>
      tpu.wait_dma2 semaphore(%arg10 : memref<!tpu.dma_semaphore, #tpu.memory_space<semaphore_mem>>) src(%dma_wait3A_511 : memref<1x1024xf32, #tpu.memory_space<any>>) dst(%dma_wait3A_509 : memref<1x1024xf32, #tpu.memory_space<vmem>>)
      %dma_wait3A_512 = arith.constant 17 : i32
      %dma_wait3A_513 = arith.constant 0 : i32
      %dma_wait3A_514 = tpu.memref_slice %arg9[%dma_wait3A_512, %dma_wait3A_513] : memref<20x128xf32, #tpu.memory_space<vmem>> -> memref<1x128xf32, #tpu.memory_space<vmem>>
      %dma_wait3A_515 = tpu.memref_squeeze %dma_wait3A_514 : memref<1x128xf32, #tpu.memory_space<vmem>> -> memref<128xf32, #tpu.memory_space<vmem>>
      %dma_wait3A_516 = tpu.memref_slice %arg5[%multiple_of3A_128] : memref<100000xf32, #tpu.memory_space<any>> -> memref<128xf32, #tpu.memory_space<any>>
      tpu.wait_dma2 semaphore(%arg11 : memref<!tpu.dma_semaphore, #tpu.memory_space<semaphore_mem>>) src(%dma_wait3A_516 : memref<128xf32, #tpu.memory_space<any>>) dst(%dma_wait3A_515 : memref<128xf32, #tpu.memory_space<vmem>>)
      %dma_wait3A_517 = arith.constant 18 : i32
      %dma_wait3A_518 = arith.constant 0 : i32
      %dma_wait3A_519 = tpu.memref_slice %arg8[%dma_wait3A_517, %dma_wait3A_518] : memref<20x1024xf32, #tpu.memory_space<vmem>> -> memref<1x1024xf32, #tpu.memory_space<vmem>>
      %dma_wait3A_520 = arith.constant 0 : i32
      %dma_wait3A_521 = tpu.memref_slice %arg4[%get3A_130, %dma_wait3A_520] : memref<100000x1024xf32, #tpu.memory_space<any>> -> memref<1x1024xf32, #tpu.memory_space<any>>
      tpu.wait_dma2 semaphore(%arg10 : memref<!tpu.dma_semaphore, #tpu.memory_space<semaphore_mem>>) src(%dma_wait3A_521 : memref<1x1024xf32, #tpu.memory_space<any>>) dst(%dma_wait3A_519 : memref<1x1024xf32, #tpu.memory_space<vmem>>)
      %dma_wait3A_522 = arith.constant 18 : i32
      %dma_wait3A_523 = arith.constant 0 : i32
      %dma_wait3A_524 = tpu.memref_slice %arg9[%dma_wait3A_522, %dma_wait3A_523] : memref<20x128xf32, #tpu.memory_space<vmem>> -> memref<1x128xf32, #tpu.memory_space<vmem>>
      %dma_wait3A_525 = tpu.memref_squeeze %dma_wait3A_524 : memref<1x128xf32, #tpu.memory_space<vmem>> -> memref<128xf32, #tpu.memory_space<vmem>>
      %dma_wait3A_526 = tpu.memref_slice %arg5[%multiple_of3A_133] : memref<100000xf32, #tpu.memory_space<any>> -> memref<128xf32, #tpu.memory_space<any>>
      tpu.wait_dma2 semaphore(%arg11 : memref<!tpu.dma_semaphore, #tpu.memory_space<semaphore_mem>>) src(%dma_wait3A_526 : memref<128xf32, #tpu.memory_space<any>>) dst(%dma_wait3A_525 : memref<128xf32, #tpu.memory_space<vmem>>)
      %dma_wait3A_527 = arith.constant 19 : i32
      %dma_wait3A_528 = arith.constant 0 : i32
      %dma_wait3A_529 = tpu.memref_slice %arg8[%dma_wait3A_527, %dma_wait3A_528] : memref<20x1024xf32, #tpu.memory_space<vmem>> -> memref<1x1024xf32, #tpu.memory_space<vmem>>
      %dma_wait3A_530 = arith.constant 0 : i32
      %dma_wait3A_531 = tpu.memref_slice %arg4[%get3A_135, %dma_wait3A_530] : memref<100000x1024xf32, #tpu.memory_space<any>> -> memref<1x1024xf32, #tpu.memory_space<any>>
      tpu.wait_dma2 semaphore(%arg10 : memref<!tpu.dma_semaphore, #tpu.memory_space<semaphore_mem>>) src(%dma_wait3A_531 : memref<1x1024xf32, #tpu.memory_space<any>>) dst(%dma_wait3A_529 : memref<1x1024xf32, #tpu.memory_space<vmem>>)
      %dma_wait3A_532 = arith.constant 19 : i32
      %dma_wait3A_533 = arith.constant 0 : i32
      %dma_wait3A_534 = tpu.memref_slice %arg9[%dma_wait3A_532, %dma_wait3A_533] : memref<20x128xf32, #tpu.memory_space<vmem>> -> memref<1x128xf32, #tpu.memory_space<vmem>>
      %dma_wait3A_535 = tpu.memref_squeeze %dma_wait3A_534 : memref<1x128xf32, #tpu.memory_space<vmem>> -> memref<128xf32, #tpu.memory_space<vmem>>
      %dma_wait3A_536 = tpu.memref_slice %arg5[%multiple_of3A_138] : memref<100000xf32, #tpu.memory_space<any>> -> memref<128xf32, #tpu.memory_space<any>>
      tpu.wait_dma2 semaphore(%arg11 : memref<!tpu.dma_semaphore, #tpu.memory_space<semaphore_mem>>) src(%dma_wait3A_536 : memref<128xf32, #tpu.memory_space<any>>) dst(%dma_wait3A_535 : memref<128xf32, #tpu.memory_space<vmem>>)
    } else {
    }
    %get3A = arith.constant 0 : index
    %get3A_2 = arith.constant 0 : index
    %get3A_3 = vector.load %arg9[%get3A, %get3A_2] : memref<20x128xf32, #tpu.memory_space<vmem>>, vector<20x128xf32>
    %get3A_4 = arith.constant 0 : index
    %get3A_5 = arith.constant 0 : index
    %get3A_6 = vector.load %arg6[%get3A_4, %get3A_5] : memref<20x128xf32, #tpu.memory_space<vmem>>, vector<20x128xf32>
    %mul3A = arith.mulf %get3A_3, %get3A_6 : vector<20x128xf32>
    %reduce_sum3A = arith.constant dense<0.000000e+00> : vector<20xf32>
    %reduce_sum3A_7 = vector.multi_reduction <add>, %mul3A, %reduce_sum3A [1] : vector<20x128xf32> to vector<20xf32>
    %get3A_8 = arith.constant 0 : index
    %get3A_9 = arith.constant 0 : index
    %get3A_10 = vector.load %arg3[%get3A_8, %get3A_9] : memref<512x1024xf32, #tpu.memory_space<vmem>>, vector<512x1024xf32>
    %get3A_11 = arith.constant 0 : index
    %get3A_12 = arith.constant 0 : index
    %get3A_13 = vector.load %arg8[%get3A_11, %get3A_12] : memref<20x1024xf32, #tpu.memory_space<vmem>>, vector<20x1024xf32>
    %dot_general3A = arith.constant dense<0.000000e+00> : vector<512x20xf32>
    %dot_general3A_14 = tpu.matmul %get3A_10, %get3A_13, %dot_general3A {dimension_numbers = #tpu.dot_dimension_numbers<[1], [1], [0], [0], [0, 0, 1, 0], [], []>, transpose_lhs_hint = false} : vector<512x1024xf32>, vector<20x1024xf32>, vector<512x20xf32> -> vector<512x20xf32>
    %broadcast_in_dim3A = vector.shape_cast %reduce_sum3A_7 : vector<20xf32> to vector<1x20xf32>
    %add3A = vector.broadcast %broadcast_in_dim3A : vector<1x20xf32> to vector<512x20xf32>
    %add3A_15 = arith.addf %dot_general3A_14, %add3A : vector<512x20xf32>
    %add3A_16 = arith.constant 8.51719284 : f32
    %add3A_17 = vector.broadcast %add3A_16 : f32 to vector<512x20xf32>
    %add3A_18 = arith.addf %add3A_15, %add3A_17 : vector<512x20xf32>
    %max3A = arith.constant 0.000000e+00 : f32
    %max3A_19 = vector.broadcast %max3A : f32 to vector<512x20xf32>
    %max3A_20 = arith.maximumf %add3A_18, %max3A_19 : vector<512x20xf32>
    %abs3A = math.absf %add3A_18 : vector<512x20xf32>
    %neg3A = arith.constant 0.000000e+00 : f32
    %neg3A_21 = vector.broadcast %neg3A : f32 to vector<512x20xf32>
    %neg3A_22 = arith.subf %neg3A_21, %abs3A : vector<512x20xf32>
    %exp3A = math.exp %neg3A_22 : vector<512x20xf32>
    %log1p3A = math.log1p %exp3A : vector<512x20xf32>
    %add3A_23 = arith.addf %max3A_20, %log1p3A : vector<512x20xf32>
    %reduce_sum3A_24 = vector.shape_cast %add3A_23 : vector<512x20xf32> to vector<1x512x20xf32>
    %reduce_sum3A_25 = arith.constant dense<0.000000e+00> : vector<1xf32>
    %reduce_sum3A_26 = vector.multi_reduction <add>, %reduce_sum3A_24, %reduce_sum3A_25 [1, 2] : vector<1x512x20xf32> to vector<1xf32>
    %reduce_sum3A_27 = vector.shape_cast %reduce_sum3A_26 : vector<1xf32> to vector<1x1x1xf32>
    %reduce_sum3A_28 = vector.extract %reduce_sum3A_27[0, 0, 0] : f32 from vector<1x1x1xf32>
    %eq3A_29 = arith.constant 0 : i32
    %eq3A_30 = arith.cmpi eq, %arg0, %eq3A_29 : i32
    %convert_element_type3A_31 = arith.extui %eq3A_30 : i1 to i32
    %cond3A_32 = arith.constant 0 : i32
    %cond3A_33 = arith.cmpi ne, %convert_element_type3A_31, %cond3A_32 : i32
    scf.if %cond3A_33 {
      %broadcast_in_dim3A_40 = arith.constant 0.000000e+00 : f32
      %broadcast_in_dim3A_41 = vector.broadcast %broadcast_in_dim3A_40 : f32 to vector<1x1xf32>
      %swap3A_42 = arith.constant 0 : index
      %swap3A_43 = arith.constant 0 : index
      %swap3A_44 = vector.load %arg7[%swap3A_42, %swap3A_43] : memref<1x1xf32, #tpu.memory_space<vmem>>, vector<1x1xf32>
      tpu.vector_store %arg7[%swap3A_42, %swap3A_43], %broadcast_in_dim3A_41 {strides = array<i32>} : memref<1x1xf32, #tpu.memory_space<vmem>>, vector<1x1xf32>,
    } else {
    }
    %get3A_34 = arith.constant 0 : index
    %get3A_35 = arith.constant 0 : index
    %get3A_36 = vector.load %arg7[%get3A_34, %get3A_35] : memref<1x1xf32, #tpu.memory_space<vmem>>, vector<1x1xf32>
    %reshape3A = vector.broadcast %reduce_sum3A_28 : f32 to vector<1x1xf32>
    %add3A_37 = arith.addf %get3A_36, %reshape3A : vector<1x1xf32>
    %swap3A = arith.constant 0 : index
    %swap3A_38 = arith.constant 0 : index
    %swap3A_39 = vector.load %arg7[%swap3A, %swap3A_38] : memref<1x1xf32, #tpu.memory_space<vmem>>, vector<1x1xf32>
    tpu.vector_store %arg7[%swap3A, %swap3A_38], %add3A_37 {strides = array<i32>} : memref<1x1xf32, #tpu.memory_space<vmem>>, vector<1x1xf32>,
    return
  }
  func.func @transform_0(%arg0: i32) -> i32 {
    %c0_i32 = arith.constant 0 : i32
    %c0_i32_0 = arith.constant 0 : i32
    return %c0_i32 : i32
  }
  func.func @transform_1(%arg0: i32) -> i32 {
    %c0_i32 = arith.constant 0 : i32
    %c0_i32_0 = arith.constant 0 : i32
    return %c0_i32 : i32
  }
  func.func @transform_2(%arg0: i32) -> (i32, i32) {
    %c0_i32 = arith.constant 0 : i32
    %c0_i32_0 = arith.constant 0 : i32
    return %arg0, %c0_i32 : i32, i32
  }
  func.func @transform_5(%arg0: i32) -> (i32, i32) {
    %c0_i32 = arith.constant 0 : i32
    %c0_i32_0 = arith.constant 0 : i32
    %c0_i32_1 = arith.constant 0 : i32
    return %c0_i32, %c0_i32_0 : i32, i32
  }
  func.func @transform_6(%arg0: i32) -> (i32, i32) {
    %c0_i32 = arith.constant 0 : i32
    %c0_i32_0 = arith.constant 0 : i32
    %c0_i32_1 = arith.constant 0 : i32
    return %c0_i32, %c0_i32_0 : i32, i32
  }
}

module attributes {stable_mosaic.version = 14 : i64} {
  func.func @body(%arg0: memref<64x2048xf32, #tpu.memory_space<vmem>>, %arg1: memref<64x128xf32, #tpu.memory_space<vmem>>, %arg2: memref<1x1xf32, #tpu.memory_space<vmem>>, %arg3: memref<1x1xf32, #tpu.memory_space<vmem>>) attributes {dimension_semantics = [], scalar_prefetch = 0 : i64, scratch_operands = 0 : i64, tpu.core_type = #tpu.core_type<tc>} {
    %iota3A = tpu.iota {dimensions = array<i32: 0>} : vector<2048x128xi32>
    %shift_right_arithmetic3A = arith.constant 4 : i32
    %shift_right_arithmetic3A_0 = vector.broadcast %shift_right_arithmetic3A : i32 to vector<2048x128xi32>
    %shift_right_arithmetic3A_1 = arith.shrsi %iota3A, %shift_right_arithmetic3A_0 : vector<2048x128xi32>
    %iota3A_2 = tpu.iota {dimensions = array<i32: 1>} : vector<2048x128xi32>
    %eq3A = arith.cmpi eq, %shift_right_arithmetic3A_1, %iota3A_2 : vector<2048x128xi32>
    %jit3A = arith.constant 1.000000e+00 : f32
    %jit3A_3 = arith.constant 0.000000e+00 : f32
    %broadcast_in_dim3A = vector.broadcast %jit3A : f32 to vector<2048x128xf32>
    %broadcast_in_dim3A_4 = vector.broadcast %jit3A_3 : f32 to vector<2048x128xf32>
    %select_n3A = arith.select %eq3A, %broadcast_in_dim3A, %broadcast_in_dim3A_4 : vector<2048x128xi1>, vector<2048x128xf32>
    %get3A = arith.constant 0 : index
    %get3A_5 = arith.constant 0 : index
    %get3A_6 = vector.load %arg0[%get3A, %get3A_5] : memref<64x2048xf32, #tpu.memory_space<vmem>>, vector<64x2048xf32>
    %dot_general3A = arith.constant dense<0.000000e+00> : vector<64x128xf32>
    %dot_general3A_7 = tpu.matmul %get3A_6, %select_n3A, %dot_general3A {dimension_numbers = #tpu.dot_dimension_numbers<[1], [0], [0], [1], [0, 0, 1, 1], [], []>, transpose_lhs_hint = false} : vector<64x2048xf32>, vector<2048x128xf32>, vector<64x128xf32> -> vector<64x128xf32>
    %get3A_8 = arith.constant 0 : index
    %get3A_9 = arith.constant 0 : index
    %get3A_10 = vector.load %arg1[%get3A_8, %get3A_9] : memref<64x128xf32, #tpu.memory_space<vmem>>, vector<64x128xf32>
    %add3A = arith.addf %dot_general3A_7, %get3A_10 : vector<64x128xf32>
    %add3A_11 = arith.constant 8.51719284 : f32
    %add3A_12 = vector.broadcast %add3A_11 : f32 to vector<64x128xf32>
    %add3A_13 = arith.addf %add3A, %add3A_12 : vector<64x128xf32>
    %neg3A = arith.constant 0.000000e+00 : f32
    %neg3A_14 = vector.broadcast %neg3A : f32 to vector<64x128xf32>
    %neg3A_15 = arith.subf %neg3A_14, %add3A_13 : vector<64x128xf32>
    %max3A = arith.constant 0.000000e+00 : f32
    %max3A_16 = vector.broadcast %max3A : f32 to vector<64x128xf32>
    %max3A_17 = arith.maximumf %neg3A_15, %max3A_16 : vector<64x128xf32>
    %abs3A = math.absf %neg3A_15 : vector<64x128xf32>
    %neg3A_18 = arith.constant 0.000000e+00 : f32
    %neg3A_19 = vector.broadcast %neg3A_18 : f32 to vector<64x128xf32>
    %neg3A_20 = arith.subf %neg3A_19, %abs3A : vector<64x128xf32>
    %exp3A = math.exp %neg3A_20 : vector<64x128xf32>
    %log1p3A = math.log1p %exp3A : vector<64x128xf32>
    %add3A_21 = arith.addf %max3A_17, %log1p3A : vector<64x128xf32>
    %reduce_sum3A = vector.shape_cast %add3A_21 : vector<64x128xf32> to vector<1x64x128xf32>
    %reduce_sum3A_22 = arith.constant dense<0.000000e+00> : vector<1xf32>
    %reduce_sum3A_23 = vector.multi_reduction <add>, %reduce_sum3A, %reduce_sum3A_22 [1, 2] : vector<1x64x128xf32> to vector<1xf32>
    %reduce_sum3A_24 = vector.shape_cast %reduce_sum3A_23 : vector<1xf32> to vector<1x1x1xf32>
    %reduce_sum3A_25 = vector.extract %reduce_sum3A_24[0, 0, 0] : f32 from vector<1x1x1xf32>
    %reshape3A = vector.broadcast %reduce_sum3A_25 : f32 to vector<1x1xf32>
    %get3A_26 = arith.constant 0 : index
    %get3A_27 = arith.constant 0 : index
    %get3A_28 = vector.load %arg2[%get3A_26, %get3A_27] : memref<1x1xf32, #tpu.memory_space<vmem>>, vector<1x1xf32>
    %add3A_29 = arith.addf %reshape3A, %get3A_28 : vector<1x1xf32>
    %mul3A = arith.constant 1.22070313E-4 : f32
    %mul3A_30 = vector.broadcast %mul3A : f32 to vector<1x1xf32>
    %mul3A_31 = arith.mulf %add3A_29, %mul3A_30 : vector<1x1xf32>
    %swap3A = arith.constant 0 : index
    %swap3A_32 = arith.constant 0 : index
    %swap3A_33 = vector.load %arg3[%swap3A, %swap3A_32] : memref<1x1xf32, #tpu.memory_space<vmem>>, vector<1x1xf32>
    tpu.vector_store %arg3[%swap3A, %swap3A_32], %mul3A_31 {strides = array<i32>} : memref<1x1xf32, #tpu.memory_space<vmem>>, vector<1x1xf32>,
    return
  }
}

</mosaic_0001>

<sc_bundles>
// kernel: kernel.5.cloned.1.call-start
scs
__scs_entry_jumppad:
0x0: {  	(pc) =	sbr.rel $0x88, $3  }
0x1: {  	(tag) =	ssettag $0x0;
	lr =	simm.s32 $0x1  }
0x2: {  	[smem:$0x3F9C] =	sst lr;
	_ =	strace $0xD0000000  }
0x3: {  	_ = 	snop  }
0x4: {  	_ = 	snop  }
0x5: {  	_ = 	snop  }
0x6: {  	_ = 	snop  }
0x7: {  	_ = 	snop  }
__scs_overlays_trampoline_lowered:
0x8: {  	[smem:$0x3FAB] =	sst s0  }
0x9: {  	[smem:$0x3FAC] =	sst s1  }
0xa: {  	[smem:$0x3FAD] =	sst s2  }
0xb: {  	[smem:$0x3FAE] =	sst s3  }
0xc: {  	[smem:$0x3FAF] =	sst s4  }
0xd: {  	[smem:$0x3FB0] =	sst s5  }
0xe: {  	[smem:$0x3FB1] =	sst s6  }
0xf: {  	[smem:$0x3FB2] =	sst s7  }
0x10: {  	[smem:$0x3FB3] =	sst s8  }
0x11: {  	[smem:$0x3FB4] =	sst s9;
	s0 =	simm.s32 @!p0 $0x0  }
0x12: {  	s1 =	sld [smem:$0x3F9A];
	s0 =	simm.s32 @p0 $0x1  }
0x13: {  	[smem:$0x3FB5] =	sst s0;
	s0 =	simm.s32 @!p1 $0x0  }
0x14: {  	s2 =	sld [smem:$0x3F99];
	s0 =	simm.s32 @p1 $0x1  }
0x15: {  	[smem:$0x3FB6] =	sst s0;
	s0 =	simm.s32 @!p2 $0x0  }
0x16: {  	s3 =	sld [smem:$0x3FDB];
	s0 =	simm.s32 @p2 $0x1  }
0x17: {  	s4 =	simm.s32 $0x1BF5;
	[smem:$0x3FB8] =	sst s0  }
0x18: {  	s0 =	sld [smem:$0x3F9B];
	_ =	swait.ge [sflag:s4], $0x0  }
0x19: {  	s7 =	sld [smem:$0x3F9C]  }
0x1a: {  	s8 =	sadd.s32 $0xFFFFE003, lr  }
0x1b: {  	s9 =	sadd.s32 $0xFFFFFEF7, lr;
	s5 =	simm.s32 $0xFFFFFFFF;
	p2 =	slt.u32 s8, $0xFFFFF086  }
0x1c: {  	p1 =	slt.u32 s9, $0xF7A;
	s5 =	simm.s32 @!p2 $0x0  }
0x1d: {  	s5 =	simm.s32 @p1 $0x1;
	p0 =	seq.s32 s7, s2  }
0x1e: {  	s7 =	smul.u32 @!p0 $0xF7A, s2;
	p2 =	seq.s32 @!p0 s5, $0x0  }
0x1f: {  	s9 =	smul.u32 $0xF7A, s1;
	s8 =	simm.s32 @!p0 $0x1BF5;
	p2 =	por !p2, p0  }
0x20: {  	[sflag:s8] =	ssyncset.s32 @!p0 $0xFFFFF086;
	s6 =	sadd.s32 @!p0 s3, s7;
	s7 =	simm.s32 @!p0 $0x108  }
0x21: {  	s3 =	sadd.s32 s3, s9;
	s6 =	sadd.s32 @!p0 $0x88, s6;
	s7 =	simm.s32 @p2 $0x1082  }
0x22: {  	[simem:s7], [sflag:s8] =	dma.local @!p0 [hbm:s6], $0xF7A  }
0x23: {  	s9 =	sor.u32 $0xD0000000, s2;
	s6 =	simm.s32 $0x108;
	_ =	swait.ge @!p0 [sflag:s8], $0x0  }
0x24: {  	s3 =	sadd.s32 $0x88, s3;
	s6 =	simm.s32 @!p1 $0x1082;
	[sflag:s4] =	ssyncset.s32 $0xFFFFF086  }
0x25: {  	[simem:s6], [sflag:s4] =	dma.local [hbm:s3], $0xF7A  }
0x26: {  	[smem:$0x3F9C] =	sst s1;
	(tag) =	ssettag s2;
	_ =	strace s9  }
0x27: {  	s1 =	sld [smem:$0x3FAC]  }
0x28: {  	s2 =	sld [smem:$0x3FAD]  }
0x29: {  	s4 =	sld [smem:$0x3FAF]  }
0x2a: {  	p0 =	seq.s32 s5, $0x0;
	s5 =	sld [smem:$0x3FB0]  }
0x2b: {  	s6 =	sld [smem:$0x3FB1]  }
0x2c: {  	s7 =	sld [smem:$0x3FB2]  }
0x2d: {  	s3 =	simm.s32 $0x108;
	s8 =	sld [smem:$0x3FB3]  }
0x2e: {  	s3 =	simm.s32 @!p0 $0x1082;
	s9 =	sld [smem:$0x3FB4]  }
0x2f: {  	lr =	sadd.s32 s0, s3;
	s0 =	sld [smem:$0x3FAB]  }
0x30: {  	s3 =	sld [smem:$0x3FAE]  }
0x31: {  	[smem:$0x3FB7] =	sst s10  }
0x32: {  	s10 =	sld [smem:$0x3FB5];
	_ =	sdelay $0x3  }
0x33: {  	p0 =	seq.s32 s10, $0x1;
	s10 =	sld [smem:$0x3FB7];
	_ =	sdelay $0x3  }
0x34: {  	[smem:$0x3FB7] =	sst s10  }
0x35: {  	s10 =	sld [smem:$0x3FB6];
	_ =	sdelay $0x3  }
0x36: {  	p1 =	seq.s32 s10, $0x1;
	s10 =	sld [smem:$0x3FB7];
	_ =	sdelay $0x3  }
0x37: {  	[smem:$0x3FB7] =	sst s10  }
0x38: {  	s10 =	sld [smem:$0x3FB8]  }
0x39: {  	_ = 	snop;
	(pc) =	sbr.ind lr, $3  }
0x3a: {  	_ = 	snop  }
0x3b: {  	_ = 	snop  }
0x3c: {  	p2 =	seq.s32 s10, $0x1;
	s10 =	sld [smem:$0x3FB7]  }
0x3d: {  	_ =	shalt  }
0x3e: {  	_ =	shalt  }
0x3f: {  	_ =	shalt  }
0x40: {  	_ =	shalt  }
0x41: {  	_ =	shalt  }
0x42: {  	_ =	shalt  }
0x43: {  	_ =	shalt  }
0x44: {  	_ =	shalt  }
0x45: {  	_ =	shalt  }
0x46: {  	_ =	shalt  }
0x47: {  	_ =	shalt  }
0x48: {  	_ =	shalt  }
0x49: {  	_ =	shalt  }
0x4a: {  	_ =	shalt  }
0x4b: {  	_ =	shalt  }
0x4c: {  	_ =	shalt  }
0x4d: {  	_ =	shalt  }
0x4e: {  	_ =	shalt  }
0x4f: {  	_ =	shalt  }
0x50: {  	_ =	shalt  }
0x51: {  	_ =	shalt  }
0x52: {  	_ =	shalt  }
0x53: {  	_ =	shalt  }
0x54: {  	_ =	shalt  }
0x55: {  	_ =	shalt  }
0x56: {  	_ =	shalt  }
0x57: {  	_ =	shalt  }
0x58: {  	_ =	shalt  }
0x59: {  	_ =	shalt  }
0x5a: {  	_ =	shalt  }
0x5b: {  	_ =	shalt  }
0x5c: {  	_ =	shalt  }
0x5d: {  	_ =	shalt  }
0x5e: {  	_ =	shalt  }
0x5f: {  	_ =	shalt  }
0x60: {  	_ =	shalt  }
0x61: {  	_ =	shalt  }
0x62: {  	_ =	shalt  }
0x63: {  	_ =	shalt  }
0x64: {  	_ =	shalt  }
0x65: {  	_ =	shalt  }
0x66: {  	_ =	shalt  }
0x67: {  	_ =	shalt  }
0x68: {  	_ =	shalt  }
0x69: {  	_ =	shalt  }
0x6a: {  	_ =	shalt  }
0x6b: {  	_ =	shalt  }
0x6c: {  	_ =	shalt  }
0x6d: {  	_ =	shalt  }
0x6e: {  	_ =	shalt  }
0x6f: {  	_ =	shalt  }
0x70: {  	_ =	shalt  }
0x71: {  	_ =	shalt  }
0x72: {  	_ =	shalt  }
0x73: {  	_ =	shalt  }
0x74: {  	_ =	shalt  }
0x75: {  	_ =	shalt  }
0x76: {  	_ =	shalt  }
0x77: {  	_ =	shalt  }
0x78: {  	_ =	shalt  }
0x79: {  	_ =	shalt  }
0x7a: {  	_ =	shalt  }
0x7b: {  	_ =	shalt  }
0x7c: {  	_ =	shalt  }
0x7d: {  	_ =	shalt  }
0x7e: {  	_ =	shalt  }
0x7f: {  	_ =	shalt  }
0x80: {  	_ =	shalt  }
0x81: {  	_ =	shalt  }
0x82: {  	_ =	shalt  }
0x83: {  	_ =	shalt  }
0x84: {  	_ =	shalt  }
0x85: {  	_ =	shalt  }
0x86: {  	_ =	shalt  }
0x87: {  	_ =	shalt  }
.Lfunc_end0:
.L_simem_size_0:
called_computation_lowered:
.L_overlay_start_0:
0x88: {  	s2 =	sld [smem:$0x3FD9]  }
0x89: {  	s3 =	sld [smem:$0x3FFE];
	_ =	sdelay $0x1  }
0x8a: {  	s1 =	srdreg.scid  }
0x8b: {  	s0 =	sand.u32 $0x1, s1  }
0x8c: {  	s17 =	sshll.u32 s0, $0xA;
	s2 =	sadd.s32 s3, s2  }
0x8d: {  	s2 =	sadd.s32 s2, s17  }
0x8e: {  	[smem:$0x3FC3] =	sst s2  }
0x8f: {  	_ = 	snop  }
0x90: {  	s2 =	sld [smem:$0x3FC9]  }
0x91: {  	s18 =	sld [smem:$0x3FC8]  }
0x92: {  	s4 =	sld [smem:$0x3FC7]  }
0x93: {  	s5 =	sld [smem:$0x3FC6];
	(tm) =	ssettm $0x1  }
0x94: {  	s6 =	sld [smem:$0x3FFB];
	_ =	sdelay $0x3  }
0x95: {  	_ =	strace s6  }
0x96: {  	s6 =	sld [smem:$0x3FFC];
	_ =	sdelay $0x3  }
0x97: {  	_ =	strace s6  }
0x98: {  	s6 =	sld [smem:$0x3FFD];
	_ =	sdelay $0x3  }
0x99: {  	_ =	strace s6  }
0x9a: {  	_ =	strace $0x8FFFFFFF  }
0x9b: {  	s19 =	sld [smem:$0x3FDB];
	_ =	sdelay $0x1  }
0x9c: {  	s7 =	simm.s32 $_scs_section_size  }
0x9d: {  	s8 =	simm.s32 $_size__tile_overlayer_lowered;
	s9 =	simm.s32 $_tile_overlayer_lowered  }
0x9e: {  	s22 =	simm.s32 $0x1BFF;
	s21 =	sshll.u32 s9, $0x1;
	s6 =	sadd.s32 s7, s19  }
0x9f: {  	s10 =	simm.s32 $0x0;
	s20 =	sshll.u32 s8, $0x1;
	s8 =	sadd.s32 s21, s6  }
0xa0: {  	[timem:s10], [sflag:s22] =	dma.local [hbm:s8], s20  }
0xa1: {  	_ =	swait.ge [sflag:s22], s20  }
0xa2: {  	s7 =	ssub.s32 $0x0, s20;
	[sflag:s22] =	ssyncset.done $0x0  }
0xa3: {  	[sflag:s22] =	ssyncadd.s32 s7;
	_ =	sdelay $0x1  }
0xa4: {  	s23 =	simm.s32 $0x1B8B  }
0xa5: {  	_ =	swait.ge [sflag:s23], $0x1  }
0xa6: {  	[sflag:s23] =	ssyncset.done $0x0  }
0xa7: {  	s25 =	simm.s32 $0x1B8E;
	s24 =	sld [smem:$0x3FFE];
	[sflag:s23] =	ssyncadd.s32 $0xFFFFFFFF  }
0xa8: {  	s26 =	simm.s32 $execute0_lowered;
	[smem:$0x3FD2] =	sst s25  }
0xa9: {  	s8 =	sshll.u32 s26, $0x1;
	_ =	strace $0x80000046;
	[dreg:$0x1] =	wrdreg $0xFFFFFFFF  }
0xaa: {  	s28 =	simm.s32 $_size_execute0_lowered;
	s6 =	sadd.s32 s6, s8;
	[dreg:$0x0] =	wrdreg $0x0  }
0xab: {  	s8 =	sshll.u32 s28, $0x1;
	[dreg:$0x2] =	wrdreg s6  }
0xac: {  	[dreg:$0x3] =	wrdreg s8  }
0xad: {  	[dreg:$0x4] =	wrdreg $0xC0  }
0xae: {  	_ =	task [dreg:s10], $0x5FFFF  }
0xaf: {  	[dreg:$0x1] =	wrdreg $0xFFFFFFFF  }
0xb0: {  	[dreg:$0x0] =	wrdreg $0x60  }
0xb1: {  	[dreg:$0x2] =	wrdreg s4  }
0xb2: {  	[dreg:$0x3] =	wrdreg s18  }
0xb3: {  	[dreg:$0x4] =	wrdreg s5  }
0xb4: {  	[dreg:$0x5] =	wrdreg s2  }
0xb5: {  	[dreg:$0x6] =	wrdreg s24  }
0xb6: {  	[dreg:$0x7] =	wrdreg $0x9  }
0xb7: {  	_ =	task.clear_ibuf [dreg:s10], $0x8FFFF;
	_ =	strace $0x90000046  }
0xb8: {  	s29 =	simm.s32 $0x9;
	_ =	strace $0x80000048  }
0xb9: {  	_ =	swait.ge [sflag:s29], $0x1  }
0xba: {  	[sflag:s29] =	ssyncadd.s32 $0xFFFFFFFF  }
0xbb: {  	_ =	strace $0x90000048  }
0xbc: {  	_ =	sfence  }
0xbd: {  	s30 =	sld [smem:$0x0];
	_ =	sdelay $0x2  }
0xbe: {  	s31 =	sshll.u32 s1, $0xD;
	s1 =	sshrl.u32 s1, $0x2  }
0xbf: {  	s3 =	sand.u32 $0x4000, s31;
	s1 =	sadd.s32 s1, s30  }
0xc0: {  	s0 =	sor.u32 s3, s0;
	s1 =	sshll.u32 s1, $0x11  }
0xc1: {  	s0 =	sor.u32 s1, s0  }
0xc2: {  	s0 =	sadd.s32 $0x8F2B, s0  }
0xc3: {  	[sflag:s0] =	ssyncadd.remote.s32 $0x1  }
0xc4: {  	_ =	sfence.sel $0xFFFF  }
0xc5: {  	[dreg:$0x0] =	wrdreg $0xFFFFFFFF;
	(pc) =	sbr.abs _section_cstart, $3  }
0xc6: {  	[dreg:$0x1] =	wrdreg $0xFFFFFFFF  }
0xc7: {  	_ =	task.clear_ibuf [dreg:s10], $0x2FFFF;
	_ =	strace $0x9FFFFFFF  }
0xc8: {  	(tm) =	ssettm $0x7FFFFFFF  }
0xc9: {  	_ =	shalt  }
tec
execute0_lowered:
.L_overlay_start_1:
0x0: {  	(tag) =	ssettag $0x1  }
0x1: {  	s1 =	rddreg [dreg:$0x0]  }
0x2: {  	s0 =	rddreg [dreg:$0x1]  }
0x3: {  	s2 =	srdreg.scid;
	s4 =	rddreg [dreg:$0x3]  }
0x4: {  	s10 =	stileid.u32;
	s7 =	rddreg [dreg:$0x4];
	s6 =	simm.s32 $0x0  }
0x5: {  	s28 =	simm.s32 $0xD200;
	s15 =	simm.s32 $0x1;
	s16 =	simm.s32 $0x4  }
0x6: {  	s17 =	simm.s32 $0x5;
	s14 =	simm.s32 $0x3;
	s18 =	simm.s32 $0x6  }
0x7: {  	s12 =	simm.s32 $0x200;
	s2 =	sand.u32 $0x1, s2;
	s3 =	sshll.u32 s10, $0x1  }
0x8: {  	s8 =	sshll.u32 s10, $0xD;
	[smem:$0x7FF] =	sst s6;
	s10 =	sshll.u32 s10, $0x2  }
0x9: {  	s11 =	sadd.s32 $0x300, s1;
	s3 =	sor.u32 s2, s3;
	_ =	strace $0x80000047  }
0xa: {  	s2 =	ssub.s32 $0x2, s2;
	s10 =	sand.u32 $0x30, s10;
	s5 =	sshll.u32 s3, $0x8  }
0xb: {  	s23 =	sshll.u32 s3, $0x5;
	s24 =	sshrl.u32 s2, $0x1;
	s25 =	sshll.u32 s3, $0x7  }
0xc: {  	s0 =	sadd.s32 s0, s10;
	s3 =	sshll.u32 s3, $0xF;
	s10 =	sadd.s32 $0x200, s1  }
0xd: {  	s8 =	sor.u32 s8, s5;
	s2 =	ssub.s32 s2, s24;
	s26 =	sadd.s32 s4, s3  }
0xe: {  	s8 =	sand.u32 $0x1C300, s8;
	s3 =	sadd.s32 $0x800, s26;
	[dreg:$0x7] =	wrdreg s26  }
0xf: {  	s31 =	smax.u32 s2, $0x1;
	s2 =	simm.s32 $0x0;
	s8 =	sshrl.u32 s8, $0x3  }
0x10: {  	[dreg:$0x8] =	wrdreg s3;
	s9 =	sadd.s32 s8, s7;
	s8 =	sand.u32 $0x380, s25  }
0x11: {  	[dreg:$0xc] =	wrdreg s31;
	s7 =	sadd.s32 s23, s7;
	s0 =	sadd.s32 s8, s0  }
0x12: {  	s3 =	simm.s32 $0x8;
	s29 =	sadd.s32 $0x5200, s7;
	[dreg:$0x6] =	wrdreg s0  }
0x13: {  	v2 =	vlaneseq.u32;
	s8 =	sadd.s32 $0x100, s1;
	s30 =	sadd.s32 $0x1200, s9;
	[dreg:$0xa] =	wrdreg s29  }
0x14: {  	vm0 =	vmmov $0xffff;
	v1 =	vshrl.u32 v2, $0x3;
	s7 =	simm.s32 $0x100;
	s0 =	sadd.s32 $0x1000, s26;
	[dreg:$0xb] =	wrdreg s30  }
0x15: {  	v0 =	vand.u32 $0x7, v2;
	v2 =	vor.u32 $0x8, v2;
	v1 =	vmul.u32 $0x8, v1;
	s9 =	simm.s32 $0x2;
	s26 =	simm.s32 $0x4A00;
	[dreg:$0x9] =	wrdreg s0  }
.LBB2_1:
0x16: {  	[dreg:$0xd] =	wrdreg s2  }
0x17: {  	s0 =	rddreg [dreg:$0x6];
	s2 =	simm.s32 $0x80  }
0x18: {  	[tilespmem:s6], [sflag:$0x8] =	stream.strided.gather [hbm4b:s0+s2], $0x100, s12, s2, $0x38;
	[tilespmem:$0x19200] =	vst v63  }
0x19: {  	_ =	swait.ge [sflag:s3], $0x100  }
0x1a: {  	[sflag:s3] =	ssyncset.done $0x0  }
0x1b: {  	[sflag:s3] =	ssyncadd.s32 $0xFFFFFF00  }
0x1c: {  	v3 =	vld [tilespmem:$0x0];
	_ =	sdelay $0x4  }
0x1d: {  	v4 =	vshll.u32 v3, $0x3  }
0x1e: {  	v3 =	vand.u32 $0x7, v3;
	v4 =	vand.u32 $0xFFFFFFC0, v4  }
0x1f: {  	v3 =	vor.u32 v3, v4  }
0x20: {  	v4 =	vperm.xlane v3, v0;
	_ =	sdelay $0x1  }
0x21: {  	v4 =	vadd.s32 v1, v4;
	_ =	sdelay $0x3  }
0x22: {  	s19 =	simm.s32 $0x1200  }
0x23: {  	[tilespmem:s19], [sflag:$0x1] =	stream.indirect_vreg.gather [hbm4b:s1+s6], $0x80, v4, vm0, $0xb8;
	[tilespmem:$0x19200] =	vst v63  }
0x24: {  	s20 =	simm.s32 $0x1A00;
	v3 =	vperm.xlane v3, v2  }
0x25: {  	[tilespmem:s20], [sflag:$0x1] =	stream.indirect_vreg.gather [hbm4b:s8+s6], $0x80, v4, vm0, $0xb8;
	[tilespmem:$0x19200] =	vst v63  }
0x26: {  	s21 =	simm.s32 $0x2200;
	v3 =	vadd.s32 v1, v3  }
0x27: {  	[tilespmem:s21], [sflag:$0x1] =	stream.indirect_vreg.gather [hbm4b:s10+s6], $0x80, v4, vm0, $0xb8;
	[tilespmem:$0x19200] =	vst v63  }
0x28: {  	s22 =	simm.s32 $0x2A00  }
0x29: {  	[tilespmem:s22], [sflag:$0x1] =	stream.indirect_vreg.gather [hbm4b:s11+s6], $0x80, v4, vm0, $0xb8;
	[tilespmem:$0x19200] =	vst v63  }
0x2a: {  	s23 =	simm.s32 $0x3200  }
0x2b: {  	[tilespmem:s23], [sflag:$0x1] =	stream.indirect_vreg.gather [hbm4b:s1+s6], $0x80, v3, vm0, $0xb8;
	[tilespmem:$0x19200] =	vst v63  }
0x2c: {  	s24 =	simm.s32 $0x3A00  }
0x2d: {  	[tilespmem:s24], [sflag:$0x1] =	stream.indirect_vreg.gather [hbm4b:s8+s6], $0x80, v3, vm0, $0xb8;
	[tilespmem:$0x19200] =	vst v63  }
0x2e: {  	s25 =	simm.s32 $0x4200  }
0x2f: {  	[tilespmem:s25], [sflag:$0x1] =	stream.indirect_vreg.gather [hbm4b:s10+s6], $0x80, v3, vm0, $0xb8;
	[tilespmem:$0x19200] =	vst v63  }
0x30: {  	_ = 	snop  }
0x31: {  	[tilespmem:s26], [sflag:$0x1] =	stream.indirect_vreg.gather [hbm4b:s11+s6], $0x80, v3, vm0, $0xb8;
	[tilespmem:$0x19200] =	vst v63  }
0x32: {  	s30 =	rddreg [dreg:$0x7]  }
0x33: {  	[tilespmem:s28], [sflag:$0x4] =	stream.linear.gather [hbm4b:s30+s6], $0x4000, $0x38;
	[tilespmem:$0x19200] =	vst v63  }
0x34: {  	v3 =	vld [tilespmem:$0x10];
	_ =	sdelay $0x4  }
0x35: {  	v62 =	vshll.u32 v3, $0x3  }
0x36: {  	v3 =	vand.u32 $0x7, v3;
	v4 =	vand.u32 $0xFFFFFFC0, v62  }
0x37: {  	v3 =	vor.u32 v3, v4  }
0x38: {  	v4 =	vperm.xlane v3, v0;
	_ =	sdelay $0x1  }
0x39: {  	v4 =	vadd.s32 v1, v4;
	_ =	sdelay $0x3  }
0x3a: {  	s3 =	simm.s32 $0x5200  }
0x3b: {  	[tilespmem:s3], [sflag:$0x2] =	stream.indirect_vreg.gather [hbm4b:s1+s6], $0x80, v4, vm0, $0xb8;
	[tilespmem:$0x19200] =	vst v63  }
0x3c: {  	s12 =	simm.s32 $0x5A00;
	v3 =	vperm.xlane v3, v2  }
0x3d: {  	[tilespmem:s12], [sflag:$0x2] =	stream.indirect_vreg.gather [hbm4b:s8+s6], $0x80, v4, vm0, $0xb8;
	[tilespmem:$0x19200] =	vst v63  }
0x3e: {  	s13 =	simm.s32 $0x6200;
	v3 =	vadd.s32 v1, v3  }
0x3f: {  	[tilespmem:s13], [sflag:$0x2] =	stream.indirect_vreg.gather [hbm4b:s10+s6], $0x80, v4, vm0, $0xb8;
	[tilespmem:$0x19200] =	vst v63  }
0x40: {  	s19 =	simm.s32 $0x6A00  }
0x41: {  	[tilespmem:s19], [sflag:$0x2] =	stream.indirect_vreg.gather [hbm4b:s11+s6], $0x80, v4, vm0, $0xb8;
	[tilespmem:$0x19200] =	vst v63  }
0x42: {  	s20 =	simm.s32 $0x7200  }
0x43: {  	[tilespmem:s20], [sflag:$0x2] =	stream.indirect_vreg.gather [hbm4b:s1+s6], $0x80, v3, vm0, $0xb8;
	[tilespmem:$0x19200] =	vst v63  }
0x44: {  	s21 =	simm.s32 $0x7A00  }
0x45: {  	[tilespmem:s21], [sflag:$0x2] =	stream.indirect_vreg.gather [hbm4b:s8+s6], $0x80, v3, vm0, $0xb8;
	[tilespmem:$0x19200] =	vst v63  }
0x46: {  	s22 =	simm.s32 $0x8200  }
0x47: {  	[tilespmem:s22], [sflag:$0x2] =	stream.indirect_vreg.gather [hbm4b:s10+s6], $0x80, v3, vm0, $0xb8;
	[tilespmem:$0x19200] =	vst v63  }
0x48: {  	s23 =	simm.s32 $0x8A00  }
0x49: {  	[tilespmem:s23], [sflag:$0x2] =	stream.indirect_vreg.gather [hbm4b:s11+s6], $0x80, v3, vm0, $0xb8;
	[tilespmem:$0x19200] =	vst v63  }
0x4a: {  	s24 =	rddreg [dreg:$0x8];
	s25 =	simm.s32 $0x11200  }
0x4b: {  	[tilespmem:s25], [sflag:$0x5] =	stream.linear.gather [hbm4b:s24+s6], $0x4000, $0x38;
	[tilespmem:$0x19200] =	vst v63  }
0x4c: {  	v3 =	vld [tilespmem:$0x20];
	_ =	sdelay $0x4  }
0x4d: {  	v63 =	vshll.u32 v3, $0x3  }
0x4e: {  	v3 =	vand.u32 $0x7, v3;
	v4 =	vand.u32 $0xFFFFFFC0, v63  }
0x4f: {  	v3 =	vor.u32 v3, v4  }
0x50: {  	v4 =	vperm.xlane v3, v0;
	_ =	sdelay $0x1  }
0x51: {  	v4 =	vadd.s32 v1, v4;
	_ =	sdelay $0x3  }
0x52: {  	s30 =	simm.s32 $0x9200  }
0x53: {  	[tilespmem:s30], [sflag:$0x3] =	stream.indirect_vreg.gather [hbm4b:s1+s6], $0x80, v4, vm0, $0xb8;
	[tilespmem:$0x19200] =	vst v63  }
0x54: {  	s3 =	simm.s32 $0x9A00;
	v3 =	vperm.xlane v3, v2  }
0x55: {  	[tilespmem:s3], [sflag:$0x3] =	stream.indirect_vreg.gather [hbm4b:s8+s6], $0x80, v4, vm0, $0xb8;
	[tilespmem:$0x19200] =	vst v63  }
0x56: {  	s12 =	simm.s32 $0xA200;
	v3 =	vadd.s32 v1, v3  }
0x57: {  	[tilespmem:s12], [sflag:$0x3] =	stream.indirect_vreg.gather [hbm4b:s10+s6], $0x80, v4, vm0, $0xb8;
	[tilespmem:$0x19200] =	vst v63  }
0x58: {  	s13 =	simm.s32 $0xAA00  }
0x59: {  	[tilespmem:s13], [sflag:$0x3] =	stream.indirect_vreg.gather [hbm4b:s11+s6], $0x80, v4, vm0, $0xb8;
	[tilespmem:$0x19200] =	vst v63  }
0x5a: {  	s19 =	simm.s32 $0xB200  }
0x5b: {  	[tilespmem:s19], [sflag:$0x3] =	stream.indirect_vreg.gather [hbm4b:s1+s6], $0x80, v3, vm0, $0xb8;
	[tilespmem:$0x19200] =	vst v63  }
0x5c: {  	s20 =	simm.s32 $0xBA00  }
0x5d: {  	[tilespmem:s20], [sflag:$0x3] =	stream.indirect_vreg.gather [hbm4b:s8+s6], $0x80, v3, vm0, $0xb8;
	[tilespmem:$0x19200] =	vst v63  }
0x5e: {  	s21 =	simm.s32 $0xC200  }
0x5f: {  	[tilespmem:s21], [sflag:$0x3] =	stream.indirect_vreg.gather [hbm4b:s10+s6], $0x80, v3, vm0, $0xb8;
	[tilespmem:$0x19200] =	vst v63  }
0x60: {  	s22 =	simm.s32 $0xCA00  }
0x61: {  	[tilespmem:s22], [sflag:$0x3] =	stream.indirect_vreg.gather [hbm4b:s11+s6], $0x80, v3, vm0, $0xb8;
	[tilespmem:$0x19200] =	vst v63  }
0x62: {  	s23 =	rddreg [dreg:$0x9];
	s24 =	simm.s32 $0x15200  }
0x63: {  	[tilespmem:s24], [sflag:$0x6] =	stream.linear.gather [hbm4b:s23+s6], $0x4000, $0x38;
	[tilespmem:$0x19200] =	vst v63  }
0x64: {  	s29 =	simm.s32 $0x200;
	s31 =	simm.s32 $0x0;
	s25 =	rddreg [dreg:$0x2]  }
0x65: {  	[tilespmem:s7], [sflag:$0x7] =	stream.indirect.gather [hbm4b:s25+s2], $0x1, s6, s2, $0xb8;
	[tilespmem:$0x19200] =	vst v63  }
0x66: {  	s0 =	simm.s32 $0x400;
	s30 =	simm.s32 $0x180;
	s13 =	simm.s32 $0x0  }
0x67: {  	[tilespmem:s30], [sflag:$0x7] =	stream.indirect.gather [hbm4b:s25+s2], $0x1, s2, s2, $0xb8;
	[tilespmem:$0x19200] =	vst v63  }
.LBB2_2:
0x68: {  	_ =	swait.ge [sflag:s15], $0x4000  }
0x69: {  	[sflag:s15] =	ssyncset.done $0x0  }
0x6a: {  	[sflag:s15] =	ssyncadd.s32 $0xFFFFC000  }
0x6b: {  	s2 =	simm.s32 $0x0;
	s3 =	simm.s32 $0x0;
	_ =	swait.ge [sflag:s16], $0x4000  }
0x6c: {  	s3 =	sand.u32 $0x2000, s3;
	s7 =	sand.u32 $0x380, s2;
	[sflag:s16] =	ssyncset.done $0x0  }
0x6d: {  	s3 =	sor.u32 s7, s3;
	[sflag:s16] =	ssyncadd.s32 $0xFFFFC000  }
0x6e: {  	v3 =	vld [tilespmem:s3+$0xD200]  }
0x6f: {  	v4 =	vld [tilespmem:s3+$0x1200]  }
0x70: {  	v5 =	vld [tilespmem:s3+$0x1210]  }
0x71: {  	v6 =	vld [tilespmem:s3+$0xD210]  }
0x72: {  	v7 =	vld [tilespmem:s3+$0x1220]  }
0x73: {  	v8 =	vld [tilespmem:s3+$0xD220]  }
0x74: {  	v9 =	vld [tilespmem:s3+$0x1230]  }
0x75: {  	v10 =	vld [tilespmem:s3+$0xD230]  }
0x76: {  	v16 =	vld [tilespmem:s3+$0xD240];
	v3 =	vmul.f32 v3, v4;
	v4 =	vmul.f32 v6, v5  }
0x77: {  	v5 =	vld [tilespmem:s3+$0x1240]  }
0x78: {  	v17 =	vld [tilespmem:s3+$0x1250];
	v3 =	vadd.f32 v4, v3;
	v4 =	vmul.f32 v8, v7  }
0x79: {  	v18 =	vld [tilespmem:s3+$0xD250]  }
0x7a: {  	v19 =	vld [tilespmem:s3+$0x1260];
	v3 =	vadd.f32 v4, v3;
	v4 =	vmul.f32 v10, v9  }
0x7b: {  	v20 =	vld [tilespmem:s3+$0xD260]  }
0x7c: {  	v21 =	vld [tilespmem:s3+$0xD270];
	v3 =	vadd.f32 v4, v3;
	v4 =	vmul.f32 v16, v5  }
0x7d: {  	v5 =	vld [tilespmem:s3+$0x1270]  }
0x7e: {  	v22 =	vld [tilespmem:s3+$0x1600];
	v3 =	vadd.f32 v4, v3;
	v4 =	vmul.f32 v18, v17  }
0x7f: {  	v23 =	vld [tilespmem:s3+$0xD600]  }
0x80: {  	v24 =	vld [tilespmem:s3+$0x1610];
	v3 =	vadd.f32 v4, v3;
	v4 =	vmul.f32 v20, v19  }
0x81: {  	v25 =	vld [tilespmem:s3+$0xD610]  }
0x82: {  	v26 =	vld [tilespmem:s3+$0xD620];
	v3 =	vadd.f32 v4, v3;
	v4 =	vmul.f32 v21, v5  }
0x83: {  	v5 =	vld [tilespmem:s3+$0x1620]  }
0x84: {  	v27 =	vld [tilespmem:s3+$0x1630];
	v3 =	vadd.f32 v4, v3;
	v4 =	vmul.f32 v23, v22  }
0x85: {  	v28 =	vld [tilespmem:s3+$0xD630]  }
0x86: {  	v29 =	vld [tilespmem:s3+$0x1640];
	v3 =	vadd.f32 v4, v3;
	v4 =	vmul.f32 v25, v24  }
0x87: {  	v30 =	vld [tilespmem:s3+$0xD640]  }
0x88: {  	v31 =	vld [tilespmem:s3+$0xD650];
	v3 =	vadd.f32 v4, v3;
	v4 =	vmul.f32 v26, v5  }
0x89: {  	v5 =	vld [tilespmem:s3+$0x1650]  }
0x8a: {  	v32 =	vld [tilespmem:s3+$0x1660];
	v3 =	vadd.f32 v4, v3;
	v4 =	vmul.f32 v28, v27  }
0x8b: {  	v33 =	vld [tilespmem:s3+$0xD660]  }
0x8c: {  	v34 =	vld [tilespmem:s3+$0x1670];
	v3 =	vadd.f32 v4, v3;
	v4 =	vmul.f32 v30, v29  }
0x8d: {  	v35 =	vld [tilespmem:s3+$0xD670]  }
0x8e: {  	v36 =	vld [tilespmem:s3+$0xDA00];
	v3 =	vadd.f32 v4, v3;
	v4 =	vmul.f32 v31, v5  }
0x8f: {  	v5 =	vld [tilespmem:s3+$0x1A00]  }
0x90: {  	v37 =	vld [tilespmem:s3+$0x1A10];
	v3 =	vadd.f32 v4, v3;
	v4 =	vmul.f32 v33, v32  }
0x91: {  	v38 =	vld [tilespmem:s3+$0xDA10]  }
0x92: {  	v39 =	vld [tilespmem:s3+$0x1A20];
	v3 =	vadd.f32 v4, v3;
	v4 =	vmul.f32 v35, v34  }
0x93: {  	v40 =	vld [tilespmem:s3+$0xDA20]  }
0x94: {  	v41 =	vld [tilespmem:s3+$0xDA30];
	v3 =	vadd.f32 v4, v3;
	v4 =	vmul.f32 v36, v5  }
0x95: {  	v5 =	vld [tilespmem:s3+$0x1A30]  }
0x96: {  	v42 =	vld [tilespmem:s3+$0x1A40];
	v3 =	vadd.f32 v4, v3;
	v4 =	vmul.f32 v38, v37  }
0x97: {  	v43 =	vld [tilespmem:s3+$0xDA40]  }
0x98: {  	v44 =	vld [tilespmem:s3+$0x1A50];
	v3 =	vadd.f32 v4, v3;
	v4 =	vmul.f32 v40, v39  }
0x99: {  	v45 =	vld [tilespmem:s3+$0xDA50]  }
0x9a: {  	v46 =	vld [tilespmem:s3+$0xDA60];
	v3 =	vadd.f32 v4, v3;
	v4 =	vmul.f32 v41, v5  }
0x9b: {  	v5 =	vld [tilespmem:s3+$0x1A60]  }
0x9c: {  	v47 =	vld [tilespmem:s3+$0x1A70];
	v3 =	vadd.f32 v4, v3;
	v4 =	vmul.f32 v43, v42  }
0x9d: {  	v48 =	vld [tilespmem:s3+$0xDA70]  }
0x9e: {  	v49 =	vld [tilespmem:s3+$0x1E00];
	v3 =	vadd.f32 v4, v3;
	v4 =	vmul.f32 v45, v44  }
0x9f: {  	v50 =	vld [tilespmem:s3+$0xDE00]  }
0xa0: {  	v51 =	vld [tilespmem:s3+$0xDE10];
	v3 =	vadd.f32 v4, v3;
	v4 =	vmul.f32 v46, v5  }
0xa1: {  	v5 =	vld [tilespmem:s3+$0x1E10]  }
0xa2: {  	v52 =	vld [tilespmem:s3+$0x1E20];
	v3 =	vadd.f32 v4, v3;
	v4 =	vmul.f32 v48, v47  }
0xa3: {  	v53 =	vld [tilespmem:s3+$0xDE20]  }
0xa4: {  	v54 =	vld [tilespmem:s3+$0x1E30];
	v3 =	vadd.f32 v4, v3;
	v4 =	vmul.f32 v50, v49  }
0xa5: {  	v55 =	vld [tilespmem:s3+$0xDE30]  }
0xa6: {  	v56 =	vld [tilespmem:s3+$0xDE40];
	v3 =	vadd.f32 v4, v3;
	v4 =	vmul.f32 v51, v5  }
0xa7: {  	v5 =	vld [tilespmem:s3+$0x1E40]  }
0xa8: {  	v57 =	vld [tilespmem:s3+$0x1E50];
	v3 =	vadd.f32 v4, v3;
	v4 =	vmul.f32 v53, v52  }
0xa9: {  	v58 =	vld [tilespmem:s3+$0xDE50]  }
0xaa: {  	v59 =	vld [tilespmem:s3+$0x1E60];
	v3 =	vadd.f32 v4, v3;
	v4 =	vmul.f32 v55, v54  }
0xab: {  	v60 =	vld [tilespmem:s3+$0xDE60]  }
0xac: {  	v61 =	vld [tilespmem:s3+$0xDE70];
	v3 =	vadd.f32 v4, v3;
	v4 =	vmul.f32 v56, v5  }
0xad: {  	v5 =	vld [tilespmem:s3+$0x1E70]  }
0xae: {  	v62 =	vld [tilespmem:s3+$0x2200];
	v3 =	vadd.f32 v4, v3;
	v4 =	vmul.f32 v58, v57  }
0xaf: {  	v63 =	vld [tilespmem:s3+$0xE200]  }
0xb0: {  	v12 =	vld [tilespmem:s3+$0x2210];
	v3 =	vadd.f32 v4, v3;
	v4 =	vmul.f32 v60, v59  }
0xb1: {  	v13 =	vld [tilespmem:s3+$0xE210]  }
0xb2: {  	v14 =	vld [tilespmem:s3+$0xE220];
	v3 =	vadd.f32 v4, v3;
	v4 =	vmul.f32 v61, v5  }
0xb3: {  	v5 =	vld [tilespmem:s3+$0x2220]  }
0xb4: {  	v15 =	vld [tilespmem:s3+$0x2230];
	v3 =	vadd.f32 v4, v3;
	v4 =	vmul.f32 v63, v62  }
0xb5: {  	v16 =	vld [tilespmem:s3+$0xE230]  }
0xb6: {  	v17 =	vld [tilespmem:s3+$0x2240];
	v3 =	vadd.f32 v4, v3;
	v4 =	vmul.f32 v13, v12  }
0xb7: {  	v18 =	vld [tilespmem:s3+$0xE240]  }
0xb8: {  	v19 =	vld [tilespmem:s3+$0xE250];
	v3 =	vadd.f32 v4, v3;
	v4 =	vmul.f32 v14, v5  }
0xb9: {  	v5 =	vld [tilespmem:s3+$0x2250]  }
0xba: {  	v20 =	vld [tilespmem:s3+$0x2260];
	v3 =	vadd.f32 v4, v3;
	v4 =	vmul.f32 v16, v15  }
0xbb: {  	v21 =	vld [tilespmem:s3+$0xE260]  }
0xbc: {  	v22 =	vld [tilespmem:s3+$0x2270];
	v3 =	vadd.f32 v4, v3;
	v4 =	vmul.f32 v18, v17  }
0xbd: {  	v23 =	vld [tilespmem:s3+$0xE270]  }
0xbe: {  	v24 =	vld [tilespmem:s3+$0xE600];
	v3 =	vadd.f32 v4, v3;
	v4 =	vmul.f32 v19, v5  }
0xbf: {  	v5 =	vld [tilespmem:s3+$0x2600]  }
0xc0: {  	v25 =	vld [tilespmem:s3+$0x2610];
	v3 =	vadd.f32 v4, v3;
	v4 =	vmul.f32 v21, v20  }
0xc1: {  	v26 =	vld [tilespmem:s3+$0xE610]  }
0xc2: {  	v27 =	vld [tilespmem:s3+$0x2620];
	v3 =	vadd.f32 v4, v3;
	v4 =	vmul.f32 v23, v22  }
0xc3: {  	v28 =	vld [tilespmem:s3+$0xE620]  }
0xc4: {  	v29 =	vld [tilespmem:s3+$0xE630];
	v3 =	vadd.f32 v4, v3;
	v4 =	vmul.f32 v24, v5  }
0xc5: {  	v5 =	vld [tilespmem:s3+$0x2630]  }
0xc6: {  	v30 =	vld [tilespmem:s3+$0x2640];
	v3 =	vadd.f32 v4, v3;
	v4 =	vmul.f32 v26, v25  }
0xc7: {  	v31 =	vld [tilespmem:s3+$0xE640]  }
0xc8: {  	v32 =	vld [tilespmem:s3+$0x2650];
	v3 =	vadd.f32 v4, v3;
	v4 =	vmul.f32 v28, v27  }
0xc9: {  	v33 =	vld [tilespmem:s3+$0xE650]  }
0xca: {  	v34 =	vld [tilespmem:s3+$0xE660];
	v3 =	vadd.f32 v4, v3;
	v4 =	vmul.f32 v29, v5  }
0xcb: {  	v5 =	vld [tilespmem:s3+$0x2660]  }
0xcc: {  	v35 =	vld [tilespmem:s3+$0x2670];
	v3 =	vadd.f32 v4, v3;
	v4 =	vmul.f32 v31, v30  }
0xcd: {  	v36 =	vld [tilespmem:s3+$0xE670]  }
0xce: {  	v37 =	vld [tilespmem:s3+$0x2A00];
	v3 =	vadd.f32 v4, v3;
	v4 =	vmul.f32 v33, v32  }
0xcf: {  	v38 =	vld [tilespmem:s3+$0xEA00]  }
0xd0: {  	v39 =	vld [tilespmem:s3+$0xEA10];
	v3 =	vadd.f32 v4, v3;
	v4 =	vmul.f32 v34, v5  }
0xd1: {  	v5 =	vld [tilespmem:s3+$0x2A10]  }
0xd2: {  	v40 =	vld [tilespmem:s3+$0x2A20];
	v3 =	vadd.f32 v4, v3;
	v4 =	vmul.f32 v36, v35  }
0xd3: {  	v41 =	vld [tilespmem:s3+$0xEA20]  }
0xd4: {  	v42 =	vld [tilespmem:s3+$0x2A30];
	v3 =	vadd.f32 v4, v3;
	v4 =	vmul.f32 v38, v37  }
0xd5: {  	v43 =	vld [tilespmem:s3+$0xEA30]  }
0xd6: {  	v44 =	vld [tilespmem:s3+$0xEA40];
	v3 =	vadd.f32 v4, v3;
	v4 =	vmul.f32 v39, v5  }
0xd7: {  	v5 =	vld [tilespmem:s3+$0x2A40]  }
0xd8: {  	v45 =	vld [tilespmem:s3+$0x2A50];
	v3 =	vadd.f32 v4, v3;
	v4 =	vmul.f32 v41, v40  }
0xd9: {  	v46 =	vld [tilespmem:s3+$0xEA50]  }
0xda: {  	s23 =	sand.u32 $0x7, s2;
	v47 =	vld [tilespmem:s3+$0x2A60];
	v3 =	vadd.f32 v4, v3;
	v4 =	vmul.f32 v43, v42  }
0xdb: {  	s7 =	sshll.u32 s23, $0x7;
	v48 =	vld [tilespmem:s3+$0xEA60]  }
0xdc: {  	s7 =	sadd.s32 $0x0, s7;
	v49 =	vld [tilespmem:s3+$0xEA70];
	v3 =	vadd.f32 v4, v3;
	v4 =	vmul.f32 v44, v5  }
0xdd: {  	s24 =	sor.u32 $0x1C00, s7;
	v5 =	vld [tilespmem:s3+$0x2A70]  }
0xde: {  	v50 =	vld [tilespmem:s24+$0x1200];
	v3 =	vadd.f32 v4, v3;
	v4 =	vmul.f32 v46, v45  }
0xdf: {  	s25 =	sor.u32 $0x1C10, s7;
	v51 =	vld [tilespmem:s24+$0xD200]  }
0xe0: {  	v52 =	vld [tilespmem:s25+$0x1200];
	v3 =	vadd.f32 v4, v3;
	v4 =	vmul.f32 v48, v47  }
0xe1: {  	s12 =	sor.u32 $0x1C20, s7;
	v53 =	vld [tilespmem:s25+$0xD200]  }
0xe2: {  	v54 =	vld [tilespmem:s12+$0xD200];
	v3 =	vadd.f32 v4, v3;
	v4 =	vmul.f32 v49, v5  }
0xe3: {  	s19 =	sor.u32 $0x1C30, s7;
	v5 =	vld [tilespmem:s12+$0x1200]  }
0xe4: {  	v55 =	vld [tilespmem:s19+$0x1200];
	v3 =	vadd.f32 v4, v3;
	v4 =	vmul.f32 v51, v50  }
0xe5: {  	s20 =	sor.u32 $0x1C40, s7;
	v56 =	vld [tilespmem:s19+$0xD200]  }
0xe6: {  	v57 =	vld [tilespmem:s20+$0x1200];
	v3 =	vadd.f32 v4, v3;
	v4 =	vmul.f32 v53, v52  }
0xe7: {  	s21 =	sor.u32 $0x1C50, s7;
	v58 =	vld [tilespmem:s20+$0xD200]  }
0xe8: {  	v59 =	vld [tilespmem:s21+$0xD200];
	v3 =	vadd.f32 v4, v3;
	v4 =	vmul.f32 v54, v5  }
0xe9: {  	s22 =	sor.u32 $0x1C60, s7;
	v5 =	vld [tilespmem:s21+$0x1200]  }
0xea: {  	v60 =	vld [tilespmem:s22+$0x1200];
	v3 =	vadd.f32 v4, v3;
	v4 =	vmul.f32 v56, v55  }
0xeb: {  	s23 =	sor.u32 $0x1C70, s7;
	v61 =	vld [tilespmem:s22+$0xD200]  }
0xec: {  	v62 =	vld [tilespmem:s23+$0x1200];
	v3 =	vadd.f32 v4, v3;
	v4 =	vmul.f32 v58, v57  }
0xed: {  	v63 =	vld [tilespmem:s23+$0xD200]  }
0xee: {  	s24 =	smul.u32 $0x300, s31;
	v3 =	vadd.f32 v4, v3;
	v4 =	vmul.f32 v59, v5  }
0xef: {  	s3 =	smul.u32 $0x30, s31  }
0xf0: {  	v3 =	vadd.f32 v4, v3;
	v4 =	vmul.f32 v61, v60  }
0xf1: {  	s7 =	sand.u32 $0x1000, s24;
	s12 =	sand.u32 $0x80, s3  }
0xf2: {  	s7 =	sor.u32 s12, s7;
	v3 =	vadd.f32 v4, v3;
	v4 =	vmul.f32 v63, v62  }
0xf3: {  	s25 =	simm.s32 $0x80;
	s19 =	sand.u32 $0xF00, s13;
	s7 =	sor.u32 $0x200, s7  }
0xf4: {  	s20 =	simm.s32 $0x400;
	s19 =	sadd.s32 s19, s7;
	s21 =	sand.u32 $0x70, s2;
	v3 =	vadd.f32 v4, v3  }
0xf5: {  	s20 =	sand.u32 $0x2000, s20;
	s12 =	sand.u32 $0x380, s25;
	s19 =	sadd.s32 s21, s19  }
0xf6: {  	s30 =	smov.u32 s13;
	s22 =	simm.s32 $0x100;
	s20 =	sor.u32 s12, s20;
	[tilespmem:s19+$0x0] =	vst v3  }
0xf7: {  	s12 =	simm.s32 $0x0;
	s21 =	simm.s32 $0xFFFFC400;
	s19 =	simm.s32 $0x0;
	v3 =	vld [tilespmem:s20+$0xD200]  }
.LBB2_3:
0xf8: {  	p0 =	sne.s32 s22, $0x780;
	v4 =	vld [tilespmem:s20+$0x1200]  }
0xf9: {  	v5 =	vld [tilespmem:s20+$0x1210]  }
0xfa: {  	v6 =	vld [tilespmem:s20+$0xD210]  }
0xfb: {  	v7 =	vld [tilespmem:s20+$0x1220]  }
0xfc: {  	v8 =	vld [tilespmem:s20+$0xD220]  }
0xfd: {  	v9 =	vld [tilespmem:s20+$0x1230]  }
0xfe: {  	v10 =	vld [tilespmem:s20+$0xD230]  }
0xff: {  	v3 =	vmul.f32 v3, v4;
	v4 =	vmul.f32 v6, v5;
	v5 =	vld [tilespmem:s20+$0x1240]  }
0x100: {  	v6 =	vld [tilespmem:s20+$0xD240]  }
0x101: {  	v3 =	vadd.f32 v4, v3;
	v4 =	vmul.f32 v8, v7;
	v7 =	vld [tilespmem:s20+$0x1250]  }
0x102: {  	v8 =	vld [tilespmem:s20+$0xD250]  }
0x103: {  	v3 =	vadd.f32 v4, v3;
	v4 =	vmul.f32 v10, v9;
	v9 =	vld [tilespmem:s20+$0x1260]  }
0x104: {  	v10 =	vld [tilespmem:s20+$0xD260]  }
0x105: {  	v3 =	vadd.f32 v4, v3;
	v4 =	vmul.f32 v6, v5;
	v5 =	vld [tilespmem:s20+$0x1270]  }
0x106: {  	v6 =	vld [tilespmem:s20+$0xD270]  }
0x107: {  	v3 =	vadd.f32 v4, v3;
	v4 =	vmul.f32 v8, v7;
	v7 =	vld [tilespmem:s20+$0x1600]  }
0x108: {  	v8 =	vld [tilespmem:s20+$0xD600]  }
0x109: {  	v3 =	vadd.f32 v4, v3;
	v4 =	vmul.f32 v10, v9;
	v9 =	vld [tilespmem:s20+$0x1610]  }
0x10a: {  	v10 =	vld [tilespmem:s20+$0xD610]  }
0x10b: {  	v3 =	vadd.f32 v4, v3;
	v4 =	vmul.f32 v6, v5;
	v5 =	vld [tilespmem:s20+$0x1620]  }
0x10c: {  	v6 =	vld [tilespmem:s20+$0xD620]  }
0x10d: {  	v3 =	vadd.f32 v4, v3;
	v4 =	vmul.f32 v8, v7;
	v7 =	vld [tilespmem:s20+$0x1630]  }
0x10e: {  	v8 =	vld [tilespmem:s20+$0xD630]  }
0x10f: {  	v3 =	vadd.f32 v4, v3;
	v4 =	vmul.f32 v10, v9;
	v9 =	vld [tilespmem:s20+$0x1640]  }
0x110: {  	v10 =	vld [tilespmem:s20+$0xD640]  }
0x111: {  	v3 =	vadd.f32 v4, v3;
	v4 =	vmul.f32 v6, v5;
	v5 =	vld [tilespmem:s20+$0x1650]  }
0x112: {  	v6 =	vld [tilespmem:s20+$0xD650]  }
0x113: {  	v3 =	vadd.f32 v4, v3;
	v4 =	vmul.f32 v8, v7;
	v7 =	vld [tilespmem:s20+$0x1660]  }
0x114: {  	v8 =	vld [tilespmem:s20+$0xD660]  }
0x115: {  	v3 =	vadd.f32 v4, v3;
	v4 =	vmul.f32 v10, v9;
	v9 =	vld [tilespmem:s20+$0x1670]  }
0x116: {  	v10 =	vld [tilespmem:s20+$0xD670]  }
0x117: {  	v3 =	vadd.f32 v4, v3;
	v4 =	vmul.f32 v6, v5;
	v5 =	vld [tilespmem:s20+$0x1A00]  }
0x118: {  	v6 =	vld [tilespmem:s20+$0xDA00]  }
0x119: {  	v3 =	vadd.f32 v4, v3;
	v4 =	vmul.f32 v8, v7;
	v7 =	vld [tilespmem:s20+$0x1A10]  }
0x11a: {  	v8 =	vld [tilespmem:s20+$0xDA10]  }
0x11b: {  	v3 =	vadd.f32 v4, v3;
	v4 =	vmul.f32 v10, v9;
	v9 =	vld [tilespmem:s20+$0x1A20]  }
0x11c: {  	v10 =	vld [tilespmem:s20+$0xDA20]  }
0x11d: {  	v3 =	vadd.f32 v4, v3;
	v4 =	vmul.f32 v6, v5;
	v5 =	vld [tilespmem:s20+$0x1A30]  }
0x11e: {  	v6 =	vld [tilespmem:s20+$0xDA30]  }
0x11f: {  	v3 =	vadd.f32 v4, v3;
	v4 =	vmul.f32 v8, v7;
	v7 =	vld [tilespmem:s20+$0x1A40]  }
0x120: {  	v8 =	vld [tilespmem:s20+$0xDA40]  }
0x121: {  	v3 =	vadd.f32 v4, v3;
	v4 =	vmul.f32 v10, v9;
	v9 =	vld [tilespmem:s20+$0x1A50]  }
0x122: {  	v10 =	vld [tilespmem:s20+$0xDA50]  }
0x123: {  	v3 =	vadd.f32 v4, v3;
	v4 =	vmul.f32 v6, v5;
	v5 =	vld [tilespmem:s20+$0x1A60]  }
0x124: {  	v6 =	vld [tilespmem:s20+$0xDA60]  }
0x125: {  	v3 =	vadd.f32 v4, v3;
	v4 =	vmul.f32 v8, v7;
	v7 =	vld [tilespmem:s20+$0x1A70]  }
0x126: {  	v8 =	vld [tilespmem:s20+$0xDA70]  }
0x127: {  	v3 =	vadd.f32 v4, v3;
	v4 =	vmul.f32 v10, v9;
	v9 =	vld [tilespmem:s20+$0x1E00]  }
0x128: {  	v10 =	vld [tilespmem:s20+$0xDE00]  }
0x129: {  	v3 =	vadd.f32 v4, v3;
	v4 =	vmul.f32 v6, v5;
	v5 =	vld [tilespmem:s20+$0x1E10]  }
0x12a: {  	v6 =	vld [tilespmem:s20+$0xDE10]  }
0x12b: {  	v3 =	vadd.f32 v4, v3;
	v4 =	vmul.f32 v8, v7;
	v7 =	vld [tilespmem:s20+$0x1E20]  }
0x12c: {  	v8 =	vld [tilespmem:s20+$0xDE20]  }
0x12d: {  	v3 =	vadd.f32 v4, v3;
	v4 =	vmul.f32 v10, v9;
	v9 =	vld [tilespmem:s20+$0x1E30]  }
0x12e: {  	v10 =	vld [tilespmem:s20+$0xDE30]  }
0x12f: {  	v3 =	vadd.f32 v4, v3;
	v4 =	vmul.f32 v6, v5;
	v5 =	vld [tilespmem:s20+$0x1E40]  }
0x130: {  	v6 =	vld [tilespmem:s20+$0xDE40]  }
0x131: {  	v3 =	vadd.f32 v4, v3;
	v4 =	vmul.f32 v8, v7;
	v7 =	vld [tilespmem:s20+$0x1E50]  }
0x132: {  	v8 =	vld [tilespmem:s20+$0xDE50]  }
0x133: {  	v3 =	vadd.f32 v4, v3;
	v4 =	vmul.f32 v10, v9;
	v9 =	vld [tilespmem:s20+$0x1E60]  }
0x134: {  	v10 =	vld [tilespmem:s20+$0xDE60]  }
0x135: {  	v3 =	vadd.f32 v4, v3;
	v4 =	vmul.f32 v6, v5;
	v5 =	vld [tilespmem:s20+$0x1E70]  }
0x136: {  	v6 =	vld [tilespmem:s20+$0xDE70]  }
0x137: {  	v3 =	vadd.f32 v4, v3;
	v4 =	vmul.f32 v8, v7;
	v7 =	vld [tilespmem:s20+$0x2200]  }
0x138: {  	v8 =	vld [tilespmem:s20+$0xE200]  }
0x139: {  	v3 =	vadd.f32 v4, v3;
	v4 =	vmul.f32 v10, v9;
	v9 =	vld [tilespmem:s20+$0x2210]  }
0x13a: {  	v10 =	vld [tilespmem:s20+$0xE210]  }
0x13b: {  	v3 =	vadd.f32 v4, v3;
	v4 =	vmul.f32 v6, v5;
	v5 =	vld [tilespmem:s20+$0x2220]  }
0x13c: {  	v6 =	vld [tilespmem:s20+$0xE220]  }
0x13d: {  	v3 =	vadd.f32 v4, v3;
	v4 =	vmul.f32 v8, v7;
	v7 =	vld [tilespmem:s20+$0x2230]  }
0x13e: {  	v8 =	vld [tilespmem:s20+$0xE230]  }
0x13f: {  	v3 =	vadd.f32 v4, v3;
	v4 =	vmul.f32 v10, v9;
	v9 =	vld [tilespmem:s20+$0x2240]  }
0x140: {  	v10 =	vld [tilespmem:s20+$0xE240]  }
0x141: {  	v3 =	vadd.f32 v4, v3;
	v4 =	vmul.f32 v6, v5;
	v5 =	vld [tilespmem:s20+$0x2250]  }
0x142: {  	v6 =	vld [tilespmem:s20+$0xE250]  }
0x143: {  	v3 =	vadd.f32 v4, v3;
	v4 =	vmul.f32 v8, v7;
	v7 =	vld [tilespmem:s20+$0x2260]  }
0x144: {  	v8 =	vld [tilespmem:s20+$0xE260]  }
0x145: {  	v3 =	vadd.f32 v4, v3;
	v4 =	vmul.f32 v10, v9;
	v9 =	vld [tilespmem:s20+$0x2270]  }
0x146: {  	v10 =	vld [tilespmem:s20+$0xE270]  }
0x147: {  	v3 =	vadd.f32 v4, v3;
	v4 =	vmul.f32 v6, v5;
	v5 =	vld [tilespmem:s20+$0x2600]  }
0x148: {  	v6 =	vld [tilespmem:s20+$0xE600]  }
0x149: {  	v3 =	vadd.f32 v4, v3;
	v4 =	vmul.f32 v8, v7;
	v7 =	vld [tilespmem:s20+$0x2610]  }
0x14a: {  	v8 =	vld [tilespmem:s20+$0xE610]  }
0x14b: {  	v3 =	vadd.f32 v4, v3;
	v4 =	vmul.f32 v10, v9;
	v9 =	vld [tilespmem:s20+$0x2620]  }
0x14c: {  	v10 =	vld [tilespmem:s20+$0xE620]  }
0x14d: {  	v3 =	vadd.f32 v4, v3;
	v4 =	vmul.f32 v6, v5;
	v5 =	vld [tilespmem:s20+$0x2630]  }
0x14e: {  	v6 =	vld [tilespmem:s20+$0xE630]  }
0x14f: {  	v3 =	vadd.f32 v4, v3;
	v4 =	vmul.f32 v8, v7;
	v7 =	vld [tilespmem:s20+$0x2640]  }
0x150: {  	v8 =	vld [tilespmem:s20+$0xE640]  }
0x151: {  	v3 =	vadd.f32 v4, v3;
	v4 =	vmul.f32 v10, v9;
	v9 =	vld [tilespmem:s20+$0x2650]  }
0x152: {  	v10 =	vld [tilespmem:s20+$0xE650]  }
0x153: {  	v3 =	vadd.f32 v4, v3;
	v4 =	vmul.f32 v6, v5;
	v5 =	vld [tilespmem:s20+$0x2660]  }
0x154: {  	v6 =	vld [tilespmem:s20+$0xE660]  }
0x155: {  	v3 =	vadd.f32 v4, v3;
	v4 =	vmul.f32 v8, v7;
	v7 =	vld [tilespmem:s20+$0x2670]  }
0x156: {  	v8 =	vld [tilespmem:s20+$0xE670]  }
0x157: {  	v3 =	vadd.f32 v4, v3;
	v4 =	vmul.f32 v10, v9;
	v9 =	vld [tilespmem:s20+$0x2A00]  }
0x158: {  	v10 =	vld [tilespmem:s20+$0xEA00]  }
0x159: {  	v3 =	vadd.f32 v4, v3;
	v4 =	vmul.f32 v6, v5;
	v5 =	vld [tilespmem:s20+$0x2A10]  }
0x15a: {  	v6 =	vld [tilespmem:s20+$0xEA10]  }
0x15b: {  	v3 =	vadd.f32 v4, v3;
	v4 =	vmul.f32 v8, v7;
	v7 =	vld [tilespmem:s20+$0x2A20]  }
0x15c: {  	v8 =	vld [tilespmem:s20+$0xEA20]  }
0x15d: {  	v3 =	vadd.f32 v4, v3;
	v4 =	vmul.f32 v10, v9;
	v9 =	vld [tilespmem:s20+$0x2A30]  }
0x15e: {  	v10 =	vld [tilespmem:s20+$0xEA30]  }
0x15f: {  	v3 =	vadd.f32 v4, v3;
	v4 =	vmul.f32 v6, v5;
	v5 =	vld [tilespmem:s20+$0x2A40]  }
0x160: {  	v6 =	vld [tilespmem:s20+$0xEA40]  }
0x161: {  	v3 =	vadd.f32 v4, v3;
	v4 =	vmul.f32 v8, v7;
	v7 =	vld [tilespmem:s20+$0x2A50]  }
0x162: {  	s2 =	sadd.s32 $0x1, s2;
	v8 =	vld [tilespmem:s20+$0xEA50]  }
0x163: {  	s23 =	sand.u32 $0x7, s2;
	v3 =	vadd.f32 v4, v3;
	v4 =	vmul.f32 v10, v9;
	v9 =	vld [tilespmem:s20+$0x2A60]  }
0x164: {  	s19 =	sadd.s32 $0x400, s19;
	s23 =	sshll.u32 s23, $0x7;
	v10 =	vld [tilespmem:s20+$0xEA60]  }
0x165: {  	s23 =	sadd.s32 s23, s19;
	v3 =	vadd.f32 v4, v3;
	v4 =	vmul.f32 v6, v5;
	v5 =	vld [tilespmem:s20+$0x2A70]  }
0x166: {  	v6 =	vld [tilespmem:s20+$0xEA70];
	s20 =	sor.u32 $0x1C00, s23  }
0x167: {  	v3 =	vadd.f32 v4, v3;
	v4 =	vmul.f32 v8, v7;
	v7 =	vld [tilespmem:s20+$0x1200]  }
0x168: {  	v8 =	vld [tilespmem:s20+$0xD200];
	s20 =	sor.u32 $0x1C10, s23  }
0x169: {  	v3 =	vadd.f32 v4, v3;
	v4 =	vmul.f32 v10, v9;
	v9 =	vld [tilespmem:s20+$0x1200]  }
0x16a: {  	v10 =	vld [tilespmem:s20+$0xD200];
	s20 =	sor.u32 $0x1C20, s23  }
0x16b: {  	v3 =	vadd.f32 v4, v3;
	v4 =	vmul.f32 v6, v5;
	v5 =	vld [tilespmem:s20+$0x1200]  }
0x16c: {  	v6 =	vld [tilespmem:s20+$0xD200];
	s20 =	sor.u32 $0x1C30, s23  }
0x16d: {  	v3 =	vadd.f32 v4, v3;
	v4 =	vmul.f32 v8, v7;
	v7 =	vld [tilespmem:s20+$0x1200]  }
0x16e: {  	v8 =	vld [tilespmem:s20+$0xD200];
	s20 =	sor.u32 $0x1C40, s23  }
0x16f: {  	v3 =	vadd.f32 v4, v3;
	v4 =	vmul.f32 v10, v9;
	v9 =	vld [tilespmem:s20+$0x1200]  }
0x170: {  	v10 =	vld [tilespmem:s20+$0xD200];
	s20 =	sor.u32 $0x1C50, s23  }
0x171: {  	v3 =	vadd.f32 v4, v3;
	v4 =	vmul.f32 v6, v5;
	v5 =	vld [tilespmem:s20+$0x1200]  }
0x172: {  	v6 =	vld [tilespmem:s20+$0xD200];
	s20 =	sor.u32 $0x1C60, s23  }
0x173: {  	v3 =	vadd.f32 v4, v3;
	v4 =	vmul.f32 v8, v7;
	v7 =	vld [tilespmem:s20+$0x1200]  }
0x174: {  	v8 =	vld [tilespmem:s20+$0xD200];
	s20 =	sor.u32 $0x1C70, s23  }
0x175: {  	v3 =	vadd.f32 v4, v3;
	v4 =	vmul.f32 v10, v9;
	v9 =	vld [tilespmem:s20+$0x1200]  }
0x176: {  	v10 =	vld [tilespmem:s20+$0xD200]  }
0x177: {  	v3 =	vadd.f32 v4, v3;
	v4 =	vmul.f32 v6, v5;
	_ =	sdelay $0x1  }
0x178: {  	v3 =	vadd.f32 v4, v3;
	v4 =	vmul.f32 v8, v7;
	_ =	sdelay $0x1  }
0x179: {  	s30 =	sadd.s32 $0x20, s30;
	s21 =	sadd.s32 $0x400, s21;
	v3 =	vadd.f32 v4, v3;
	v4 =	vmul.f32 v10, v9  }
.Ltmp0:
0x17a: {  	s12 =	sadd.s32 $0x10, s12;
	s20 =	sand.u32 $0xF00, s30;
	(pc) =	sbr.rel @p0 .LBB2_3-.Ltmp0, $4  }
0x17b: {  	s24 =	sand.u32 $0x70, s12;
	s23 =	sadd.s32 $0x4000, s21;
	s20 =	sadd.s32 s20, s7;
	v3 =	vadd.f32 v4, v3  }
0x17c: {  	s25 =	sand.u32 $0x380, s22;
	s23 =	sand.u32 $0x2000, s23;
	s24 =	sadd.s32 s24, s20  }
0x17d: {  	s20 =	sor.u32 s25, s23;
	[tilespmem:s24+$0x0] =	vst v3  }
0x17e: {  	s22 =	sadd.s32 $0x80, s22;
	v3 =	vld [tilespmem:s20+$0xD200]  }
0x17f: {  	v4 =	vld [tilespmem:s20+$0x1200]  }
0x180: {  	v5 =	vld [tilespmem:s20+$0x1210]  }
0x181: {  	v6 =	vld [tilespmem:s20+$0xD210]  }
0x182: {  	v7 =	vld [tilespmem:s20+$0x1220]  }
0x183: {  	v8 =	vld [tilespmem:s20+$0xD220]  }
0x184: {  	v9 =	vld [tilespmem:s20+$0x1230]  }
0x185: {  	v10 =	vld [tilespmem:s20+$0xD230]  }
0x186: {  	v15 =	vld [tilespmem:s20+$0xD240];
	v3 =	vmul.f32 v3, v4;
	v4 =	vmul.f32 v6, v5  }
0x187: {  	v5 =	vld [tilespmem:s20+$0x1240]  }
0x188: {  	v16 =	vld [tilespmem:s20+$0x1250];
	v3 =	vadd.f32 v4, v3;
	v4 =	vmul.f32 v8, v7  }
0x189: {  	v17 =	vld [tilespmem:s20+$0xD250]  }
0x18a: {  	v18 =	vld [tilespmem:s20+$0x1260];
	v3 =	vadd.f32 v4, v3;
	v4 =	vmul.f32 v10, v9  }
0x18b: {  	v19 =	vld [tilespmem:s20+$0xD260]  }
0x18c: {  	v20 =	vld [tilespmem:s20+$0xD270];
	v3 =	vadd.f32 v4, v3;
	v4 =	vmul.f32 v15, v5  }
0x18d: {  	v5 =	vld [tilespmem:s20+$0x1270]  }
0x18e: {  	v21 =	vld [tilespmem:s20+$0x1600];
	v3 =	vadd.f32 v4, v3;
	v4 =	vmul.f32 v17, v16  }
0x18f: {  	v22 =	vld [tilespmem:s20+$0xD600]  }
0x190: {  	v23 =	vld [tilespmem:s20+$0x1610];
	v3 =	vadd.f32 v4, v3;
	v4 =	vmul.f32 v19, v18  }
0x191: {  	v24 =	vld [tilespmem:s20+$0xD610]  }
0x192: {  	v25 =	vld [tilespmem:s20+$0xD620];
	v3 =	vadd.f32 v4, v3;
	v4 =	vmul.f32 v20, v5  }
0x193: {  	v5 =	vld [tilespmem:s20+$0x1620]  }
0x194: {  	v26 =	vld [tilespmem:s20+$0x1630];
	v3 =	vadd.f32 v4, v3;
	v4 =	vmul.f32 v22, v21  }
0x195: {  	v27 =	vld [tilespmem:s20+$0xD630]  }
0x196: {  	v28 =	vld [tilespmem:s20+$0x1640];
	v3 =	vadd.f32 v4, v3;
	v4 =	vmul.f32 v24, v23  }
0x197: {  	v29 =	vld [tilespmem:s20+$0xD640]  }
0x198: {  	v30 =	vld [tilespmem:s20+$0xD650];
	v3 =	vadd.f32 v4, v3;
	v4 =	vmul.f32 v25, v5  }
0x199: {  	v5 =	vld [tilespmem:s20+$0x1650]  }
0x19a: {  	v31 =	vld [tilespmem:s20+$0x1660];
	v3 =	vadd.f32 v4, v3;
	v4 =	vmul.f32 v27, v26  }
0x19b: {  	v32 =	vld [tilespmem:s20+$0xD660]  }
0x19c: {  	v33 =	vld [tilespmem:s20+$0x1670];
	v3 =	vadd.f32 v4, v3;
	v4 =	vmul.f32 v29, v28  }
0x19d: {  	v34 =	vld [tilespmem:s20+$0xD670]  }
0x19e: {  	v35 =	vld [tilespmem:s20+$0xDA00];
	v3 =	vadd.f32 v4, v3;
	v4 =	vmul.f32 v30, v5  }
0x19f: {  	v5 =	vld [tilespmem:s20+$0x1A00]  }
0x1a0: {  	v36 =	vld [tilespmem:s20+$0x1A10];
	v3 =	vadd.f32 v4, v3;
	v4 =	vmul.f32 v32, v31  }
0x1a1: {  	v37 =	vld [tilespmem:s20+$0xDA10]  }
0x1a2: {  	v38 =	vld [tilespmem:s20+$0x1A20];
	v3 =	vadd.f32 v4, v3;
	v4 =	vmul.f32 v34, v33  }
0x1a3: {  	v39 =	vld [tilespmem:s20+$0xDA20]  }
0x1a4: {  	v40 =	vld [tilespmem:s20+$0xDA30];
	v3 =	vadd.f32 v4, v3;
	v4 =	vmul.f32 v35, v5  }
0x1a5: {  	v5 =	vld [tilespmem:s20+$0x1A30]  }
0x1a6: {  	v41 =	vld [tilespmem:s20+$0x1A40];
	v3 =	vadd.f32 v4, v3;
	v4 =	vmul.f32 v37, v36  }
0x1a7: {  	v42 =	vld [tilespmem:s20+$0xDA40]  }
0x1a8: {  	v43 =	vld [tilespmem:s20+$0x1A50];
	v3 =	vadd.f32 v4, v3;
	v4 =	vmul.f32 v39, v38  }
0x1a9: {  	v44 =	vld [tilespmem:s20+$0xDA50]  }
0x1aa: {  	v45 =	vld [tilespmem:s20+$0xDA60];
	v3 =	vadd.f32 v4, v3;
	v4 =	vmul.f32 v40, v5  }
0x1ab: {  	v5 =	vld [tilespmem:s20+$0x1A60]  }
0x1ac: {  	v46 =	vld [tilespmem:s20+$0x1A70];
	v3 =	vadd.f32 v4, v3;
	v4 =	vmul.f32 v42, v41  }
0x1ad: {  	v47 =	vld [tilespmem:s20+$0xDA70]  }
0x1ae: {  	v48 =	vld [tilespmem:s20+$0x1E00];
	v3 =	vadd.f32 v4, v3;
	v4 =	vmul.f32 v44, v43  }
0x1af: {  	v49 =	vld [tilespmem:s20+$0xDE00]  }
0x1b0: {  	v50 =	vld [tilespmem:s20+$0xDE10];
	v3 =	vadd.f32 v4, v3;
	v4 =	vmul.f32 v45, v5  }
0x1b1: {  	v5 =	vld [tilespmem:s20+$0x1E10]  }
0x1b2: {  	v51 =	vld [tilespmem:s20+$0x1E20];
	v3 =	vadd.f32 v4, v3;
	v4 =	vmul.f32 v47, v46  }
0x1b3: {  	v52 =	vld [tilespmem:s20+$0xDE20]  }
0x1b4: {  	v53 =	vld [tilespmem:s20+$0x1E30];
	v3 =	vadd.f32 v4, v3;
	v4 =	vmul.f32 v49, v48  }
0x1b5: {  	v54 =	vld [tilespmem:s20+$0xDE30]  }
0x1b6: {  	v55 =	vld [tilespmem:s20+$0xDE40];
	v3 =	vadd.f32 v4, v3;
	v4 =	vmul.f32 v50, v5  }
0x1b7: {  	v5 =	vld [tilespmem:s20+$0x1E40]  }
0x1b8: {  	v56 =	vld [tilespmem:s20+$0x1E50];
	v3 =	vadd.f32 v4, v3;
	v4 =	vmul.f32 v52, v51  }
0x1b9: {  	v57 =	vld [tilespmem:s20+$0xDE50]  }
0x1ba: {  	v58 =	vld [tilespmem:s20+$0x1E60];
	v3 =	vadd.f32 v4, v3;
	v4 =	vmul.f32 v54, v53  }
0x1bb: {  	v59 =	vld [tilespmem:s20+$0xDE60]  }
0x1bc: {  	v60 =	vld [tilespmem:s20+$0xDE70];
	v3 =	vadd.f32 v4, v3;
	v4 =	vmul.f32 v55, v5  }
0x1bd: {  	v5 =	vld [tilespmem:s20+$0x1E70]  }
0x1be: {  	v61 =	vld [tilespmem:s20+$0x2200];
	v3 =	vadd.f32 v4, v3;
	v4 =	vmul.f32 v57, v56  }
0x1bf: {  	v62 =	vld [tilespmem:s20+$0xE200]  }
0x1c0: {  	v63 =	vld [tilespmem:s20+$0x2210];
	v3 =	vadd.f32 v4, v3;
	v4 =	vmul.f32 v59, v58  }
0x1c1: {  	v12 =	vld [tilespmem:s20+$0xE210]  }
0x1c2: {  	v13 =	vld [tilespmem:s20+$0xE220];
	v3 =	vadd.f32 v4, v3;
	v4 =	vmul.f32 v60, v5  }
0x1c3: {  	v5 =	vld [tilespmem:s20+$0x2220]  }
0x1c4: {  	v14 =	vld [tilespmem:s20+$0x2230];
	v3 =	vadd.f32 v4, v3;
	v4 =	vmul.f32 v62, v61  }
0x1c5: {  	v15 =	vld [tilespmem:s20+$0xE230]  }
0x1c6: {  	v16 =	vld [tilespmem:s20+$0x2240];
	v3 =	vadd.f32 v4, v3;
	v4 =	vmul.f32 v12, v63  }
0x1c7: {  	v17 =	vld [tilespmem:s20+$0xE240]  }
0x1c8: {  	v18 =	vld [tilespmem:s20+$0xE250];
	v3 =	vadd.f32 v4, v3;
	v4 =	vmul.f32 v13, v5  }
0x1c9: {  	v5 =	vld [tilespmem:s20+$0x2250]  }
0x1ca: {  	v19 =	vld [tilespmem:s20+$0x2260];
	v3 =	vadd.f32 v4, v3;
	v4 =	vmul.f32 v15, v14  }
0x1cb: {  	v20 =	vld [tilespmem:s20+$0xE260]  }
0x1cc: {  	v21 =	vld [tilespmem:s20+$0x2270];
	v3 =	vadd.f32 v4, v3;
	v4 =	vmul.f32 v17, v16  }
0x1cd: {  	v22 =	vld [tilespmem:s20+$0xE270]  }
0x1ce: {  	v23 =	vld [tilespmem:s20+$0xE600];
	v3 =	vadd.f32 v4, v3;
	v4 =	vmul.f32 v18, v5  }
0x1cf: {  	v5 =	vld [tilespmem:s20+$0x2600]  }
0x1d0: {  	v24 =	vld [tilespmem:s20+$0x2610];
	v3 =	vadd.f32 v4, v3;
	v4 =	vmul.f32 v20, v19  }
0x1d1: {  	v25 =	vld [tilespmem:s20+$0xE610]  }
0x1d2: {  	v26 =	vld [tilespmem:s20+$0x2620];
	v3 =	vadd.f32 v4, v3;
	v4 =	vmul.f32 v22, v21  }
0x1d3: {  	v27 =	vld [tilespmem:s20+$0xE620]  }
0x1d4: {  	v28 =	vld [tilespmem:s20+$0xE630];
	v3 =	vadd.f32 v4, v3;
	v4 =	vmul.f32 v23, v5  }
0x1d5: {  	v5 =	vld [tilespmem:s20+$0x2630]  }
0x1d6: {  	v29 =	vld [tilespmem:s20+$0x2640];
	v3 =	vadd.f32 v4, v3;
	v4 =	vmul.f32 v25, v24  }
0x1d7: {  	v30 =	vld [tilespmem:s20+$0xE640]  }
0x1d8: {  	v31 =	vld [tilespmem:s20+$0x2650];
	v3 =	vadd.f32 v4, v3;
	v4 =	vmul.f32 v27, v26  }
0x1d9: {  	v32 =	vld [tilespmem:s20+$0xE650]  }
0x1da: {  	v33 =	vld [tilespmem:s20+$0xE660];
	v3 =	vadd.f32 v4, v3;
	v4 =	vmul.f32 v28, v5  }
0x1db: {  	v5 =	vld [tilespmem:s20+$0x2660]  }
0x1dc: {  	v34 =	vld [tilespmem:s20+$0x2670];
	v3 =	vadd.f32 v4, v3;
	v4 =	vmul.f32 v30, v29  }
0x1dd: {  	v35 =	vld [tilespmem:s20+$0xE670]  }
0x1de: {  	v36 =	vld [tilespmem:s20+$0x2A00];
	v3 =	vadd.f32 v4, v3;
	v4 =	vmul.f32 v32, v31  }
0x1df: {  	v37 =	vld [tilespmem:s20+$0xEA00]  }
0x1e0: {  	v38 =	vld [tilespmem:s20+$0xEA10];
	v3 =	vadd.f32 v4, v3;
	v4 =	vmul.f32 v33, v5  }
0x1e1: {  	v5 =	vld [tilespmem:s20+$0x2A10]  }
0x1e2: {  	v39 =	vld [tilespmem:s20+$0x2A20];
	v3 =	vadd.f32 v4, v3;
	v4 =	vmul.f32 v35, v34  }
0x1e3: {  	v40 =	vld [tilespmem:s20+$0xEA20]  }
0x1e4: {  	v41 =	vld [tilespmem:s20+$0x2A30];
	v3 =	vadd.f32 v4, v3;
	v4 =	vmul.f32 v37, v36  }
0x1e5: {  	v42 =	vld [tilespmem:s20+$0xEA30]  }
0x1e6: {  	v43 =	vld [tilespmem:s20+$0xEA40];
	v3 =	vadd.f32 v4, v3;
	v4 =	vmul.f32 v38, v5  }
0x1e7: {  	v5 =	vld [tilespmem:s20+$0x2A40]  }
0x1e8: {  	v44 =	vld [tilespmem:s20+$0x2A50];
	v3 =	vadd.f32 v4, v3;
	v4 =	vmul.f32 v40, v39  }
0x1e9: {  	s2 =	sadd.s32 $0x1, s2;
	v45 =	vld [tilespmem:s20+$0xEA50]  }
0x1ea: {  	s2 =	sand.u32 $0x7, s2;
	v46 =	vld [tilespmem:s20+$0x2A60];
	v3 =	vadd.f32 v4, v3;
	v4 =	vmul.f32 v42, v41  }
0x1eb: {  	s19 =	sadd.s32 $0x400, s19;
	s2 =	sshll.u32 s2, $0x7;
	v47 =	vld [tilespmem:s20+$0xEA60]  }
0x1ec: {  	s2 =	sadd.s32 s2, s19;
	v48 =	vld [tilespmem:s20+$0xEA70];
	v3 =	vadd.f32 v4, v3;
	v4 =	vmul.f32 v43, v5  }
0x1ed: {  	s19 =	sor.u32 $0x1C00, s2;
	v5 =	vld [tilespmem:s20+$0x2A70]  }
0x1ee: {  	v49 =	vld [tilespmem:s19+$0x1200];
	v3 =	vadd.f32 v4, v3;
	v4 =	vmul.f32 v45, v44  }
0x1ef: {  	s23 =	sor.u32 $0x1C10, s2;
	v50 =	vld [tilespmem:s19+$0xD200]  }
0x1f0: {  	v51 =	vld [tilespmem:s23+$0x1200];
	v3 =	vadd.f32 v4, v3;
	v4 =	vmul.f32 v47, v46  }
0x1f1: {  	s24 =	sor.u32 $0x1C20, s2;
	v52 =	vld [tilespmem:s23+$0xD200]  }
0x1f2: {  	v53 =	vld [tilespmem:s24+$0xD200];
	v3 =	vadd.f32 v4, v3;
	v4 =	vmul.f32 v48, v5  }
0x1f3: {  	s25 =	sor.u32 $0x1C30, s2;
	v5 =	vld [tilespmem:s24+$0x1200]  }
0x1f4: {  	v54 =	vld [tilespmem:s25+$0x1200];
	v3 =	vadd.f32 v4, v3;
	v4 =	vmul.f32 v50, v49  }
0x1f5: {  	v55 =	vld [tilespmem:s25+$0xD200];
	s20 =	sor.u32 $0x1C40, s2  }
0x1f6: {  	v56 =	vld [tilespmem:s20+$0x1200];
	v3 =	vadd.f32 v4, v3;
	v4 =	vmul.f32 v52, v51  }
0x1f7: {  	s21 =	sor.u32 $0x1C50, s2;
	v57 =	vld [tilespmem:s20+$0xD200]  }
0x1f8: {  	v58 =	vld [tilespmem:s21+$0xD200];
	v3 =	vadd.f32 v4, v3;
	v4 =	vmul.f32 v53, v5  }
0x1f9: {  	s22 =	sor.u32 $0x1C60, s2;
	v5 =	vld [tilespmem:s21+$0x1200]  }
0x1fa: {  	v59 =	vld [tilespmem:s22+$0x1200];
	v3 =	vadd.f32 v4, v3;
	v4 =	vmul.f32 v55, v54  }
0x1fb: {  	v60 =	vld [tilespmem:s22+$0xD200];
	s2 =	sor.u32 $0x1C70, s2  }
0x1fc: {  	v61 =	vld [tilespmem:s2+$0x1200];
	v3 =	vadd.f32 v4, v3;
	v4 =	vmul.f32 v57, v56  }
0x1fd: {  	v62 =	vld [tilespmem:s2+$0xD200]  }
0x1fe: {  	v3 =	vadd.f32 v4, v3;
	v4 =	vmul.f32 v58, v5;
	_ =	sdelay $0x1  }
0x1ff: {  	v3 =	vadd.f32 v4, v3;
	v4 =	vmul.f32 v60, v59;
	_ =	sdelay $0x1  }
0x200: {  	s23 =	sadd.s32 $0x20, s30;
	v3 =	vadd.f32 v4, v3;
	v4 =	vmul.f32 v62, v61  }
0x201: {  	s12 =	sadd.s32 $0x10, s12;
	s2 =	sand.u32 $0xF00, s23  }
0x202: {  	s12 =	sand.u32 $0x70, s12;
	s2 =	sadd.s32 s2, s7;
	v3 =	vadd.f32 v4, v3  }
0x203: {  	s2 =	sadd.s32 s12, s2  }
0x204: {  	[tilespmem:s2+$0x0] =	vst v3  }
0x205: {  	v3 =	vld [tilespmem:s3+$0x30];
	_ =	sdelay $0x4  }
0x206: {  	v4 =	vshll.u32 v3, $0x3  }
0x207: {  	v3 =	vand.u32 $0x7, v3;
	v4 =	vand.u32 $0xFFFFFFC0, v4  }
0x208: {  	v3 =	vor.u32 v3, v4  }
0x209: {  	v4 =	vperm.xlane v3, v0;
	_ =	sdelay $0x1  }
0x20a: {  	v4 =	vadd.s32 v1, v4;
	_ =	sdelay $0x3  }
0x20b: {  	s24 =	simm.s32 $0x1200;
	s2 =	simm.s32 $0x0  }
0x20c: {  	[tilespmem:s24], [sflag:$0x1] =	stream.indirect_vreg.gather [hbm4b:s1+s2], $0x80, v4, vm0, $0xb8;
	[tilespmem:$0x19200] =	vst v63  }
0x20d: {  	s25 =	simm.s32 $0x1A00;
	v3 =	vperm.xlane v3, v2  }
0x20e: {  	[tilespmem:s25], [sflag:$0x1] =	stream.indirect_vreg.gather [hbm4b:s8+s2], $0x80, v4, vm0, $0xb8;
	[tilespmem:$0x19200] =	vst v63  }
0x20f: {  	s12 =	simm.s32 $0x2200;
	v3 =	vadd.s32 v1, v3  }
0x210: {  	[tilespmem:s12], [sflag:$0x1] =	stream.indirect_vreg.gather [hbm4b:s10+s2], $0x80, v4, vm0, $0xb8;
	[tilespmem:$0x19200] =	vst v63  }
0x211: {  	s19 =	simm.s32 $0x2A00  }
0x212: {  	[tilespmem:s19], [sflag:$0x1] =	stream.indirect_vreg.gather [hbm4b:s11+s2], $0x80, v4, vm0, $0xb8;
	[tilespmem:$0x19200] =	vst v63  }
0x213: {  	s20 =	simm.s32 $0x3200  }
0x214: {  	[tilespmem:s20], [sflag:$0x1] =	stream.indirect_vreg.gather [hbm4b:s1+s2], $0x80, v3, vm0, $0xb8;
	[tilespmem:$0x19200] =	vst v63  }
0x215: {  	s23 =	sadd.s32 $0x30, s3;
	s21 =	simm.s32 $0x3A00  }
0x216: {  	[tilespmem:s21], [sflag:$0x1] =	stream.indirect_vreg.gather [hbm4b:s8+s2], $0x80, v3, vm0, $0xb8;
	[tilespmem:$0x19200] =	vst v63  }
0x217: {  	s22 =	simm.s32 $0x4200;
	s7 =	sadd.s32 s5, s23  }
0x218: {  	[tilespmem:s22], [sflag:$0x1] =	stream.indirect_vreg.gather [hbm4b:s10+s2], $0x80, v3, vm0, $0xb8;
	[tilespmem:$0x19200] =	vst v63  }
0x219: {  	s7 =	sshll.u32 s7, $0x7  }
0x21a: {  	[tilespmem:s26], [sflag:$0x1] =	stream.indirect_vreg.gather [hbm4b:s11+s2], $0x80, v3, vm0, $0xb8;
	[tilespmem:$0x19200] =	vst v63  }
0x21b: {  	s7 =	sadd.s32 s4, s7  }
0x21c: {  	[tilespmem:s28], [sflag:$0x4] =	stream.linear.gather [hbm4b:s7+s2], $0x4000, $0x38;
	[tilespmem:$0x19200] =	vst v63  }
0x21d: {  	_ =	swait.ge [sflag:s9], $0x4000  }
0x21e: {  	[sflag:s9] =	ssyncset.done $0x0  }
0x21f: {  	[sflag:s9] =	ssyncadd.s32 $0xFFFFC000  }
0x220: {  	s24 =	simm.s32 $0x0;
	_ =	swait.ge [sflag:s17], $0x4000  }
0x221: {  	s25 =	sand.u32 $0x380, s2;
	s7 =	sand.u32 $0x2000, s24;
	[sflag:s17] =	ssyncset.done $0x0  }
0x222: {  	s7 =	sor.u32 s25, s7;
	[sflag:s17] =	ssyncadd.s32 $0xFFFFC000  }
0x223: {  	v3 =	vld [tilespmem:s7+$0x11200]  }
0x224: {  	v4 =	vld [tilespmem:s7+$0x5200]  }
0x225: {  	v5 =	vld [tilespmem:s7+$0x5210]  }
0x226: {  	v63 =	vld [tilespmem:s7+$0x11210]  }
0x227: {  	v12 =	vld [tilespmem:s7+$0x5220]  }
0x228: {  	v13 =	vld [tilespmem:s7+$0x11220]  }
0x229: {  	v14 =	vld [tilespmem:s7+$0x5230]  }
0x22a: {  	v15 =	vld [tilespmem:s7+$0x11230]  }
0x22b: {  	v16 =	vld [tilespmem:s7+$0x11240];
	v3 =	vmul.f32 v3, v4;
	v4 =	vmul.f32 v63, v5  }
0x22c: {  	v5 =	vld [tilespmem:s7+$0x5240]  }
0x22d: {  	v17 =	vld [tilespmem:s7+$0x5250];
	v3 =	vadd.f32 v4, v3;
	v4 =	vmul.f32 v13, v12  }
0x22e: {  	v18 =	vld [tilespmem:s7+$0x11250]  }
0x22f: {  	v19 =	vld [tilespmem:s7+$0x5260];
	v3 =	vadd.f32 v4, v3;
	v4 =	vmul.f32 v15, v14  }
0x230: {  	v20 =	vld [tilespmem:s7+$0x11260]  }
0x231: {  	v21 =	vld [tilespmem:s7+$0x11270];
	v3 =	vadd.f32 v4, v3;
	v4 =	vmul.f32 v16, v5  }
0x232: {  	v5 =	vld [tilespmem:s7+$0x5270]  }
0x233: {  	v22 =	vld [tilespmem:s7+$0x5600];
	v3 =	vadd.f32 v4, v3;
	v4 =	vmul.f32 v18, v17  }
0x234: {  	v23 =	vld [tilespmem:s7+$0x11600]  }
0x235: {  	v24 =	vld [tilespmem:s7+$0x5610];
	v3 =	vadd.f32 v4, v3;
	v4 =	vmul.f32 v20, v19  }
0x236: {  	v25 =	vld [tilespmem:s7+$0x11610]  }
0x237: {  	v26 =	vld [tilespmem:s7+$0x11620];
	v3 =	vadd.f32 v4, v3;
	v4 =	vmul.f32 v21, v5  }
0x238: {  	v5 =	vld [tilespmem:s7+$0x5620]  }
0x239: {  	v27 =	vld [tilespmem:s7+$0x5630];
	v3 =	vadd.f32 v4, v3;
	v4 =	vmul.f32 v23, v22  }
0x23a: {  	v28 =	vld [tilespmem:s7+$0x11630]  }
0x23b: {  	v29 =	vld [tilespmem:s7+$0x5640];
	v3 =	vadd.f32 v4, v3;
	v4 =	vmul.f32 v25, v24  }
0x23c: {  	v30 =	vld [tilespmem:s7+$0x11640]  }
0x23d: {  	v31 =	vld [tilespmem:s7+$0x11650];
	v3 =	vadd.f32 v4, v3;
	v4 =	vmul.f32 v26, v5  }
0x23e: {  	v5 =	vld [tilespmem:s7+$0x5650]  }
0x23f: {  	v32 =	vld [tilespmem:s7+$0x5660];
	v3 =	vadd.f32 v4, v3;
	v4 =	vmul.f32 v28, v27  }
0x240: {  	v33 =	vld [tilespmem:s7+$0x11660]  }
0x241: {  	v34 =	vld [tilespmem:s7+$0x5670];
	v3 =	vadd.f32 v4, v3;
	v4 =	vmul.f32 v30, v29  }
0x242: {  	v35 =	vld [tilespmem:s7+$0x11670]  }
0x243: {  	v36 =	vld [tilespmem:s7+$0x11A00];
	v3 =	vadd.f32 v4, v3;
	v4 =	vmul.f32 v31, v5  }
0x244: {  	v5 =	vld [tilespmem:s7+$0x5A00]  }
0x245: {  	v37 =	vld [tilespmem:s7+$0x5A10];
	v3 =	vadd.f32 v4, v3;
	v4 =	vmul.f32 v33, v32  }
0x246: {  	v38 =	vld [tilespmem:s7+$0x11A10]  }
0x247: {  	v39 =	vld [tilespmem:s7+$0x5A20];
	v3 =	vadd.f32 v4, v3;
	v4 =	vmul.f32 v35, v34  }
0x248: {  	v40 =	vld [tilespmem:s7+$0x11A20]  }
0x249: {  	v41 =	vld [tilespmem:s7+$0x11A30];
	v3 =	vadd.f32 v4, v3;
	v4 =	vmul.f32 v36, v5  }
0x24a: {  	v5 =	vld [tilespmem:s7+$0x5A30]  }
0x24b: {  	v42 =	vld [tilespmem:s7+$0x5A40];
	v3 =	vadd.f32 v4, v3;
	v4 =	vmul.f32 v38, v37  }
0x24c: {  	v43 =	vld [tilespmem:s7+$0x11A40]  }
0x24d: {  	v44 =	vld [tilespmem:s7+$0x5A50];
	v3 =	vadd.f32 v4, v3;
	v4 =	vmul.f32 v40, v39  }
0x24e: {  	v45 =	vld [tilespmem:s7+$0x11A50]  }
0x24f: {  	v46 =	vld [tilespmem:s7+$0x11A60];
	v3 =	vadd.f32 v4, v3;
	v4 =	vmul.f32 v41, v5  }
0x250: {  	v5 =	vld [tilespmem:s7+$0x5A60]  }
0x251: {  	v47 =	vld [tilespmem:s7+$0x5A70];
	v3 =	vadd.f32 v4, v3;
	v4 =	vmul.f32 v43, v42  }
0x252: {  	v48 =	vld [tilespmem:s7+$0x11A70]  }
0x253: {  	v49 =	vld [tilespmem:s7+$0x5E00];
	v3 =	vadd.f32 v4, v3;
	v4 =	vmul.f32 v45, v44  }
0x254: {  	v50 =	vld [tilespmem:s7+$0x11E00]  }
0x255: {  	v51 =	vld [tilespmem:s7+$0x11E10];
	v3 =	vadd.f32 v4, v3;
	v4 =	vmul.f32 v46, v5  }
0x256: {  	v5 =	vld [tilespmem:s7+$0x5E10]  }
0x257: {  	v52 =	vld [tilespmem:s7+$0x5E20];
	v3 =	vadd.f32 v4, v3;
	v4 =	vmul.f32 v48, v47  }
0x258: {  	v53 =	vld [tilespmem:s7+$0x11E20]  }
0x259: {  	v54 =	vld [tilespmem:s7+$0x5E30];
	v3 =	vadd.f32 v4, v3;
	v4 =	vmul.f32 v50, v49  }
0x25a: {  	v55 =	vld [tilespmem:s7+$0x11E30]  }
0x25b: {  	v56 =	vld [tilespmem:s7+$0x11E40];
	v3 =	vadd.f32 v4, v3;
	v4 =	vmul.f32 v51, v5  }
0x25c: {  	v5 =	vld [tilespmem:s7+$0x5E40]  }
0x25d: {  	v57 =	vld [tilespmem:s7+$0x5E50];
	v3 =	vadd.f32 v4, v3;
	v4 =	vmul.f32 v53, v52  }
0x25e: {  	v58 =	vld [tilespmem:s7+$0x11E50]  }
0x25f: {  	v59 =	vld [tilespmem:s7+$0x5E60];
	v3 =	vadd.f32 v4, v3;
	v4 =	vmul.f32 v55, v54  }
0x260: {  	v60 =	vld [tilespmem:s7+$0x11E60]  }
0x261: {  	v61 =	vld [tilespmem:s7+$0x11E70];
	v3 =	vadd.f32 v4, v3;
	v4 =	vmul.f32 v56, v5  }
0x262: {  	v5 =	vld [tilespmem:s7+$0x5E70]  }
0x263: {  	v62 =	vld [tilespmem:s7+$0x6200];
	v3 =	vadd.f32 v4, v3;
	v4 =	vmul.f32 v58, v57  }
0x264: {  	v63 =	vld [tilespmem:s7+$0x12200]  }
0x265: {  	v12 =	vld [tilespmem:s7+$0x6210];
	v3 =	vadd.f32 v4, v3;
	v4 =	vmul.f32 v60, v59  }
0x266: {  	v13 =	vld [tilespmem:s7+$0x12210]  }
0x267: {  	v14 =	vld [tilespmem:s7+$0x12220];
	v3 =	vadd.f32 v4, v3;
	v4 =	vmul.f32 v61, v5  }
0x268: {  	v5 =	vld [tilespmem:s7+$0x6220]  }
0x269: {  	v15 =	vld [tilespmem:s7+$0x6230];
	v3 =	vadd.f32 v4, v3;
	v4 =	vmul.f32 v63, v62  }
0x26a: {  	v16 =	vld [tilespmem:s7+$0x12230]  }
0x26b: {  	v17 =	vld [tilespmem:s7+$0x6240];
	v3 =	vadd.f32 v4, v3;
	v4 =	vmul.f32 v13, v12  }
0x26c: {  	v18 =	vld [tilespmem:s7+$0x12240]  }
0x26d: {  	v19 =	vld [tilespmem:s7+$0x12250];
	v3 =	vadd.f32 v4, v3;
	v4 =	vmul.f32 v14, v5  }
0x26e: {  	v5 =	vld [tilespmem:s7+$0x6250]  }
0x26f: {  	v20 =	vld [tilespmem:s7+$0x6260];
	v3 =	vadd.f32 v4, v3;
	v4 =	vmul.f32 v16, v15  }
0x270: {  	v21 =	vld [tilespmem:s7+$0x12260]  }
0x271: {  	v22 =	vld [tilespmem:s7+$0x6270];
	v3 =	vadd.f32 v4, v3;
	v4 =	vmul.f32 v18, v17  }
0x272: {  	v23 =	vld [tilespmem:s7+$0x12270]  }
0x273: {  	v24 =	vld [tilespmem:s7+$0x12600];
	v3 =	vadd.f32 v4, v3;
	v4 =	vmul.f32 v19, v5  }
0x274: {  	v5 =	vld [tilespmem:s7+$0x6600]  }
0x275: {  	v25 =	vld [tilespmem:s7+$0x6610];
	v3 =	vadd.f32 v4, v3;
	v4 =	vmul.f32 v21, v20  }
0x276: {  	v26 =	vld [tilespmem:s7+$0x12610]  }
0x277: {  	v27 =	vld [tilespmem:s7+$0x6620];
	v3 =	vadd.f32 v4, v3;
	v4 =	vmul.f32 v23, v22  }
0x278: {  	v28 =	vld [tilespmem:s7+$0x12620]  }
0x279: {  	v29 =	vld [tilespmem:s7+$0x12630];
	v3 =	vadd.f32 v4, v3;
	v4 =	vmul.f32 v24, v5  }
0x27a: {  	v5 =	vld [tilespmem:s7+$0x6630]  }
0x27b: {  	v30 =	vld [tilespmem:s7+$0x6640];
	v3 =	vadd.f32 v4, v3;
	v4 =	vmul.f32 v26, v25  }
0x27c: {  	v31 =	vld [tilespmem:s7+$0x12640]  }
0x27d: {  	v32 =	vld [tilespmem:s7+$0x6650];
	v3 =	vadd.f32 v4, v3;
	v4 =	vmul.f32 v28, v27  }
0x27e: {  	v33 =	vld [tilespmem:s7+$0x12650]  }
0x27f: {  	v34 =	vld [tilespmem:s7+$0x12660];
	v3 =	vadd.f32 v4, v3;
	v4 =	vmul.f32 v29, v5  }
0x280: {  	v5 =	vld [tilespmem:s7+$0x6660]  }
0x281: {  	v35 =	vld [tilespmem:s7+$0x6670];
	v3 =	vadd.f32 v4, v3;
	v4 =	vmul.f32 v31, v30  }
0x282: {  	v36 =	vld [tilespmem:s7+$0x12670]  }
0x283: {  	v37 =	vld [tilespmem:s7+$0x6A00];
	v3 =	vadd.f32 v4, v3;
	v4 =	vmul.f32 v33, v32  }
0x284: {  	v38 =	vld [tilespmem:s7+$0x12A00]  }
0x285: {  	v39 =	vld [tilespmem:s7+$0x12A10];
	v3 =	vadd.f32 v4, v3;
	v4 =	vmul.f32 v34, v5  }
0x286: {  	v5 =	vld [tilespmem:s7+$0x6A10]  }
0x287: {  	v40 =	vld [tilespmem:s7+$0x6A20];
	v3 =	vadd.f32 v4, v3;
	v4 =	vmul.f32 v36, v35  }
0x288: {  	v41 =	vld [tilespmem:s7+$0x12A20]  }
0x289: {  	v42 =	vld [tilespmem:s7+$0x6A30];
	v3 =	vadd.f32 v4, v3;
	v4 =	vmul.f32 v38, v37  }
0x28a: {  	v43 =	vld [tilespmem:s7+$0x12A30]  }
0x28b: {  	v44 =	vld [tilespmem:s7+$0x12A40];
	v3 =	vadd.f32 v4, v3;
	v4 =	vmul.f32 v39, v5  }
0x28c: {  	v5 =	vld [tilespmem:s7+$0x6A40]  }
0x28d: {  	v45 =	vld [tilespmem:s7+$0x6A50];
	v3 =	vadd.f32 v4, v3;
	v4 =	vmul.f32 v41, v40  }
0x28e: {  	v46 =	vld [tilespmem:s7+$0x12A50]  }
0x28f: {  	s19 =	sand.u32 $0x7, s2;
	v47 =	vld [tilespmem:s7+$0x6A60];
	v3 =	vadd.f32 v4, v3;
	v4 =	vmul.f32 v43, v42  }
0x290: {  	s12 =	sshll.u32 s19, $0x7;
	v48 =	vld [tilespmem:s7+$0x12A60]  }
0x291: {  	s12 =	sadd.s32 $0x0, s12;
	v49 =	vld [tilespmem:s7+$0x12A70];
	v3 =	vadd.f32 v4, v3;
	v4 =	vmul.f32 v44, v5  }
0x292: {  	s20 =	sor.u32 $0x1C00, s12;
	v5 =	vld [tilespmem:s7+$0x6A70]  }
0x293: {  	v50 =	vld [tilespmem:s20+$0x5200];
	v3 =	vadd.f32 v4, v3;
	v4 =	vmul.f32 v46, v45  }
0x294: {  	s21 =	sor.u32 $0x1C10, s12;
	v51 =	vld [tilespmem:s20+$0x11200]  }
0x295: {  	v52 =	vld [tilespmem:s21+$0x5200];
	v3 =	vadd.f32 v4, v3;
	v4 =	vmul.f32 v48, v47  }
0x296: {  	s22 =	sor.u32 $0x1C20, s12;
	v53 =	vld [tilespmem:s21+$0x11200]  }
0x297: {  	v54 =	vld [tilespmem:s22+$0x11200];
	v3 =	vadd.f32 v4, v3;
	v4 =	vmul.f32 v49, v5  }
0x298: {  	s23 =	sor.u32 $0x1C30, s12;
	v5 =	vld [tilespmem:s22+$0x5200]  }
0x299: {  	v55 =	vld [tilespmem:s23+$0x5200];
	v3 =	vadd.f32 v4, v3;
	v4 =	vmul.f32 v51, v50  }
0x29a: {  	s24 =	sor.u32 $0x1C40, s12;
	v56 =	vld [tilespmem:s23+$0x11200]  }
0x29b: {  	v57 =	vld [tilespmem:s24+$0x5200];
	v3 =	vadd.f32 v4, v3;
	v4 =	vmul.f32 v53, v52  }
0x29c: {  	s25 =	sor.u32 $0x1C50, s12;
	v58 =	vld [tilespmem:s24+$0x11200]  }
0x29d: {  	v59 =	vld [tilespmem:s25+$0x11200];
	v3 =	vadd.f32 v4, v3;
	v4 =	vmul.f32 v54, v5  }
0x29e: {  	s19 =	sor.u32 $0x1C60, s12;
	v5 =	vld [tilespmem:s25+$0x5200]  }
0x29f: {  	v60 =	vld [tilespmem:s19+$0x5200];
	v3 =	vadd.f32 v4, v3;
	v4 =	vmul.f32 v56, v55  }
0x2a0: {  	s20 =	sor.u32 $0x1C70, s12;
	v61 =	vld [tilespmem:s19+$0x11200]  }
0x2a1: {  	v62 =	vld [tilespmem:s20+$0x5200];
	v3 =	vadd.f32 v4, v3;
	v4 =	vmul.f32 v58, v57  }
0x2a2: {  	v63 =	vld [tilespmem:s20+$0x11200]  }
0x2a3: {  	v3 =	vadd.f32 v4, v3;
	v4 =	vmul.f32 v59, v5  }
0x2a4: {  	s21 =	sadd.s32 $0x10, s3  }
0x2a5: {  	s22 =	sshll.u32 s21, $0x4;
	v3 =	vadd.f32 v4, v3;
	v4 =	vmul.f32 v61, v60  }
0x2a6: {  	s7 =	sand.u32 $0x80, s21;
	s12 =	sand.u32 $0x3000, s22  }
0x2a7: {  	s7 =	sor.u32 s7, s12;
	v3 =	vadd.f32 v4, v3;
	v4 =	vmul.f32 v63, v62  }
0x2a8: {  	s23 =	simm.s32 $0x80;
	s24 =	sand.u32 $0xF00, s29;
	s7 =	sor.u32 $0x200, s7  }
0x2a9: {  	s21 =	sand.u32 $0x70, s2;
	s19 =	sadd.s32 s24, s7;
	s25 =	simm.s32 $0x400;
	v3 =	vadd.f32 v4, v3  }
0x2aa: {  	s12 =	sand.u32 $0x380, s23;
	s19 =	sadd.s32 s21, s19;
	s20 =	sand.u32 $0x2000, s25  }
0x2ab: {  	s30 =	smov.u32 s29;
	s22 =	simm.s32 $0x100;
	s20 =	sor.u32 s12, s20;
	[tilespmem:s19+$0x0] =	vst v3  }
0x2ac: {  	s21 =	simm.s32 $0xFFFFC400;
	s12 =	simm.s32 $0x0;
	s19 =	simm.s32 $0x0;
	v3 =	vld [tilespmem:s20+$0x11200]  }
.LBB2_5:
0x2ad: {  	p0 =	sne.s32 s22, $0x780;
	v4 =	vld [tilespmem:s20+$0x5200]  }
0x2ae: {  	v5 =	vld [tilespmem:s20+$0x5210]  }
0x2af: {  	v6 =	vld [tilespmem:s20+$0x11210]  }
0x2b0: {  	v7 =	vld [tilespmem:s20+$0x5220]  }
0x2b1: {  	v8 =	vld [tilespmem:s20+$0x11220]  }
0x2b2: {  	v9 =	vld [tilespmem:s20+$0x5230]  }
0x2b3: {  	v10 =	vld [tilespmem:s20+$0x11230]  }
0x2b4: {  	v3 =	vmul.f32 v3, v4;
	v4 =	vmul.f32 v6, v5;
	v5 =	vld [tilespmem:s20+$0x5240]  }
0x2b5: {  	v6 =	vld [tilespmem:s20+$0x11240]  }
0x2b6: {  	v3 =	vadd.f32 v4, v3;
	v4 =	vmul.f32 v8, v7;
	v7 =	vld [tilespmem:s20+$0x5250]  }
0x2b7: {  	v8 =	vld [tilespmem:s20+$0x11250]  }
0x2b8: {  	v3 =	vadd.f32 v4, v3;
	v4 =	vmul.f32 v10, v9;
	v9 =	vld [tilespmem:s20+$0x5260]  }
0x2b9: {  	v10 =	vld [tilespmem:s20+$0x11260]  }
0x2ba: {  	v3 =	vadd.f32 v4, v3;
	v4 =	vmul.f32 v6, v5;
	v5 =	vld [tilespmem:s20+$0x5270]  }
0x2bb: {  	v6 =	vld [tilespmem:s20+$0x11270]  }
0x2bc: {  	v3 =	vadd.f32 v4, v3;
	v4 =	vmul.f32 v8, v7;
	v7 =	vld [tilespmem:s20+$0x5600]  }
0x2bd: {  	v8 =	vld [tilespmem:s20+$0x11600]  }
0x2be: {  	v3 =	vadd.f32 v4, v3;
	v4 =	vmul.f32 v10, v9;
	v9 =	vld [tilespmem:s20+$0x5610]  }
0x2bf: {  	v10 =	vld [tilespmem:s20+$0x11610]  }
0x2c0: {  	v3 =	vadd.f32 v4, v3;
	v4 =	vmul.f32 v6, v5;
	v5 =	vld [tilespmem:s20+$0x5620]  }
0x2c1: {  	v6 =	vld [tilespmem:s20+$0x11620]  }
0x2c2: {  	v3 =	vadd.f32 v4, v3;
	v4 =	vmul.f32 v8, v7;
	v7 =	vld [tilespmem:s20+$0x5630]  }
0x2c3: {  	v8 =	vld [tilespmem:s20+$0x11630]  }
0x2c4: {  	v3 =	vadd.f32 v4, v3;
	v4 =	vmul.f32 v10, v9;
	v9 =	vld [tilespmem:s20+$0x5640]  }
0x2c5: {  	v10 =	vld [tilespmem:s20+$0x11640]  }
0x2c6: {  	v3 =	vadd.f32 v4, v3;
	v4 =	vmul.f32 v6, v5;
	v5 =	vld [tilespmem:s20+$0x5650]  }
0x2c7: {  	v6 =	vld [tilespmem:s20+$0x11650]  }
0x2c8: {  	v3 =	vadd.f32 v4, v3;
	v4 =	vmul.f32 v8, v7;
	v7 =	vld [tilespmem:s20+$0x5660]  }
0x2c9: {  	v8 =	vld [tilespmem:s20+$0x11660]  }
0x2ca: {  	v3 =	vadd.f32 v4, v3;
	v4 =	vmul.f32 v10, v9;
	v9 =	vld [tilespmem:s20+$0x5670]  }
0x2cb: {  	v10 =	vld [tilespmem:s20+$0x11670]  }
0x2cc: {  	v3 =	vadd.f32 v4, v3;
	v4 =	vmul.f32 v6, v5;
	v5 =	vld [tilespmem:s20+$0x5A00]  }
0x2cd: {  	v6 =	vld [tilespmem:s20+$0x11A00]  }
0x2ce: {  	v3 =	vadd.f32 v4, v3;
	v4 =	vmul.f32 v8, v7;
	v7 =	vld [tilespmem:s20+$0x5A10]  }
0x2cf: {  	v8 =	vld [tilespmem:s20+$0x11A10]  }
0x2d0: {  	v3 =	vadd.f32 v4, v3;
	v4 =	vmul.f32 v10, v9;
	v9 =	vld [tilespmem:s20+$0x5A20]  }
0x2d1: {  	v10 =	vld [tilespmem:s20+$0x11A20]  }
0x2d2: {  	v3 =	vadd.f32 v4, v3;
	v4 =	vmul.f32 v6, v5;
	v5 =	vld [tilespmem:s20+$0x5A30]  }
0x2d3: {  	v6 =	vld [tilespmem:s20+$0x11A30]  }
0x2d4: {  	v3 =	vadd.f32 v4, v3;
	v4 =	vmul.f32 v8, v7;
	v7 =	vld [tilespmem:s20+$0x5A40]  }
0x2d5: {  	v8 =	vld [tilespmem:s20+$0x11A40]  }
0x2d6: {  	v3 =	vadd.f32 v4, v3;
	v4 =	vmul.f32 v10, v9;
	v9 =	vld [tilespmem:s20+$0x5A50]  }
0x2d7: {  	v10 =	vld [tilespmem:s20+$0x11A50]  }
0x2d8: {  	v3 =	vadd.f32 v4, v3;
	v4 =	vmul.f32 v6, v5;
	v5 =	vld [tilespmem:s20+$0x5A60]  }
0x2d9: {  	v6 =	vld [tilespmem:s20+$0x11A60]  }
0x2da: {  	v3 =	vadd.f32 v4, v3;
	v4 =	vmul.f32 v8, v7;
	v7 =	vld [tilespmem:s20+$0x5A70]  }
0x2db: {  	v8 =	vld [tilespmem:s20+$0x11A70]  }
0x2dc: {  	v3 =	vadd.f32 v4, v3;
	v4 =	vmul.f32 v10, v9;
	v9 =	vld [tilespmem:s20+$0x5E00]  }
0x2dd: {  	v10 =	vld [tilespmem:s20+$0x11E00]  }
0x2de: {  	v3 =	vadd.f32 v4, v3;
	v4 =	vmul.f32 v6, v5;
	v5 =	vld [tilespmem:s20+$0x5E10]  }
0x2df: {  	v6 =	vld [tilespmem:s20+$0x11E10]  }
0x2e0: {  	v3 =	vadd.f32 v4, v3;
	v4 =	vmul.f32 v8, v7;
	v7 =	vld [tilespmem:s20+$0x5E20]  }
0x2e1: {  	v8 =	vld [tilespmem:s20+$0x11E20]  }
0x2e2: {  	v3 =	vadd.f32 v4, v3;
	v4 =	vmul.f32 v10, v9;
	v9 =	vld [tilespmem:s20+$0x5E30]  }
0x2e3: {  	v10 =	vld [tilespmem:s20+$0x11E30]  }
0x2e4: {  	v3 =	vadd.f32 v4, v3;
	v4 =	vmul.f32 v6, v5;
	v5 =	vld [tilespmem:s20+$0x5E40]  }
0x2e5: {  	v6 =	vld [tilespmem:s20+$0x11E40]  }
0x2e6: {  	v3 =	vadd.f32 v4, v3;
	v4 =	vmul.f32 v8, v7;
	v7 =	vld [tilespmem:s20+$0x5E50]  }
0x2e7: {  	v8 =	vld [tilespmem:s20+$0x11E50]  }
0x2e8: {  	v3 =	vadd.f32 v4, v3;
	v4 =	vmul.f32 v10, v9;
	v9 =	vld [tilespmem:s20+$0x5E60]  }
0x2e9: {  	v10 =	vld [tilespmem:s20+$0x11E60]  }
0x2ea: {  	v3 =	vadd.f32 v4, v3;
	v4 =	vmul.f32 v6, v5;
	v5 =	vld [tilespmem:s20+$0x5E70]  }
0x2eb: {  	v6 =	vld [tilespmem:s20+$0x11E70]  }
0x2ec: {  	v3 =	vadd.f32 v4, v3;
	v4 =	vmul.f32 v8, v7;
	v7 =	vld [tilespmem:s20+$0x6200]  }
0x2ed: {  	v8 =	vld [tilespmem:s20+$0x12200]  }
0x2ee: {  	v3 =	vadd.f32 v4, v3;
	v4 =	vmul.f32 v10, v9;
	v9 =	vld [tilespmem:s20+$0x6210]  }
0x2ef: {  	v10 =	vld [tilespmem:s20+$0x12210]  }
0x2f0: {  	v3 =	vadd.f32 v4, v3;
	v4 =	vmul.f32 v6, v5;
	v5 =	vld [tilespmem:s20+$0x6220]  }
0x2f1: {  	v6 =	vld [tilespmem:s20+$0x12220]  }
0x2f2: {  	v3 =	vadd.f32 v4, v3;
	v4 =	vmul.f32 v8, v7;
	v7 =	vld [tilespmem:s20+$0x6230]  }
0x2f3: {  	v8 =	vld [tilespmem:s20+$0x12230]  }
0x2f4: {  	v3 =	vadd.f32 v4, v3;
	v4 =	vmul.f32 v10, v9;
	v9 =	vld [tilespmem:s20+$0x6240]  }
0x2f5: {  	v10 =	vld [tilespmem:s20+$0x12240]  }
0x2f6: {  	v3 =	vadd.f32 v4, v3;
	v4 =	vmul.f32 v6, v5;
	v5 =	vld [tilespmem:s20+$0x6250]  }
0x2f7: {  	v6 =	vld [tilespmem:s20+$0x12250]  }
0x2f8: {  	v3 =	vadd.f32 v4, v3;
	v4 =	vmul.f32 v8, v7;
	v7 =	vld [tilespmem:s20+$0x6260]  }
0x2f9: {  	v8 =	vld [tilespmem:s20+$0x12260]  }
0x2fa: {  	v3 =	vadd.f32 v4, v3;
	v4 =	vmul.f32 v10, v9;
	v9 =	vld [tilespmem:s20+$0x6270]  }
0x2fb: {  	v10 =	vld [tilespmem:s20+$0x12270]  }
0x2fc: {  	v3 =	vadd.f32 v4, v3;
	v4 =	vmul.f32 v6, v5;
	v5 =	vld [tilespmem:s20+$0x6600]  }
0x2fd: {  	v6 =	vld [tilespmem:s20+$0x12600]  }
0x2fe: {  	v3 =	vadd.f32 v4, v3;
	v4 =	vmul.f32 v8, v7;
	v7 =	vld [tilespmem:s20+$0x6610]  }
0x2ff: {  	v8 =	vld [tilespmem:s20+$0x12610]  }
0x300: {  	v3 =	vadd.f32 v4, v3;
	v4 =	vmul.f32 v10, v9;
	v9 =	vld [tilespmem:s20+$0x6620]  }
0x301: {  	v10 =	vld [tilespmem:s20+$0x12620]  }
0x302: {  	v3 =	vadd.f32 v4, v3;
	v4 =	vmul.f32 v6, v5;
	v5 =	vld [tilespmem:s20+$0x6630]  }
0x303: {  	v6 =	vld [tilespmem:s20+$0x12630]  }
0x304: {  	v3 =	vadd.f32 v4, v3;
	v4 =	vmul.f32 v8, v7;
	v7 =	vld [tilespmem:s20+$0x6640]  }
0x305: {  	v8 =	vld [tilespmem:s20+$0x12640]  }
0x306: {  	v3 =	vadd.f32 v4, v3;
	v4 =	vmul.f32 v10, v9;
	v9 =	vld [tilespmem:s20+$0x6650]  }
0x307: {  	v10 =	vld [tilespmem:s20+$0x12650]  }
0x308: {  	v3 =	vadd.f32 v4, v3;
	v4 =	vmul.f32 v6, v5;
	v5 =	vld [tilespmem:s20+$0x6660]  }
0x309: {  	v6 =	vld [tilespmem:s20+$0x12660]  }
0x30a: {  	v3 =	vadd.f32 v4, v3;
	v4 =	vmul.f32 v8, v7;
	v7 =	vld [tilespmem:s20+$0x6670]  }
0x30b: {  	v8 =	vld [tilespmem:s20+$0x12670]  }
0x30c: {  	v3 =	vadd.f32 v4, v3;
	v4 =	vmul.f32 v10, v9;
	v9 =	vld [tilespmem:s20+$0x6A00]  }
0x30d: {  	v10 =	vld [tilespmem:s20+$0x12A00]  }
0x30e: {  	v3 =	vadd.f32 v4, v3;
	v4 =	vmul.f32 v6, v5;
	v5 =	vld [tilespmem:s20+$0x6A10]  }
0x30f: {  	v6 =	vld [tilespmem:s20+$0x12A10]  }
0x310: {  	v3 =	vadd.f32 v4, v3;
	v4 =	vmul.f32 v8, v7;
	v7 =	vld [tilespmem:s20+$0x6A20]  }
0x311: {  	v8 =	vld [tilespmem:s20+$0x12A20]  }
0x312: {  	v3 =	vadd.f32 v4, v3;
	v4 =	vmul.f32 v10, v9;
	v9 =	vld [tilespmem:s20+$0x6A30]  }
0x313: {  	v10 =	vld [tilespmem:s20+$0x12A30]  }
0x314: {  	v3 =	vadd.f32 v4, v3;
	v4 =	vmul.f32 v6, v5;
	v5 =	vld [tilespmem:s20+$0x6A40]  }
0x315: {  	v6 =	vld [tilespmem:s20+$0x12A40]  }
0x316: {  	v3 =	vadd.f32 v4, v3;
	v4 =	vmul.f32 v8, v7;
	v7 =	vld [tilespmem:s20+$0x6A50]  }
0x317: {  	s2 =	sadd.s32 $0x1, s2;
	v8 =	vld [tilespmem:s20+$0x12A50]  }
0x318: {  	s23 =	sand.u32 $0x7, s2;
	v3 =	vadd.f32 v4, v3;
	v4 =	vmul.f32 v10, v9;
	v9 =	vld [tilespmem:s20+$0x6A60]  }
0x319: {  	s19 =	sadd.s32 $0x400, s19;
	s23 =	sshll.u32 s23, $0x7;
	v10 =	vld [tilespmem:s20+$0x12A60]  }
0x31a: {  	s23 =	sadd.s32 s23, s19;
	v3 =	vadd.f32 v4, v3;
	v4 =	vmul.f32 v6, v5;
	v5 =	vld [tilespmem:s20+$0x6A70]  }
0x31b: {  	v6 =	vld [tilespmem:s20+$0x12A70];
	s20 =	sor.u32 $0x1C00, s23  }
0x31c: {  	v3 =	vadd.f32 v4, v3;
	v4 =	vmul.f32 v8, v7;
	v7 =	vld [tilespmem:s20+$0x5200]  }
0x31d: {  	v8 =	vld [tilespmem:s20+$0x11200];
	s20 =	sor.u32 $0x1C10, s23  }
0x31e: {  	v3 =	vadd.f32 v4, v3;
	v4 =	vmul.f32 v10, v9;
	v9 =	vld [tilespmem:s20+$0x5200]  }
0x31f: {  	v10 =	vld [tilespmem:s20+$0x11200];
	s20 =	sor.u32 $0x1C20, s23  }
0x320: {  	v3 =	vadd.f32 v4, v3;
	v4 =	vmul.f32 v6, v5;
	v5 =	vld [tilespmem:s20+$0x5200]  }
0x321: {  	v6 =	vld [tilespmem:s20+$0x11200];
	s20 =	sor.u32 $0x1C30, s23  }
0x322: {  	v3 =	vadd.f32 v4, v3;
	v4 =	vmul.f32 v8, v7;
	v7 =	vld [tilespmem:s20+$0x5200]  }
0x323: {  	v8 =	vld [tilespmem:s20+$0x11200];
	s20 =	sor.u32 $0x1C40, s23  }
0x324: {  	v3 =	vadd.f32 v4, v3;
	v4 =	vmul.f32 v10, v9;
	v9 =	vld [tilespmem:s20+$0x5200]  }
0x325: {  	v10 =	vld [tilespmem:s20+$0x11200];
	s20 =	sor.u32 $0x1C50, s23  }
0x326: {  	v3 =	vadd.f32 v4, v3;
	v4 =	vmul.f32 v6, v5;
	v5 =	vld [tilespmem:s20+$0x5200]  }
0x327: {  	v6 =	vld [tilespmem:s20+$0x11200];
	s20 =	sor.u32 $0x1C60, s23  }
0x328: {  	v3 =	vadd.f32 v4, v3;
	v4 =	vmul.f32 v8, v7;
	v7 =	vld [tilespmem:s20+$0x5200]  }
0x329: {  	v8 =	vld [tilespmem:s20+$0x11200];
	s20 =	sor.u32 $0x1C70, s23  }
0x32a: {  	v3 =	vadd.f32 v4, v3;
	v4 =	vmul.f32 v10, v9;
	v9 =	vld [tilespmem:s20+$0x5200]  }
0x32b: {  	v10 =	vld [tilespmem:s20+$0x11200]  }
0x32c: {  	v3 =	vadd.f32 v4, v3;
	v4 =	vmul.f32 v6, v5;
	_ =	sdelay $0x1  }
0x32d: {  	v3 =	vadd.f32 v4, v3;
	v4 =	vmul.f32 v8, v7;
	_ =	sdelay $0x1  }
0x32e: {  	s30 =	sadd.s32 $0x20, s30;
	s21 =	sadd.s32 $0x400, s21;
	v3 =	vadd.f32 v4, v3;
	v4 =	vmul.f32 v10, v9  }
.Ltmp1:
0x32f: {  	s12 =	sadd.s32 $0x10, s12;
	s20 =	sand.u32 $0xF00, s30;
	(pc) =	sbr.rel @p0 .LBB2_5-.Ltmp1, $4  }
0x330: {  	s24 =	sand.u32 $0x70, s12;
	s23 =	sadd.s32 $0x4000, s21;
	s20 =	sadd.s32 s20, s7;
	v3 =	vadd.f32 v4, v3  }
0x331: {  	s25 =	sand.u32 $0x380, s22;
	s23 =	sand.u32 $0x2000, s23;
	s24 =	sadd.s32 s24, s20  }
0x332: {  	s20 =	sor.u32 s25, s23;
	[tilespmem:s24+$0x0] =	vst v3  }
0x333: {  	s22 =	sadd.s32 $0x80, s22;
	v3 =	vld [tilespmem:s20+$0x11200]  }
0x334: {  	v4 =	vld [tilespmem:s20+$0x5200]  }
0x335: {  	v5 =	vld [tilespmem:s20+$0x5210]  }
0x336: {  	v6 =	vld [tilespmem:s20+$0x11210]  }
0x337: {  	v7 =	vld [tilespmem:s20+$0x5220]  }
0x338: {  	v8 =	vld [tilespmem:s20+$0x11220]  }
0x339: {  	v9 =	vld [tilespmem:s20+$0x5230]  }
0x33a: {  	v10 =	vld [tilespmem:s20+$0x11230]  }
0x33b: {  	v15 =	vld [tilespmem:s20+$0x11240];
	v3 =	vmul.f32 v3, v4;
	v4 =	vmul.f32 v6, v5  }
0x33c: {  	v5 =	vld [tilespmem:s20+$0x5240]  }
0x33d: {  	v16 =	vld [tilespmem:s20+$0x5250];
	v3 =	vadd.f32 v4, v3;
	v4 =	vmul.f32 v8, v7  }
0x33e: {  	v17 =	vld [tilespmem:s20+$0x11250]  }
0x33f: {  	v18 =	vld [tilespmem:s20+$0x5260];
	v3 =	vadd.f32 v4, v3;
	v4 =	vmul.f32 v10, v9  }
0x340: {  	v19 =	vld [tilespmem:s20+$0x11260]  }
0x341: {  	v20 =	vld [tilespmem:s20+$0x11270];
	v3 =	vadd.f32 v4, v3;
	v4 =	vmul.f32 v15, v5  }
0x342: {  	v5 =	vld [tilespmem:s20+$0x5270]  }
0x343: {  	v21 =	vld [tilespmem:s20+$0x5600];
	v3 =	vadd.f32 v4, v3;
	v4 =	vmul.f32 v17, v16  }
0x344: {  	v22 =	vld [tilespmem:s20+$0x11600]  }
0x345: {  	v23 =	vld [tilespmem:s20+$0x5610];
	v3 =	vadd.f32 v4, v3;
	v4 =	vmul.f32 v19, v18  }
0x346: {  	v24 =	vld [tilespmem:s20+$0x11610]  }
0x347: {  	v25 =	vld [tilespmem:s20+$0x11620];
	v3 =	vadd.f32 v4, v3;
	v4 =	vmul.f32 v20, v5  }
0x348: {  	v5 =	vld [tilespmem:s20+$0x5620]  }
0x349: {  	v26 =	vld [tilespmem:s20+$0x5630];
	v3 =	vadd.f32 v4, v3;
	v4 =	vmul.f32 v22, v21  }
0x34a: {  	v27 =	vld [tilespmem:s20+$0x11630]  }
0x34b: {  	v28 =	vld [tilespmem:s20+$0x5640];
	v3 =	vadd.f32 v4, v3;
	v4 =	vmul.f32 v24, v23  }
0x34c: {  	v29 =	vld [tilespmem:s20+$0x11640]  }
0x34d: {  	v30 =	vld [tilespmem:s20+$0x11650];
	v3 =	vadd.f32 v4, v3;
	v4 =	vmul.f32 v25, v5  }
0x34e: {  	v5 =	vld [tilespmem:s20+$0x5650]  }
0x34f: {  	v31 =	vld [tilespmem:s20+$0x5660];
	v3 =	vadd.f32 v4, v3;
	v4 =	vmul.f32 v27, v26  }
0x350: {  	v32 =	vld [tilespmem:s20+$0x11660]  }
0x351: {  	v33 =	vld [tilespmem:s20+$0x5670];
	v3 =	vadd.f32 v4, v3;
	v4 =	vmul.f32 v29, v28  }
0x352: {  	v34 =	vld [tilespmem:s20+$0x11670]  }
0x353: {  	v35 =	vld [tilespmem:s20+$0x11A00];
	v3 =	vadd.f32 v4, v3;
	v4 =	vmul.f32 v30, v5  }
0x354: {  	v5 =	vld [tilespmem:s20+$0x5A00]  }
0x355: {  	v36 =	vld [tilespmem:s20+$0x5A10];
	v3 =	vadd.f32 v4, v3;
	v4 =	vmul.f32 v32, v31  }
0x356: {  	v37 =	vld [tilespmem:s20+$0x11A10]  }
0x357: {  	v38 =	vld [tilespmem:s20+$0x5A20];
	v3 =	vadd.f32 v4, v3;
	v4 =	vmul.f32 v34, v33  }
0x358: {  	v39 =	vld [tilespmem:s20+$0x11A20]  }
0x359: {  	v40 =	vld [tilespmem:s20+$0x11A30];
	v3 =	vadd.f32 v4, v3;
	v4 =	vmul.f32 v35, v5  }
0x35a: {  	v5 =	vld [tilespmem:s20+$0x5A30]  }
0x35b: {  	v41 =	vld [tilespmem:s20+$0x5A40];
	v3 =	vadd.f32 v4, v3;
	v4 =	vmul.f32 v37, v36  }
0x35c: {  	v42 =	vld [tilespmem:s20+$0x11A40]  }
0x35d: {  	v43 =	vld [tilespmem:s20+$0x5A50];
	v3 =	vadd.f32 v4, v3;
	v4 =	vmul.f32 v39, v38  }
0x35e: {  	v44 =	vld [tilespmem:s20+$0x11A50]  }
0x35f: {  	v45 =	vld [tilespmem:s20+$0x11A60];
	v3 =	vadd.f32 v4, v3;
	v4 =	vmul.f32 v40, v5  }
0x360: {  	v5 =	vld [tilespmem:s20+$0x5A60]  }
0x361: {  	v46 =	vld [tilespmem:s20+$0x5A70];
	v3 =	vadd.f32 v4, v3;
	v4 =	vmul.f32 v42, v41  }
0x362: {  	v47 =	vld [tilespmem:s20+$0x11A70]  }
0x363: {  	v48 =	vld [tilespmem:s20+$0x5E00];
	v3 =	vadd.f32 v4, v3;
	v4 =	vmul.f32 v44, v43  }
0x364: {  	v49 =	vld [tilespmem:s20+$0x11E00]  }
0x365: {  	v50 =	vld [tilespmem:s20+$0x11E10];
	v3 =	vadd.f32 v4, v3;
	v4 =	vmul.f32 v45, v5  }
0x366: {  	v5 =	vld [tilespmem:s20+$0x5E10]  }
0x367: {  	v51 =	vld [tilespmem:s20+$0x5E20];
	v3 =	vadd.f32 v4, v3;
	v4 =	vmul.f32 v47, v46  }
0x368: {  	v52 =	vld [tilespmem:s20+$0x11E20]  }
0x369: {  	v53 =	vld [tilespmem:s20+$0x5E30];
	v3 =	vadd.f32 v4, v3;
	v4 =	vmul.f32 v49, v48  }
0x36a: {  	v54 =	vld [tilespmem:s20+$0x11E30]  }
0x36b: {  	v55 =	vld [tilespmem:s20+$0x11E40];
	v3 =	vadd.f32 v4, v3;
	v4 =	vmul.f32 v50, v5  }
0x36c: {  	v5 =	vld [tilespmem:s20+$0x5E40]  }
0x36d: {  	v56 =	vld [tilespmem:s20+$0x5E50];
	v3 =	vadd.f32 v4, v3;
	v4 =	vmul.f32 v52, v51  }
0x36e: {  	v57 =	vld [tilespmem:s20+$0x11E50]  }
0x36f: {  	v58 =	vld [tilespmem:s20+$0x5E60];
	v3 =	vadd.f32 v4, v3;
	v4 =	vmul.f32 v54, v53  }
0x370: {  	v59 =	vld [tilespmem:s20+$0x11E60]  }
0x371: {  	v60 =	vld [tilespmem:s20+$0x11E70];
	v3 =	vadd.f32 v4, v3;
	v4 =	vmul.f32 v55, v5  }
0x372: {  	v5 =	vld [tilespmem:s20+$0x5E70]  }
0x373: {  	v61 =	vld [tilespmem:s20+$0x6200];
	v3 =	vadd.f32 v4, v3;
	v4 =	vmul.f32 v57, v56  }
0x374: {  	v62 =	vld [tilespmem:s20+$0x12200]  }
0x375: {  	v63 =	vld [tilespmem:s20+$0x6210];
	v3 =	vadd.f32 v4, v3;
	v4 =	vmul.f32 v59, v58  }
0x376: {  	v12 =	vld [tilespmem:s20+$0x12210]  }
0x377: {  	v13 =	vld [tilespmem:s20+$0x12220];
	v3 =	vadd.f32 v4, v3;
	v4 =	vmul.f32 v60, v5  }
0x378: {  	v5 =	vld [tilespmem:s20+$0x6220]  }
0x379: {  	v14 =	vld [tilespmem:s20+$0x6230];
	v3 =	vadd.f32 v4, v3;
	v4 =	vmul.f32 v62, v61  }
0x37a: {  	v15 =	vld [tilespmem:s20+$0x12230]  }
0x37b: {  	v16 =	vld [tilespmem:s20+$0x6240];
	v3 =	vadd.f32 v4, v3;
	v4 =	vmul.f32 v12, v63  }
0x37c: {  	v17 =	vld [tilespmem:s20+$0x12240]  }
0x37d: {  	v18 =	vld [tilespmem:s20+$0x12250];
	v3 =	vadd.f32 v4, v3;
	v4 =	vmul.f32 v13, v5  }
0x37e: {  	v5 =	vld [tilespmem:s20+$0x6250]  }
0x37f: {  	v19 =	vld [tilespmem:s20+$0x6260];
	v3 =	vadd.f32 v4, v3;
	v4 =	vmul.f32 v15, v14  }
0x380: {  	v20 =	vld [tilespmem:s20+$0x12260]  }
0x381: {  	v21 =	vld [tilespmem:s20+$0x6270];
	v3 =	vadd.f32 v4, v3;
	v4 =	vmul.f32 v17, v16  }
0x382: {  	v22 =	vld [tilespmem:s20+$0x12270]  }
0x383: {  	v23 =	vld [tilespmem:s20+$0x12600];
	v3 =	vadd.f32 v4, v3;
	v4 =	vmul.f32 v18, v5  }
0x384: {  	v5 =	vld [tilespmem:s20+$0x6600]  }
0x385: {  	v24 =	vld [tilespmem:s20+$0x6610];
	v3 =	vadd.f32 v4, v3;
	v4 =	vmul.f32 v20, v19  }
0x386: {  	v25 =	vld [tilespmem:s20+$0x12610]  }
0x387: {  	v26 =	vld [tilespmem:s20+$0x6620];
	v3 =	vadd.f32 v4, v3;
	v4 =	vmul.f32 v22, v21  }
0x388: {  	v27 =	vld [tilespmem:s20+$0x12620]  }
0x389: {  	v28 =	vld [tilespmem:s20+$0x12630];
	v3 =	vadd.f32 v4, v3;
	v4 =	vmul.f32 v23, v5  }
0x38a: {  	v5 =	vld [tilespmem:s20+$0x6630]  }
0x38b: {  	v29 =	vld [tilespmem:s20+$0x6640];
	v3 =	vadd.f32 v4, v3;
	v4 =	vmul.f32 v25, v24  }
0x38c: {  	v30 =	vld [tilespmem:s20+$0x12640]  }
0x38d: {  	v31 =	vld [tilespmem:s20+$0x6650];
	v3 =	vadd.f32 v4, v3;
	v4 =	vmul.f32 v27, v26  }
0x38e: {  	v32 =	vld [tilespmem:s20+$0x12650]  }
0x38f: {  	v33 =	vld [tilespmem:s20+$0x12660];
	v3 =	vadd.f32 v4, v3;
	v4 =	vmul.f32 v28, v5  }
0x390: {  	v5 =	vld [tilespmem:s20+$0x6660]  }
0x391: {  	v34 =	vld [tilespmem:s20+$0x6670];
	v3 =	vadd.f32 v4, v3;
	v4 =	vmul.f32 v30, v29  }
0x392: {  	v35 =	vld [tilespmem:s20+$0x12670]  }
0x393: {  	v36 =	vld [tilespmem:s20+$0x6A00];
	v3 =	vadd.f32 v4, v3;
	v4 =	vmul.f32 v32, v31  }
0x394: {  	v37 =	vld [tilespmem:s20+$0x12A00]  }
0x395: {  	v38 =	vld [tilespmem:s20+$0x12A10];
	v3 =	vadd.f32 v4, v3;
	v4 =	vmul.f32 v33, v5  }
0x396: {  	v5 =	vld [tilespmem:s20+$0x6A10]  }
0x397: {  	v39 =	vld [tilespmem:s20+$0x6A20];
	v3 =	vadd.f32 v4, v3;
	v4 =	vmul.f32 v35, v34  }
0x398: {  	v40 =	vld [tilespmem:s20+$0x12A20]  }
0x399: {  	v41 =	vld [tilespmem:s20+$0x6A30];
	v3 =	vadd.f32 v4, v3;
	v4 =	vmul.f32 v37, v36  }
0x39a: {  	v42 =	vld [tilespmem:s20+$0x12A30]  }
0x39b: {  	v43 =	vld [tilespmem:s20+$0x12A40];
	v3 =	vadd.f32 v4, v3;
	v4 =	vmul.f32 v38, v5  }
0x39c: {  	v5 =	vld [tilespmem:s20+$0x6A40]  }
0x39d: {  	v44 =	vld [tilespmem:s20+$0x6A50];
	v3 =	vadd.f32 v4, v3;
	v4 =	vmul.f32 v40, v39  }
0x39e: {  	s2 =	sadd.s32 $0x1, s2;
	v45 =	vld [tilespmem:s20+$0x12A50]  }
0x39f: {  	s2 =	sand.u32 $0x7, s2;
	v46 =	vld [tilespmem:s20+$0x6A60];
	v3 =	vadd.f32 v4, v3;
	v4 =	vmul.f32 v42, v41  }
0x3a0: {  	s19 =	sadd.s32 $0x400, s19;
	s2 =	sshll.u32 s2, $0x7;
	v47 =	vld [tilespmem:s20+$0x12A60]  }
0x3a1: {  	s2 =	sadd.s32 s2, s19;
	v48 =	vld [tilespmem:s20+$0x12A70];
	v3 =	vadd.f32 v4, v3;
	v4 =	vmul.f32 v43, v5  }
0x3a2: {  	s19 =	sor.u32 $0x1C00, s2;
	v5 =	vld [tilespmem:s20+$0x6A70]  }
0x3a3: {  	v49 =	vld [tilespmem:s19+$0x5200];
	v3 =	vadd.f32 v4, v3;
	v4 =	vmul.f32 v45, v44  }
0x3a4: {  	s23 =	sor.u32 $0x1C10, s2;
	v50 =	vld [tilespmem:s19+$0x11200]  }
0x3a5: {  	v51 =	vld [tilespmem:s23+$0x5200];
	v3 =	vadd.f32 v4, v3;
	v4 =	vmul.f32 v47, v46  }
0x3a6: {  	s24 =	sor.u32 $0x1C20, s2;
	v52 =	vld [tilespmem:s23+$0x11200]  }
0x3a7: {  	v53 =	vld [tilespmem:s24+$0x11200];
	v3 =	vadd.f32 v4, v3;
	v4 =	vmul.f32 v48, v5  }
0x3a8: {  	s25 =	sor.u32 $0x1C30, s2;
	v5 =	vld [tilespmem:s24+$0x5200]  }
0x3a9: {  	v54 =	vld [tilespmem:s25+$0x5200];
	v3 =	vadd.f32 v4, v3;
	v4 =	vmul.f32 v50, v49  }
0x3aa: {  	v55 =	vld [tilespmem:s25+$0x11200];
	s20 =	sor.u32 $0x1C40, s2  }
0x3ab: {  	v56 =	vld [tilespmem:s20+$0x5200];
	v3 =	vadd.f32 v4, v3;
	v4 =	vmul.f32 v52, v51  }
0x3ac: {  	s21 =	sor.u32 $0x1C50, s2;
	v57 =	vld [tilespmem:s20+$0x11200]  }
0x3ad: {  	v58 =	vld [tilespmem:s21+$0x11200];
	v3 =	vadd.f32 v4, v3;
	v4 =	vmul.f32 v53, v5  }
0x3ae: {  	s22 =	sor.u32 $0x1C60, s2;
	v5 =	vld [tilespmem:s21+$0x5200]  }
0x3af: {  	v59 =	vld [tilespmem:s22+$0x5200];
	v3 =	vadd.f32 v4, v3;
	v4 =	vmul.f32 v55, v54  }
0x3b0: {  	v60 =	vld [tilespmem:s22+$0x11200];
	s2 =	sor.u32 $0x1C70, s2  }
0x3b1: {  	v61 =	vld [tilespmem:s2+$0x5200];
	v3 =	vadd.f32 v4, v3;
	v4 =	vmul.f32 v57, v56  }
0x3b2: {  	v62 =	vld [tilespmem:s2+$0x11200]  }
0x3b3: {  	v3 =	vadd.f32 v4, v3;
	v4 =	vmul.f32 v58, v5;
	_ =	sdelay $0x1  }
0x3b4: {  	v3 =	vadd.f32 v4, v3;
	v4 =	vmul.f32 v60, v59;
	_ =	sdelay $0x1  }
0x3b5: {  	s23 =	sadd.s32 $0x20, s30;
	v3 =	vadd.f32 v4, v3;
	v4 =	vmul.f32 v62, v61  }
0x3b6: {  	s12 =	sadd.s32 $0x10, s12;
	s2 =	sand.u32 $0xF00, s23  }
0x3b7: {  	s12 =	sand.u32 $0x70, s12;
	s2 =	sadd.s32 s2, s7;
	v3 =	vadd.f32 v4, v3  }
0x3b8: {  	s2 =	sadd.s32 s12, s2  }
0x3b9: {  	p0 =	seq.s32 s31, $0x4;
	[tilespmem:s2+$0x0] =	vst v3  }
0x3ba: {  	v3 =	vld @!p0 [tilespmem:s3+$0x40];
	_ =	sdelay $0x4  }
0x3bb: {  	v4 =	vshll.u32 @!p0 v3, $0x3  }
0x3bc: {  	v5 =	vlaneseq.u32 @!p0;
	v3 =	vand.u32 @!p0 $0x7, v3;
	v4 =	vand.u32 @!p0 $0xFFFFFFC0, v4  }
0x3bd: {  	v6 =	vshrl.u32 @!p0 v5, $0x3;
	v3 =	vor.u32 @!p0 v3, v4;
	v4 =	vand.u32 @!p0 $0x7, v5  }
0x3be: {  	v6 =	vmul.u32 @!p0 $0x8, v6;
	v4 =	vperm.xlane @!p0 v3, v4;
	_ =	sdelay $0x1  }
0x3bf: {  	v4 =	vadd.s32 @!p0 v6, v4;
	_ =	sdelay $0x3  }
0x3c0: {  	vm1 =	vmmov @!p0 $0xffff;
	s7 =	simm.s32 @!p0 $0x5200;
	s2 =	simm.s32 @!p0 $0x0  }
0x3c1: {  	v5 =	vor.u32 @!p0 $0x8, v5;
	[tilespmem:s7], [sflag:$0x2] =	stream.indirect_vreg.gather @!p0 [hbm4b:s1+s2], $0x80, v4, vm1, $0xb8;
	[tilespmem:$0x19200] =	vst v63  }
0x3c2: {  	v3 =	vperm.xlane @!p0 v3, v5;
	s7 =	simm.s32 @!p0 $0x5A00  }
0x3c3: {  	[tilespmem:s7], [sflag:$0x2] =	stream.indirect_vreg.gather @!p0 [hbm4b:s8+s2], $0x80, v4, vm1, $0xb8;
	[tilespmem:$0x19200] =	vst v63  }
0x3c4: {  	v3 =	vadd.s32 @!p0 v6, v3;
	s7 =	simm.s32 @!p0 $0x6200  }
0x3c5: {  	[tilespmem:s7], [sflag:$0x2] =	stream.indirect_vreg.gather @!p0 [hbm4b:s10+s2], $0x80, v4, vm1, $0xb8;
	[tilespmem:$0x19200] =	vst v63  }
0x3c6: {  	s7 =	simm.s32 @!p0 $0x6A00  }
0x3c7: {  	[tilespmem:s7], [sflag:$0x2] =	stream.indirect_vreg.gather @!p0 [hbm4b:s11+s2], $0x80, v4, vm1, $0xb8;
	[tilespmem:$0x19200] =	vst v63  }
0x3c8: {  	s7 =	simm.s32 @!p0 $0x7200  }
0x3c9: {  	[tilespmem:s7], [sflag:$0x2] =	stream.indirect_vreg.gather @!p0 [hbm4b:s1+s2], $0x80, v3, vm1, $0xb8;
	[tilespmem:$0x19200] =	vst v63  }
0x3ca: {  	s7 =	simm.s32 @!p0 $0x7A00  }
0x3cb: {  	[tilespmem:s7], [sflag:$0x2] =	stream.indirect_vreg.gather @!p0 [hbm4b:s8+s2], $0x80, v3, vm1, $0xb8;
	[tilespmem:$0x19200] =	vst v63  }
0x3cc: {  	s7 =	simm.s32 @!p0 $0x8200  }
0x3cd: {  	[tilespmem:s7], [sflag:$0x2] =	stream.indirect_vreg.gather @!p0 [hbm4b:s10+s2], $0x80, v3, vm1, $0xb8;
	[tilespmem:$0x19200] =	vst v63  }
0x3ce: {  	s7 =	sadd.s32 @!p0 $0x40, s3  }
0x3cf: {  	s12 =	simm.s32 @!p0 $0x8A00;
	s7 =	sadd.s32 @!p0 s5, s7  }
0x3d0: {  	[tilespmem:s12], [sflag:$0x2] =	stream.indirect_vreg.gather @!p0 [hbm4b:s11+s2], $0x80, v3, vm1, $0xb8;
	[tilespmem:$0x19200] =	vst v63  }
0x3d1: {  	s7 =	sshll.u32 @!p0 s7, $0x7  }
0x3d2: {  	s12 =	simm.s32 @!p0 $0x11200;
	s7 =	sadd.s32 @!p0 s4, s7  }
0x3d3: {  	[tilespmem:s12], [sflag:$0x5] =	stream.linear.gather @!p0 [hbm4b:s7+s2], $0x4000, $0x38;
	[tilespmem:$0x19200] =	vst v63  }
0x3d4: {  	_ =	swait.ge [sflag:s14], $0x4000  }
0x3d5: {  	[sflag:s14] =	ssyncset.done $0x0  }
0x3d6: {  	[sflag:s14] =	ssyncadd.s32 $0xFFFFC000  }
0x3d7: {  	s24 =	simm.s32 $0x0;
	s2 =	simm.s32 $0x0;
	_ =	swait.ge [sflag:s18], $0x4000  }
0x3d8: {  	s7 =	sand.u32 $0x2000, s24;
	s25 =	sand.u32 $0x380, s2;
	[sflag:s18] =	ssyncset.done $0x0  }
0x3d9: {  	s7 =	sor.u32 s25, s7;
	[sflag:s18] =	ssyncadd.s32 $0xFFFFC000  }
0x3da: {  	v3 =	vld [tilespmem:s7+$0x15200]  }
0x3db: {  	v4 =	vld [tilespmem:s7+$0x9200]  }
0x3dc: {  	v5 =	vld [tilespmem:s7+$0x9210]  }
0x3dd: {  	v63 =	vld [tilespmem:s7+$0x15210]  }
0x3de: {  	v12 =	vld [tilespmem:s7+$0x9220]  }
0x3df: {  	v13 =	vld [tilespmem:s7+$0x15220]  }
0x3e0: {  	v14 =	vld [tilespmem:s7+$0x9230]  }
0x3e1: {  	v15 =	vld [tilespmem:s7+$0x15230]  }
0x3e2: {  	v16 =	vld [tilespmem:s7+$0x15240];
	v3 =	vmul.f32 v3, v4;
	v4 =	vmul.f32 v63, v5  }
0x3e3: {  	v5 =	vld [tilespmem:s7+$0x9240]  }
0x3e4: {  	v17 =	vld [tilespmem:s7+$0x9250];
	v3 =	vadd.f32 v4, v3;
	v4 =	vmul.f32 v13, v12  }
0x3e5: {  	v18 =	vld [tilespmem:s7+$0x15250]  }
0x3e6: {  	v19 =	vld [tilespmem:s7+$0x9260];
	v3 =	vadd.f32 v4, v3;
	v4 =	vmul.f32 v15, v14  }
0x3e7: {  	v20 =	vld [tilespmem:s7+$0x15260]  }
0x3e8: {  	v21 =	vld [tilespmem:s7+$0x15270];
	v3 =	vadd.f32 v4, v3;
	v4 =	vmul.f32 v16, v5  }
0x3e9: {  	v5 =	vld [tilespmem:s7+$0x9270]  }
0x3ea: {  	v22 =	vld [tilespmem:s7+$0x9600];
	v3 =	vadd.f32 v4, v3;
	v4 =	vmul.f32 v18, v17  }
0x3eb: {  	v23 =	vld [tilespmem:s7+$0x15600]  }
0x3ec: {  	v24 =	vld [tilespmem:s7+$0x9610];
	v3 =	vadd.f32 v4, v3;
	v4 =	vmul.f32 v20, v19  }
0x3ed: {  	v25 =	vld [tilespmem:s7+$0x15610]  }
0x3ee: {  	v26 =	vld [tilespmem:s7+$0x15620];
	v3 =	vadd.f32 v4, v3;
	v4 =	vmul.f32 v21, v5  }
0x3ef: {  	v5 =	vld [tilespmem:s7+$0x9620]  }
0x3f0: {  	v27 =	vld [tilespmem:s7+$0x9630];
	v3 =	vadd.f32 v4, v3;
	v4 =	vmul.f32 v23, v22  }
0x3f1: {  	v28 =	vld [tilespmem:s7+$0x15630]  }
0x3f2: {  	v29 =	vld [tilespmem:s7+$0x9640];
	v3 =	vadd.f32 v4, v3;
	v4 =	vmul.f32 v25, v24  }
0x3f3: {  	v30 =	vld [tilespmem:s7+$0x15640]  }
0x3f4: {  	v31 =	vld [tilespmem:s7+$0x15650];
	v3 =	vadd.f32 v4, v3;
	v4 =	vmul.f32 v26, v5  }
0x3f5: {  	v5 =	vld [tilespmem:s7+$0x9650]  }
0x3f6: {  	v32 =	vld [tilespmem:s7+$0x9660];
	v3 =	vadd.f32 v4, v3;
	v4 =	vmul.f32 v28, v27  }
0x3f7: {  	v33 =	vld [tilespmem:s7+$0x15660]  }
0x3f8: {  	v34 =	vld [tilespmem:s7+$0x9670];
	v3 =	vadd.f32 v4, v3;
	v4 =	vmul.f32 v30, v29  }
0x3f9: {  	v35 =	vld [tilespmem:s7+$0x15670]  }
0x3fa: {  	v36 =	vld [tilespmem:s7+$0x15A00];
	v3 =	vadd.f32 v4, v3;
	v4 =	vmul.f32 v31, v5  }
0x3fb: {  	v5 =	vld [tilespmem:s7+$0x9A00]  }
0x3fc: {  	v37 =	vld [tilespmem:s7+$0x9A10];
	v3 =	vadd.f32 v4, v3;
	v4 =	vmul.f32 v33, v32  }
0x3fd: {  	v38 =	vld [tilespmem:s7+$0x15A10]  }
0x3fe: {  	v39 =	vld [tilespmem:s7+$0x9A20];
	v3 =	vadd.f32 v4, v3;
	v4 =	vmul.f32 v35, v34  }
0x3ff: {  	v40 =	vld [tilespmem:s7+$0x15A20]  }
0x400: {  	v41 =	vld [tilespmem:s7+$0x15A30];
	v3 =	vadd.f32 v4, v3;
	v4 =	vmul.f32 v36, v5  }
0x401: {  	v5 =	vld [tilespmem:s7+$0x9A30]  }
0x402: {  	v42 =	vld [tilespmem:s7+$0x9A40];
	v3 =	vadd.f32 v4, v3;
	v4 =	vmul.f32 v38, v37  }
0x403: {  	v43 =	vld [tilespmem:s7+$0x15A40]  }
0x404: {  	v44 =	vld [tilespmem:s7+$0x9A50];
	v3 =	vadd.f32 v4, v3;
	v4 =	vmul.f32 v40, v39  }
0x405: {  	v45 =	vld [tilespmem:s7+$0x15A50]  }
0x406: {  	v46 =	vld [tilespmem:s7+$0x15A60];
	v3 =	vadd.f32 v4, v3;
	v4 =	vmul.f32 v41, v5  }
0x407: {  	v5 =	vld [tilespmem:s7+$0x9A60]  }
0x408: {  	v47 =	vld [tilespmem:s7+$0x9A70];
	v3 =	vadd.f32 v4, v3;
	v4 =	vmul.f32 v43, v42  }
0x409: {  	v48 =	vld [tilespmem:s7+$0x15A70]  }
0x40a: {  	v49 =	vld [tilespmem:s7+$0x9E00];
	v3 =	vadd.f32 v4, v3;
	v4 =	vmul.f32 v45, v44  }
0x40b: {  	v50 =	vld [tilespmem:s7+$0x15E00]  }
0x40c: {  	v51 =	vld [tilespmem:s7+$0x15E10];
	v3 =	vadd.f32 v4, v3;
	v4 =	vmul.f32 v46, v5  }
0x40d: {  	v5 =	vld [tilespmem:s7+$0x9E10]  }
0x40e: {  	v52 =	vld [tilespmem:s7+$0x9E20];
	v3 =	vadd.f32 v4, v3;
	v4 =	vmul.f32 v48, v47  }
0x40f: {  	v53 =	vld [tilespmem:s7+$0x15E20]  }
0x410: {  	v54 =	vld [tilespmem:s7+$0x9E30];
	v3 =	vadd.f32 v4, v3;
	v4 =	vmul.f32 v50, v49  }
0x411: {  	v55 =	vld [tilespmem:s7+$0x15E30]  }
0x412: {  	v56 =	vld [tilespmem:s7+$0x15E40];
	v3 =	vadd.f32 v4, v3;
	v4 =	vmul.f32 v51, v5  }
0x413: {  	v5 =	vld [tilespmem:s7+$0x9E40]  }
0x414: {  	v57 =	vld [tilespmem:s7+$0x9E50];
	v3 =	vadd.f32 v4, v3;
	v4 =	vmul.f32 v53, v52  }
0x415: {  	v58 =	vld [tilespmem:s7+$0x15E50]  }
0x416: {  	v59 =	vld [tilespmem:s7+$0x9E60];
	v3 =	vadd.f32 v4, v3;
	v4 =	vmul.f32 v55, v54  }
0x417: {  	v60 =	vld [tilespmem:s7+$0x15E60]  }
0x418: {  	v61 =	vld [tilespmem:s7+$0x15E70];
	v3 =	vadd.f32 v4, v3;
	v4 =	vmul.f32 v56, v5  }
0x419: {  	v5 =	vld [tilespmem:s7+$0x9E70]  }
0x41a: {  	v62 =	vld [tilespmem:s7+$0xA200];
	v3 =	vadd.f32 v4, v3;
	v4 =	vmul.f32 v58, v57  }
0x41b: {  	v63 =	vld [tilespmem:s7+$0x16200]  }
0x41c: {  	v12 =	vld [tilespmem:s7+$0xA210];
	v3 =	vadd.f32 v4, v3;
	v4 =	vmul.f32 v60, v59  }
0x41d: {  	v13 =	vld [tilespmem:s7+$0x16210]  }
0x41e: {  	v14 =	vld [tilespmem:s7+$0x16220];
	v3 =	vadd.f32 v4, v3;
	v4 =	vmul.f32 v61, v5  }
0x41f: {  	v5 =	vld [tilespmem:s7+$0xA220]  }
0x420: {  	v15 =	vld [tilespmem:s7+$0xA230];
	v3 =	vadd.f32 v4, v3;
	v4 =	vmul.f32 v63, v62  }
0x421: {  	v16 =	vld [tilespmem:s7+$0x16230]  }
0x422: {  	v17 =	vld [tilespmem:s7+$0xA240];
	v3 =	vadd.f32 v4, v3;
	v4 =	vmul.f32 v13, v12  }
0x423: {  	v18 =	vld [tilespmem:s7+$0x16240]  }
0x424: {  	v19 =	vld [tilespmem:s7+$0x16250];
	v3 =	vadd.f32 v4, v3;
	v4 =	vmul.f32 v14, v5  }
0x425: {  	v5 =	vld [tilespmem:s7+$0xA250]  }
0x426: {  	v20 =	vld [tilespmem:s7+$0xA260];
	v3 =	vadd.f32 v4, v3;
	v4 =	vmul.f32 v16, v15  }
0x427: {  	v21 =	vld [tilespmem:s7+$0x16260]  }
0x428: {  	v22 =	vld [tilespmem:s7+$0xA270];
	v3 =	vadd.f32 v4, v3;
	v4 =	vmul.f32 v18, v17  }
0x429: {  	v23 =	vld [tilespmem:s7+$0x16270]  }
0x42a: {  	v24 =	vld [tilespmem:s7+$0x16600];
	v3 =	vadd.f32 v4, v3;
	v4 =	vmul.f32 v19, v5  }
0x42b: {  	v5 =	vld [tilespmem:s7+$0xA600]  }
0x42c: {  	v25 =	vld [tilespmem:s7+$0xA610];
	v3 =	vadd.f32 v4, v3;
	v4 =	vmul.f32 v21, v20  }
0x42d: {  	v26 =	vld [tilespmem:s7+$0x16610]  }
0x42e: {  	v27 =	vld [tilespmem:s7+$0xA620];
	v3 =	vadd.f32 v4, v3;
	v4 =	vmul.f32 v23, v22  }
0x42f: {  	v28 =	vld [tilespmem:s7+$0x16620]  }
0x430: {  	v29 =	vld [tilespmem:s7+$0x16630];
	v3 =	vadd.f32 v4, v3;
	v4 =	vmul.f32 v24, v5  }
0x431: {  	v5 =	vld [tilespmem:s7+$0xA630]  }
0x432: {  	v30 =	vld [tilespmem:s7+$0xA640];
	v3 =	vadd.f32 v4, v3;
	v4 =	vmul.f32 v26, v25  }
0x433: {  	v31 =	vld [tilespmem:s7+$0x16640]  }
0x434: {  	v32 =	vld [tilespmem:s7+$0xA650];
	v3 =	vadd.f32 v4, v3;
	v4 =	vmul.f32 v28, v27  }
0x435: {  	v33 =	vld [tilespmem:s7+$0x16650]  }
0x436: {  	v34 =	vld [tilespmem:s7+$0x16660];
	v3 =	vadd.f32 v4, v3;
	v4 =	vmul.f32 v29, v5  }
0x437: {  	v5 =	vld [tilespmem:s7+$0xA660]  }
0x438: {  	v35 =	vld [tilespmem:s7+$0xA670];
	v3 =	vadd.f32 v4, v3;
	v4 =	vmul.f32 v31, v30  }
0x439: {  	v36 =	vld [tilespmem:s7+$0x16670]  }
0x43a: {  	v37 =	vld [tilespmem:s7+$0xAA00];
	v3 =	vadd.f32 v4, v3;
	v4 =	vmul.f32 v33, v32  }
0x43b: {  	v38 =	vld [tilespmem:s7+$0x16A00]  }
0x43c: {  	v39 =	vld [tilespmem:s7+$0x16A10];
	v3 =	vadd.f32 v4, v3;
	v4 =	vmul.f32 v34, v5  }
0x43d: {  	v5 =	vld [tilespmem:s7+$0xAA10]  }
0x43e: {  	v40 =	vld [tilespmem:s7+$0xAA20];
	v3 =	vadd.f32 v4, v3;
	v4 =	vmul.f32 v36, v35  }
0x43f: {  	v41 =	vld [tilespmem:s7+$0x16A20]  }
0x440: {  	v42 =	vld [tilespmem:s7+$0xAA30];
	v3 =	vadd.f32 v4, v3;
	v4 =	vmul.f32 v38, v37  }
0x441: {  	v43 =	vld [tilespmem:s7+$0x16A30]  }
0x442: {  	v44 =	vld [tilespmem:s7+$0x16A40];
	v3 =	vadd.f32 v4, v3;
	v4 =	vmul.f32 v39, v5  }
0x443: {  	v5 =	vld [tilespmem:s7+$0xAA40]  }
0x444: {  	v45 =	vld [tilespmem:s7+$0xAA50];
	v3 =	vadd.f32 v4, v3;
	v4 =	vmul.f32 v41, v40  }
0x445: {  	v46 =	vld [tilespmem:s7+$0x16A50]  }
0x446: {  	s19 =	sand.u32 $0x7, s2;
	v47 =	vld [tilespmem:s7+$0xAA60];
	v3 =	vadd.f32 v4, v3;
	v4 =	vmul.f32 v43, v42  }
0x447: {  	s12 =	sshll.u32 s19, $0x7;
	v48 =	vld [tilespmem:s7+$0x16A60]  }
0x448: {  	s12 =	sadd.s32 $0x0, s12;
	v49 =	vld [tilespmem:s7+$0x16A70];
	v3 =	vadd.f32 v4, v3;
	v4 =	vmul.f32 v44, v5  }
0x449: {  	s20 =	sor.u32 $0x1C00, s12;
	v5 =	vld [tilespmem:s7+$0xAA70]  }
0x44a: {  	v50 =	vld [tilespmem:s20+$0x9200];
	v3 =	vadd.f32 v4, v3;
	v4 =	vmul.f32 v46, v45  }
0x44b: {  	s21 =	sor.u32 $0x1C10, s12;
	v51 =	vld [tilespmem:s20+$0x15200]  }
0x44c: {  	v52 =	vld [tilespmem:s21+$0x9200];
	v3 =	vadd.f32 v4, v3;
	v4 =	vmul.f32 v48, v47  }
0x44d: {  	s22 =	sor.u32 $0x1C20, s12;
	v53 =	vld [tilespmem:s21+$0x15200]  }
0x44e: {  	v54 =	vld [tilespmem:s22+$0x15200];
	v3 =	vadd.f32 v4, v3;
	v4 =	vmul.f32 v49, v5  }
0x44f: {  	s23 =	sor.u32 $0x1C30, s12;
	v5 =	vld [tilespmem:s22+$0x9200]  }
0x450: {  	v55 =	vld [tilespmem:s23+$0x9200];
	v3 =	vadd.f32 v4, v3;
	v4 =	vmul.f32 v51, v50  }
0x451: {  	s24 =	sor.u32 $0x1C40, s12;
	v56 =	vld [tilespmem:s23+$0x15200]  }
0x452: {  	v57 =	vld [tilespmem:s24+$0x9200];
	v3 =	vadd.f32 v4, v3;
	v4 =	vmul.f32 v53, v52  }
0x453: {  	s25 =	sor.u32 $0x1C50, s12;
	v58 =	vld [tilespmem:s24+$0x15200]  }
0x454: {  	v59 =	vld [tilespmem:s25+$0x15200];
	v3 =	vadd.f32 v4, v3;
	v4 =	vmul.f32 v54, v5  }
0x455: {  	s19 =	sor.u32 $0x1C60, s12;
	v5 =	vld [tilespmem:s25+$0x9200]  }
0x456: {  	v60 =	vld [tilespmem:s19+$0x9200];
	v3 =	vadd.f32 v4, v3;
	v4 =	vmul.f32 v56, v55  }
0x457: {  	s20 =	sor.u32 $0x1C70, s12;
	v61 =	vld [tilespmem:s19+$0x15200]  }
0x458: {  	v62 =	vld [tilespmem:s20+$0x9200];
	v3 =	vadd.f32 v4, v3;
	v4 =	vmul.f32 v58, v57  }
0x459: {  	v63 =	vld [tilespmem:s20+$0x15200]  }
0x45a: {  	v3 =	vadd.f32 v4, v3;
	v4 =	vmul.f32 v59, v5  }
0x45b: {  	s21 =	sadd.s32 $0x20, s3  }
0x45c: {  	s22 =	sshll.u32 s21, $0x4;
	v3 =	vadd.f32 v4, v3;
	v4 =	vmul.f32 v61, v60  }
0x45d: {  	s7 =	sand.u32 $0x80, s21;
	s12 =	sand.u32 $0x3000, s22  }
0x45e: {  	s7 =	sor.u32 s7, s12;
	v3 =	vadd.f32 v4, v3;
	v4 =	vmul.f32 v63, v62  }
0x45f: {  	s23 =	simm.s32 $0x80;
	s24 =	sand.u32 $0xF00, s0;
	s7 =	sor.u32 $0x200, s7  }
0x460: {  	s21 =	sand.u32 $0x70, s2;
	s19 =	sadd.s32 s24, s7;
	s25 =	simm.s32 $0x400;
	v3 =	vadd.f32 v4, v3  }
0x461: {  	s12 =	sand.u32 $0x380, s23;
	s19 =	sadd.s32 s21, s19;
	s20 =	sand.u32 $0x2000, s25  }
0x462: {  	s30 =	smov.u32 s0;
	s22 =	simm.s32 $0x100;
	s20 =	sor.u32 s12, s20;
	[tilespmem:s19+$0x0] =	vst v3  }
0x463: {  	s21 =	simm.s32 $0xFFFFC400;
	s12 =	simm.s32 $0x0;
	s19 =	simm.s32 $0x0;
	v3 =	vld [tilespmem:s20+$0x15200]  }
.LBB2_7:
0x464: {  	p1 =	sne.s32 s22, $0x780;
	v4 =	vld [tilespmem:s20+$0x9200]  }
0x465: {  	v5 =	vld [tilespmem:s20+$0x9210]  }
0x466: {  	v6 =	vld [tilespmem:s20+$0x15210]  }
0x467: {  	v7 =	vld [tilespmem:s20+$0x9220]  }
0x468: {  	v8 =	vld [tilespmem:s20+$0x15220]  }
0x469: {  	v9 =	vld [tilespmem:s20+$0x9230]  }
0x46a: {  	v10 =	vld [tilespmem:s20+$0x15230]  }
0x46b: {  	v3 =	vmul.f32 v3, v4;
	v4 =	vmul.f32 v6, v5;
	v5 =	vld [tilespmem:s20+$0x9240]  }
0x46c: {  	v6 =	vld [tilespmem:s20+$0x15240]  }
0x46d: {  	v3 =	vadd.f32 v4, v3;
	v4 =	vmul.f32 v8, v7;
	v7 =	vld [tilespmem:s20+$0x9250]  }
0x46e: {  	v8 =	vld [tilespmem:s20+$0x15250]  }
0x46f: {  	v3 =	vadd.f32 v4, v3;
	v4 =	vmul.f32 v10, v9;
	v9 =	vld [tilespmem:s20+$0x9260]  }
0x470: {  	v10 =	vld [tilespmem:s20+$0x15260]  }
0x471: {  	v3 =	vadd.f32 v4, v3;
	v4 =	vmul.f32 v6, v5;
	v5 =	vld [tilespmem:s20+$0x9270]  }
0x472: {  	v6 =	vld [tilespmem:s20+$0x15270]  }
0x473: {  	v3 =	vadd.f32 v4, v3;
	v4 =	vmul.f32 v8, v7;
	v7 =	vld [tilespmem:s20+$0x9600]  }
0x474: {  	v8 =	vld [tilespmem:s20+$0x15600]  }
0x475: {  	v3 =	vadd.f32 v4, v3;
	v4 =	vmul.f32 v10, v9;
	v9 =	vld [tilespmem:s20+$0x9610]  }
0x476: {  	v10 =	vld [tilespmem:s20+$0x15610]  }
0x477: {  	v3 =	vadd.f32 v4, v3;
	v4 =	vmul.f32 v6, v5;
	v5 =	vld [tilespmem:s20+$0x9620]  }
0x478: {  	v6 =	vld [tilespmem:s20+$0x15620]  }
0x479: {  	v3 =	vadd.f32 v4, v3;
	v4 =	vmul.f32 v8, v7;
	v7 =	vld [tilespmem:s20+$0x9630]  }
0x47a: {  	v8 =	vld [tilespmem:s20+$0x15630]  }
0x47b: {  	v3 =	vadd.f32 v4, v3;
	v4 =	vmul.f32 v10, v9;
	v9 =	vld [tilespmem:s20+$0x9640]  }
0x47c: {  	v10 =	vld [tilespmem:s20+$0x15640]  }
0x47d: {  	v3 =	vadd.f32 v4, v3;
	v4 =	vmul.f32 v6, v5;
	v5 =	vld [tilespmem:s20+$0x9650]  }
0x47e: {  	v6 =	vld [tilespmem:s20+$0x15650]  }
0x47f: {  	v3 =	vadd.f32 v4, v3;
	v4 =	vmul.f32 v8, v7;
	v7 =	vld [tilespmem:s20+$0x9660]  }
0x480: {  	v8 =	vld [tilespmem:s20+$0x15660]  }
0x481: {  	v3 =	vadd.f32 v4, v3;
	v4 =	vmul.f32 v10, v9;
	v9 =	vld [tilespmem:s20+$0x9670]  }
0x482: {  	v10 =	vld [tilespmem:s20+$0x15670]  }
0x483: {  	v3 =	vadd.f32 v4, v3;
	v4 =	vmul.f32 v6, v5;
	v5 =	vld [tilespmem:s20+$0x9A00]  }
0x484: {  	v6 =	vld [tilespmem:s20+$0x15A00]  }
0x485: {  	v3 =	vadd.f32 v4, v3;
	v4 =	vmul.f32 v8, v7;
	v7 =	vld [tilespmem:s20+$0x9A10]  }
0x486: {  	v8 =	vld [tilespmem:s20+$0x15A10]  }
0x487: {  	v3 =	vadd.f32 v4, v3;
	v4 =	vmul.f32 v10, v9;
	v9 =	vld [tilespmem:s20+$0x9A20]  }
0x488: {  	v10 =	vld [tilespmem:s20+$0x15A20]  }
0x489: {  	v3 =	vadd.f32 v4, v3;
	v4 =	vmul.f32 v6, v5;
	v5 =	vld [tilespmem:s20+$0x9A30]  }
0x48a: {  	v6 =	vld [tilespmem:s20+$0x15A30]  }
0x48b: {  	v3 =	vadd.f32 v4, v3;
	v4 =	vmul.f32 v8, v7;
	v7 =	vld [tilespmem:s20+$0x9A40]  }
0x48c: {  	v8 =	vld [tilespmem:s20+$0x15A40]  }
0x48d: {  	v3 =	vadd.f32 v4, v3;
	v4 =	vmul.f32 v10, v9;
	v9 =	vld [tilespmem:s20+$0x9A50]  }
0x48e: {  	v10 =	vld [tilespmem:s20+$0x15A50]  }
0x48f: {  	v3 =	vadd.f32 v4, v3;
	v4 =	vmul.f32 v6, v5;
	v5 =	vld [tilespmem:s20+$0x9A60]  }
0x490: {  	v6 =	vld [tilespmem:s20+$0x15A60]  }
0x491: {  	v3 =	vadd.f32 v4, v3;
	v4 =	vmul.f32 v8, v7;
	v7 =	vld [tilespmem:s20+$0x9A70]  }
0x492: {  	v8 =	vld [tilespmem:s20+$0x15A70]  }
0x493: {  	v3 =	vadd.f32 v4, v3;
	v4 =	vmul.f32 v10, v9;
	v9 =	vld [tilespmem:s20+$0x9E00]  }
0x494: {  	v10 =	vld [tilespmem:s20+$0x15E00]  }
0x495: {  	v3 =	vadd.f32 v4, v3;
	v4 =	vmul.f32 v6, v5;
	v5 =	vld [tilespmem:s20+$0x9E10]  }
0x496: {  	v6 =	vld [tilespmem:s20+$0x15E10]  }
0x497: {  	v3 =	vadd.f32 v4, v3;
	v4 =	vmul.f32 v8, v7;
	v7 =	vld [tilespmem:s20+$0x9E20]  }
0x498: {  	v8 =	vld [tilespmem:s20+$0x15E20]  }
0x499: {  	v3 =	vadd.f32 v4, v3;
	v4 =	vmul.f32 v10, v9;
	v9 =	vld [tilespmem:s20+$0x9E30]  }
0x49a: {  	v10 =	vld [tilespmem:s20+$0x15E30]  }
0x49b: {  	v3 =	vadd.f32 v4, v3;
	v4 =	vmul.f32 v6, v5;
	v5 =	vld [tilespmem:s20+$0x9E40]  }
0x49c: {  	v6 =	vld [tilespmem:s20+$0x15E40]  }
0x49d: {  	v3 =	vadd.f32 v4, v3;
	v4 =	vmul.f32 v8, v7;
	v7 =	vld [tilespmem:s20+$0x9E50]  }
0x49e: {  	v8 =	vld [tilespmem:s20+$0x15E50]  }
0x49f: {  	v3 =	vadd.f32 v4, v3;
	v4 =	vmul.f32 v10, v9;
	v9 =	vld [tilespmem:s20+$0x9E60]  }
0x4a0: {  	v10 =	vld [tilespmem:s20+$0x15E60]  }
0x4a1: {  	v3 =	vadd.f32 v4, v3;
	v4 =	vmul.f32 v6, v5;
	v5 =	vld [tilespmem:s20+$0x9E70]  }
0x4a2: {  	v6 =	vld [tilespmem:s20+$0x15E70]  }
0x4a3: {  	v3 =	vadd.f32 v4, v3;
	v4 =	vmul.f32 v8, v7;
	v7 =	vld [tilespmem:s20+$0xA200]  }
0x4a4: {  	v8 =	vld [tilespmem:s20+$0x16200]  }
0x4a5: {  	v3 =	vadd.f32 v4, v3;
	v4 =	vmul.f32 v10, v9;
	v9 =	vld [tilespmem:s20+$0xA210]  }
0x4a6: {  	v10 =	vld [tilespmem:s20+$0x16210]  }
0x4a7: {  	v3 =	vadd.f32 v4, v3;
	v4 =	vmul.f32 v6, v5;
	v5 =	vld [tilespmem:s20+$0xA220]  }
0x4a8: {  	v6 =	vld [tilespmem:s20+$0x16220]  }
0x4a9: {  	v3 =	vadd.f32 v4, v3;
	v4 =	vmul.f32 v8, v7;
	v7 =	vld [tilespmem:s20+$0xA230]  }
0x4aa: {  	v8 =	vld [tilespmem:s20+$0x16230]  }
0x4ab: {  	v3 =	vadd.f32 v4, v3;
	v4 =	vmul.f32 v10, v9;
	v9 =	vld [tilespmem:s20+$0xA240]  }
0x4ac: {  	v10 =	vld [tilespmem:s20+$0x16240]  }
0x4ad: {  	v3 =	vadd.f32 v4, v3;
	v4 =	vmul.f32 v6, v5;
	v5 =	vld [tilespmem:s20+$0xA250]  }
0x4ae: {  	v6 =	vld [tilespmem:s20+$0x16250]  }
0x4af: {  	v3 =	vadd.f32 v4, v3;
	v4 =	vmul.f32 v8, v7;
	v7 =	vld [tilespmem:s20+$0xA260]  }
0x4b0: {  	v8 =	vld [tilespmem:s20+$0x16260]  }
0x4b1: {  	v3 =	vadd.f32 v4, v3;
	v4 =	vmul.f32 v10, v9;
	v9 =	vld [tilespmem:s20+$0xA270]  }
0x4b2: {  	v10 =	vld [tilespmem:s20+$0x16270]  }
0x4b3: {  	v3 =	vadd.f32 v4, v3;
	v4 =	vmul.f32 v6, v5;
	v5 =	vld [tilespmem:s20+$0xA600]  }
0x4b4: {  	v6 =	vld [tilespmem:s20+$0x16600]  }
0x4b5: {  	v3 =	vadd.f32 v4, v3;
	v4 =	vmul.f32 v8, v7;
	v7 =	vld [tilespmem:s20+$0xA610]  }
0x4b6: {  	v8 =	vld [tilespmem:s20+$0x16610]  }
0x4b7: {  	v3 =	vadd.f32 v4, v3;
	v4 =	vmul.f32 v10, v9;
	v9 =	vld [tilespmem:s20+$0xA620]  }
0x4b8: {  	v10 =	vld [tilespmem:s20+$0x16620]  }
0x4b9: {  	v3 =	vadd.f32 v4, v3;
	v4 =	vmul.f32 v6, v5;
	v5 =	vld [tilespmem:s20+$0xA630]  }
0x4ba: {  	v6 =	vld [tilespmem:s20+$0x16630]  }
0x4bb: {  	v3 =	vadd.f32 v4, v3;
	v4 =	vmul.f32 v8, v7;
	v7 =	vld [tilespmem:s20+$0xA640]  }
0x4bc: {  	v8 =	vld [tilespmem:s20+$0x16640]  }
0x4bd: {  	v3 =	vadd.f32 v4, v3;
	v4 =	vmul.f32 v10, v9;
	v9 =	vld [tilespmem:s20+$0xA650]  }
0x4be: {  	v10 =	vld [tilespmem:s20+$0x16650]  }
0x4bf: {  	v3 =	vadd.f32 v4, v3;
	v4 =	vmul.f32 v6, v5;
	v5 =	vld [tilespmem:s20+$0xA660]  }
0x4c0: {  	v6 =	vld [tilespmem:s20+$0x16660]  }
0x4c1: {  	v3 =	vadd.f32 v4, v3;
	v4 =	vmul.f32 v8, v7;
	v7 =	vld [tilespmem:s20+$0xA670]  }
0x4c2: {  	v8 =	vld [tilespmem:s20+$0x16670]  }
0x4c3: {  	v3 =	vadd.f32 v4, v3;
	v4 =	vmul.f32 v10, v9;
	v9 =	vld [tilespmem:s20+$0xAA00]  }
0x4c4: {  	v10 =	vld [tilespmem:s20+$0x16A00]  }
0x4c5: {  	v3 =	vadd.f32 v4, v3;
	v4 =	vmul.f32 v6, v5;
	v5 =	vld [tilespmem:s20+$0xAA10]  }
0x4c6: {  	v6 =	vld [tilespmem:s20+$0x16A10]  }
0x4c7: {  	v3 =	vadd.f32 v4, v3;
	v4 =	vmul.f32 v8, v7;
	v7 =	vld [tilespmem:s20+$0xAA20]  }
0x4c8: {  	v8 =	vld [tilespmem:s20+$0x16A20]  }
0x4c9: {  	v3 =	vadd.f32 v4, v3;
	v4 =	vmul.f32 v10, v9;
	v9 =	vld [tilespmem:s20+$0xAA30]  }
0x4ca: {  	v10 =	vld [tilespmem:s20+$0x16A30]  }
0x4cb: {  	v3 =	vadd.f32 v4, v3;
	v4 =	vmul.f32 v6, v5;
	v5 =	vld [tilespmem:s20+$0xAA40]  }
0x4cc: {  	v6 =	vld [tilespmem:s20+$0x16A40]  }
0x4cd: {  	v3 =	vadd.f32 v4, v3;
	v4 =	vmul.f32 v8, v7;
	v7 =	vld [tilespmem:s20+$0xAA50]  }
0x4ce: {  	s2 =	sadd.s32 $0x1, s2;
	v8 =	vld [tilespmem:s20+$0x16A50]  }
0x4cf: {  	s23 =	sand.u32 $0x7, s2;
	v3 =	vadd.f32 v4, v3;
	v4 =	vmul.f32 v10, v9;
	v9 =	vld [tilespmem:s20+$0xAA60]  }
0x4d0: {  	s19 =	sadd.s32 $0x400, s19;
	s23 =	sshll.u32 s23, $0x7;
	v10 =	vld [tilespmem:s20+$0x16A60]  }
0x4d1: {  	s23 =	sadd.s32 s23, s19;
	v3 =	vadd.f32 v4, v3;
	v4 =	vmul.f32 v6, v5;
	v5 =	vld [tilespmem:s20+$0xAA70]  }
0x4d2: {  	v6 =	vld [tilespmem:s20+$0x16A70];
	s20 =	sor.u32 $0x1C00, s23  }
0x4d3: {  	v3 =	vadd.f32 v4, v3;
	v4 =	vmul.f32 v8, v7;
	v7 =	vld [tilespmem:s20+$0x9200]  }
0x4d4: {  	v8 =	vld [tilespmem:s20+$0x15200];
	s20 =	sor.u32 $0x1C10, s23  }
0x4d5: {  	v3 =	vadd.f32 v4, v3;
	v4 =	vmul.f32 v10, v9;
	v9 =	vld [tilespmem:s20+$0x9200]  }
0x4d6: {  	v10 =	vld [tilespmem:s20+$0x15200];
	s20 =	sor.u32 $0x1C20, s23  }
0x4d7: {  	v3 =	vadd.f32 v4, v3;
	v4 =	vmul.f32 v6, v5;
	v5 =	vld [tilespmem:s20+$0x9200]  }
0x4d8: {  	v6 =	vld [tilespmem:s20+$0x15200];
	s20 =	sor.u32 $0x1C30, s23  }
0x4d9: {  	v3 =	vadd.f32 v4, v3;
	v4 =	vmul.f32 v8, v7;
	v7 =	vld [tilespmem:s20+$0x9200]  }
0x4da: {  	v8 =	vld [tilespmem:s20+$0x15200];
	s20 =	sor.u32 $0x1C40, s23  }
0x4db: {  	v3 =	vadd.f32 v4, v3;
	v4 =	vmul.f32 v10, v9;
	v9 =	vld [tilespmem:s20+$0x9200]  }
0x4dc: {  	v10 =	vld [tilespmem:s20+$0x15200];
	s20 =	sor.u32 $0x1C50, s23  }
0x4dd: {  	v3 =	vadd.f32 v4, v3;
	v4 =	vmul.f32 v6, v5;
	v5 =	vld [tilespmem:s20+$0x9200]  }
0x4de: {  	v6 =	vld [tilespmem:s20+$0x15200];
	s20 =	sor.u32 $0x1C60, s23  }
0x4df: {  	v3 =	vadd.f32 v4, v3;
	v4 =	vmul.f32 v8, v7;
	v7 =	vld [tilespmem:s20+$0x9200]  }
0x4e0: {  	v8 =	vld [tilespmem:s20+$0x15200];
	s20 =	sor.u32 $0x1C70, s23  }
0x4e1: {  	v3 =	vadd.f32 v4, v3;
	v4 =	vmul.f32 v10, v9;
	v9 =	vld [tilespmem:s20+$0x9200]  }
0x4e2: {  	v10 =	vld [tilespmem:s20+$0x15200]  }
0x4e3: {  	v3 =	vadd.f32 v4, v3;
	v4 =	vmul.f32 v6, v5;
	_ =	sdelay $0x1  }
0x4e4: {  	v3 =	vadd.f32 v4, v3;
	v4 =	vmul.f32 v8, v7;
	_ =	sdelay $0x1  }
0x4e5: {  	s30 =	sadd.s32 $0x20, s30;
	s21 =	sadd.s32 $0x400, s21;
	v3 =	vadd.f32 v4, v3;
	v4 =	vmul.f32 v10, v9  }
.Ltmp2:
0x4e6: {  	s12 =	sadd.s32 $0x10, s12;
	s20 =	sand.u32 $0xF00, s30;
	(pc) =	sbr.rel @p1 .LBB2_7-.Ltmp2, $4  }
0x4e7: {  	s24 =	sand.u32 $0x70, s12;
	s23 =	sadd.s32 $0x4000, s21;
	s20 =	sadd.s32 s20, s7;
	v3 =	vadd.f32 v4, v3  }
0x4e8: {  	s25 =	sand.u32 $0x380, s22;
	s23 =	sand.u32 $0x2000, s23;
	s24 =	sadd.s32 s24, s20  }
0x4e9: {  	s20 =	sor.u32 s25, s23;
	[tilespmem:s24+$0x0] =	vst v3  }
0x4ea: {  	s22 =	sadd.s32 $0x80, s22;
	v3 =	vld [tilespmem:s20+$0x15200]  }
0x4eb: {  	v4 =	vld [tilespmem:s20+$0x9200]  }
0x4ec: {  	v5 =	vld [tilespmem:s20+$0x9210]  }
0x4ed: {  	v6 =	vld [tilespmem:s20+$0x15210]  }
0x4ee: {  	v7 =	vld [tilespmem:s20+$0x9220]  }
0x4ef: {  	v8 =	vld [tilespmem:s20+$0x15220]  }
0x4f0: {  	v9 =	vld [tilespmem:s20+$0x9230]  }
0x4f1: {  	v10 =	vld [tilespmem:s20+$0x15230]  }
0x4f2: {  	v38 =	vld [tilespmem:s20+$0x9240];
	v3 =	vmul.f32 v3, v4;
	v37 =	vmul.f32 v6, v5  }
0x4f3: {  	v39 =	vld [tilespmem:s20+$0x15240]  }
0x4f4: {  	v41 =	vld [tilespmem:s20+$0x9250];
	v40 =	vmul.f32 v8, v7;
	v3 =	vadd.f32 v37, v3  }
0x4f5: {  	v42 =	vld [tilespmem:s20+$0x15250]  }
0x4f6: {  	v44 =	vld [tilespmem:s20+$0x9260];
	v43 =	vmul.f32 v10, v9;
	v3 =	vadd.f32 v40, v3  }
0x4f7: {  	v45 =	vld [tilespmem:s20+$0x15260]  }
0x4f8: {  	v47 =	vld [tilespmem:s20+$0x9270];
	v46 =	vmul.f32 v39, v38;
	v3 =	vadd.f32 v43, v3  }
0x4f9: {  	v48 =	vld [tilespmem:s20+$0x15270]  }
0x4fa: {  	v50 =	vld [tilespmem:s20+$0x9600];
	v49 =	vmul.f32 v42, v41;
	v3 =	vadd.f32 v46, v3  }
0x4fb: {  	v51 =	vld [tilespmem:s20+$0x15600]  }
0x4fc: {  	v53 =	vld [tilespmem:s20+$0x9610];
	v52 =	vmul.f32 v45, v44;
	v3 =	vadd.f32 v49, v3  }
0x4fd: {  	v54 =	vld [tilespmem:s20+$0x15610]  }
0x4fe: {  	v56 =	vld [tilespmem:s20+$0x9620];
	v55 =	vmul.f32 v48, v47;
	v3 =	vadd.f32 v52, v3  }
0x4ff: {  	v57 =	vld [tilespmem:s20+$0x15620]  }
0x500: {  	v59 =	vld [tilespmem:s20+$0x9630];
	v58 =	vmul.f32 v51, v50;
	v3 =	vadd.f32 v55, v3  }
0x501: {  	v60 =	vld [tilespmem:s20+$0x15630]  }
0x502: {  	v62 =	vld [tilespmem:s20+$0x9640];
	v61 =	vmul.f32 v54, v53;
	v3 =	vadd.f32 v58, v3  }
0x503: {  	v63 =	vld [tilespmem:s20+$0x15640]  }
0x504: {  	v13 =	vld [tilespmem:s20+$0x9650];
	v12 =	vmul.f32 v57, v56;
	v3 =	vadd.f32 v61, v3  }
0x505: {  	v14 =	vld [tilespmem:s20+$0x15650]  }
0x506: {  	v16 =	vld [tilespmem:s20+$0x9660];
	v15 =	vmul.f32 v60, v59;
	v3 =	vadd.f32 v12, v3  }
0x507: {  	v17 =	vld [tilespmem:s20+$0x15660]  }
0x508: {  	v19 =	vld [tilespmem:s20+$0x9670];
	v18 =	vmul.f32 v63, v62;
	v3 =	vadd.f32 v15, v3  }
0x509: {  	v20 =	vld [tilespmem:s20+$0x15670]  }
0x50a: {  	v22 =	vld [tilespmem:s20+$0x9A00];
	v21 =	vmul.f32 v14, v13;
	v3 =	vadd.f32 v18, v3  }
0x50b: {  	v23 =	vld [tilespmem:s20+$0x15A00]  }
0x50c: {  	v25 =	vld [tilespmem:s20+$0x9A10];
	v24 =	vmul.f32 v17, v16;
	v3 =	vadd.f32 v21, v3  }
0x50d: {  	v26 =	vld [tilespmem:s20+$0x15A10]  }
0x50e: {  	v28 =	vld [tilespmem:s20+$0x9A20];
	v27 =	vmul.f32 v20, v19;
	v3 =	vadd.f32 v24, v3  }
0x50f: {  	v29 =	vld [tilespmem:s20+$0x15A20]  }
0x510: {  	v31 =	vld [tilespmem:s20+$0x9A30];
	v30 =	vmul.f32 v23, v22;
	v3 =	vadd.f32 v27, v3  }
0x511: {  	v32 =	vld [tilespmem:s20+$0x15A30]  }
0x512: {  	v34 =	vld [tilespmem:s20+$0x9A40];
	v33 =	vmul.f32 v26, v25;
	v3 =	vadd.f32 v30, v3  }
0x513: {  	v35 =	vld [tilespmem:s20+$0x15A40]  }
0x514: {  	v36 =	vmul.f32 v29, v28;
	v38 =	vld [tilespmem:s20+$0x15A50];
	v3 =	vadd.f32 v33, v3  }
0x515: {  	v37 =	vld [tilespmem:s20+$0x9A50]  }
0x516: {  	v39 =	vmul.f32 v32, v31;
	v41 =	vld [tilespmem:s20+$0x15A60];
	v3 =	vadd.f32 v36, v3  }
0x517: {  	v40 =	vld [tilespmem:s20+$0x9A60]  }
0x518: {  	v42 =	vmul.f32 v35, v34;
	v44 =	vld [tilespmem:s20+$0x15A70];
	v3 =	vadd.f32 v39, v3  }
0x519: {  	v43 =	vld [tilespmem:s20+$0x9A70]  }
0x51a: {  	v47 =	vld [tilespmem:s20+$0x15E00];
	v45 =	vmul.f32 v38, v37;
	v3 =	vadd.f32 v42, v3  }
0x51b: {  	v46 =	vld [tilespmem:s20+$0x9E00]  }
0x51c: {  	v50 =	vld [tilespmem:s20+$0x15E10];
	v48 =	vmul.f32 v41, v40;
	v3 =	vadd.f32 v45, v3  }
0x51d: {  	v49 =	vld [tilespmem:s20+$0x9E10]  }
0x51e: {  	v53 =	vld [tilespmem:s20+$0x15E20];
	v51 =	vmul.f32 v44, v43;
	v3 =	vadd.f32 v48, v3  }
0x51f: {  	v52 =	vld [tilespmem:s20+$0x9E20]  }
0x520: {  	v56 =	vld [tilespmem:s20+$0x15E30];
	v54 =	vmul.f32 v47, v46;
	v3 =	vadd.f32 v51, v3  }
0x521: {  	v55 =	vld [tilespmem:s20+$0x9E30]  }
0x522: {  	v59 =	vld [tilespmem:s20+$0x15E40];
	v57 =	vmul.f32 v50, v49;
	v3 =	vadd.f32 v54, v3  }
0x523: {  	v58 =	vld [tilespmem:s20+$0x9E40]  }
0x524: {  	v62 =	vld [tilespmem:s20+$0x15E50];
	v60 =	vmul.f32 v53, v52;
	v3 =	vadd.f32 v57, v3  }
0x525: {  	v61 =	vld [tilespmem:s20+$0x9E50]  }
0x526: {  	v13 =	vld [tilespmem:s20+$0x15E60];
	v63 =	vmul.f32 v56, v55;
	v3 =	vadd.f32 v60, v3  }
0x527: {  	v12 =	vld [tilespmem:s20+$0x9E60]  }
0x528: {  	v16 =	vld [tilespmem:s20+$0x15E70];
	v14 =	vmul.f32 v59, v58;
	v3 =	vadd.f32 v63, v3  }
0x529: {  	v15 =	vld [tilespmem:s20+$0x9E70]  }
0x52a: {  	v19 =	vld [tilespmem:s20+$0x16200];
	v17 =	vmul.f32 v62, v61;
	v3 =	vadd.f32 v14, v3  }
0x52b: {  	v18 =	vld [tilespmem:s20+$0xA200]  }
0x52c: {  	v22 =	vld [tilespmem:s20+$0x16210];
	v20 =	vmul.f32 v13, v12;
	v3 =	vadd.f32 v17, v3  }
0x52d: {  	v21 =	vld [tilespmem:s20+$0xA210]  }
0x52e: {  	v25 =	vld [tilespmem:s20+$0x16220];
	v23 =	vmul.f32 v16, v15;
	v3 =	vadd.f32 v20, v3  }
0x52f: {  	v24 =	vld [tilespmem:s20+$0xA220]  }
0x530: {  	v28 =	vld [tilespmem:s20+$0x16230];
	v26 =	vmul.f32 v19, v18;
	v3 =	vadd.f32 v23, v3  }
0x531: {  	v27 =	vld [tilespmem:s20+$0xA230]  }
0x532: {  	v31 =	vld [tilespmem:s20+$0x16240];
	v29 =	vmul.f32 v22, v21;
	v3 =	vadd.f32 v26, v3  }
0x533: {  	v30 =	vld [tilespmem:s20+$0xA240]  }
0x534: {  	v34 =	vld [tilespmem:s20+$0x16250];
	v32 =	vmul.f32 v25, v24;
	v3 =	vadd.f32 v29, v3  }
0x535: {  	v33 =	vld [tilespmem:s20+$0xA250]  }
0x536: {  	v37 =	vld [tilespmem:s20+$0x16260];
	v35 =	vmul.f32 v28, v27;
	v3 =	vadd.f32 v32, v3  }
0x537: {  	v36 =	vld [tilespmem:s20+$0xA260]  }
0x538: {  	v40 =	vld [tilespmem:s20+$0x16270];
	v38 =	vmul.f32 v31, v30;
	v3 =	vadd.f32 v35, v3  }
0x539: {  	v39 =	vld [tilespmem:s20+$0xA270]  }
0x53a: {  	v43 =	vld [tilespmem:s20+$0x16600];
	v41 =	vmul.f32 v34, v33;
	v3 =	vadd.f32 v38, v3  }
0x53b: {  	v42 =	vld [tilespmem:s20+$0xA600]  }
0x53c: {  	v46 =	vld [tilespmem:s20+$0x16610];
	v44 =	vmul.f32 v37, v36;
	v3 =	vadd.f32 v41, v3  }
0x53d: {  	v45 =	vld [tilespmem:s20+$0xA610]  }
0x53e: {  	v49 =	vld [tilespmem:s20+$0x16620];
	v47 =	vmul.f32 v40, v39;
	v3 =	vadd.f32 v44, v3  }
0x53f: {  	v48 =	vld [tilespmem:s20+$0xA620]  }
0x540: {  	v52 =	vld [tilespmem:s20+$0x16630];
	v50 =	vmul.f32 v43, v42;
	v3 =	vadd.f32 v47, v3  }
0x541: {  	v51 =	vld [tilespmem:s20+$0xA630]  }
0x542: {  	v55 =	vld [tilespmem:s20+$0x16640];
	v53 =	vmul.f32 v46, v45;
	v3 =	vadd.f32 v50, v3  }
0x543: {  	v54 =	vld [tilespmem:s20+$0xA640]  }
0x544: {  	v58 =	vld [tilespmem:s20+$0x16650];
	v56 =	vmul.f32 v49, v48;
	v3 =	vadd.f32 v53, v3  }
0x545: {  	v57 =	vld [tilespmem:s20+$0xA650]  }
0x546: {  	v61 =	vld [tilespmem:s20+$0x16660];
	v59 =	vmul.f32 v52, v51;
	v3 =	vadd.f32 v56, v3  }
0x547: {  	v60 =	vld [tilespmem:s20+$0xA660]  }
0x548: {  	v12 =	vld [tilespmem:s20+$0x16670];
	v62 =	vmul.f32 v55, v54;
	v3 =	vadd.f32 v59, v3  }
0x549: {  	v63 =	vld [tilespmem:s20+$0xA670]  }
0x54a: {  	v15 =	vld [tilespmem:s20+$0x16A00];
	v13 =	vmul.f32 v58, v57;
	v3 =	vadd.f32 v62, v3  }
0x54b: {  	v14 =	vld [tilespmem:s20+$0xAA00]  }
0x54c: {  	v18 =	vld [tilespmem:s20+$0x16A10];
	v16 =	vmul.f32 v61, v60;
	v3 =	vadd.f32 v13, v3  }
0x54d: {  	v17 =	vld [tilespmem:s20+$0xAA10]  }
0x54e: {  	v21 =	vld [tilespmem:s20+$0x16A20];
	v19 =	vmul.f32 v12, v63;
	v3 =	vadd.f32 v16, v3  }
0x54f: {  	v20 =	vld [tilespmem:s20+$0xAA20]  }
0x550: {  	v24 =	vld [tilespmem:s20+$0x16A30];
	v22 =	vmul.f32 v15, v14;
	v3 =	vadd.f32 v19, v3  }
0x551: {  	v23 =	vld [tilespmem:s20+$0xAA30]  }
0x552: {  	v27 =	vld [tilespmem:s20+$0x16A40];
	v25 =	vmul.f32 v18, v17;
	v3 =	vadd.f32 v22, v3  }
0x553: {  	v26 =	vld [tilespmem:s20+$0xAA40]  }
0x554: {  	v30 =	vld [tilespmem:s20+$0x16A50];
	v28 =	vmul.f32 v21, v20;
	v3 =	vadd.f32 v25, v3  }
0x555: {  	s2 =	sadd.s32 $0x1, s2;
	v29 =	vld [tilespmem:s20+$0xAA50]  }
0x556: {  	s2 =	sand.u32 $0x7, s2;
	v33 =	vld [tilespmem:s20+$0x16A60];
	v31 =	vmul.f32 v24, v23;
	v3 =	vadd.f32 v28, v3  }
0x557: {  	s19 =	sadd.s32 $0x400, s19;
	s2 =	sshll.u32 s2, $0x7;
	v32 =	vld [tilespmem:s20+$0xAA60]  }
0x558: {  	s2 =	sadd.s32 s2, s19;
	v36 =	vld [tilespmem:s20+$0x16A70];
	v34 =	vmul.f32 v27, v26;
	v3 =	vadd.f32 v31, v3  }
0x559: {  	s19 =	sor.u32 $0x1C00, s2;
	v35 =	vld [tilespmem:s20+$0xAA70]  }
0x55a: {  	v39 =	vld [tilespmem:s19+$0x15200];
	v37 =	vmul.f32 v30, v29;
	v3 =	vadd.f32 v34, v3  }
0x55b: {  	s20 =	sor.u32 $0x1C10, s2;
	v38 =	vld [tilespmem:s19+$0x9200]  }
0x55c: {  	v42 =	vld [tilespmem:s20+$0x15200];
	v40 =	vmul.f32 v33, v32;
	v3 =	vadd.f32 v37, v3  }
0x55d: {  	s21 =	sor.u32 $0x1C20, s2;
	v41 =	vld [tilespmem:s20+$0x9200]  }
0x55e: {  	v45 =	vld [tilespmem:s21+$0x15200];
	v43 =	vmul.f32 v36, v35;
	v3 =	vadd.f32 v40, v3  }
0x55f: {  	s22 =	sor.u32 $0x1C30, s2;
	v44 =	vld [tilespmem:s21+$0x9200]  }
0x560: {  	v48 =	vld [tilespmem:s22+$0x15200];
	v46 =	vmul.f32 v39, v38;
	v3 =	vadd.f32 v43, v3  }
0x561: {  	s23 =	sor.u32 $0x1C40, s2;
	v47 =	vld [tilespmem:s22+$0x9200]  }
0x562: {  	v51 =	vld [tilespmem:s23+$0x15200];
	v49 =	vmul.f32 v42, v41;
	v3 =	vadd.f32 v46, v3  }
0x563: {  	s24 =	sor.u32 $0x1C50, s2;
	v50 =	vld [tilespmem:s23+$0x9200]  }
0x564: {  	v54 =	vld [tilespmem:s24+$0x15200];
	v52 =	vmul.f32 v45, v44;
	v3 =	vadd.f32 v49, v3  }
0x565: {  	s25 =	sor.u32 $0x1C60, s2;
	v53 =	vld [tilespmem:s24+$0x9200]  }
0x566: {  	v57 =	vld [tilespmem:s25+$0x15200];
	v55 =	vmul.f32 v48, v47;
	v3 =	vadd.f32 v52, v3  }
0x567: {  	s2 =	sor.u32 $0x1C70, s2;
	v56 =	vld [tilespmem:s25+$0x9200]  }
0x568: {  	v60 =	vld [tilespmem:s2+$0x15200];
	v58 =	vmul.f32 v51, v50;
	v3 =	vadd.f32 v55, v3  }
0x569: {  	v59 =	vld [tilespmem:s2+$0x9200]  }
0x56a: {  	v61 =	vmul.f32 v54, v53;
	v3 =	vadd.f32 v58, v3;
	_ =	sdelay $0x1  }
0x56b: {  	v62 =	vmul.f32 v57, v56;
	v3 =	vadd.f32 v61, v3;
	_ =	sdelay $0x1  }
.Ltmp3:
0x56c: {  	s30 =	sadd.s32 $0x20, s30;
	v63 =	vmul.f32 v60, v59;
	v3 =	vadd.f32 v62, v3;
	(pc) =	sbr.rel @p0 .LBB2_10-.Ltmp3, $4  }
0x56d: {  	s12 =	sadd.s32 $0x10, s12;
	s2 =	sand.u32 $0xF00, s30  }
0x56e: {  	s12 =	sand.u32 $0x70, s12;
	s2 =	sadd.s32 s2, s7;
	v3 =	vadd.f32 v63, v3  }
0x56f: {  	s2 =	sadd.s32 s12, s2  }
0x570: {  	[tilespmem:s2+$0x0] =	vst v3  }
0x571: {  	v3 =	vld [tilespmem:s3+$0x50];
	_ =	sdelay $0x4  }
0x572: {  	v4 =	vshll.u32 v3, $0x3  }
0x573: {  	v3 =	vand.u32 $0x7, v3;
	v4 =	vand.u32 $0xFFFFFFC0, v4  }
0x574: {  	v3 =	vor.u32 v3, v4  }
0x575: {  	v4 =	vperm.xlane v3, v0;
	_ =	sdelay $0x1  }
0x576: {  	v4 =	vadd.s32 v1, v4;
	_ =	sdelay $0x3  }
0x577: {  	s2 =	simm.s32 $0x9200  }
0x578: {  	[tilespmem:s2], [sflag:$0x3] =	stream.indirect_vreg.gather [hbm4b:s1+s6], $0x80, v4, vm0, $0xb8;
	[tilespmem:$0x19200] =	vst v63  }
0x579: {  	s12 =	simm.s32 $0x9A00;
	v3 =	vperm.xlane v3, v2  }
0x57a: {  	[tilespmem:s12], [sflag:$0x3] =	stream.indirect_vreg.gather [hbm4b:s8+s6], $0x80, v4, vm0, $0xb8;
	[tilespmem:$0x19200] =	vst v63  }
0x57b: {  	s19 =	simm.s32 $0xA200;
	v3 =	vadd.s32 v1, v3  }
0x57c: {  	[tilespmem:s19], [sflag:$0x3] =	stream.indirect_vreg.gather [hbm4b:s10+s6], $0x80, v4, vm0, $0xb8;
	[tilespmem:$0x19200] =	vst v63  }
0x57d: {  	s20 =	simm.s32 $0xAA00  }
0x57e: {  	[tilespmem:s20], [sflag:$0x3] =	stream.indirect_vreg.gather [hbm4b:s11+s6], $0x80, v4, vm0, $0xb8;
	[tilespmem:$0x19200] =	vst v63  }
0x57f: {  	s21 =	simm.s32 $0xB200  }
0x580: {  	[tilespmem:s21], [sflag:$0x3] =	stream.indirect_vreg.gather [hbm4b:s1+s6], $0x80, v3, vm0, $0xb8;
	[tilespmem:$0x19200] =	vst v63  }
0x581: {  	s22 =	simm.s32 $0xBA00  }
0x582: {  	[tilespmem:s22], [sflag:$0x3] =	stream.indirect_vreg.gather [hbm4b:s8+s6], $0x80, v3, vm0, $0xb8;
	[tilespmem:$0x19200] =	vst v63  }
0x583: {  	s23 =	simm.s32 $0xC200;
	s24 =	sadd.s32 $0x50, s3;
	s25 =	simm.s32 $0xCA00  }
0x584: {  	[tilespmem:s23], [sflag:$0x3] =	stream.indirect_vreg.gather [hbm4b:s10+s6], $0x80, v3, vm0, $0xb8;
	[tilespmem:$0x19200] =	vst v63  }
.Ltmp4:
0x585: {  	s30 =	simm.s32 $0x15200;
	s2 =	sadd.s32 s5, s24;
	(pc) =	sbr.rel .LBB2_2-.Ltmp4, $4  }
0x586: {  	s31 =	sadd.s32 $0x1, s31;
	s13 =	sadd.s32 $0x600, s13;
	s2 =	sshll.u32 s2, $0x7  }
0x587: {  	[tilespmem:s25], [sflag:$0x3] =	stream.indirect_vreg.gather [hbm4b:s11+s6], $0x80, v3, vm0, $0xb8;
	[tilespmem:$0x19200] =	vst v63  }
0x588: {  	s29 =	sadd.s32 $0x600, s29;
	s0 =	sadd.s32 $0x600, s0;
	s2 =	sadd.s32 s4, s2  }
0x589: {  	[tilespmem:s30], [sflag:$0x6] =	stream.linear.gather [hbm4b:s2+s6], $0x4000, $0x38;
	[tilespmem:$0x19200] =	vst v63  }
.LBB2_10:
0x58a: {  	_ =	swait.ge [sflag:s15], $0x4000  }
0x58b: {  	[sflag:s15] =	ssyncset.done $0x0  }
0x58c: {  	[sflag:s15] =	ssyncadd.s32 $0xFFFFC000  }
0x58d: {  	s0 =	simm.s32 $0x0;
	_ =	swait.ge [sflag:s16], $0x4000  }
0x58e: {  	s2 =	sand.u32 $0x2000, s0;
	s3 =	sand.u32 $0x380, s0;
	[sflag:s16] =	ssyncset.done $0x0  }
0x58f: {  	s2 =	sor.u32 s3, s2;
	[sflag:s16] =	ssyncadd.s32 $0xFFFFC000  }
0x590: {  	v3 =	vld [tilespmem:s2+$0xD200]  }
0x591: {  	v4 =	vld [tilespmem:s2+$0x1200]  }
0x592: {  	v5 =	vld [tilespmem:s2+$0x1210]  }
0x593: {  	v6 =	vld [tilespmem:s2+$0xD210]  }
0x594: {  	v7 =	vld [tilespmem:s2+$0x1220]  }
0x595: {  	v8 =	vld [tilespmem:s2+$0xD220]  }
0x596: {  	v9 =	vld [tilespmem:s2+$0x1230]  }
0x597: {  	v10 =	vld [tilespmem:s2+$0xD230]  }
0x598: {  	v3 =	vmul.f32 v3, v4;
	v4 =	vmul.f32 v6, v5;
	v5 =	vld [tilespmem:s2+$0x1240]  }
0x599: {  	v6 =	vld [tilespmem:s2+$0xD240]  }
0x59a: {  	v56 =	vld [tilespmem:s2+$0xD250];
	v3 =	vadd.f32 v4, v3;
	v4 =	vmul.f32 v8, v7  }
0x59b: {  	v7 =	vld [tilespmem:s2+$0x1250]  }
0x59c: {  	v57 =	vld [tilespmem:s2+$0x1260];
	v3 =	vadd.f32 v4, v3;
	v4 =	vmul.f32 v10, v9  }
0x59d: {  	v58 =	vld [tilespmem:s2+$0xD260]  }
0x59e: {  	v3 =	vadd.f32 v4, v3;
	v4 =	vmul.f32 v6, v5;
	v5 =	vld [tilespmem:s2+$0x1270]  }
0x59f: {  	v6 =	vld [tilespmem:s2+$0xD270]  }
0x5a0: {  	v59 =	vld [tilespmem:s2+$0xD600];
	v3 =	vadd.f32 v4, v3;
	v4 =	vmul.f32 v56, v7  }
0x5a1: {  	v7 =	vld [tilespmem:s2+$0x1600]  }
0x5a2: {  	v60 =	vld [tilespmem:s2+$0x1610];
	v3 =	vadd.f32 v4, v3;
	v4 =	vmul.f32 v58, v57  }
0x5a3: {  	v61 =	vld [tilespmem:s2+$0xD610]  }
0x5a4: {  	v3 =	vadd.f32 v4, v3;
	v4 =	vmul.f32 v6, v5;
	v5 =	vld [tilespmem:s2+$0x1620]  }
0x5a5: {  	v6 =	vld [tilespmem:s2+$0xD620]  }
0x5a6: {  	v62 =	vld [tilespmem:s2+$0xD630];
	v3 =	vadd.f32 v4, v3;
	v4 =	vmul.f32 v59, v7  }
0x5a7: {  	v7 =	vld [tilespmem:s2+$0x1630]  }
0x5a8: {  	v63 =	vld [tilespmem:s2+$0x1640];
	v3 =	vadd.f32 v4, v3;
	v4 =	vmul.f32 v61, v60  }
0x5a9: {  	v12 =	vld [tilespmem:s2+$0xD640]  }
0x5aa: {  	v3 =	vadd.f32 v4, v3;
	v4 =	vmul.f32 v6, v5;
	v5 =	vld [tilespmem:s2+$0x1650]  }
0x5ab: {  	v6 =	vld [tilespmem:s2+$0xD650]  }
0x5ac: {  	v13 =	vld [tilespmem:s2+$0xD660];
	v3 =	vadd.f32 v4, v3;
	v4 =	vmul.f32 v62, v7  }
0x5ad: {  	v7 =	vld [tilespmem:s2+$0x1660]  }
0x5ae: {  	v14 =	vld [tilespmem:s2+$0x1670];
	v3 =	vadd.f32 v4, v3;
	v4 =	vmul.f32 v12, v63  }
0x5af: {  	v15 =	vld [tilespmem:s2+$0xD670]  }
0x5b0: {  	v3 =	vadd.f32 v4, v3;
	v4 =	vmul.f32 v6, v5;
	v5 =	vld [tilespmem:s2+$0x1A00]  }
0x5b1: {  	v6 =	vld [tilespmem:s2+$0xDA00]  }
0x5b2: {  	v16 =	vld [tilespmem:s2+$0xDA10];
	v3 =	vadd.f32 v4, v3;
	v4 =	vmul.f32 v13, v7  }
0x5b3: {  	v7 =	vld [tilespmem:s2+$0x1A10]  }
0x5b4: {  	v17 =	vld [tilespmem:s2+$0x1A20];
	v3 =	vadd.f32 v4, v3;
	v4 =	vmul.f32 v15, v14  }
0x5b5: {  	v18 =	vld [tilespmem:s2+$0xDA20]  }
0x5b6: {  	v3 =	vadd.f32 v4, v3;
	v4 =	vmul.f32 v6, v5;
	v5 =	vld [tilespmem:s2+$0x1A30]  }
0x5b7: {  	v6 =	vld [tilespmem:s2+$0xDA30]  }
0x5b8: {  	v19 =	vld [tilespmem:s2+$0xDA40];
	v3 =	vadd.f32 v4, v3;
	v4 =	vmul.f32 v16, v7  }
0x5b9: {  	v7 =	vld [tilespmem:s2+$0x1A40]  }
0x5ba: {  	v20 =	vld [tilespmem:s2+$0x1A50];
	v3 =	vadd.f32 v4, v3;
	v4 =	vmul.f32 v18, v17  }
0x5bb: {  	v21 =	vld [tilespmem:s2+$0xDA50]  }
0x5bc: {  	v3 =	vadd.f32 v4, v3;
	v4 =	vmul.f32 v6, v5;
	v5 =	vld [tilespmem:s2+$0x1A60]  }
0x5bd: {  	v6 =	vld [tilespmem:s2+$0xDA60]  }
0x5be: {  	v22 =	vld [tilespmem:s2+$0xDA70];
	v3 =	vadd.f32 v4, v3;
	v4 =	vmul.f32 v19, v7  }
0x5bf: {  	v7 =	vld [tilespmem:s2+$0x1A70]  }
0x5c0: {  	v23 =	vld [tilespmem:s2+$0x1E00];
	v3 =	vadd.f32 v4, v3;
	v4 =	vmul.f32 v21, v20  }
0x5c1: {  	v24 =	vld [tilespmem:s2+$0xDE00]  }
0x5c2: {  	v3 =	vadd.f32 v4, v3;
	v4 =	vmul.f32 v6, v5;
	v5 =	vld [tilespmem:s2+$0x1E10]  }
0x5c3: {  	v6 =	vld [tilespmem:s2+$0xDE10]  }
0x5c4: {  	v25 =	vld [tilespmem:s2+$0xDE20];
	v3 =	vadd.f32 v4, v3;
	v4 =	vmul.f32 v22, v7  }
0x5c5: {  	v7 =	vld [tilespmem:s2+$0x1E20]  }
0x5c6: {  	v26 =	vld [tilespmem:s2+$0x1E30];
	v3 =	vadd.f32 v4, v3;
	v4 =	vmul.f32 v24, v23  }
0x5c7: {  	v27 =	vld [tilespmem:s2+$0xDE30]  }
0x5c8: {  	v3 =	vadd.f32 v4, v3;
	v4 =	vmul.f32 v6, v5;
	v5 =	vld [tilespmem:s2+$0x1E40]  }
0x5c9: {  	v6 =	vld [tilespmem:s2+$0xDE40]  }
0x5ca: {  	v28 =	vld [tilespmem:s2+$0xDE50];
	v3 =	vadd.f32 v4, v3;
	v4 =	vmul.f32 v25, v7  }
0x5cb: {  	v7 =	vld [tilespmem:s2+$0x1E50]  }
0x5cc: {  	v29 =	vld [tilespmem:s2+$0x1E60];
	v3 =	vadd.f32 v4, v3;
	v4 =	vmul.f32 v27, v26  }
0x5cd: {  	v30 =	vld [tilespmem:s2+$0xDE60]  }
0x5ce: {  	v3 =	vadd.f32 v4, v3;
	v4 =	vmul.f32 v6, v5;
	v5 =	vld [tilespmem:s2+$0x1E70]  }
0x5cf: {  	v6 =	vld [tilespmem:s2+$0xDE70]  }
0x5d0: {  	v31 =	vld [tilespmem:s2+$0xE200];
	v3 =	vadd.f32 v4, v3;
	v4 =	vmul.f32 v28, v7  }
0x5d1: {  	v7 =	vld [tilespmem:s2+$0x2200]  }
0x5d2: {  	v32 =	vld [tilespmem:s2+$0x2210];
	v3 =	vadd.f32 v4, v3;
	v4 =	vmul.f32 v30, v29  }
0x5d3: {  	v33 =	vld [tilespmem:s2+$0xE210]  }
0x5d4: {  	v3 =	vadd.f32 v4, v3;
	v4 =	vmul.f32 v6, v5;
	v5 =	vld [tilespmem:s2+$0x2220]  }
0x5d5: {  	v6 =	vld [tilespmem:s2+$0xE220]  }
0x5d6: {  	v34 =	vld [tilespmem:s2+$0xE230];
	v3 =	vadd.f32 v4, v3;
	v4 =	vmul.f32 v31, v7  }
0x5d7: {  	v7 =	vld [tilespmem:s2+$0x2230]  }
0x5d8: {  	v35 =	vld [tilespmem:s2+$0x2240];
	v3 =	vadd.f32 v4, v3;
	v4 =	vmul.f32 v33, v32  }
0x5d9: {  	v36 =	vld [tilespmem:s2+$0xE240]  }
0x5da: {  	v3 =	vadd.f32 v4, v3;
	v4 =	vmul.f32 v6, v5;
	v5 =	vld [tilespmem:s2+$0x2250]  }
0x5db: {  	v6 =	vld [tilespmem:s2+$0xE250]  }
0x5dc: {  	v37 =	vld [tilespmem:s2+$0xE260];
	v3 =	vadd.f32 v4, v3;
	v4 =	vmul.f32 v34, v7  }
0x5dd: {  	v7 =	vld [tilespmem:s2+$0x2260]  }
0x5de: {  	v38 =	vld [tilespmem:s2+$0x2270];
	v3 =	vadd.f32 v4, v3;
	v4 =	vmul.f32 v36, v35  }
0x5df: {  	v39 =	vld [tilespmem:s2+$0xE270]  }
0x5e0: {  	v3 =	vadd.f32 v4, v3;
	v4 =	vmul.f32 v6, v5;
	v5 =	vld [tilespmem:s2+$0x2600]  }
0x5e1: {  	v6 =	vld [tilespmem:s2+$0xE600]  }
0x5e2: {  	v40 =	vld [tilespmem:s2+$0xE610];
	v3 =	vadd.f32 v4, v3;
	v4 =	vmul.f32 v37, v7  }
0x5e3: {  	v7 =	vld [tilespmem:s2+$0x2610]  }
0x5e4: {  	v41 =	vld [tilespmem:s2+$0x2620];
	v3 =	vadd.f32 v4, v3;
	v4 =	vmul.f32 v39, v38  }
0x5e5: {  	v42 =	vld [tilespmem:s2+$0xE620]  }
0x5e6: {  	v3 =	vadd.f32 v4, v3;
	v4 =	vmul.f32 v6, v5;
	v5 =	vld [tilespmem:s2+$0x2630]  }
0x5e7: {  	v6 =	vld [tilespmem:s2+$0xE630]  }
0x5e8: {  	v43 =	vld [tilespmem:s2+$0xE640];
	v3 =	vadd.f32 v4, v3;
	v4 =	vmul.f32 v40, v7  }
0x5e9: {  	v7 =	vld [tilespmem:s2+$0x2640]  }
0x5ea: {  	v44 =	vld [tilespmem:s2+$0x2650];
	v3 =	vadd.f32 v4, v3;
	v4 =	vmul.f32 v42, v41  }
0x5eb: {  	v45 =	vld [tilespmem:s2+$0xE650]  }
0x5ec: {  	v3 =	vadd.f32 v4, v3;
	v4 =	vmul.f32 v6, v5;
	v5 =	vld [tilespmem:s2+$0x2660]  }
0x5ed: {  	v6 =	vld [tilespmem:s2+$0xE660]  }
0x5ee: {  	v46 =	vld [tilespmem:s2+$0xE670];
	v3 =	vadd.f32 v4, v3;
	v4 =	vmul.f32 v43, v7  }
0x5ef: {  	v7 =	vld [tilespmem:s2+$0x2670]  }
0x5f0: {  	v47 =	vld [tilespmem:s2+$0x2A00];
	v3 =	vadd.f32 v4, v3;
	v4 =	vmul.f32 v45, v44  }
0x5f1: {  	v48 =	vld [tilespmem:s2+$0xEA00]  }
0x5f2: {  	v3 =	vadd.f32 v4, v3;
	v4 =	vmul.f32 v6, v5;
	v5 =	vld [tilespmem:s2+$0x2A10]  }
0x5f3: {  	v6 =	vld [tilespmem:s2+$0xEA10]  }
0x5f4: {  	v49 =	vld [tilespmem:s2+$0xEA20];
	v3 =	vadd.f32 v4, v3;
	v4 =	vmul.f32 v46, v7  }
0x5f5: {  	v7 =	vld [tilespmem:s2+$0x2A20]  }
0x5f6: {  	v50 =	vld [tilespmem:s2+$0x2A30];
	v3 =	vadd.f32 v4, v3;
	v4 =	vmul.f32 v48, v47  }
0x5f7: {  	v51 =	vld [tilespmem:s2+$0xEA30]  }
0x5f8: {  	v3 =	vadd.f32 v4, v3;
	v4 =	vmul.f32 v6, v5;
	v5 =	vld [tilespmem:s2+$0x2A40]  }
0x5f9: {  	v6 =	vld [tilespmem:s2+$0xEA40]  }
0x5fa: {  	v52 =	vld [tilespmem:s2+$0xEA50];
	v3 =	vadd.f32 v4, v3;
	v4 =	vmul.f32 v49, v7  }
0x5fb: {  	v7 =	vld [tilespmem:s2+$0x2A50]  }
0x5fc: {  	s13 =	sand.u32 $0x7, s0;
	v53 =	vld [tilespmem:s2+$0x2A60];
	v3 =	vadd.f32 v4, v3;
	v4 =	vmul.f32 v51, v50  }
0x5fd: {  	s3 =	sshll.u32 s13, $0x7;
	v54 =	vld [tilespmem:s2+$0xEA60]  }
0x5fe: {  	s3 =	sadd.s32 $0x0, s3;
	v3 =	vadd.f32 v4, v3;
	v4 =	vmul.f32 v6, v5;
	v5 =	vld [tilespmem:s2+$0x2A70]  }
0x5ff: {  	s19 =	sor.u32 $0x1C00, s3;
	v6 =	vld [tilespmem:s2+$0xEA70]  }
0x600: {  	v55 =	vld [tilespmem:s19+$0xD200];
	v3 =	vadd.f32 v4, v3;
	v4 =	vmul.f32 v52, v7  }
0x601: {  	s20 =	sor.u32 $0x1C10, s3;
	v7 =	vld [tilespmem:s19+$0x1200]  }
0x602: {  	v56 =	vld [tilespmem:s20+$0x1200];
	v3 =	vadd.f32 v4, v3;
	v4 =	vmul.f32 v54, v53  }
0x603: {  	s21 =	sor.u32 $0x1C20, s3;
	v57 =	vld [tilespmem:s20+$0xD200]  }
0x604: {  	v3 =	vadd.f32 v4, v3;
	v4 =	vmul.f32 v6, v5;
	v5 =	vld [tilespmem:s21+$0x1200]  }
0x605: {  	s22 =	sor.u32 $0x1C30, s3;
	v6 =	vld [tilespmem:s21+$0xD200]  }
0x606: {  	v58 =	vld [tilespmem:s22+$0xD200];
	v3 =	vadd.f32 v4, v3;
	v4 =	vmul.f32 v55, v7  }
0x607: {  	s23 =	sor.u32 $0x1C40, s3;
	v7 =	vld [tilespmem:s22+$0x1200]  }
0x608: {  	v59 =	vld [tilespmem:s23+$0x1200];
	v3 =	vadd.f32 v4, v3;
	v4 =	vmul.f32 v57, v56  }
0x609: {  	s24 =	sor.u32 $0x1C50, s3;
	v60 =	vld [tilespmem:s23+$0xD200]  }
0x60a: {  	v3 =	vadd.f32 v4, v3;
	v4 =	vmul.f32 v6, v5;
	v5 =	vld [tilespmem:s24+$0x1200]  }
0x60b: {  	s25 =	sor.u32 $0x1C60, s3;
	v6 =	vld [tilespmem:s24+$0xD200]  }
0x60c: {  	v61 =	vld [tilespmem:s25+$0xD200];
	v3 =	vadd.f32 v4, v3;
	v4 =	vmul.f32 v58, v7  }
0x60d: {  	s29 =	sor.u32 $0x1C70, s3;
	v7 =	vld [tilespmem:s25+$0x1200]  }
0x60e: {  	v62 =	vld [tilespmem:s29+$0x1200];
	v3 =	vadd.f32 v4, v3;
	v4 =	vmul.f32 v60, v59  }
0x60f: {  	v63 =	vld [tilespmem:s29+$0xD200]  }
0x610: {  	v3 =	vadd.f32 v4, v3;
	v4 =	vmul.f32 v6, v5;
	_ =	sdelay $0x1  }
0x611: {  	v3 =	vadd.f32 v4, v3;
	v4 =	vmul.f32 v61, v7;
	_ =	sdelay $0x1  }
0x612: {  	v3 =	vadd.f32 v4, v3;
	v4 =	vmul.f32 v63, v62  }
0x613: {  	s7 =	simm.s32 $0x400  }
0x614: {  	s30 =	sand.u32 $0x70, s0;
	s31 =	sand.u32 $0x100, s0;
	s13 =	simm.s32 $0x80;
	v3 =	vadd.f32 v4, v3  }
0x615: {  	s12 =	sand.u32 $0x2000, s7;
	s2 =	sor.u32 s30, s31;
	s19 =	sand.u32 $0x380, s13  }
0x616: {  	s12 =	sor.u32 s19, s12;
	[tilespmem:s2+$0x1080] =	vst v3  }
0x617: {  	v3 =	vld [tilespmem:s12+$0xD200]  }
0x618: {  	s3 =	simm.s32 $0x20;
	s19 =	simm.s32 $0x40;
	s2 =	simm.s32 $0x0;
	v4 =	vld [tilespmem:s12+$0x1200]  }
.LBB2_11:
0x619: {  	p0 =	sne.s32 s19, $0x1E0;
	v5 =	vld [tilespmem:s12+$0x1210]  }
0x61a: {  	v6 =	vld [tilespmem:s12+$0xD210]  }
0x61b: {  	v7 =	vld [tilespmem:s12+$0x1220]  }
0x61c: {  	v8 =	vld [tilespmem:s12+$0xD220]  }
0x61d: {  	v9 =	vld [tilespmem:s12+$0x1230]  }
0x61e: {  	v10 =	vld [tilespmem:s12+$0xD230]  }
0x61f: {  	v3 =	vmul.f32 v3, v4;
	v4 =	vmul.f32 v6, v5;
	v5 =	vld [tilespmem:s12+$0x1240]  }
0x620: {  	v6 =	vld [tilespmem:s12+$0xD240]  }
0x621: {  	v3 =	vadd.f32 v4, v3;
	v4 =	vmul.f32 v8, v7;
	v7 =	vld [tilespmem:s12+$0x1250]  }
0x622: {  	v8 =	vld [tilespmem:s12+$0xD250]  }
0x623: {  	v3 =	vadd.f32 v4, v3;
	v4 =	vmul.f32 v10, v9;
	v9 =	vld [tilespmem:s12+$0x1260]  }
0x624: {  	v10 =	vld [tilespmem:s12+$0xD260]  }
0x625: {  	v3 =	vadd.f32 v4, v3;
	v4 =	vmul.f32 v6, v5;
	v5 =	vld [tilespmem:s12+$0x1270]  }
0x626: {  	v6 =	vld [tilespmem:s12+$0xD270]  }
0x627: {  	v3 =	vadd.f32 v4, v3;
	v4 =	vmul.f32 v8, v7;
	v7 =	vld [tilespmem:s12+$0x1600]  }
0x628: {  	v8 =	vld [tilespmem:s12+$0xD600]  }
0x629: {  	v3 =	vadd.f32 v4, v3;
	v4 =	vmul.f32 v10, v9;
	v9 =	vld [tilespmem:s12+$0x1610]  }
0x62a: {  	v10 =	vld [tilespmem:s12+$0xD610]  }
0x62b: {  	v3 =	vadd.f32 v4, v3;
	v4 =	vmul.f32 v6, v5;
	v5 =	vld [tilespmem:s12+$0x1620]  }
0x62c: {  	v6 =	vld [tilespmem:s12+$0xD620]  }
0x62d: {  	v3 =	vadd.f32 v4, v3;
	v4 =	vmul.f32 v8, v7;
	v7 =	vld [tilespmem:s12+$0x1630]  }
0x62e: {  	v8 =	vld [tilespmem:s12+$0xD630]  }
0x62f: {  	v3 =	vadd.f32 v4, v3;
	v4 =	vmul.f32 v10, v9;
	v9 =	vld [tilespmem:s12+$0x1640]  }
0x630: {  	v10 =	vld [tilespmem:s12+$0xD640]  }
0x631: {  	v3 =	vadd.f32 v4, v3;
	v4 =	vmul.f32 v6, v5;
	v5 =	vld [tilespmem:s12+$0x1650]  }
0x632: {  	v6 =	vld [tilespmem:s12+$0xD650]  }
0x633: {  	v3 =	vadd.f32 v4, v3;
	v4 =	vmul.f32 v8, v7;
	v7 =	vld [tilespmem:s12+$0x1660]  }
0x634: {  	v8 =	vld [tilespmem:s12+$0xD660]  }
0x635: {  	v3 =	vadd.f32 v4, v3;
	v4 =	vmul.f32 v10, v9;
	v9 =	vld [tilespmem:s12+$0x1670]  }
0x636: {  	v10 =	vld [tilespmem:s12+$0xD670]  }
0x637: {  	v3 =	vadd.f32 v4, v3;
	v4 =	vmul.f32 v6, v5;
	v5 =	vld [tilespmem:s12+$0x1A00]  }
0x638: {  	v6 =	vld [tilespmem:s12+$0xDA00]  }
0x639: {  	v3 =	vadd.f32 v4, v3;
	v4 =	vmul.f32 v8, v7;
	v7 =	vld [tilespmem:s12+$0x1A10]  }
0x63a: {  	v8 =	vld [tilespmem:s12+$0xDA10]  }
0x63b: {  	v3 =	vadd.f32 v4, v3;
	v4 =	vmul.f32 v10, v9;
	v9 =	vld [tilespmem:s12+$0x1A20]  }
0x63c: {  	v10 =	vld [tilespmem:s12+$0xDA20]  }
0x63d: {  	v3 =	vadd.f32 v4, v3;
	v4 =	vmul.f32 v6, v5;
	v5 =	vld [tilespmem:s12+$0x1A30]  }
0x63e: {  	v6 =	vld [tilespmem:s12+$0xDA30]  }
0x63f: {  	v3 =	vadd.f32 v4, v3;
	v4 =	vmul.f32 v8, v7;
	v7 =	vld [tilespmem:s12+$0x1A40]  }
0x640: {  	v8 =	vld [tilespmem:s12+$0xDA40]  }
0x641: {  	v3 =	vadd.f32 v4, v3;
	v4 =	vmul.f32 v10, v9;
	v9 =	vld [tilespmem:s12+$0x1A50]  }
0x642: {  	v10 =	vld [tilespmem:s12+$0xDA50]  }
0x643: {  	v3 =	vadd.f32 v4, v3;
	v4 =	vmul.f32 v6, v5;
	v5 =	vld [tilespmem:s12+$0x1A60]  }
0x644: {  	v6 =	vld [tilespmem:s12+$0xDA60]  }
0x645: {  	v3 =	vadd.f32 v4, v3;
	v4 =	vmul.f32 v8, v7;
	v7 =	vld [tilespmem:s12+$0x1A70]  }
0x646: {  	v8 =	vld [tilespmem:s12+$0xDA70]  }
0x647: {  	v3 =	vadd.f32 v4, v3;
	v4 =	vmul.f32 v10, v9;
	v9 =	vld [tilespmem:s12+$0x1E00]  }
0x648: {  	v10 =	vld [tilespmem:s12+$0xDE00]  }
0x649: {  	v3 =	vadd.f32 v4, v3;
	v4 =	vmul.f32 v6, v5;
	v5 =	vld [tilespmem:s12+$0x1E10]  }
0x64a: {  	v6 =	vld [tilespmem:s12+$0xDE10]  }
0x64b: {  	v3 =	vadd.f32 v4, v3;
	v4 =	vmul.f32 v8, v7;
	v7 =	vld [tilespmem:s12+$0x1E20]  }
0x64c: {  	v8 =	vld [tilespmem:s12+$0xDE20]  }
0x64d: {  	v3 =	vadd.f32 v4, v3;
	v4 =	vmul.f32 v10, v9;
	v9 =	vld [tilespmem:s12+$0x1E30]  }
0x64e: {  	v10 =	vld [tilespmem:s12+$0xDE30]  }
0x64f: {  	v3 =	vadd.f32 v4, v3;
	v4 =	vmul.f32 v6, v5;
	v5 =	vld [tilespmem:s12+$0x1E40]  }
0x650: {  	v6 =	vld [tilespmem:s12+$0xDE40]  }
0x651: {  	v3 =	vadd.f32 v4, v3;
	v4 =	vmul.f32 v8, v7;
	v7 =	vld [tilespmem:s12+$0x1E50]  }
0x652: {  	v8 =	vld [tilespmem:s12+$0xDE50]  }
0x653: {  	v3 =	vadd.f32 v4, v3;
	v4 =	vmul.f32 v10, v9;
	v9 =	vld [tilespmem:s12+$0x1E60]  }
0x654: {  	v10 =	vld [tilespmem:s12+$0xDE60]  }
0x655: {  	v3 =	vadd.f32 v4, v3;
	v4 =	vmul.f32 v6, v5;
	v5 =	vld [tilespmem:s12+$0x1E70]  }
0x656: {  	v6 =	vld [tilespmem:s12+$0xDE70]  }
0x657: {  	v3 =	vadd.f32 v4, v3;
	v4 =	vmul.f32 v8, v7;
	v7 =	vld [tilespmem:s12+$0x2200]  }
0x658: {  	v8 =	vld [tilespmem:s12+$0xE200]  }
0x659: {  	v3 =	vadd.f32 v4, v3;
	v4 =	vmul.f32 v10, v9;
	v9 =	vld [tilespmem:s12+$0x2210]  }
0x65a: {  	v10 =	vld [tilespmem:s12+$0xE210]  }
0x65b: {  	v3 =	vadd.f32 v4, v3;
	v4 =	vmul.f32 v6, v5;
	v5 =	vld [tilespmem:s12+$0x2220]  }
0x65c: {  	v6 =	vld [tilespmem:s12+$0xE220]  }
0x65d: {  	v3 =	vadd.f32 v4, v3;
	v4 =	vmul.f32 v8, v7;
	v7 =	vld [tilespmem:s12+$0x2230]  }
0x65e: {  	v8 =	vld [tilespmem:s12+$0xE230]  }
0x65f: {  	v3 =	vadd.f32 v4, v3;
	v4 =	vmul.f32 v10, v9;
	v9 =	vld [tilespmem:s12+$0x2240]  }
0x660: {  	v10 =	vld [tilespmem:s12+$0xE240]  }
0x661: {  	v3 =	vadd.f32 v4, v3;
	v4 =	vmul.f32 v6, v5;
	v5 =	vld [tilespmem:s12+$0x2250]  }
0x662: {  	v6 =	vld [tilespmem:s12+$0xE250]  }
0x663: {  	v3 =	vadd.f32 v4, v3;
	v4 =	vmul.f32 v8, v7;
	v7 =	vld [tilespmem:s12+$0x2260]  }
0x664: {  	v8 =	vld [tilespmem:s12+$0xE260]  }
0x665: {  	v3 =	vadd.f32 v4, v3;
	v4 =	vmul.f32 v10, v9;
	v9 =	vld [tilespmem:s12+$0x2270]  }
0x666: {  	v10 =	vld [tilespmem:s12+$0xE270]  }
0x667: {  	v3 =	vadd.f32 v4, v3;
	v4 =	vmul.f32 v6, v5;
	v5 =	vld [tilespmem:s12+$0x2600]  }
0x668: {  	v6 =	vld [tilespmem:s12+$0xE600]  }
0x669: {  	v3 =	vadd.f32 v4, v3;
	v4 =	vmul.f32 v8, v7;
	v7 =	vld [tilespmem:s12+$0x2610]  }
0x66a: {  	v8 =	vld [tilespmem:s12+$0xE610]  }
0x66b: {  	v3 =	vadd.f32 v4, v3;
	v4 =	vmul.f32 v10, v9;
	v9 =	vld [tilespmem:s12+$0x2620]  }
0x66c: {  	v10 =	vld [tilespmem:s12+$0xE620]  }
0x66d: {  	v3 =	vadd.f32 v4, v3;
	v4 =	vmul.f32 v6, v5;
	v5 =	vld [tilespmem:s12+$0x2630]  }
0x66e: {  	v6 =	vld [tilespmem:s12+$0xE630]  }
0x66f: {  	v3 =	vadd.f32 v4, v3;
	v4 =	vmul.f32 v8, v7;
	v7 =	vld [tilespmem:s12+$0x2640]  }
0x670: {  	v8 =	vld [tilespmem:s12+$0xE640]  }
0x671: {  	v3 =	vadd.f32 v4, v3;
	v4 =	vmul.f32 v10, v9;
	v9 =	vld [tilespmem:s12+$0x2650]  }
0x672: {  	v10 =	vld [tilespmem:s12+$0xE650]  }
0x673: {  	v3 =	vadd.f32 v4, v3;
	v4 =	vmul.f32 v6, v5;
	v5 =	vld [tilespmem:s12+$0x2660]  }
0x674: {  	v6 =	vld [tilespmem:s12+$0xE660]  }
0x675: {  	v3 =	vadd.f32 v4, v3;
	v4 =	vmul.f32 v8, v7;
	v7 =	vld [tilespmem:s12+$0x2670]  }
0x676: {  	v8 =	vld [tilespmem:s12+$0xE670]  }
0x677: {  	v3 =	vadd.f32 v4, v3;
	v4 =	vmul.f32 v10, v9;
	v9 =	vld [tilespmem:s12+$0x2A00]  }
0x678: {  	v10 =	vld [tilespmem:s12+$0xEA00]  }
0x679: {  	v3 =	vadd.f32 v4, v3;
	v4 =	vmul.f32 v6, v5;
	v5 =	vld [tilespmem:s12+$0x2A10]  }
0x67a: {  	v6 =	vld [tilespmem:s12+$0xEA10]  }
0x67b: {  	v3 =	vadd.f32 v4, v3;
	v4 =	vmul.f32 v8, v7;
	v7 =	vld [tilespmem:s12+$0x2A20]  }
0x67c: {  	v8 =	vld [tilespmem:s12+$0xEA20]  }
0x67d: {  	v3 =	vadd.f32 v4, v3;
	v4 =	vmul.f32 v10, v9;
	v9 =	vld [tilespmem:s12+$0x2A30]  }
0x67e: {  	v10 =	vld [tilespmem:s12+$0xEA30]  }
0x67f: {  	v3 =	vadd.f32 v4, v3;
	v4 =	vmul.f32 v6, v5;
	v5 =	vld [tilespmem:s12+$0x2A40]  }
0x680: {  	v6 =	vld [tilespmem:s12+$0xEA40]  }
0x681: {  	v3 =	vadd.f32 v4, v3;
	v4 =	vmul.f32 v8, v7;
	v7 =	vld [tilespmem:s12+$0x2A50]  }
0x682: {  	s0 =	sadd.s32 $0x1, s0;
	v8 =	vld [tilespmem:s12+$0xEA50]  }
0x683: {  	s20 =	sand.u32 $0x7, s0;
	v3 =	vadd.f32 v4, v3;
	v4 =	vmul.f32 v10, v9;
	v9 =	vld [tilespmem:s12+$0x2A60]  }
0x684: {  	s20 =	sshll.u32 s20, $0x7;
	v10 =	vld [tilespmem:s12+$0xEA60]  }
0x685: {  	s20 =	sadd.s32 s20, s7;
	v3 =	vadd.f32 v4, v3;
	v4 =	vmul.f32 v6, v5;
	v5 =	vld [tilespmem:s12+$0x2A70]  }
0x686: {  	v6 =	vld [tilespmem:s12+$0xEA70];
	s12 =	sor.u32 $0x1C00, s20  }
0x687: {  	v3 =	vadd.f32 v4, v3;
	v4 =	vmul.f32 v8, v7;
	v7 =	vld [tilespmem:s12+$0x1200]  }
0x688: {  	v8 =	vld [tilespmem:s12+$0xD200];
	s12 =	sor.u32 $0x1C10, s20  }
0x689: {  	v3 =	vadd.f32 v4, v3;
	v4 =	vmul.f32 v10, v9;
	v9 =	vld [tilespmem:s12+$0x1200]  }
0x68a: {  	v10 =	vld [tilespmem:s12+$0xD200];
	s12 =	sor.u32 $0x1C20, s20  }
0x68b: {  	v3 =	vadd.f32 v4, v3;
	v4 =	vmul.f32 v6, v5;
	v5 =	vld [tilespmem:s12+$0x1200]  }
0x68c: {  	v6 =	vld [tilespmem:s12+$0xD200];
	s12 =	sor.u32 $0x1C30, s20  }
0x68d: {  	v3 =	vadd.f32 v4, v3;
	v4 =	vmul.f32 v8, v7;
	v7 =	vld [tilespmem:s12+$0x1200]  }
0x68e: {  	v8 =	vld [tilespmem:s12+$0xD200];
	s12 =	sor.u32 $0x1C40, s20  }
0x68f: {  	v3 =	vadd.f32 v4, v3;
	v4 =	vmul.f32 v10, v9;
	v9 =	vld [tilespmem:s12+$0x1200]  }
0x690: {  	v10 =	vld [tilespmem:s12+$0xD200];
	s12 =	sor.u32 $0x1C50, s20  }
0x691: {  	v3 =	vadd.f32 v4, v3;
	v4 =	vmul.f32 v6, v5;
	v5 =	vld [tilespmem:s12+$0x1200]  }
0x692: {  	v6 =	vld [tilespmem:s12+$0xD200];
	s12 =	sor.u32 $0x1C60, s20  }
0x693: {  	v3 =	vadd.f32 v4, v3;
	v4 =	vmul.f32 v8, v7;
	v7 =	vld [tilespmem:s12+$0x1200]  }
0x694: {  	v8 =	vld [tilespmem:s12+$0xD200];
	s12 =	sor.u32 $0x1C70, s20  }
0x695: {  	v3 =	vadd.f32 v4, v3;
	v4 =	vmul.f32 v10, v9;
	v9 =	vld [tilespmem:s12+$0x1200]  }
0x696: {  	v10 =	vld [tilespmem:s12+$0xD200]  }
0x697: {  	v3 =	vadd.f32 v4, v3;
	v4 =	vmul.f32 v6, v5;
	_ =	sdelay $0x1  }
0x698: {  	v3 =	vadd.f32 v4, v3;
	v4 =	vmul.f32 v8, v7;
	_ =	sdelay $0x1  }
0x699: {  	v3 =	vadd.f32 v4, v3;
	v4 =	vmul.f32 v10, v9  }
0x69a: {  	s13 =	sadd.s32 $0x80, s13;
	s2 =	sadd.s32 $0x10, s2;
	s3 =	sand.u32 $0x100, s3  }
.Ltmp5:
0x69b: {  	s7 =	sadd.s32 $0x400, s7;
	s12 =	sand.u32 $0x70, s2;
	v3 =	vadd.f32 v4, v3;
	(pc) =	sbr.rel @p0 .LBB2_11-.Ltmp5, $4  }
0x69c: {  	s21 =	sand.u32 $0x380, s13;
	s20 =	sand.u32 $0x2000, s7;
	s3 =	sor.u32 s12, s3  }
0x69d: {  	s12 =	sor.u32 s21, s20;
	[tilespmem:s3+$0x1080] =	vst v3;
	s3 =	smov.u32 s19  }
0x69e: {  	v3 =	vld [tilespmem:s12+$0xD200]  }
0x69f: {  	s19 =	sadd.s32 $0x20, s19;
	v4 =	vld [tilespmem:s12+$0x1200]  }
0x6a0: {  	v5 =	vld [tilespmem:s12+$0x1210]  }
0x6a1: {  	v6 =	vld [tilespmem:s12+$0xD210]  }
0x6a2: {  	v7 =	vld [tilespmem:s12+$0x1220]  }
0x6a3: {  	v8 =	vld [tilespmem:s12+$0xD220]  }
0x6a4: {  	v9 =	vld [tilespmem:s12+$0x1230]  }
0x6a5: {  	v10 =	vld [tilespmem:s12+$0xD230]  }
0x6a6: {  	v38 =	vld [tilespmem:s12+$0x1240];
	v3 =	vmul.f32 v3, v4;
	v37 =	vmul.f32 v6, v5  }
0x6a7: {  	v39 =	vld [tilespmem:s12+$0xD240]  }
0x6a8: {  	v41 =	vld [tilespmem:s12+$0x1250];
	v40 =	vmul.f32 v8, v7;
	v3 =	vadd.f32 v37, v3  }
0x6a9: {  	v42 =	vld [tilespmem:s12+$0xD250]  }
0x6aa: {  	v44 =	vld [tilespmem:s12+$0x1260];
	v43 =	vmul.f32 v10, v9;
	v3 =	vadd.f32 v40, v3  }
0x6ab: {  	v45 =	vld [tilespmem:s12+$0xD260]  }
0x6ac: {  	v47 =	vld [tilespmem:s12+$0x1270];
	v46 =	vmul.f32 v39, v38;
	v3 =	vadd.f32 v43, v3  }
0x6ad: {  	v48 =	vld [tilespmem:s12+$0xD270]  }
0x6ae: {  	v50 =	vld [tilespmem:s12+$0x1600];
	v49 =	vmul.f32 v42, v41;
	v3 =	vadd.f32 v46, v3  }
0x6af: {  	v51 =	vld [tilespmem:s12+$0xD600]  }
0x6b0: {  	v53 =	vld [tilespmem:s12+$0x1610];
	v52 =	vmul.f32 v45, v44;
	v3 =	vadd.f32 v49, v3  }
0x6b1: {  	v54 =	vld [tilespmem:s12+$0xD610]  }
0x6b2: {  	v56 =	vld [tilespmem:s12+$0x1620];
	v55 =	vmul.f32 v48, v47;
	v3 =	vadd.f32 v52, v3  }
0x6b3: {  	v57 =	vld [tilespmem:s12+$0xD620]  }
0x6b4: {  	v59 =	vld [tilespmem:s12+$0x1630];
	v58 =	vmul.f32 v51, v50;
	v3 =	vadd.f32 v55, v3  }
0x6b5: {  	v60 =	vld [tilespmem:s12+$0xD630]  }
0x6b6: {  	v62 =	vld [tilespmem:s12+$0x1640];
	v61 =	vmul.f32 v54, v53;
	v3 =	vadd.f32 v58, v3  }
0x6b7: {  	v63 =	vld [tilespmem:s12+$0xD640]  }
0x6b8: {  	v13 =	vld [tilespmem:s12+$0x1650];
	v12 =	vmul.f32 v57, v56;
	v3 =	vadd.f32 v61, v3  }
0x6b9: {  	v14 =	vld [tilespmem:s12+$0xD650]  }
0x6ba: {  	v16 =	vld [tilespmem:s12+$0x1660];
	v15 =	vmul.f32 v60, v59;
	v3 =	vadd.f32 v12, v3  }
0x6bb: {  	v17 =	vld [tilespmem:s12+$0xD660]  }
0x6bc: {  	v19 =	vld [tilespmem:s12+$0x1670];
	v18 =	vmul.f32 v63, v62;
	v3 =	vadd.f32 v15, v3  }
0x6bd: {  	v20 =	vld [tilespmem:s12+$0xD670]  }
0x6be: {  	v22 =	vld [tilespmem:s12+$0x1A00];
	v21 =	vmul.f32 v14, v13;
	v3 =	vadd.f32 v18, v3  }
0x6bf: {  	v23 =	vld [tilespmem:s12+$0xDA00]  }
0x6c0: {  	v25 =	vld [tilespmem:s12+$0x1A10];
	v24 =	vmul.f32 v17, v16;
	v3 =	vadd.f32 v21, v3  }
0x6c1: {  	v26 =	vld [tilespmem:s12+$0xDA10]  }
0x6c2: {  	v28 =	vld [tilespmem:s12+$0x1A20];
	v27 =	vmul.f32 v20, v19;
	v3 =	vadd.f32 v24, v3  }
0x6c3: {  	v29 =	vld [tilespmem:s12+$0xDA20]  }
0x6c4: {  	v31 =	vld [tilespmem:s12+$0x1A30];
	v30 =	vmul.f32 v23, v22;
	v3 =	vadd.f32 v27, v3  }
0x6c5: {  	v32 =	vld [tilespmem:s12+$0xDA30]  }
0x6c6: {  	v34 =	vld [tilespmem:s12+$0x1A40];
	v33 =	vmul.f32 v26, v25;
	v3 =	vadd.f32 v30, v3  }
0x6c7: {  	v35 =	vld [tilespmem:s12+$0xDA40]  }
0x6c8: {  	v36 =	vmul.f32 v29, v28;
	v38 =	vld [tilespmem:s12+$0xDA50];
	v3 =	vadd.f32 v33, v3  }
0x6c9: {  	v37 =	vld [tilespmem:s12+$0x1A50]  }
0x6ca: {  	v39 =	vmul.f32 v32, v31;
	v41 =	vld [tilespmem:s12+$0xDA60];
	v3 =	vadd.f32 v36, v3  }
0x6cb: {  	v40 =	vld [tilespmem:s12+$0x1A60]  }
0x6cc: {  	v42 =	vmul.f32 v35, v34;
	v44 =	vld [tilespmem:s12+$0xDA70];
	v3 =	vadd.f32 v39, v3  }
0x6cd: {  	v43 =	vld [tilespmem:s12+$0x1A70]  }
0x6ce: {  	v47 =	vld [tilespmem:s12+$0xDE00];
	v45 =	vmul.f32 v38, v37;
	v3 =	vadd.f32 v42, v3  }
0x6cf: {  	v46 =	vld [tilespmem:s12+$0x1E00]  }
0x6d0: {  	v50 =	vld [tilespmem:s12+$0xDE10];
	v48 =	vmul.f32 v41, v40;
	v3 =	vadd.f32 v45, v3  }
0x6d1: {  	v49 =	vld [tilespmem:s12+$0x1E10]  }
0x6d2: {  	v53 =	vld [tilespmem:s12+$0xDE20];
	v51 =	vmul.f32 v44, v43;
	v3 =	vadd.f32 v48, v3  }
0x6d3: {  	v52 =	vld [tilespmem:s12+$0x1E20]  }
0x6d4: {  	v56 =	vld [tilespmem:s12+$0xDE30];
	v54 =	vmul.f32 v47, v46;
	v3 =	vadd.f32 v51, v3  }
0x6d5: {  	v55 =	vld [tilespmem:s12+$0x1E30]  }
0x6d6: {  	v59 =	vld [tilespmem:s12+$0xDE40];
	v57 =	vmul.f32 v50, v49;
	v3 =	vadd.f32 v54, v3  }
0x6d7: {  	v58 =	vld [tilespmem:s12+$0x1E40]  }
0x6d8: {  	v62 =	vld [tilespmem:s12+$0xDE50];
	v60 =	vmul.f32 v53, v52;
	v3 =	vadd.f32 v57, v3  }
0x6d9: {  	v61 =	vld [tilespmem:s12+$0x1E50]  }
0x6da: {  	v13 =	vld [tilespmem:s12+$0xDE60];
	v63 =	vmul.f32 v56, v55;
	v3 =	vadd.f32 v60, v3  }
0x6db: {  	v12 =	vld [tilespmem:s12+$0x1E60]  }
0x6dc: {  	v16 =	vld [tilespmem:s12+$0xDE70];
	v14 =	vmul.f32 v59, v58;
	v3 =	vadd.f32 v63, v3  }
0x6dd: {  	v15 =	vld [tilespmem:s12+$0x1E70]  }
0x6de: {  	v19 =	vld [tilespmem:s12+$0xE200];
	v17 =	vmul.f32 v62, v61;
	v3 =	vadd.f32 v14, v3  }
0x6df: {  	v18 =	vld [tilespmem:s12+$0x2200]  }
0x6e0: {  	v22 =	vld [tilespmem:s12+$0xE210];
	v20 =	vmul.f32 v13, v12;
	v3 =	vadd.f32 v17, v3  }
0x6e1: {  	v21 =	vld [tilespmem:s12+$0x2210]  }
0x6e2: {  	v25 =	vld [tilespmem:s12+$0xE220];
	v23 =	vmul.f32 v16, v15;
	v3 =	vadd.f32 v20, v3  }
0x6e3: {  	v24 =	vld [tilespmem:s12+$0x2220]  }
0x6e4: {  	v28 =	vld [tilespmem:s12+$0xE230];
	v26 =	vmul.f32 v19, v18;
	v3 =	vadd.f32 v23, v3  }
0x6e5: {  	v27 =	vld [tilespmem:s12+$0x2230]  }
0x6e6: {  	v31 =	vld [tilespmem:s12+$0xE240];
	v29 =	vmul.f32 v22, v21;
	v3 =	vadd.f32 v26, v3  }
0x6e7: {  	v30 =	vld [tilespmem:s12+$0x2240]  }
0x6e8: {  	v34 =	vld [tilespmem:s12+$0xE250];
	v32 =	vmul.f32 v25, v24;
	v3 =	vadd.f32 v29, v3  }
0x6e9: {  	v33 =	vld [tilespmem:s12+$0x2250]  }
0x6ea: {  	v37 =	vld [tilespmem:s12+$0xE260];
	v35 =	vmul.f32 v28, v27;
	v3 =	vadd.f32 v32, v3  }
0x6eb: {  	v36 =	vld [tilespmem:s12+$0x2260]  }
0x6ec: {  	v40 =	vld [tilespmem:s12+$0xE270];
	v38 =	vmul.f32 v31, v30;
	v3 =	vadd.f32 v35, v3  }
0x6ed: {  	v39 =	vld [tilespmem:s12+$0x2270]  }
0x6ee: {  	v43 =	vld [tilespmem:s12+$0xE600];
	v41 =	vmul.f32 v34, v33;
	v3 =	vadd.f32 v38, v3  }
0x6ef: {  	v42 =	vld [tilespmem:s12+$0x2600]  }
0x6f0: {  	v46 =	vld [tilespmem:s12+$0xE610];
	v44 =	vmul.f32 v37, v36;
	v3 =	vadd.f32 v41, v3  }
0x6f1: {  	v45 =	vld [tilespmem:s12+$0x2610]  }
0x6f2: {  	v49 =	vld [tilespmem:s12+$0xE620];
	v47 =	vmul.f32 v40, v39;
	v3 =	vadd.f32 v44, v3  }
0x6f3: {  	v48 =	vld [tilespmem:s12+$0x2620]  }
0x6f4: {  	v52 =	vld [tilespmem:s12+$0xE630];
	v50 =	vmul.f32 v43, v42;
	v3 =	vadd.f32 v47, v3  }
0x6f5: {  	v51 =	vld [tilespmem:s12+$0x2630]  }
0x6f6: {  	v55 =	vld [tilespmem:s12+$0xE640];
	v53 =	vmul.f32 v46, v45;
	v3 =	vadd.f32 v50, v3  }
0x6f7: {  	v54 =	vld [tilespmem:s12+$0x2640]  }
0x6f8: {  	v58 =	vld [tilespmem:s12+$0xE650];
	v56 =	vmul.f32 v49, v48;
	v3 =	vadd.f32 v53, v3  }
0x6f9: {  	v57 =	vld [tilespmem:s12+$0x2650]  }
0x6fa: {  	v61 =	vld [tilespmem:s12+$0xE660];
	v59 =	vmul.f32 v52, v51;
	v3 =	vadd.f32 v56, v3  }
0x6fb: {  	v60 =	vld [tilespmem:s12+$0x2660]  }
0x6fc: {  	v12 =	vld [tilespmem:s12+$0xE670];
	v62 =	vmul.f32 v55, v54;
	v3 =	vadd.f32 v59, v3  }
0x6fd: {  	v63 =	vld [tilespmem:s12+$0x2670]  }
0x6fe: {  	v15 =	vld [tilespmem:s12+$0xEA00];
	v13 =	vmul.f32 v58, v57;
	v3 =	vadd.f32 v62, v3  }
0x6ff: {  	v14 =	vld [tilespmem:s12+$0x2A00]  }
0x700: {  	v18 =	vld [tilespmem:s12+$0xEA10];
	v16 =	vmul.f32 v61, v60;
	v3 =	vadd.f32 v13, v3  }
0x701: {  	v17 =	vld [tilespmem:s12+$0x2A10]  }
0x702: {  	v21 =	vld [tilespmem:s12+$0xEA20];
	v19 =	vmul.f32 v12, v63;
	v3 =	vadd.f32 v16, v3  }
0x703: {  	v20 =	vld [tilespmem:s12+$0x2A20]  }
0x704: {  	v24 =	vld [tilespmem:s12+$0xEA30];
	v22 =	vmul.f32 v15, v14;
	v3 =	vadd.f32 v19, v3  }
0x705: {  	v23 =	vld [tilespmem:s12+$0x2A30]  }
0x706: {  	v27 =	vld [tilespmem:s12+$0xEA40];
	v25 =	vmul.f32 v18, v17;
	v3 =	vadd.f32 v22, v3  }
0x707: {  	v26 =	vld [tilespmem:s12+$0x2A40]  }
0x708: {  	v30 =	vld [tilespmem:s12+$0xEA50];
	v28 =	vmul.f32 v21, v20;
	v3 =	vadd.f32 v25, v3  }
0x709: {  	s0 =	sadd.s32 $0x1, s0;
	v29 =	vld [tilespmem:s12+$0x2A50]  }
0x70a: {  	s0 =	sand.u32 $0x7, s0;
	v33 =	vld [tilespmem:s12+$0xEA60];
	v31 =	vmul.f32 v24, v23;
	v3 =	vadd.f32 v28, v3  }
0x70b: {  	s0 =	sshll.u32 s0, $0x7;
	v32 =	vld [tilespmem:s12+$0x2A60]  }
0x70c: {  	s0 =	sadd.s32 s0, s7;
	v36 =	vld [tilespmem:s12+$0xEA70];
	v34 =	vmul.f32 v27, v26;
	v3 =	vadd.f32 v31, v3  }
0x70d: {  	s7 =	sor.u32 $0x1C00, s0;
	v35 =	vld [tilespmem:s12+$0x2A70]  }
0x70e: {  	v39 =	vld [tilespmem:s7+$0xD200];
	v37 =	vmul.f32 v30, v29;
	v3 =	vadd.f32 v34, v3  }
0x70f: {  	s30 =	sor.u32 $0x1C10, s0;
	v38 =	vld [tilespmem:s7+$0x1200]  }
0x710: {  	v42 =	vld [tilespmem:s30+$0xD200];
	v40 =	vmul.f32 v33, v32;
	v3 =	vadd.f32 v37, v3  }
0x711: {  	s31 =	sor.u32 $0x1C20, s0;
	v41 =	vld [tilespmem:s30+$0x1200]  }
0x712: {  	v45 =	vld [tilespmem:s31+$0xD200];
	v43 =	vmul.f32 v36, v35;
	v3 =	vadd.f32 v40, v3  }
0x713: {  	s12 =	sor.u32 $0x1C30, s0;
	v44 =	vld [tilespmem:s31+$0x1200]  }
0x714: {  	v48 =	vld [tilespmem:s12+$0xD200];
	v46 =	vmul.f32 v39, v38;
	v3 =	vadd.f32 v43, v3  }
0x715: {  	s13 =	sor.u32 $0x1C40, s0;
	v47 =	vld [tilespmem:s12+$0x1200]  }
0x716: {  	v51 =	vld [tilespmem:s13+$0xD200];
	v49 =	vmul.f32 v42, v41;
	v3 =	vadd.f32 v46, v3  }
0x717: {  	s19 =	sor.u32 $0x1C50, s0;
	v50 =	vld [tilespmem:s13+$0x1200]  }
0x718: {  	v54 =	vld [tilespmem:s19+$0xD200];
	v52 =	vmul.f32 v45, v44;
	v3 =	vadd.f32 v49, v3  }
0x719: {  	s20 =	sor.u32 $0x1C60, s0;
	v53 =	vld [tilespmem:s19+$0x1200]  }
0x71a: {  	v57 =	vld [tilespmem:s20+$0xD200];
	v55 =	vmul.f32 v48, v47;
	v3 =	vadd.f32 v52, v3  }
0x71b: {  	s0 =	sor.u32 $0x1C70, s0;
	v56 =	vld [tilespmem:s20+$0x1200]  }
0x71c: {  	v60 =	vld [tilespmem:s0+$0xD200];
	v58 =	vmul.f32 v51, v50;
	v3 =	vadd.f32 v55, v3  }
0x71d: {  	v59 =	vld [tilespmem:s0+$0x1200]  }
0x71e: {  	v61 =	vmul.f32 v54, v53;
	v3 =	vadd.f32 v58, v3;
	_ =	sdelay $0x1  }
0x71f: {  	v62 =	vmul.f32 v57, v56;
	v3 =	vadd.f32 v61, v3;
	_ =	sdelay $0x1  }
0x720: {  	v63 =	vmul.f32 v60, v59;
	v3 =	vadd.f32 v62, v3  }
0x721: {  	s21 =	sadd.s32 $0x10, s2  }
0x722: {  	s22 =	sand.u32 $0x100, s3;
	s0 =	sand.u32 $0x70, s21;
	v3 =	vadd.f32 v63, v3  }
0x723: {  	s0 =	sor.u32 s0, s22  }
0x724: {  	s23 =	simm.s32 $0x7;
	[tilespmem:s0+$0x1080] =	vst v3  }
0x725: {  	_ =	swait.ge [sflag:s23], $0x80  }
0x726: {  	[sflag:s23] =	ssyncset.done $0x0  }
0x727: {  	[sflag:s23] =	ssyncadd.s32 $0xFFFFFF80  }
0x728: {  	_ =	swait.ge [sflag:s23], $0x80  }
0x729: {  	s3 =	simm.s32 $0x8;
	[sflag:s23] =	ssyncset.done $0x0  }
0x72a: {  	s7 =	simm.s32 $0x100;
	s24 =	rddreg [dreg:$0xa];
	[sflag:s23] =	ssyncadd.s32 $0xFFFFFF80  }
0x72b: {  	[hbm4b:s24+s6] =	stream.linear.scatter [tilespmem:s7], [sflag:$0x8], $0x100, $0x38;
	[tilespmem:$0x19200] =	vst v63  }
0x72c: {  	_ =	swait.ge [sflag:s3], $0x100  }
0x72d: {  	s29 =	simm.s32 $0x400;
	[sflag:s3] =	ssyncset.done $0x0  }
0x72e: {  	s12 =	simm.s32 $0x200;
	s25 =	rddreg [dreg:$0xb];
	[sflag:s3] =	ssyncadd.s32 $0xFFFFFF00  }
0x72f: {  	[hbm4b:s25+s7] =	stream.strided.scatter [tilespmem:s12], [sflag:$0x8], $0x1000, s29, s7, $0x38;
	[tilespmem:$0x19200] =	vst v63  }
0x730: {  	_ =	swait.ge [sflag:s3], $0x1000  }
0x731: {  	s30 =	rddreg [dreg:$0xd]  }
0x732: {  	s31 =	rddreg [dreg:$0xc];
	s2 =	sadd.s32 $0x1, s30  }
0x733: {  	p0 =	sne.s32 s2, s31  }
.Ltmp6:
0x734: {  	_ = 	snop;
	(pc) =	sbr.rel @p0 .LBB2_1-.Ltmp6, $3  }
0x735: {  	_ =	sdelay $0x1  }
0x736: {  	[sflag:s3] =	ssyncset.done $0x0  }
0x737: {  	[sflag:s3] =	ssyncadd.s32 $0xFFFFF000  }
0x738: {  	_ =	sfence.sel $0x180000  }
0x739: {  	[bflag:$0x0] =	sbarrier.arrive $0xFFFF  }
0x73a: {  	_ =	strace $0x90000047  }
0x73b: {  	s0 =	stileid.u32;
	[bflag:$0x2] =	sbarrier.arrive $0xFFFF  }
0x73c: {  	p0 =	sne.s32 s0, $0x0;
	s0 =	rddreg [dreg:$0x5]  }
0x73d: {  	s0 =	sadd.s32 @!p0 $0x100000, s0  }
0x73e: {  	[sflag:s0] =	ssyncadd.tile.s32 @!p0 $0x1;
	_ =	shalt  }
.Lfunc_end2:
_tile_overlayer_lowered:
.L_overlay_start_2:
0x73f: {  	(tag) =	ssettag $0x2  }
0x740: {  	s0 =	rddreg [dreg:$0x0];
	s2 =	stileid.u32  }
0x741: {  	s1 =	rddreg [dreg:$0x1];
	p0 =	sne.s32 s2, $0x0  }
0x742: {  	s3 =	rddreg [dreg:$0x2];
	[bflag:$0x3] =	sbarrier.arrive $0xFFFF;
	s2 =	simm.s32 @!p0 $0x1C08  }
0x743: {  	[timem:s3], [sflag:s2] =	dma.local @!p0 [hbm:s0], s1  }
0x744: {  	s0 =	simm.s32 @!p0 $0x8  }
0x745: {  	_ =	swait.ge @!p0 [sflag:s0], s1  }
0x746: {  	s1 =	ssub.s32 @!p0 $0x0, s1;
	[sflag:s0] =	ssyncset.done @!p0 $0x0  }
0x747: {  	[sflag:s0] =	ssyncadd.s32 @!p0 s1  }
0x748: {  	[bflag:$0x3] =	sbarrier.arrive $0xFFFF  }
0x749: {  	_ =	shalt  }

</sc_bundles>
